<compile_context>
chip_gen: v7x
topology: tpu7x:2x2x1
jax: 0.10.2.dev20260603
libtpu: 0.0.44.dev20260713+nightly
codegen_flags: <defaults>
</compile_context>

<pallas_src>
import functools

import jax
import jax.numpy as jnp
import numpy as np
from jax import lax
from jax.experimental import pallas as pl
from jax.experimental.pallas import tpu as pltpu
from jax.experimental.pallas import tpu_sc as plsc

N = 10000
E = 320000
D_IN = 128
D_HID = 128
D_OUT = 40
GL1 = 0.5
GL2 = 0.05

NC, NS = 2, 16
NW = NC * NS
NP = 10240
RPT = NP // NS
D2P = 64
EC = 128
CPW = 80
EPW = CPW * EC
EP = EPW * NW
DC = 2 * CPW
CPW0, CPW1 = 80, 80
DC0, DC1 = 160, 160

_MESH = plsc.VectorSubcoreMesh(
    core_axis_name="c", subcore_axis_name="s", num_cores=NC, num_subcores=NS)

_PAD_IDX = np.asarray(N + np.arange(EP - E) % (NP - N), np.int32)


def _worker_ids():
    c = lax.axis_index("c")
    s = lax.axis_index("s")
    return c, s, s * NC + c


def _deg_body(src_hbm, dst_hbm, deg_hbm, idx_v, ones_v, buf_v, deg_sh):
    c, s, wid = _worker_ids()
    for i in range(EC // 16):
        ones_v[pl.ds(i * 16, 16)] = jnp.ones((16,), jnp.float32)
    for i in range(RPT // 16):
        buf_v[pl.ds(i * 16, 16)] = jnp.zeros((16,), jnp.float32)

    pltpu.sync_copy(buf_v, deg_sh.at[pl.ds(s * RPT, RPT)])
    base = jnp.where(c == 0, s * CPW0, NS * CPW0 + s * CPW1)
    dc = 2 * jnp.where(c == 0, CPW0, CPW1)

    @pl.when(c == 0)
    def _():
        pltpu.sync_copy(src_hbm.at[pl.ds(base, CPW0)], idx_v.at[pl.ds(0, CPW0)])
        pltpu.sync_copy(dst_hbm.at[pl.ds(base, CPW0)],
                        idx_v.at[pl.ds(CPW0, CPW0)])

    @pl.when(c != 0)
    def _():
        pltpu.sync_copy(src_hbm.at[pl.ds(base, CPW1)], idx_v.at[pl.ds(0, CPW1)])
        pltpu.sync_copy(dst_hbm.at[pl.ds(base, CPW1)],
                        idx_v.at[pl.ds(CPW1, CPW1)])

    plsc.subcore_barrier()

    def chunk(j, carry):
        pltpu.sync_copy(ones_v, deg_sh.at[idx_v.at[j]], add=True)
        return carry

    lax.fori_loop(0, dc, chunk, 0)
    plsc.subcore_barrier()
    pltpu.sync_copy(deg_sh.at[pl.ds(s * RPT, RPT)], buf_v)
    pltpu.sync_copy(buf_v, deg_hbm.at[pl.ds(c * NP + s * RPT, RPT)])


_deg_kernel = pl.kernel(
    _deg_body,
    out_type=jax.ShapeDtypeStruct((NC * NP,), jnp.float32),
    mesh=_MESH,
    scratch_types=[
        pltpu.VMEM((2 * max(CPW0, CPW1), EC), jnp.int32),
        pltpu.VMEM((EC,), jnp.float32),
        pltpu.VMEM((RPT,), jnp.float32),
        pltpu.VMEM_SHARED((NP,), jnp.float32),
    ],
)


IB = 8
NB0 = CPW0 // IB
NB1 = CPW1 // IB


def _msg_body(d, g_hbm, src_hbm, dst_hbm, agg_hbm, srcv, dstv,
              rows_a, rows_b, sem_a, sem_b, agg_sh):
    c, s, wid = _worker_ids()
    base = jnp.where(c == 0, s * CPW0, NS * CPW0 + s * CPW1)
    nb = jnp.where(c == 0, NB0, NB1)

    def zrow(r, carry):
        for k in range(d // 16):
            rows_a[r, pl.ds(k * 16, 16)] = jnp.zeros((16,), jnp.float32)
        return carry

    lax.fori_loop(0, EC, zrow, 0)

    for t in range(RPT // EC):
        pltpu.sync_copy(rows_a, agg_sh.at[pl.ds(s * RPT + t * EC, EC)])
    @pl.when(nb > 0)
    def _():
        pltpu.sync_copy(src_hbm.at[pl.ds(base, IB)], srcv.at[0])
        pltpu.sync_copy(dst_hbm.at[pl.ds(base, IB)], dstv.at[0])

    plsc.subcore_barrier()

    @pl.when(nb > 0)
    def _():
        pltpu.async_copy(g_hbm.at[srcv.at[0, 0]], rows_a, sem_a)

    def block_body(b, carry):
        sb = lax.rem(b, 2)
        nsb = 1 - sb

        @pl.when(b < nb - 1)
        def _():
            pltpu.sync_copy(src_hbm.at[pl.ds(base + (b + 1) * IB, IB)],
                            srcv.at[nsb])
            pltpu.sync_copy(dst_hbm.at[pl.ds(base + (b + 1) * IB, IB)],
                            dstv.at[nsb])

        for jj in range(IB):
            if jj % 2 == 0:
                buf, sem, obuf, osem = rows_a, sem_a, rows_b, sem_b
            else:
                buf, sem, obuf, osem = rows_b, sem_b, rows_a, sem_a
            if jj < IB - 1:
                pltpu.async_copy(g_hbm.at[srcv.at[sb, jj + 1]], obuf, osem)
            else:
                @pl.when(b < nb - 1)
                def _(nsb=nsb, obuf=obuf, osem=osem):
                    pltpu.async_copy(g_hbm.at[srcv.at[nsb, 0]], obuf, osem)
            pltpu.make_async_copy(g_hbm.at[srcv.at[sb, jj]], buf, sem).wait()
            pltpu.sync_copy(buf, agg_sh.at[dstv.at[sb, jj]], add=True)
        return carry

    lax.fori_loop(0, nb, block_body, 0)
    plsc.subcore_barrier()
    for t in range(RPT // EC):
        tbase = s * RPT + t * EC
        pltpu.sync_copy(agg_sh.at[pl.ds(tbase, EC)], rows_a)
        pltpu.sync_copy(rows_a, agg_hbm.at[c, pl.ds(tbase, EC)])


def _make_msg_kernel(d, tc_tiling=True):
    return pl.kernel(
        functools.partial(_msg_body, d),
        out_type=jax.ShapeDtypeStruct((NC, NP, d), jnp.float32),
        mesh=_MESH,
        compiler_params=pltpu.CompilerParams(use_tc_tiling_on_sc=tc_tiling),
        scratch_types=[
            pltpu.VMEM((2, IB, EC), jnp.int32),
            pltpu.VMEM((2, IB, EC), jnp.int32),
            pltpu.VMEM((EC, d), jnp.float32),
            pltpu.VMEM((EC, d), jnp.float32),
            pltpu.SemaphoreType.DMA,
            pltpu.SemaphoreType.DMA,
            pltpu.VMEM_SHARED((NP, d), jnp.float32),
        ],
    )


_msg_kernel_128 = _make_msg_kernel(D_HID)
_msg_kernel_64 = _make_msg_kernel(D2P, tc_tiling=False)


BR = 1024
GRID = NP // BR


def _dinv_from(deg_blk):
    deg = deg_blk[0, :] + deg_blk[1, :]
    return 1.0 / jnp.sqrt(jnp.maximum(deg, 1.0))


def _eye(n):
    return (lax.broadcasted_iota(jnp.int32, (n, n), 0)
            == lax.broadcasted_iota(jnp.int32, (n, n), 1)).astype(jnp.float32)


def _stage_a1_body(x_ref, w_ref, h0_ref, gram_ref):
    row = pl.program_id(0) * BR + lax.broadcasted_iota(jnp.int32, (BR, 1), 0)
    xm = jnp.where(row < N, x_ref[...], 0.0)
    h0 = jnp.dot(xm, w_ref[...], preferred_element_type=jnp.float32)
    h0_ref[...] = h0

    @pl.when(pl.program_id(0) == 0)
    def _():
        gram_ref[...] = jnp.zeros_like(gram_ref)

    gram_ref[...] += lax.dot_general(
        h0, h0, (((0,), (0,)), ((), ())), preferred_element_type=jnp.float32)


_stage_a1 = pl.pallas_call(
    _stage_a1_body,
    grid=(GRID,),
    in_specs=[
        pl.BlockSpec((BR, D_IN), lambda i: (i, 0)),
        pl.BlockSpec((D_IN, D_HID), lambda i: (0, 0)),
    ],
    out_specs=[
        pl.BlockSpec((BR, D_HID), lambda i: (i, 0)),
        pl.BlockSpec((D_HID, D_HID), lambda i: (0, 0)),
    ],
    out_shape=[
        jax.ShapeDtypeStruct((NP, D_HID), jnp.float32),
        jax.ShapeDtypeStruct((D_HID, D_HID), jnp.float32),
    ],
)


def _stage_a2_body(h0_ref, deg_ref, g0_ref):
    g0_ref[...] = h0_ref[...] * _dinv_from(deg_ref[...])[:, None]


_stage_a2 = pl.pallas_call(
    _stage_a2_body,
    grid=(GRID,),
    in_specs=[
        pl.BlockSpec((BR, D_HID), lambda i: (i, 0)),
        pl.BlockSpec((NC, BR), lambda i: (0, i)),
    ],
    out_specs=pl.BlockSpec((BR, D_HID), lambda i: (i, 0)),
    out_shape=jax.ShapeDtypeStruct((NP, D_HID), jnp.float32),
)


def _stage_b1_body(h0_ref, gram_ref, lin_ref):
    h0 = h0_ref[...]
    G = gram_ref[...] - _eye(D_HID)
    lin_ref[...] = (1.0 - GL1) * h0 - GL2 * jnp.dot(
        h0, G, preferred_element_type=jnp.float32)


_stage_b1 = pl.pallas_call(
    _stage_b1_body,
    grid=(GRID,),
    in_specs=[
        pl.BlockSpec((BR, D_HID), lambda i: (i, 0)),
        pl.BlockSpec((D_HID, D_HID), lambda i: (0, 0)),
    ],
    out_specs=pl.BlockSpec((BR, D_HID), lambda i: (i, 0)),
    out_shape=jax.ShapeDtypeStruct((NP, D_HID), jnp.float32),
)


def _stage_b2_body(lin_ref, agg_ref, deg_ref, w2_ref, h1_ref, g1_ref):
    dinv = _dinv_from(deg_ref[...])
    aggs = (agg_ref[0] + agg_ref[1]) * dinv[:, None]
    out1 = lin_ref[...] + GL1 * aggs
    h1 = jnp.dot(jnp.maximum(out1, 0.0), w2_ref[...],
                 preferred_element_type=jnp.float32)
    h1_ref[...] = h1
    g1_ref[...] = h1 * dinv[:, None]


_stage_b2 = pl.pallas_call(
    _stage_b2_body,
    grid=(GRID,),
    in_specs=[
        pl.BlockSpec((BR, D_HID), lambda i: (i, 0)),
        pl.BlockSpec((NC, BR, D_HID), lambda i: (0, i, 0)),
        pl.BlockSpec((NC, BR), lambda i: (0, i)),
        pl.BlockSpec((D_HID, D2P), lambda i: (0, 0)),
    ],
    out_specs=[
        pl.BlockSpec((BR, D2P), lambda i: (i, 0)),
        pl.BlockSpec((BR, D2P), lambda i: (i, 0)),
    ],
    out_shape=[
        jax.ShapeDtypeStruct((NP, D2P), jnp.float32),
        jax.ShapeDtypeStruct((NP, D2P), jnp.float32),
    ],
)


def _stage_b3_body(h1_ref, gram1_ref):
    h1 = h1_ref[...]

    @pl.when(pl.program_id(0) == 0)
    def _():
        gram1_ref[...] = jnp.zeros_like(gram1_ref)

    gram1_ref[...] += lax.dot_general(
        h1, h1, (((0,), (0,)), ((), ())), preferred_element_type=jnp.float32)


_stage_b3 = pl.pallas_call(
    _stage_b3_body,
    grid=(GRID,),
    in_specs=[pl.BlockSpec((BR, D2P), lambda i: (i, 0))],
    out_specs=pl.BlockSpec((D2P, D2P), lambda i: (0, 0)),
    out_shape=jax.ShapeDtypeStruct((D2P, D2P), jnp.float32),
)


def _stage_c_body(h1_ref, agg_ref, deg_ref, gram1_ref, out_ref):
    h1 = h1_ref[...]
    dinv = _dinv_from(deg_ref[...])
    aggs = (agg_ref[0] + agg_ref[1]) * dinv[:, None]
    G = gram1_ref[...] - _eye(D2P)
    out2 = ((1.0 - GL1) * h1 + GL1 * aggs
            - GL2 * jnp.dot(h1, G, preferred_element_type=jnp.float32))
    valid = lax.broadcasted_iota(jnp.int32, (BR, D2P), 1) < D_OUT
    masked = jnp.where(valid, out2, -jnp.inf)
    m = jnp.max(masked, axis=1, keepdims=True)
    ex = jnp.where(valid, jnp.exp(out2 - m), 0.0)
    lse = jnp.log(jnp.sum(ex, axis=1, keepdims=True))
    res = out2 - m - lse
    out_ref[...] = res[:, :D_OUT]


_stage_c = pl.pallas_call(
    _stage_c_body,
    grid=(GRID,),
    in_specs=[
        pl.BlockSpec((BR, D2P), lambda i: (i, 0)),
        pl.BlockSpec((NC, BR, D2P), lambda i: (0, i, 0)),
        pl.BlockSpec((NC, BR), lambda i: (0, i)),
        pl.BlockSpec((D2P, D2P), lambda i: (0, 0)),
    ],
    out_specs=pl.BlockSpec((BR, D_OUT), lambda i: (i, 0)),
    out_shape=jax.ShapeDtypeStruct((NP, D_OUT), jnp.float32),
)


def kernel(x, y, edge_index, W_in, W_out):
    del y
    pad = jnp.asarray(_PAD_IDX)
    srcp = jnp.concatenate([edge_index[0], pad])
    dstp = jnp.concatenate([edge_index[1], pad])
    src2 = srcp.reshape(NW * CPW, EC)
    dst2 = dstp.reshape(NW * CPW, EC)
    w2_pad = jnp.pad(W_out, ((0, 0), (0, D2P - D_OUT)))

    deg = _deg_kernel(src2, dst2).reshape(NC, NP)
    h0, gram0 = _stage_a1(x, W_in)
    g0 = _stage_a2(h0, deg)
    agg1 = _msg_kernel_128(g0, src2, dst2)
    lin = _stage_b1(h0, gram0)
    h1, g1 = _stage_b2(lin, agg1, deg, w2_pad)
    gram1 = _stage_b3(h1)
    agg2 = _msg_kernel_64(g1, src2, dst2)
    return _stage_c(h1, agg2, deg, gram1)[:N]

# --- scband reference (transcript-rebuilt; emitter-appended) ---
"""Pipeline reference for scband-de-prop-40853728920036 (READ-ONLY COPY).

The authoritative reference and input builder live on the scoring server;
editing this copy changes nothing except your own understanding.
"""

import jax, jax.numpy as jnp
import numpy as np

N = 10000
E = 320000
D_IN = 128
D_HID = 128
D_OUT = 40
LAMBDA1 = 1.0
LAMBDA2 = 0.1
GAMMA = 0.5
ORTH = True


def setup_inputs(seed: int = 0) -> dict:
    key = jax.random.key(seed)
    k1, k2, k3, k4, k5 = jax.random.split(key, 5)
    x = jax.random.normal(k1, (N, D_IN), dtype=jnp.float32)
    y = jax.random.randint(k2, (N,), 0, D_OUT, dtype=jnp.int32)
    edge_index = jax.random.randint(k3, (2, E), 0, N, dtype=jnp.int32)
    W_in = jax.random.normal(k4, (D_IN, D_HID), dtype=jnp.float32) / np.sqrt(D_IN)
    W_out = jax.random.normal(k5, (D_HID, D_OUT), dtype=jnp.float32) / np.sqrt(D_HID)
    return {"x": x, "y": y, "edge_index": edge_index, "W_in": W_in, "W_out": W_out}


def _deprop_prop(h, edge_index):
    # DeProp propagation step (one gradient step of the decorrelated objective):
    #   X = H - gamma * (lambda1 * L_hat H + lambda2 * H (H^T H - I))
    # with L_hat = I - D^{-1/2} A D^{-1/2} applied via gather/scatter-add.
    src = edge_index[0]
    dst = edge_index[1]
    ones = jnp.ones((E,), dtype=h.dtype)
    deg = jnp.zeros((N,), dtype=h.dtype).at[dst].add(ones)
    deg = deg + jnp.zeros((N,), dtype=h.dtype).at[src].add(ones)
    deg = jnp.maximum(deg, 1.0)
    dinv = 1.0 / jnp.sqrt(deg)
    norm = dinv[src] * dinv[dst]
    msgs = h[src] * norm[:, None]
    agg = jnp.zeros_like(h).at[dst].add(msgs)
    Lh = h - agg
    out = h - GAMMA * LAMBDA1 * Lh
    if ORTH:
        d = h.shape[1]
        gram = h.T @ h - jnp.eye(d, dtype=h.dtype)
        out = out - GAMMA * LAMBDA2 * (h @ gram)
    return out


def reference(x, y, edge_index, W_in, W_out):
    # Eval-mode forward (dropout is identity); num_layers=2 so the hidden conv
    # loop (and Infomax/correlation side losses) is empty. with_bn=False, F_norm=False.
    h = x @ W_in
    h = _deprop_prop(h, edge_index)
    h = jax.nn.relu(h)
    h = h @ W_out
    h = _deprop_prop(h, edge_index)
    return jax.nn.log_softmax(h, axis=1)

if __name__ == "__main__":
    import jax
    _d = setup_inputs()
    print(jax.jit(kernel)(*tuple(_d.values())))

</pallas_src>

<mosaic_0001>
#map = affine_map<(d0, d1) -> (0, 0)>
#map1 = affine_map<(d0, d1) -> (0, 0, 0)>
module attributes {stable_mosaic.version = 14 : i64} {
  func.func @_msg_body(%arg0: i32, %arg1: i32, %arg2: memref<10240x128xf32, #tpu.memory_space<hbm>>, %arg3: memref<2560x128xi32, #tpu.memory_space<hbm>>, %arg4: memref<2560x128xi32, #tpu.memory_space<hbm>>, %arg5: memref<2x10240x128xf32, #tpu.memory_space<hbm>>, %arg6: memref<2x8x128xi32, #tpu.memory_space<vmem>>, %arg7: memref<2x8x128xi32, #tpu.memory_space<vmem>>, %arg8: memref<128x128xf32, #tpu.memory_space<vmem>>, %arg9: memref<128x128xf32, #tpu.memory_space<vmem>>, %arg10: memref<!tpu.dma_semaphore, #tpu.memory_space<semaphore_mem>>, %arg11: memref<!tpu.dma_semaphore, #tpu.memory_space<semaphore_mem>>, %arg12: memref<10240x128xf32, #tpu.memory_space<vmem_shared>>) attributes {dimension_semantics = [#tpu.dimension_semantics<core_parallel>, #tpu.dimension_semantics<subcore_parallel>], iteration_bounds = array<i64: 2, 16>, scalar_prefetch = 0 : i64, scratch_operands = 7 : i64, tpu.core_type = #tpu.core_type<sc_vector_subcore>, window_params = [{transform_indices = #map}, {transform_indices = #map}, {transform_indices = #map}, {transform_indices = #map1}]} {
    %mul3A = arith.constant 2 : i32
    %mul3A_0 = arith.muli %arg1, %mul3A : i32
    %add3A = arith.addi %mul3A_0, %arg0 : i32
    %eq3A = arith.constant 0 : i32
    %eq3A_1 = arith.cmpi eq, %arg0, %eq3A : i32
    %mul3A_2 = arith.constant 80 : i32
    %mul3A_3 = arith.muli %arg1, %mul3A_2 : i32
    %mul3A_4 = arith.constant 80 : i32
    %mul3A_5 = arith.muli %arg1, %mul3A_4 : i32
    %add3A_6 = arith.constant 1280 : i32
    %add3A_7 = arith.addi %add3A_6, %mul3A_5 : i32
    %select_n3A = arith.select %eq3A_1, %mul3A_3, %add3A_7 : i32
    %eq3A_8 = arith.constant 0 : i32
    %eq3A_9 = arith.cmpi eq, %arg0, %eq3A_8 : i32
    %jit3A = arith.constant 10 : i32
    %jit3A_10 = arith.constant 10 : i32
    %select_n3A_11 = arith.select %eq3A_9, %jit3A, %jit3A_10 : i32
    %scan3A = arith.constant 0 : i32
    %scan3A_12 = arith.constant 0 : i32
    %scan3A_13 = arith.constant 128 : i32
    %scan3A_14 = arith.addi %scan3A_12, %scan3A_13 : i32
    %scan3A_15 = arith.constant 1 : i32
    scf.for %scan3A_74 = %scan3A_12 to %scan3A_14 step %scan3A_15  : i32 {
      %broadcast_in_dim3A = arith.constant 0.000000e+00 : f32
      %broadcast_in_dim3A_75 = vector.broadcast %broadcast_in_dim3A : f32 to vector<16xf32>
      %swap3A = arith.index_cast %scan3A_74 : i32 to index
      %swap3A_76 = arith.constant 0 : index
      %swap3A_77 = tpu.vector_load %arg8[%swap3A, %swap3A_76] {strides = array<i32>} : memref<128x128xf32, #tpu.memory_space<vmem>>, vector<1x16xf32>,
      %swap3A_78 = vector.shape_cast %swap3A_77 : vector<1x16xf32> to vector<16xf32>
      %swap3A_79 = vector.shape_cast %broadcast_in_dim3A_75 : vector<16xf32> to vector<1x16xf32>
      tpu.vector_store %arg8[%swap3A, %swap3A_76], %swap3A_79 {strides = array<i32>} : memref<128x128xf32, #tpu.memory_space<vmem>>, vector<1x16xf32>,
      %broadcast_in_dim3A_80 = arith.constant 0.000000e+00 : f32
      %broadcast_in_dim3A_81 = vector.broadcast %broadcast_in_dim3A_80 : f32 to vector<16xf32>
      %swap3A_82 = arith.index_cast %scan3A_74 : i32 to index
      %swap3A_83 = arith.constant 16 : index
      %swap3A_84 = tpu.vector_load %arg8[%swap3A_82, %swap3A_83] {strides = array<i32>} : memref<128x128xf32, #tpu.memory_space<vmem>>, vector<1x16xf32>,
      %swap3A_85 = vector.shape_cast %swap3A_84 : vector<1x16xf32> to vector<16xf32>
      %swap3A_86 = vector.shape_cast %broadcast_in_dim3A_81 : vector<16xf32> to vector<1x16xf32>
      tpu.vector_store %arg8[%swap3A_82, %swap3A_83], %swap3A_86 {strides = array<i32>} : memref<128x128xf32, #tpu.memory_space<vmem>>, vector<1x16xf32>,
      %broadcast_in_dim3A_87 = arith.constant 0.000000e+00 : f32
      %broadcast_in_dim3A_88 = vector.broadcast %broadcast_in_dim3A_87 : f32 to vector<16xf32>
      %swap3A_89 = arith.index_cast %scan3A_74 : i32 to index
      %swap3A_90 = arith.constant 32 : index
      %swap3A_91 = tpu.vector_load %arg8[%swap3A_89, %swap3A_90] {strides = array<i32>} : memref<128x128xf32, #tpu.memory_space<vmem>>, vector<1x16xf32>,
      %swap3A_92 = vector.shape_cast %swap3A_91 : vector<1x16xf32> to vector<16xf32>
      %swap3A_93 = vector.shape_cast %broadcast_in_dim3A_88 : vector<16xf32> to vector<1x16xf32>
      tpu.vector_store %arg8[%swap3A_89, %swap3A_90], %swap3A_93 {strides = array<i32>} : memref<128x128xf32, #tpu.memory_space<vmem>>, vector<1x16xf32>,
      %broadcast_in_dim3A_94 = arith.constant 0.000000e+00 : f32
      %broadcast_in_dim3A_95 = vector.broadcast %broadcast_in_dim3A_94 : f32 to vector<16xf32>
      %swap3A_96 = arith.index_cast %scan3A_74 : i32 to index
      %swap3A_97 = arith.constant 48 : index
      %swap3A_98 = tpu.vector_load %arg8[%swap3A_96, %swap3A_97] {strides = array<i32>} : memref<128x128xf32, #tpu.memory_space<vmem>>, vector<1x16xf32>,
      %swap3A_99 = vector.shape_cast %swap3A_98 : vector<1x16xf32> to vector<16xf32>
      %swap3A_100 = vector.shape_cast %broadcast_in_dim3A_95 : vector<16xf32> to vector<1x16xf32>
      tpu.vector_store %arg8[%swap3A_96, %swap3A_97], %swap3A_100 {strides = array<i32>} : memref<128x128xf32, #tpu.memory_space<vmem>>, vector<1x16xf32>,
      %broadcast_in_dim3A_101 = arith.constant 0.000000e+00 : f32
      %broadcast_in_dim3A_102 = vector.broadcast %broadcast_in_dim3A_101 : f32 to vector<16xf32>
      %swap3A_103 = arith.index_cast %scan3A_74 : i32 to index
      %swap3A_104 = arith.constant 64 : index
      %swap3A_105 = tpu.vector_load %arg8[%swap3A_103, %swap3A_104] {strides = array<i32>} : memref<128x128xf32, #tpu.memory_space<vmem>>, vector<1x16xf32>,
      %swap3A_106 = vector.shape_cast %swap3A_105 : vector<1x16xf32> to vector<16xf32>
      %swap3A_107 = vector.shape_cast %broadcast_in_dim3A_102 : vector<16xf32> to vector<1x16xf32>
      tpu.vector_store %arg8[%swap3A_103, %swap3A_104], %swap3A_107 {strides = array<i32>} : memref<128x128xf32, #tpu.memory_space<vmem>>, vector<1x16xf32>,
      %broadcast_in_dim3A_108 = arith.constant 0.000000e+00 : f32
      %broadcast_in_dim3A_109 = vector.broadcast %broadcast_in_dim3A_108 : f32 to vector<16xf32>
      %swap3A_110 = arith.index_cast %scan3A_74 : i32 to index
      %swap3A_111 = arith.constant 80 : index
      %swap3A_112 = tpu.vector_load %arg8[%swap3A_110, %swap3A_111] {strides = array<i32>} : memref<128x128xf32, #tpu.memory_space<vmem>>, vector<1x16xf32>,
      %swap3A_113 = vector.shape_cast %swap3A_112 : vector<1x16xf32> to vector<16xf32>
      %swap3A_114 = vector.shape_cast %broadcast_in_dim3A_109 : vector<16xf32> to vector<1x16xf32>
      tpu.vector_store %arg8[%swap3A_110, %swap3A_111], %swap3A_114 {strides = array<i32>} : memref<128x128xf32, #tpu.memory_space<vmem>>, vector<1x16xf32>,
      %broadcast_in_dim3A_115 = arith.constant 0.000000e+00 : f32
      %broadcast_in_dim3A_116 = vector.broadcast %broadcast_in_dim3A_115 : f32 to vector<16xf32>
      %swap3A_117 = arith.index_cast %scan3A_74 : i32 to index
      %swap3A_118 = arith.constant 96 : index
      %swap3A_119 = tpu.vector_load %arg8[%swap3A_117, %swap3A_118] {strides = array<i32>} : memref<128x128xf32, #tpu.memory_space<vmem>>, vector<1x16xf32>,
      %swap3A_120 = vector.shape_cast %swap3A_119 : vector<1x16xf32> to vector<16xf32>
      %swap3A_121 = vector.shape_cast %broadcast_in_dim3A_116 : vector<16xf32> to vector<1x16xf32>
      tpu.vector_store %arg8[%swap3A_117, %swap3A_118], %swap3A_121 {strides = array<i32>} : memref<128x128xf32, #tpu.memory_space<vmem>>, vector<1x16xf32>,
      %broadcast_in_dim3A_122 = arith.constant 0.000000e+00 : f32
      %broadcast_in_dim3A_123 = vector.broadcast %broadcast_in_dim3A_122 : f32 to vector<16xf32>
      %swap3A_124 = arith.index_cast %scan3A_74 : i32 to index
      %swap3A_125 = arith.constant 112 : index
      %swap3A_126 = tpu.vector_load %arg8[%swap3A_124, %swap3A_125] {strides = array<i32>} : memref<128x128xf32, #tpu.memory_space<vmem>>, vector<1x16xf32>,
      %swap3A_127 = vector.shape_cast %swap3A_126 : vector<1x16xf32> to vector<16xf32>
      %swap3A_128 = vector.shape_cast %broadcast_in_dim3A_123 : vector<16xf32> to vector<1x16xf32>
      tpu.vector_store %arg8[%swap3A_124, %swap3A_125], %swap3A_128 {strides = array<i32>} : memref<128x128xf32, #tpu.memory_space<vmem>>, vector<1x16xf32>,
    }
    %scan3A_16 = arith.constant 128 : i32
    %mul3A_17 = arith.constant 640 : i32
    %mul3A_18 = arith.muli %arg1, %mul3A_17 : i32
    %add3A_19 = arith.constant 0 : i32
    %add3A_20 = arith.addi %mul3A_18, %add3A_19 : i32
    "tpu.region"() ({
      %run_scoped3A = tpu.sem_alloc : memref<!tpu.dma_semaphore, #tpu.memory_space<semaphore_mem>>
      %dma_start3A = arith.constant 0 : i32
      %dma_start3A_74 = tpu.memref_slice %arg12[%add3A_20, %dma_start3A] : memref<10240x128xf32, #tpu.memory_space<vmem_shared>> -> memref<128x128xf32, #tpu.memory_space<vmem_shared>>
      %dma_start3A_75 = arith.constant 0 : i32
      %dma_start3A_76 = tpu.memref_slice %arg12[%add3A_20, %dma_start3A_75] : memref<10240x128xf32, #tpu.memory_space<vmem_shared>> -> memref<128x128xf32, #tpu.memory_space<vmem_shared>>
      tpu.enqueue_dma source(%arg8 : memref<128x128xf32, #tpu.memory_space<vmem>>) target(%dma_start3A_76 : memref<128x128xf32, #tpu.memory_space<vmem_shared>>) target_semaphore(%run_scoped3A : memref<!tpu.dma_semaphore, #tpu.memory_space<semaphore_mem>>)
      %dma_wait3A = arith.constant 0 : i32
      %dma_wait3A_77 = tpu.memref_slice %arg12[%add3A_20, %dma_wait3A] : memref<10240x128xf32, #tpu.memory_space<vmem_shared>> -> memref<128x128xf32, #tpu.memory_space<vmem_shared>>
      %dma_wait3A_78 = arith.constant 0 : i32
      %dma_wait3A_79 = tpu.memref_slice %arg12[%add3A_20, %dma_wait3A_78] : memref<10240x128xf32, #tpu.memory_space<vmem_shared>> -> memref<128x128xf32, #tpu.memory_space<vmem_shared>>
      tpu.wait_dma2 semaphore(%run_scoped3A : memref<!tpu.dma_semaphore, #tpu.memory_space<semaphore_mem>>) src(%arg8 : memref<128x128xf32, #tpu.memory_space<vmem>>) dst(%dma_wait3A_79 : memref<128x128xf32, #tpu.memory_space<vmem_shared>>)
      tpu.yield
    }) : () -> ()
    %mul3A_21 = arith.constant 640 : i32
    %mul3A_22 = arith.muli %arg1, %mul3A_21 : i32
    %add3A_23 = arith.constant 128 : i32
    %add3A_24 = arith.addi %mul3A_22, %add3A_23 : i32
    "tpu.region"() ({
      %run_scoped3A = tpu.sem_alloc : memref<!tpu.dma_semaphore, #tpu.memory_space<semaphore_mem>>
      %dma_start3A = arith.constant 0 : i32
      %dma_start3A_74 = tpu.memref_slice %arg12[%add3A_24, %dma_start3A] : memref<10240x128xf32, #tpu.memory_space<vmem_shared>> -> memref<128x128xf32, #tpu.memory_space<vmem_shared>>
      %dma_start3A_75 = arith.constant 0 : i32
      %dma_start3A_76 = tpu.memref_slice %arg12[%add3A_24, %dma_start3A_75] : memref<10240x128xf32, #tpu.memory_space<vmem_shared>> -> memref<128x128xf32, #tpu.memory_space<vmem_shared>>
      tpu.enqueue_dma source(%arg8 : memref<128x128xf32, #tpu.memory_space<vmem>>) target(%dma_start3A_76 : memref<128x128xf32, #tpu.memory_space<vmem_shared>>) target_semaphore(%run_scoped3A : memref<!tpu.dma_semaphore, #tpu.memory_space<semaphore_mem>>)
      %dma_wait3A = arith.constant 0 : i32
      %dma_wait3A_77 = tpu.memref_slice %arg12[%add3A_24, %dma_wait3A] : memref<10240x128xf32, #tpu.memory_space<vmem_shared>> -> memref<128x128xf32, #tpu.memory_space<vmem_shared>>
      %dma_wait3A_78 = arith.constant 0 : i32
      %dma_wait3A_79 = tpu.memref_slice %arg12[%add3A_24, %dma_wait3A_78] : memref<10240x128xf32, #tpu.memory_space<vmem_shared>> -> memref<128x128xf32, #tpu.memory_space<vmem_shared>>
      tpu.wait_dma2 semaphore(%run_scoped3A : memref<!tpu.dma_semaphore, #tpu.memory_space<semaphore_mem>>) src(%arg8 : memref<128x128xf32, #tpu.memory_space<vmem>>) dst(%dma_wait3A_79 : memref<128x128xf32, #tpu.memory_space<vmem_shared>>)
      tpu.yield
    }) : () -> ()
    %mul3A_25 = arith.constant 640 : i32
    %mul3A_26 = arith.muli %arg1, %mul3A_25 : i32
    %add3A_27 = arith.constant 256 : i32
    %add3A_28 = arith.addi %mul3A_26, %add3A_27 : i32
    "tpu.region"() ({
      %run_scoped3A = tpu.sem_alloc : memref<!tpu.dma_semaphore, #tpu.memory_space<semaphore_mem>>
      %dma_start3A = arith.constant 0 : i32
      %dma_start3A_74 = tpu.memref_slice %arg12[%add3A_28, %dma_start3A] : memref<10240x128xf32, #tpu.memory_space<vmem_shared>> -> memref<128x128xf32, #tpu.memory_space<vmem_shared>>
      %dma_start3A_75 = arith.constant 0 : i32
      %dma_start3A_76 = tpu.memref_slice %arg12[%add3A_28, %dma_start3A_75] : memref<10240x128xf32, #tpu.memory_space<vmem_shared>> -> memref<128x128xf32, #tpu.memory_space<vmem_shared>>
      tpu.enqueue_dma source(%arg8 : memref<128x128xf32, #tpu.memory_space<vmem>>) target(%dma_start3A_76 : memref<128x128xf32, #tpu.memory_space<vmem_shared>>) target_semaphore(%run_scoped3A : memref<!tpu.dma_semaphore, #tpu.memory_space<semaphore_mem>>)
      %dma_wait3A = arith.constant 0 : i32
      %dma_wait3A_77 = tpu.memref_slice %arg12[%add3A_28, %dma_wait3A] : memref<10240x128xf32, #tpu.memory_space<vmem_shared>> -> memref<128x128xf32, #tpu.memory_space<vmem_shared>>
      %dma_wait3A_78 = arith.constant 0 : i32
      %dma_wait3A_79 = tpu.memref_slice %arg12[%add3A_28, %dma_wait3A_78] : memref<10240x128xf32, #tpu.memory_space<vmem_shared>> -> memref<128x128xf32, #tpu.memory_space<vmem_shared>>
      tpu.wait_dma2 semaphore(%run_scoped3A : memref<!tpu.dma_semaphore, #tpu.memory_space<semaphore_mem>>) src(%arg8 : memref<128x128xf32, #tpu.memory_space<vmem>>) dst(%dma_wait3A_79 : memref<128x128xf32, #tpu.memory_space<vmem_shared>>)
      tpu.yield
    }) : () -> ()
    %mul3A_29 = arith.constant 640 : i32
    %mul3A_30 = arith.muli %arg1, %mul3A_29 : i32
    %add3A_31 = arith.constant 384 : i32
    %add3A_32 = arith.addi %mul3A_30, %add3A_31 : i32
    "tpu.region"() ({
      %run_scoped3A = tpu.sem_alloc : memref<!tpu.dma_semaphore, #tpu.memory_space<semaphore_mem>>
      %dma_start3A = arith.constant 0 : i32
      %dma_start3A_74 = tpu.memref_slice %arg12[%add3A_32, %dma_start3A] : memref<10240x128xf32, #tpu.memory_space<vmem_shared>> -> memref<128x128xf32, #tpu.memory_space<vmem_shared>>
      %dma_start3A_75 = arith.constant 0 : i32
      %dma_start3A_76 = tpu.memref_slice %arg12[%add3A_32, %dma_start3A_75] : memref<10240x128xf32, #tpu.memory_space<vmem_shared>> -> memref<128x128xf32, #tpu.memory_space<vmem_shared>>
      tpu.enqueue_dma source(%arg8 : memref<128x128xf32, #tpu.memory_space<vmem>>) target(%dma_start3A_76 : memref<128x128xf32, #tpu.memory_space<vmem_shared>>) target_semaphore(%run_scoped3A : memref<!tpu.dma_semaphore, #tpu.memory_space<semaphore_mem>>)
      %dma_wait3A = arith.constant 0 : i32
      %dma_wait3A_77 = tpu.memref_slice %arg12[%add3A_32, %dma_wait3A] : memref<10240x128xf32, #tpu.memory_space<vmem_shared>> -> memref<128x128xf32, #tpu.memory_space<vmem_shared>>
      %dma_wait3A_78 = arith.constant 0 : i32
      %dma_wait3A_79 = tpu.memref_slice %arg12[%add3A_32, %dma_wait3A_78] : memref<10240x128xf32, #tpu.memory_space<vmem_shared>> -> memref<128x128xf32, #tpu.memory_space<vmem_shared>>
      tpu.wait_dma2 semaphore(%run_scoped3A : memref<!tpu.dma_semaphore, #tpu.memory_space<semaphore_mem>>) src(%arg8 : memref<128x128xf32, #tpu.memory_space<vmem>>) dst(%dma_wait3A_79 : memref<128x128xf32, #tpu.memory_space<vmem_shared>>)
      tpu.yield
    }) : () -> ()
    %mul3A_33 = arith.constant 640 : i32
    %mul3A_34 = arith.muli %arg1, %mul3A_33 : i32
    %add3A_35 = arith.constant 512 : i32
    %add3A_36 = arith.addi %mul3A_34, %add3A_35 : i32
    "tpu.region"() ({
      %run_scoped3A = tpu.sem_alloc : memref<!tpu.dma_semaphore, #tpu.memory_space<semaphore_mem>>
      %dma_start3A = arith.constant 0 : i32
      %dma_start3A_74 = tpu.memref_slice %arg12[%add3A_36, %dma_start3A] : memref<10240x128xf32, #tpu.memory_space<vmem_shared>> -> memref<128x128xf32, #tpu.memory_space<vmem_shared>>
      %dma_start3A_75 = arith.constant 0 : i32
      %dma_start3A_76 = tpu.memref_slice %arg12[%add3A_36, %dma_start3A_75] : memref<10240x128xf32, #tpu.memory_space<vmem_shared>> -> memref<128x128xf32, #tpu.memory_space<vmem_shared>>
      tpu.enqueue_dma source(%arg8 : memref<128x128xf32, #tpu.memory_space<vmem>>) target(%dma_start3A_76 : memref<128x128xf32, #tpu.memory_space<vmem_shared>>) target_semaphore(%run_scoped3A : memref<!tpu.dma_semaphore, #tpu.memory_space<semaphore_mem>>)
      %dma_wait3A = arith.constant 0 : i32
      %dma_wait3A_77 = tpu.memref_slice %arg12[%add3A_36, %dma_wait3A] : memref<10240x128xf32, #tpu.memory_space<vmem_shared>> -> memref<128x128xf32, #tpu.memory_space<vmem_shared>>
      %dma_wait3A_78 = arith.constant 0 : i32
      %dma_wait3A_79 = tpu.memref_slice %arg12[%add3A_36, %dma_wait3A_78] : memref<10240x128xf32, #tpu.memory_space<vmem_shared>> -> memref<128x128xf32, #tpu.memory_space<vmem_shared>>
      tpu.wait_dma2 semaphore(%run_scoped3A : memref<!tpu.dma_semaphore, #tpu.memory_space<semaphore_mem>>) src(%arg8 : memref<128x128xf32, #tpu.memory_space<vmem>>) dst(%dma_wait3A_79 : memref<128x128xf32, #tpu.memory_space<vmem_shared>>)
      tpu.yield
    }) : () -> ()
    %gt3A = arith.constant 0 : i32
    %gt3A_37 = arith.cmpi sgt, %select_n3A_11, %gt3A : i32
    %convert_element_type3A = arith.extui %gt3A_37 : i1 to i32
    %cond3A = arith.constant 0 : i32
    %cond3A_38 = arith.cmpi ne, %convert_element_type3A, %cond3A : i32
    scf.if %cond3A_38 {
      %run_scoped3A = arith.constant 0 : i32
      "tpu.region"() ({
        %run_scoped3A_75 = tpu.sem_alloc : memref<!tpu.dma_semaphore, #tpu.memory_space<semaphore_mem>>
        %dma_start3A = arith.constant 0 : i32
        %dma_start3A_76 = arith.constant 0 : i32
        %dma_start3A_77 = tpu.memref_slice %arg6[%run_scoped3A, %dma_start3A, %dma_start3A_76] : memref<2x8x128xi32, #tpu.memory_space<vmem>> -> memref<1x8x128xi32, #tpu.memory_space<vmem>>
        %dma_start3A_78 = tpu.memref_squeeze %dma_start3A_77 : memref<1x8x128xi32, #tpu.memory_space<vmem>> -> memref<8x128xi32, #tpu.memory_space<vmem>>
        %dma_start3A_79 = arith.constant 0 : i32
        %dma_start3A_80 = tpu.memref_slice %arg3[%select_n3A, %dma_start3A_79] : memref<2560x128xi32, #tpu.memory_space<hbm>> -> memref<8x128xi32, #tpu.memory_space<hbm>>
        %dma_start3A_81 = arith.constant 0 : i32
        %dma_start3A_82 = arith.constant 0 : i32
        %dma_start3A_83 = tpu.memref_slice %arg6[%run_scoped3A, %dma_start3A_81, %dma_start3A_82] : memref<2x8x128xi32, #tpu.memory_space<vmem>> -> memref<1x8x128xi32, #tpu.memory_space<vmem>>
        %dma_start3A_84 = tpu.memref_squeeze %dma_start3A_83 : memref<1x8x128xi32, #tpu.memory_space<vmem>> -> memref<8x128xi32, #tpu.memory_space<vmem>>
        %dma_start3A_85 = arith.constant 0 : i32
        %dma_start3A_86 = tpu.memref_slice %arg3[%select_n3A, %dma_start3A_85] : memref<2560x128xi32, #tpu.memory_space<hbm>> -> memref<8x128xi32, #tpu.memory_space<hbm>>
        tpu.enqueue_dma source(%dma_start3A_86 : memref<8x128xi32, #tpu.memory_space<hbm>>) target(%dma_start3A_84 : memref<8x128xi32, #tpu.memory_space<vmem>>) target_semaphore(%run_scoped3A_75 : memref<!tpu.dma_semaphore, #tpu.memory_space<semaphore_mem>>)
        %dma_wait3A = arith.constant 0 : i32
        %dma_wait3A_87 = arith.constant 0 : i32
        %dma_wait3A_88 = tpu.memref_slice %arg6[%run_scoped3A, %dma_wait3A, %dma_wait3A_87] : memref<2x8x128xi32, #tpu.memory_space<vmem>> -> memref<1x8x128xi32, #tpu.memory_space<vmem>>
        %dma_wait3A_89 = tpu.memref_squeeze %dma_wait3A_88 : memref<1x8x128xi32, #tpu.memory_space<vmem>> -> memref<8x128xi32, #tpu.memory_space<vmem>>
        %dma_wait3A_90 = arith.constant 0 : i32
        %dma_wait3A_91 = tpu.memref_slice %arg3[%select_n3A, %dma_wait3A_90] : memref<2560x128xi32, #tpu.memory_space<hbm>> -> memref<8x128xi32, #tpu.memory_space<hbm>>
        %dma_wait3A_92 = arith.constant 0 : i32
        %dma_wait3A_93 = arith.constant 0 : i32
        %dma_wait3A_94 = tpu.memref_slice %arg6[%run_scoped3A, %dma_wait3A_92, %dma_wait3A_93] : memref<2x8x128xi32, #tpu.memory_space<vmem>> -> memref<1x8x128xi32, #tpu.memory_space<vmem>>
        %dma_wait3A_95 = tpu.memref_squeeze %dma_wait3A_94 : memref<1x8x128xi32, #tpu.memory_space<vmem>> -> memref<8x128xi32, #tpu.memory_space<vmem>>
        %dma_wait3A_96 = arith.constant 0 : i32
        %dma_wait3A_97 = tpu.memref_slice %arg3[%select_n3A, %dma_wait3A_96] : memref<2560x128xi32, #tpu.memory_space<hbm>> -> memref<8x128xi32, #tpu.memory_space<hbm>>
        tpu.wait_dma2 semaphore(%run_scoped3A_75 : memref<!tpu.dma_semaphore, #tpu.memory_space<semaphore_mem>>) src(%dma_wait3A_97 : memref<8x128xi32, #tpu.memory_space<hbm>>) dst(%dma_wait3A_95 : memref<8x128xi32, #tpu.memory_space<vmem>>)
        tpu.yield
      }) : () -> ()
      %run_scoped3A_74 = arith.constant 0 : i32
      "tpu.region"() ({
        %run_scoped3A_75 = tpu.sem_alloc : memref<!tpu.dma_semaphore, #tpu.memory_space<semaphore_mem>>
        %dma_start3A = arith.constant 0 : i32
        %dma_start3A_76 = arith.constant 0 : i32
        %dma_start3A_77 = tpu.memref_slice %arg7[%run_scoped3A_74, %dma_start3A, %dma_start3A_76] : memref<2x8x128xi32, #tpu.memory_space<vmem>> -> memref<1x8x128xi32, #tpu.memory_space<vmem>>
        %dma_start3A_78 = tpu.memref_squeeze %dma_start3A_77 : memref<1x8x128xi32, #tpu.memory_space<vmem>> -> memref<8x128xi32, #tpu.memory_space<vmem>>
        %dma_start3A_79 = arith.constant 0 : i32
        %dma_start3A_80 = tpu.memref_slice %arg4[%select_n3A, %dma_start3A_79] : memref<2560x128xi32, #tpu.memory_space<hbm>> -> memref<8x128xi32, #tpu.memory_space<hbm>>
        %dma_start3A_81 = arith.constant 0 : i32
        %dma_start3A_82 = arith.constant 0 : i32
        %dma_start3A_83 = tpu.memref_slice %arg7[%run_scoped3A_74, %dma_start3A_81, %dma_start3A_82] : memref<2x8x128xi32, #tpu.memory_space<vmem>> -> memref<1x8x128xi32, #tpu.memory_space<vmem>>
        %dma_start3A_84 = tpu.memref_squeeze %dma_start3A_83 : memref<1x8x128xi32, #tpu.memory_space<vmem>> -> memref<8x128xi32, #tpu.memory_space<vmem>>
        %dma_start3A_85 = arith.constant 0 : i32
        %dma_start3A_86 = tpu.memref_slice %arg4[%select_n3A, %dma_start3A_85] : memref<2560x128xi32, #tpu.memory_space<hbm>> -> memref<8x128xi32, #tpu.memory_space<hbm>>
        tpu.enqueue_dma source(%dma_start3A_86 : memref<8x128xi32, #tpu.memory_space<hbm>>) target(%dma_start3A_84 : memref<8x128xi32, #tpu.memory_space<vmem>>) target_semaphore(%run_scoped3A_75 : memref<!tpu.dma_semaphore, #tpu.memory_space<semaphore_mem>>)
        %dma_wait3A = arith.constant 0 : i32
        %dma_wait3A_87 = arith.constant 0 : i32
        %dma_wait3A_88 = tpu.memref_slice %arg7[%run_scoped3A_74, %dma_wait3A, %dma_wait3A_87] : memref<2x8x128xi32, #tpu.memory_space<vmem>> -> memref<1x8x128xi32, #tpu.memory_space<vmem>>
        %dma_wait3A_89 = tpu.memref_squeeze %dma_wait3A_88 : memref<1x8x128xi32, #tpu.memory_space<vmem>> -> memref<8x128xi32, #tpu.memory_space<vmem>>
        %dma_wait3A_90 = arith.constant 0 : i32
        %dma_wait3A_91 = tpu.memref_slice %arg4[%select_n3A, %dma_wait3A_90] : memref<2560x128xi32, #tpu.memory_space<hbm>> -> memref<8x128xi32, #tpu.memory_space<hbm>>
        %dma_wait3A_92 = arith.constant 0 : i32
        %dma_wait3A_93 = arith.constant 0 : i32
        %dma_wait3A_94 = tpu.memref_slice %arg7[%run_scoped3A_74, %dma_wait3A_92, %dma_wait3A_93] : memref<2x8x128xi32, #tpu.memory_space<vmem>> -> memref<1x8x128xi32, #tpu.memory_space<vmem>>
        %dma_wait3A_95 = tpu.memref_squeeze %dma_wait3A_94 : memref<1x8x128xi32, #tpu.memory_space<vmem>> -> memref<8x128xi32, #tpu.memory_space<vmem>>
        %dma_wait3A_96 = arith.constant 0 : i32
        %dma_wait3A_97 = tpu.memref_slice %arg4[%select_n3A, %dma_wait3A_96] : memref<2560x128xi32, #tpu.memory_space<hbm>> -> memref<8x128xi32, #tpu.memory_space<hbm>>
        tpu.wait_dma2 semaphore(%run_scoped3A_75 : memref<!tpu.dma_semaphore, #tpu.memory_space<semaphore_mem>>) src(%dma_wait3A_97 : memref<8x128xi32, #tpu.memory_space<hbm>>) dst(%dma_wait3A_95 : memref<8x128xi32, #tpu.memory_space<vmem>>)
        tpu.yield
      }) : () -> ()
    } else {
    }
    %barrier3A = arith.constant 0 : index
    tpu.barrier barrier_id(%barrier3A)
    %gt3A_39 = arith.constant 0 : i32
    %gt3A_40 = arith.cmpi sgt, %select_n3A_11, %gt3A_39 : i32
    %convert_element_type3A_41 = arith.extui %gt3A_40 : i1 to i32
    %cond3A_42 = arith.constant 0 : i32
    %cond3A_43 = arith.cmpi ne, %convert_element_type3A_41, %cond3A_42 : i32
    scf.if %cond3A_43 {
      %dma_start3A = arith.constant 0 : i32
      %dma_start3A_74 = arith.constant 0 : i32
      %dma_start3A_75 = arith.constant 0 : i32
      %dma_start3A_76 = tpu.memref_slice %arg6[%dma_start3A, %dma_start3A_74, %dma_start3A_75] : memref<2x8x128xi32, #tpu.memory_space<vmem>> -> memref<1x1x128xi32, #tpu.memory_space<vmem>>
      %dma_start3A_77 = tpu.memref_squeeze %dma_start3A_76 : memref<1x1x128xi32, #tpu.memory_space<vmem>> -> memref<128xi32, #tpu.memory_space<vmem>>
      %dma_start3A_78 = arith.constant 0 : i32
      %dma_start3A_79 = arith.constant 0 : i32
      %dma_start3A_80 = tpu.memref_slice %arg2[%dma_start3A_78, %dma_start3A_79] : memref<10240x128xf32, #tpu.memory_space<hbm>> -> memref<10240x128xf32, #tpu.memory_space<hbm>>
      tpu.enqueue_indirect_dma source(%dma_start3A_80 : memref<10240x128xf32, #tpu.memory_space<hbm>>) target(%arg8 : memref<128x128xf32, #tpu.memory_space<vmem>>) offsets(%dma_start3A_77 : memref<128xi32, #tpu.memory_space<vmem>>) semaphore(%arg10 : memref<!tpu.dma_semaphore, #tpu.memory_space<semaphore_mem>>)
    } else {
    }
    %while3A = arith.constant 0 : i32
    %while3A_44 = arith.constant 0 : i32
    %while3A_45 = arith.subi %select_n3A_11, %while3A_44 : i32
    %while3A_46 = arith.addi %while3A_44, %while3A_45 : i32
    %while3A_47 = arith.constant 1 : i32
    %while3A_48 = arith.divsi %while3A_45, %while3A_47 : i32
    %while3A_49 = arith.muli %while3A_48, %while3A_47 : i32
    %while3A_50 = arith.addi %while3A_44, %while3A_49 : i32
    %while3A_51 = arith.constant 1 : i32
    scf.for %while3A_74 = %while3A_44 to %while3A_50 step %while3A_51  : i32 {
      %rem3A = arith.constant 2 : i32
      %rem3A_75 = arith.remsi %while3A_74, %rem3A : i32
      %sub3A = arith.constant 1 : i32
      %sub3A_76 = arith.subi %sub3A, %rem3A_75 : i32
      %sub3A_77 = arith.constant 1 : i32
      %sub3A_78 = arith.subi %select_n3A_11, %sub3A_77 : i32
      %lt3A = arith.cmpi slt, %while3A_74, %sub3A_78 : i32
      %convert_element_type3A_79 = arith.extui %lt3A : i1 to i32
      %cond3A_80 = arith.constant 0 : i32
      %cond3A_81 = arith.cmpi ne, %convert_element_type3A_79, %cond3A_80 : i32
      scf.if %cond3A_81 {
        %add3A_198 = arith.constant 1 : i32
        %add3A_199 = arith.addi %while3A_74, %add3A_198 : i32
        %mul3A_200 = arith.constant 8 : i32
        %mul3A_201 = arith.muli %add3A_199, %mul3A_200 : i32
        %add3A_202 = arith.addi %select_n3A, %mul3A_201 : i32
        "tpu.region"() ({
          %run_scoped3A_208 = tpu.sem_alloc : memref<!tpu.dma_semaphore, #tpu.memory_space<semaphore_mem>>
          %dma_start3A_209 = arith.constant 0 : i32
          %dma_start3A_210 = arith.constant 0 : i32
          %dma_start3A_211 = tpu.memref_slice %arg6[%sub3A_76, %dma_start3A_209, %dma_start3A_210] : memref<2x8x128xi32, #tpu.memory_space<vmem>> -> memref<1x8x128xi32, #tpu.memory_space<vmem>>
          %dma_start3A_212 = tpu.memref_squeeze %dma_start3A_211 : memref<1x8x128xi32, #tpu.memory_space<vmem>> -> memref<8x128xi32, #tpu.memory_space<vmem>>
          %dma_start3A_213 = arith.constant 0 : i32
          %dma_start3A_214 = tpu.memref_slice %arg3[%add3A_202, %dma_start3A_213] : memref<2560x128xi32, #tpu.memory_space<hbm>> -> memref<8x128xi32, #tpu.memory_space<hbm>>
          %dma_start3A_215 = arith.constant 0 : i32
          %dma_start3A_216 = arith.constant 0 : i32
          %dma_start3A_217 = tpu.memref_slice %arg6[%sub3A_76, %dma_start3A_215, %dma_start3A_216] : memref<2x8x128xi32, #tpu.memory_space<vmem>> -> memref<1x8x128xi32, #tpu.memory_space<vmem>>
          %dma_start3A_218 = tpu.memref_squeeze %dma_start3A_217 : memref<1x8x128xi32, #tpu.memory_space<vmem>> -> memref<8x128xi32, #tpu.memory_space<vmem>>
          %dma_start3A_219 = arith.constant 0 : i32
          %dma_start3A_220 = tpu.memref_slice %arg3[%add3A_202, %dma_start3A_219] : memref<2560x128xi32, #tpu.memory_space<hbm>> -> memref<8x128xi32, #tpu.memory_space<hbm>>
          tpu.enqueue_dma source(%dma_start3A_220 : memref<8x128xi32, #tpu.memory_space<hbm>>) target(%dma_start3A_218 : memref<8x128xi32, #tpu.memory_space<vmem>>) target_semaphore(%run_scoped3A_208 : memref<!tpu.dma_semaphore, #tpu.memory_space<semaphore_mem>>)
          %dma_wait3A_221 = arith.constant 0 : i32
          %dma_wait3A_222 = arith.constant 0 : i32
          %dma_wait3A_223 = tpu.memref_slice %arg6[%sub3A_76, %dma_wait3A_221, %dma_wait3A_222] : memref<2x8x128xi32, #tpu.memory_space<vmem>> -> memref<1x8x128xi32, #tpu.memory_space<vmem>>
          %dma_wait3A_224 = tpu.memref_squeeze %dma_wait3A_223 : memref<1x8x128xi32, #tpu.memory_space<vmem>> -> memref<8x128xi32, #tpu.memory_space<vmem>>
          %dma_wait3A_225 = arith.constant 0 : i32
          %dma_wait3A_226 = tpu.memref_slice %arg3[%add3A_202, %dma_wait3A_225] : memref<2560x128xi32, #tpu.memory_space<hbm>> -> memref<8x128xi32, #tpu.memory_space<hbm>>
          %dma_wait3A_227 = arith.constant 0 : i32
          %dma_wait3A_228 = arith.constant 0 : i32
          %dma_wait3A_229 = tpu.memref_slice %arg6[%sub3A_76, %dma_wait3A_227, %dma_wait3A_228] : memref<2x8x128xi32, #tpu.memory_space<vmem>> -> memref<1x8x128xi32, #tpu.memory_space<vmem>>
          %dma_wait3A_230 = tpu.memref_squeeze %dma_wait3A_229 : memref<1x8x128xi32, #tpu.memory_space<vmem>> -> memref<8x128xi32, #tpu.memory_space<vmem>>
          %dma_wait3A_231 = arith.constant 0 : i32
          %dma_wait3A_232 = tpu.memref_slice %arg3[%add3A_202, %dma_wait3A_231] : memref<2560x128xi32, #tpu.memory_space<hbm>> -> memref<8x128xi32, #tpu.memory_space<hbm>>
          tpu.wait_dma2 semaphore(%run_scoped3A_208 : memref<!tpu.dma_semaphore, #tpu.memory_space<semaphore_mem>>) src(%dma_wait3A_232 : memref<8x128xi32, #tpu.memory_space<hbm>>) dst(%dma_wait3A_230 : memref<8x128xi32, #tpu.memory_space<vmem>>)
          tpu.yield
        }) : () -> ()
        %add3A_203 = arith.constant 1 : i32
        %add3A_204 = arith.addi %while3A_74, %add3A_203 : i32
        %mul3A_205 = arith.constant 8 : i32
        %mul3A_206 = arith.muli %add3A_204, %mul3A_205 : i32
        %add3A_207 = arith.addi %select_n3A, %mul3A_206 : i32
        "tpu.region"() ({
          %run_scoped3A_208 = tpu.sem_alloc : memref<!tpu.dma_semaphore, #tpu.memory_space<semaphore_mem>>
          %dma_start3A_209 = arith.constant 0 : i32
          %dma_start3A_210 = arith.constant 0 : i32
          %dma_start3A_211 = tpu.memref_slice %arg7[%sub3A_76, %dma_start3A_209, %dma_start3A_210] : memref<2x8x128xi32, #tpu.memory_space<vmem>> -> memref<1x8x128xi32, #tpu.memory_space<vmem>>
          %dma_start3A_212 = tpu.memref_squeeze %dma_start3A_211 : memref<1x8x128xi32, #tpu.memory_space<vmem>> -> memref<8x128xi32, #tpu.memory_space<vmem>>
          %dma_start3A_213 = arith.constant 0 : i32
          %dma_start3A_214 = tpu.memref_slice %arg4[%add3A_207, %dma_start3A_213] : memref<2560x128xi32, #tpu.memory_space<hbm>> -> memref<8x128xi32, #tpu.memory_space<hbm>>
          %dma_start3A_215 = arith.constant 0 : i32
          %dma_start3A_216 = arith.constant 0 : i32
          %dma_start3A_217 = tpu.memref_slice %arg7[%sub3A_76, %dma_start3A_215, %dma_start3A_216] : memref<2x8x128xi32, #tpu.memory_space<vmem>> -> memref<1x8x128xi32, #tpu.memory_space<vmem>>
          %dma_start3A_218 = tpu.memref_squeeze %dma_start3A_217 : memref<1x8x128xi32, #tpu.memory_space<vmem>> -> memref<8x128xi32, #tpu.memory_space<vmem>>
          %dma_start3A_219 = arith.constant 0 : i32
          %dma_start3A_220 = tpu.memref_slice %arg4[%add3A_207, %dma_start3A_219] : memref<2560x128xi32, #tpu.memory_space<hbm>> -> memref<8x128xi32, #tpu.memory_space<hbm>>
          tpu.enqueue_dma source(%dma_start3A_220 : memref<8x128xi32, #tpu.memory_space<hbm>>) target(%dma_start3A_218 : memref<8x128xi32, #tpu.memory_space<vmem>>) target_semaphore(%run_scoped3A_208 : memref<!tpu.dma_semaphore, #tpu.memory_space<semaphore_mem>>)
          %dma_wait3A_221 = arith.constant 0 : i32
          %dma_wait3A_222 = arith.constant 0 : i32
          %dma_wait3A_223 = tpu.memref_slice %arg7[%sub3A_76, %dma_wait3A_221, %dma_wait3A_222] : memref<2x8x128xi32, #tpu.memory_space<vmem>> -> memref<1x8x128xi32, #tpu.memory_space<vmem>>
          %dma_wait3A_224 = tpu.memref_squeeze %dma_wait3A_223 : memref<1x8x128xi32, #tpu.memory_space<vmem>> -> memref<8x128xi32, #tpu.memory_space<vmem>>
          %dma_wait3A_225 = arith.constant 0 : i32
          %dma_wait3A_226 = tpu.memref_slice %arg4[%add3A_207, %dma_wait3A_225] : memref<2560x128xi32, #tpu.memory_space<hbm>> -> memref<8x128xi32, #tpu.memory_space<hbm>>
          %dma_wait3A_227 = arith.constant 0 : i32
          %dma_wait3A_228 = arith.constant 0 : i32
          %dma_wait3A_229 = tpu.memref_slice %arg7[%sub3A_76, %dma_wait3A_227, %dma_wait3A_228] : memref<2x8x128xi32, #tpu.memory_space<vmem>> -> memref<1x8x128xi32, #tpu.memory_space<vmem>>
          %dma_wait3A_230 = tpu.memref_squeeze %dma_wait3A_229 : memref<1x8x128xi32, #tpu.memory_space<vmem>> -> memref<8x128xi32, #tpu.memory_space<vmem>>
          %dma_wait3A_231 = arith.constant 0 : i32
          %dma_wait3A_232 = tpu.memref_slice %arg4[%add3A_207, %dma_wait3A_231] : memref<2560x128xi32, #tpu.memory_space<hbm>> -> memref<8x128xi32, #tpu.memory_space<hbm>>
          tpu.wait_dma2 semaphore(%run_scoped3A_208 : memref<!tpu.dma_semaphore, #tpu.memory_space<semaphore_mem>>) src(%dma_wait3A_232 : memref<8x128xi32, #tpu.memory_space<hbm>>) dst(%dma_wait3A_230 : memref<8x128xi32, #tpu.memory_space<vmem>>)
          tpu.yield
        }) : () -> ()
      } else {
      }
      %dma_start3A = arith.constant 1 : i32
      %dma_start3A_82 = arith.constant 0 : i32
      %dma_start3A_83 = tpu.memref_slice %arg6[%rem3A_75, %dma_start3A, %dma_start3A_82] : memref<2x8x128xi32, #tpu.memory_space<vmem>> -> memref<1x1x128xi32, #tpu.memory_space<vmem>>
      %dma_start3A_84 = tpu.memref_squeeze %dma_start3A_83 : memref<1x1x128xi32, #tpu.memory_space<vmem>> -> memref<128xi32, #tpu.memory_space<vmem>>
      %dma_start3A_85 = arith.constant 0 : i32
      %dma_start3A_86 = arith.constant 0 : i32
      %dma_start3A_87 = tpu.memref_slice %arg2[%dma_start3A_85, %dma_start3A_86] : memref<10240x128xf32, #tpu.memory_space<hbm>> -> memref<10240x128xf32, #tpu.memory_space<hbm>>
      tpu.enqueue_indirect_dma source(%dma_start3A_87 : memref<10240x128xf32, #tpu.memory_space<hbm>>) target(%arg9 : memref<128x128xf32, #tpu.memory_space<vmem>>) offsets(%dma_start3A_84 : memref<128xi32, #tpu.memory_space<vmem>>) semaphore(%arg11 : memref<!tpu.dma_semaphore, #tpu.memory_space<semaphore_mem>>)
      %dma_wait3A = arith.constant 0 : i32
      %dma_wait3A_88 = arith.constant 0 : i32
      %dma_wait3A_89 = tpu.memref_slice %arg6[%rem3A_75, %dma_wait3A, %dma_wait3A_88] : memref<2x8x128xi32, #tpu.memory_space<vmem>> -> memref<1x1x128xi32, #tpu.memory_space<vmem>>
      %dma_wait3A_90 = tpu.memref_squeeze %dma_wait3A_89 : memref<1x1x128xi32, #tpu.memory_space<vmem>> -> memref<128xi32, #tpu.memory_space<vmem>>
      %dma_wait3A_91 = arith.constant 0 : i32
      %dma_wait3A_92 = arith.constant 0 : i32
      %dma_wait3A_93 = tpu.memref_slice %arg2[%dma_wait3A_91, %dma_wait3A_92] : memref<10240x128xf32, #tpu.memory_space<hbm>> -> memref<10240x128xf32, #tpu.memory_space<hbm>>
      tpu.wait_indirect_dma semaphore(%arg10 : memref<!tpu.dma_semaphore, #tpu.memory_space<semaphore_mem>>) src(%dma_wait3A_93 : memref<10240x128xf32, #tpu.memory_space<hbm>>) dst(%arg8 : memref<128x128xf32, #tpu.memory_space<vmem>>)
      %run_scoped3A = arith.constant 0 : i32
      "tpu.region"() ({
        %run_scoped3A_198 = tpu.sem_alloc : memref<!tpu.dma_semaphore, #tpu.memory_space<semaphore_mem>>
        %dma_start3A_199 = arith.constant 0 : i32
        %dma_start3A_200 = tpu.memref_slice %arg7[%rem3A_75, %run_scoped3A, %dma_start3A_199] : memref<2x8x128xi32, #tpu.memory_space<vmem>> -> memref<1x1x128xi32, #tpu.memory_space<vmem>>
        %dma_start3A_201 = tpu.memref_squeeze %dma_start3A_200 : memref<1x1x128xi32, #tpu.memory_space<vmem>> -> memref<128xi32, #tpu.memory_space<vmem>>
        %dma_start3A_202 = arith.constant 0 : i32
        %dma_start3A_203 = arith.constant 0 : i32
        %dma_start3A_204 = tpu.memref_slice %arg12[%dma_start3A_202, %dma_start3A_203] : memref<10240x128xf32, #tpu.memory_space<vmem_shared>> -> memref<10240x128xf32, #tpu.memory_space<vmem_shared>>
        tpu.enqueue_indirect_dma source(%arg8 : memref<128x128xf32, #tpu.memory_space<vmem>>) target(%dma_start3A_204 : memref<10240x128xf32, #tpu.memory_space<vmem_shared>>) offsets(%dma_start3A_201 : memref<128xi32, #tpu.memory_space<vmem>>) semaphore(%run_scoped3A_198 : memref<!tpu.dma_semaphore, #tpu.memory_space<semaphore_mem>>) {add = true}
        %dma_wait3A_205 = arith.constant 0 : i32
        %dma_wait3A_206 = tpu.memref_slice %arg7[%rem3A_75, %run_scoped3A, %dma_wait3A_205] : memref<2x8x128xi32, #tpu.memory_space<vmem>> -> memref<1x1x128xi32, #tpu.memory_space<vmem>>
        %dma_wait3A_207 = tpu.memref_squeeze %dma_wait3A_206 : memref<1x1x128xi32, #tpu.memory_space<vmem>> -> memref<128xi32, #tpu.memory_space<vmem>>
        %dma_wait3A_208 = arith.constant 0 : i32
        %dma_wait3A_209 = arith.constant 0 : i32
        %dma_wait3A_210 = tpu.memref_slice %arg12[%dma_wait3A_208, %dma_wait3A_209] : memref<10240x128xf32, #tpu.memory_space<vmem_shared>> -> memref<10240x128xf32, #tpu.memory_space<vmem_shared>>
        tpu.wait_indirect_dma semaphore(%run_scoped3A_198 : memref<!tpu.dma_semaphore, #tpu.memory_space<semaphore_mem>>) src(%arg8 : memref<128x128xf32, #tpu.memory_space<vmem>>) dst(%dma_wait3A_210 : memref<10240x128xf32, #tpu.memory_space<vmem_shared>>)
        tpu.yield
      }) : () -> ()
      %dma_start3A_94 = arith.constant 2 : i32
      %dma_start3A_95 = arith.constant 0 : i32
      %dma_start3A_96 = tpu.memref_slice %arg6[%rem3A_75, %dma_start3A_94, %dma_start3A_95] : memref<2x8x128xi32, #tpu.memory_space<vmem>> -> memref<1x1x128xi32, #tpu.memory_space<vmem>>
      %dma_start3A_97 = tpu.memref_squeeze %dma_start3A_96 : memref<1x1x128xi32, #tpu.memory_space<vmem>> -> memref<128xi32, #tpu.memory_space<vmem>>
      %dma_start3A_98 = arith.constant 0 : i32
      %dma_start3A_99 = arith.constant 0 : i32
      %dma_start3A_100 = tpu.memref_slice %arg2[%dma_start3A_98, %dma_start3A_99] : memref<10240x128xf32, #tpu.memory_space<hbm>> -> memref<10240x128xf32, #tpu.memory_space<hbm>>
      tpu.enqueue_indirect_dma source(%dma_start3A_100 : memref<10240x128xf32, #tpu.memory_space<hbm>>) target(%arg8 : memref<128x128xf32, #tpu.memory_space<vmem>>) offsets(%dma_start3A_97 : memref<128xi32, #tpu.memory_space<vmem>>) semaphore(%arg10 : memref<!tpu.dma_semaphore, #tpu.memory_space<semaphore_mem>>)
      %dma_wait3A_101 = arith.constant 1 : i32
      %dma_wait3A_102 = arith.constant 0 : i32
      %dma_wait3A_103 = tpu.memref_slice %arg6[%rem3A_75, %dma_wait3A_101, %dma_wait3A_102] : memref<2x8x128xi32, #tpu.memory_space<vmem>> -> memref<1x1x128xi32, #tpu.memory_space<vmem>>
      %dma_wait3A_104 = tpu.memref_squeeze %dma_wait3A_103 : memref<1x1x128xi32, #tpu.memory_space<vmem>> -> memref<128xi32, #tpu.memory_space<vmem>>
      %dma_wait3A_105 = arith.constant 0 : i32
      %dma_wait3A_106 = arith.constant 0 : i32
      %dma_wait3A_107 = tpu.memref_slice %arg2[%dma_wait3A_105, %dma_wait3A_106] : memref<10240x128xf32, #tpu.memory_space<hbm>> -> memref<10240x128xf32, #tpu.memory_space<hbm>>
      tpu.wait_indirect_dma semaphore(%arg11 : memref<!tpu.dma_semaphore, #tpu.memory_space<semaphore_mem>>) src(%dma_wait3A_107 : memref<10240x128xf32, #tpu.memory_space<hbm>>) dst(%arg9 : memref<128x128xf32, #tpu.memory_space<vmem>>)
      %run_scoped3A_108 = arith.constant 1 : i32
      "tpu.region"() ({
        %run_scoped3A_198 = tpu.sem_alloc : memref<!tpu.dma_semaphore, #tpu.memory_space<semaphore_mem>>
        %dma_start3A_199 = arith.constant 0 : i32
        %dma_start3A_200 = tpu.memref_slice %arg7[%rem3A_75, %run_scoped3A_108, %dma_start3A_199] : memref<2x8x128xi32, #tpu.memory_space<vmem>> -> memref<1x1x128xi32, #tpu.memory_space<vmem>>
        %dma_start3A_201 = tpu.memref_squeeze %dma_start3A_200 : memref<1x1x128xi32, #tpu.memory_space<vmem>> -> memref<128xi32, #tpu.memory_space<vmem>>
        %dma_start3A_202 = arith.constant 0 : i32
        %dma_start3A_203 = arith.constant 0 : i32
        %dma_start3A_204 = tpu.memref_slice %arg12[%dma_start3A_202, %dma_start3A_203] : memref<10240x128xf32, #tpu.memory_space<vmem_shared>> -> memref<10240x128xf32, #tpu.memory_space<vmem_shared>>
        tpu.enqueue_indirect_dma source(%arg9 : memref<128x128xf32, #tpu.memory_space<vmem>>) target(%dma_start3A_204 : memref<10240x128xf32, #tpu.memory_space<vmem_shared>>) offsets(%dma_start3A_201 : memref<128xi32, #tpu.memory_space<vmem>>) semaphore(%run_scoped3A_198 : memref<!tpu.dma_semaphore, #tpu.memory_space<semaphore_mem>>) {add = true}
        %dma_wait3A_205 = arith.constant 0 : i32
        %dma_wait3A_206 = tpu.memref_slice %arg7[%rem3A_75, %run_scoped3A_108, %dma_wait3A_205] : memref<2x8x128xi32, #tpu.memory_space<vmem>> -> memref<1x1x128xi32, #tpu.memory_space<vmem>>
        %dma_wait3A_207 = tpu.memref_squeeze %dma_wait3A_206 : memref<1x1x128xi32, #tpu.memory_space<vmem>> -> memref<128xi32, #tpu.memory_space<vmem>>
        %dma_wait3A_208 = arith.constant 0 : i32
        %dma_wait3A_209 = arith.constant 0 : i32
        %dma_wait3A_210 = tpu.memref_slice %arg12[%dma_wait3A_208, %dma_wait3A_209] : memref<10240x128xf32, #tpu.memory_space<vmem_shared>> -> memref<10240x128xf32, #tpu.memory_space<vmem_shared>>
        tpu.wait_indirect_dma semaphore(%run_scoped3A_198 : memref<!tpu.dma_semaphore, #tpu.memory_space<semaphore_mem>>) src(%arg9 : memref<128x128xf32, #tpu.memory_space<vmem>>) dst(%dma_wait3A_210 : memref<10240x128xf32, #tpu.memory_space<vmem_shared>>)
        tpu.yield
      }) : () -> ()
      %dma_start3A_109 = arith.constant 3 : i32
      %dma_start3A_110 = arith.constant 0 : i32
      %dma_start3A_111 = tpu.memref_slice %arg6[%rem3A_75, %dma_start3A_109, %dma_start3A_110] : memref<2x8x128xi32, #tpu.memory_space<vmem>> -> memref<1x1x128xi32, #tpu.memory_space<vmem>>
      %dma_start3A_112 = tpu.memref_squeeze %dma_start3A_111 : memref<1x1x128xi32, #tpu.memory_space<vmem>> -> memref<128xi32, #tpu.memory_space<vmem>>
      %dma_start3A_113 = arith.constant 0 : i32
      %dma_start3A_114 = arith.constant 0 : i32
      %dma_start3A_115 = tpu.memref_slice %arg2[%dma_start3A_113, %dma_start3A_114] : memref<10240x128xf32, #tpu.memory_space<hbm>> -> memref<10240x128xf32, #tpu.memory_space<hbm>>
      tpu.enqueue_indirect_dma source(%dma_start3A_115 : memref<10240x128xf32, #tpu.memory_space<hbm>>) target(%arg9 : memref<128x128xf32, #tpu.memory_space<vmem>>) offsets(%dma_start3A_112 : memref<128xi32, #tpu.memory_space<vmem>>) semaphore(%arg11 : memref<!tpu.dma_semaphore, #tpu.memory_space<semaphore_mem>>)
      %dma_wait3A_116 = arith.constant 2 : i32
      %dma_wait3A_117 = arith.constant 0 : i32
      %dma_wait3A_118 = tpu.memref_slice %arg6[%rem3A_75, %dma_wait3A_116, %dma_wait3A_117] : memref<2x8x128xi32, #tpu.memory_space<vmem>> -> memref<1x1x128xi32, #tpu.memory_space<vmem>>
      %dma_wait3A_119 = tpu.memref_squeeze %dma_wait3A_118 : memref<1x1x128xi32, #tpu.memory_space<vmem>> -> memref<128xi32, #tpu.memory_space<vmem>>
      %dma_wait3A_120 = arith.constant 0 : i32
      %dma_wait3A_121 = arith.constant 0 : i32
      %dma_wait3A_122 = tpu.memref_slice %arg2[%dma_wait3A_120, %dma_wait3A_121] : memref<10240x128xf32, #tpu.memory_space<hbm>> -> memref<10240x128xf32, #tpu.memory_space<hbm>>
      tpu.wait_indirect_dma semaphore(%arg10 : memref<!tpu.dma_semaphore, #tpu.memory_space<semaphore_mem>>) src(%dma_wait3A_122 : memref<10240x128xf32, #tpu.memory_space<hbm>>) dst(%arg8 : memref<128x128xf32, #tpu.memory_space<vmem>>)
      %run_scoped3A_123 = arith.constant 2 : i32
      "tpu.region"() ({
        %run_scoped3A_198 = tpu.sem_alloc : memref<!tpu.dma_semaphore, #tpu.memory_space<semaphore_mem>>
        %dma_start3A_199 = arith.constant 0 : i32
        %dma_start3A_200 = tpu.memref_slice %arg7[%rem3A_75, %run_scoped3A_123, %dma_start3A_199] : memref<2x8x128xi32, #tpu.memory_space<vmem>> -> memref<1x1x128xi32, #tpu.memory_space<vmem>>
        %dma_start3A_201 = tpu.memref_squeeze %dma_start3A_200 : memref<1x1x128xi32, #tpu.memory_space<vmem>> -> memref<128xi32, #tpu.memory_space<vmem>>
        %dma_start3A_202 = arith.constant 0 : i32
        %dma_start3A_203 = arith.constant 0 : i32
        %dma_start3A_204 = tpu.memref_slice %arg12[%dma_start3A_202, %dma_start3A_203] : memref<10240x128xf32, #tpu.memory_space<vmem_shared>> -> memref<10240x128xf32, #tpu.memory_space<vmem_shared>>
        tpu.enqueue_indirect_dma source(%arg8 : memref<128x128xf32, #tpu.memory_space<vmem>>) target(%dma_start3A_204 : memref<10240x128xf32, #tpu.memory_space<vmem_shared>>) offsets(%dma_start3A_201 : memref<128xi32, #tpu.memory_space<vmem>>) semaphore(%run_scoped3A_198 : memref<!tpu.dma_semaphore, #tpu.memory_space<semaphore_mem>>) {add = true}
        %dma_wait3A_205 = arith.constant 0 : i32
        %dma_wait3A_206 = tpu.memref_slice %arg7[%rem3A_75, %run_scoped3A_123, %dma_wait3A_205] : memref<2x8x128xi32, #tpu.memory_space<vmem>> -> memref<1x1x128xi32, #tpu.memory_space<vmem>>
        %dma_wait3A_207 = tpu.memref_squeeze %dma_wait3A_206 : memref<1x1x128xi32, #tpu.memory_space<vmem>> -> memref<128xi32, #tpu.memory_space<vmem>>
        %dma_wait3A_208 = arith.constant 0 : i32
        %dma_wait3A_209 = arith.constant 0 : i32
        %dma_wait3A_210 = tpu.memref_slice %arg12[%dma_wait3A_208, %dma_wait3A_209] : memref<10240x128xf32, #tpu.memory_space<vmem_shared>> -> memref<10240x128xf32, #tpu.memory_space<vmem_shared>>
        tpu.wait_indirect_dma semaphore(%run_scoped3A_198 : memref<!tpu.dma_semaphore, #tpu.memory_space<semaphore_mem>>) src(%arg8 : memref<128x128xf32, #tpu.memory_space<vmem>>) dst(%dma_wait3A_210 : memref<10240x128xf32, #tpu.memory_space<vmem_shared>>)
        tpu.yield
      }) : () -> ()
      %dma_start3A_124 = arith.constant 4 : i32
      %dma_start3A_125 = arith.constant 0 : i32
      %dma_start3A_126 = tpu.memref_slice %arg6[%rem3A_75, %dma_start3A_124, %dma_start3A_125] : memref<2x8x128xi32, #tpu.memory_space<vmem>> -> memref<1x1x128xi32, #tpu.memory_space<vmem>>
      %dma_start3A_127 = tpu.memref_squeeze %dma_start3A_126 : memref<1x1x128xi32, #tpu.memory_space<vmem>> -> memref<128xi32, #tpu.memory_space<vmem>>
      %dma_start3A_128 = arith.constant 0 : i32
      %dma_start3A_129 = arith.constant 0 : i32
      %dma_start3A_130 = tpu.memref_slice %arg2[%dma_start3A_128, %dma_start3A_129] : memref<10240x128xf32, #tpu.memory_space<hbm>> -> memref<10240x128xf32, #tpu.memory_space<hbm>>
      tpu.enqueue_indirect_dma source(%dma_start3A_130 : memref<10240x128xf32, #tpu.memory_space<hbm>>) target(%arg8 : memref<128x128xf32, #tpu.memory_space<vmem>>) offsets(%dma_start3A_127 : memref<128xi32, #tpu.memory_space<vmem>>) semaphore(%arg10 : memref<!tpu.dma_semaphore, #tpu.memory_space<semaphore_mem>>)
      %dma_wait3A_131 = arith.constant 3 : i32
      %dma_wait3A_132 = arith.constant 0 : i32
      %dma_wait3A_133 = tpu.memref_slice %arg6[%rem3A_75, %dma_wait3A_131, %dma_wait3A_132] : memref<2x8x128xi32, #tpu.memory_space<vmem>> -> memref<1x1x128xi32, #tpu.memory_space<vmem>>
      %dma_wait3A_134 = tpu.memref_squeeze %dma_wait3A_133 : memref<1x1x128xi32, #tpu.memory_space<vmem>> -> memref<128xi32, #tpu.memory_space<vmem>>
      %dma_wait3A_135 = arith.constant 0 : i32
      %dma_wait3A_136 = arith.constant 0 : i32
      %dma_wait3A_137 = tpu.memref_slice %arg2[%dma_wait3A_135, %dma_wait3A_136] : memref<10240x128xf32, #tpu.memory_space<hbm>> -> memref<10240x128xf32, #tpu.memory_space<hbm>>
      tpu.wait_indirect_dma semaphore(%arg11 : memref<!tpu.dma_semaphore, #tpu.memory_space<semaphore_mem>>) src(%dma_wait3A_137 : memref<10240x128xf32, #tpu.memory_space<hbm>>) dst(%arg9 : memref<128x128xf32, #tpu.memory_space<vmem>>)
      %run_scoped3A_138 = arith.constant 3 : i32
      "tpu.region"() ({
        %run_scoped3A_198 = tpu.sem_alloc : memref<!tpu.dma_semaphore, #tpu.memory_space<semaphore_mem>>
        %dma_start3A_199 = arith.constant 0 : i32
        %dma_start3A_200 = tpu.memref_slice %arg7[%rem3A_75, %run_scoped3A_138, %dma_start3A_199] : memref<2x8x128xi32, #tpu.memory_space<vmem>> -> memref<1x1x128xi32, #tpu.memory_space<vmem>>
        %dma_start3A_201 = tpu.memref_squeeze %dma_start3A_200 : memref<1x1x128xi32, #tpu.memory_space<vmem>> -> memref<128xi32, #tpu.memory_space<vmem>>
        %dma_start3A_202 = arith.constant 0 : i32
        %dma_start3A_203 = arith.constant 0 : i32
        %dma_start3A_204 = tpu.memref_slice %arg12[%dma_start3A_202, %dma_start3A_203] : memref<10240x128xf32, #tpu.memory_space<vmem_shared>> -> memref<10240x128xf32, #tpu.memory_space<vmem_shared>>
        tpu.enqueue_indirect_dma source(%arg9 : memref<128x128xf32, #tpu.memory_space<vmem>>) target(%dma_start3A_204 : memref<10240x128xf32, #tpu.memory_space<vmem_shared>>) offsets(%dma_start3A_201 : memref<128xi32, #tpu.memory_space<vmem>>) semaphore(%run_scoped3A_198 : memref<!tpu.dma_semaphore, #tpu.memory_space<semaphore_mem>>) {add = true}
        %dma_wait3A_205 = arith.constant 0 : i32
        %dma_wait3A_206 = tpu.memref_slice %arg7[%rem3A_75, %run_scoped3A_138, %dma_wait3A_205] : memref<2x8x128xi32, #tpu.memory_space<vmem>> -> memref<1x1x128xi32, #tpu.memory_space<vmem>>
        %dma_wait3A_207 = tpu.memref_squeeze %dma_wait3A_206 : memref<1x1x128xi32, #tpu.memory_space<vmem>> -> memref<128xi32, #tpu.memory_space<vmem>>
        %dma_wait3A_208 = arith.constant 0 : i32
        %dma_wait3A_209 = arith.constant 0 : i32
        %dma_wait3A_210 = tpu.memref_slice %arg12[%dma_wait3A_208, %dma_wait3A_209] : memref<10240x128xf32, #tpu.memory_space<vmem_shared>> -> memref<10240x128xf32, #tpu.memory_space<vmem_shared>>
        tpu.wait_indirect_dma semaphore(%run_scoped3A_198 : memref<!tpu.dma_semaphore, #tpu.memory_space<semaphore_mem>>) src(%arg9 : memref<128x128xf32, #tpu.memory_space<vmem>>) dst(%dma_wait3A_210 : memref<10240x128xf32, #tpu.memory_space<vmem_shared>>)
        tpu.yield
      }) : () -> ()
      %dma_start3A_139 = arith.constant 5 : i32
      %dma_start3A_140 = arith.constant 0 : i32
      %dma_start3A_141 = tpu.memref_slice %arg6[%rem3A_75, %dma_start3A_139, %dma_start3A_140] : memref<2x8x128xi32, #tpu.memory_space<vmem>> -> memref<1x1x128xi32, #tpu.memory_space<vmem>>
      %dma_start3A_142 = tpu.memref_squeeze %dma_start3A_141 : memref<1x1x128xi32, #tpu.memory_space<vmem>> -> memref<128xi32, #tpu.memory_space<vmem>>
      %dma_start3A_143 = arith.constant 0 : i32
      %dma_start3A_144 = arith.constant 0 : i32
      %dma_start3A_145 = tpu.memref_slice %arg2[%dma_start3A_143, %dma_start3A_144] : memref<10240x128xf32, #tpu.memory_space<hbm>> -> memref<10240x128xf32, #tpu.memory_space<hbm>>
      tpu.enqueue_indirect_dma source(%dma_start3A_145 : memref<10240x128xf32, #tpu.memory_space<hbm>>) target(%arg9 : memref<128x128xf32, #tpu.memory_space<vmem>>) offsets(%dma_start3A_142 : memref<128xi32, #tpu.memory_space<vmem>>) semaphore(%arg11 : memref<!tpu.dma_semaphore, #tpu.memory_space<semaphore_mem>>)
      %dma_wait3A_146 = arith.constant 4 : i32
      %dma_wait3A_147 = arith.constant 0 : i32
      %dma_wait3A_148 = tpu.memref_slice %arg6[%rem3A_75, %dma_wait3A_146, %dma_wait3A_147] : memref<2x8x128xi32, #tpu.memory_space<vmem>> -> memref<1x1x128xi32, #tpu.memory_space<vmem>>
      %dma_wait3A_149 = tpu.memref_squeeze %dma_wait3A_148 : memref<1x1x128xi32, #tpu.memory_space<vmem>> -> memref<128xi32, #tpu.memory_space<vmem>>
      %dma_wait3A_150 = arith.constant 0 : i32
      %dma_wait3A_151 = arith.constant 0 : i32
      %dma_wait3A_152 = tpu.memref_slice %arg2[%dma_wait3A_150, %dma_wait3A_151] : memref<10240x128xf32, #tpu.memory_space<hbm>> -> memref<10240x128xf32, #tpu.memory_space<hbm>>
      tpu.wait_indirect_dma semaphore(%arg10 : memref<!tpu.dma_semaphore, #tpu.memory_space<semaphore_mem>>) src(%dma_wait3A_152 : memref<10240x128xf32, #tpu.memory_space<hbm>>) dst(%arg8 : memref<128x128xf32, #tpu.memory_space<vmem>>)
      %run_scoped3A_153 = arith.constant 4 : i32
      "tpu.region"() ({
        %run_scoped3A_198 = tpu.sem_alloc : memref<!tpu.dma_semaphore, #tpu.memory_space<semaphore_mem>>
        %dma_start3A_199 = arith.constant 0 : i32
        %dma_start3A_200 = tpu.memref_slice %arg7[%rem3A_75, %run_scoped3A_153, %dma_start3A_199] : memref<2x8x128xi32, #tpu.memory_space<vmem>> -> memref<1x1x128xi32, #tpu.memory_space<vmem>>
        %dma_start3A_201 = tpu.memref_squeeze %dma_start3A_200 : memref<1x1x128xi32, #tpu.memory_space<vmem>> -> memref<128xi32, #tpu.memory_space<vmem>>
        %dma_start3A_202 = arith.constant 0 : i32
        %dma_start3A_203 = arith.constant 0 : i32
        %dma_start3A_204 = tpu.memref_slice %arg12[%dma_start3A_202, %dma_start3A_203] : memref<10240x128xf32, #tpu.memory_space<vmem_shared>> -> memref<10240x128xf32, #tpu.memory_space<vmem_shared>>
        tpu.enqueue_indirect_dma source(%arg8 : memref<128x128xf32, #tpu.memory_space<vmem>>) target(%dma_start3A_204 : memref<10240x128xf32, #tpu.memory_space<vmem_shared>>) offsets(%dma_start3A_201 : memref<128xi32, #tpu.memory_space<vmem>>) semaphore(%run_scoped3A_198 : memref<!tpu.dma_semaphore, #tpu.memory_space<semaphore_mem>>) {add = true}
        %dma_wait3A_205 = arith.constant 0 : i32
        %dma_wait3A_206 = tpu.memref_slice %arg7[%rem3A_75, %run_scoped3A_153, %dma_wait3A_205] : memref<2x8x128xi32, #tpu.memory_space<vmem>> -> memref<1x1x128xi32, #tpu.memory_space<vmem>>
        %dma_wait3A_207 = tpu.memref_squeeze %dma_wait3A_206 : memref<1x1x128xi32, #tpu.memory_space<vmem>> -> memref<128xi32, #tpu.memory_space<vmem>>
        %dma_wait3A_208 = arith.constant 0 : i32
        %dma_wait3A_209 = arith.constant 0 : i32
        %dma_wait3A_210 = tpu.memref_slice %arg12[%dma_wait3A_208, %dma_wait3A_209] : memref<10240x128xf32, #tpu.memory_space<vmem_shared>> -> memref<10240x128xf32, #tpu.memory_space<vmem_shared>>
        tpu.wait_indirect_dma semaphore(%run_scoped3A_198 : memref<!tpu.dma_semaphore, #tpu.memory_space<semaphore_mem>>) src(%arg8 : memref<128x128xf32, #tpu.memory_space<vmem>>) dst(%dma_wait3A_210 : memref<10240x128xf32, #tpu.memory_space<vmem_shared>>)
        tpu.yield
      }) : () -> ()
      %dma_start3A_154 = arith.constant 6 : i32
      %dma_start3A_155 = arith.constant 0 : i32
      %dma_start3A_156 = tpu.memref_slice %arg6[%rem3A_75, %dma_start3A_154, %dma_start3A_155] : memref<2x8x128xi32, #tpu.memory_space<vmem>> -> memref<1x1x128xi32, #tpu.memory_space<vmem>>
      %dma_start3A_157 = tpu.memref_squeeze %dma_start3A_156 : memref<1x1x128xi32, #tpu.memory_space<vmem>> -> memref<128xi32, #tpu.memory_space<vmem>>
      %dma_start3A_158 = arith.constant 0 : i32
      %dma_start3A_159 = arith.constant 0 : i32
      %dma_start3A_160 = tpu.memref_slice %arg2[%dma_start3A_158, %dma_start3A_159] : memref<10240x128xf32, #tpu.memory_space<hbm>> -> memref<10240x128xf32, #tpu.memory_space<hbm>>
      tpu.enqueue_indirect_dma source(%dma_start3A_160 : memref<10240x128xf32, #tpu.memory_space<hbm>>) target(%arg8 : memref<128x128xf32, #tpu.memory_space<vmem>>) offsets(%dma_start3A_157 : memref<128xi32, #tpu.memory_space<vmem>>) semaphore(%arg10 : memref<!tpu.dma_semaphore, #tpu.memory_space<semaphore_mem>>)
      %dma_wait3A_161 = arith.constant 5 : i32
      %dma_wait3A_162 = arith.constant 0 : i32
      %dma_wait3A_163 = tpu.memref_slice %arg6[%rem3A_75, %dma_wait3A_161, %dma_wait3A_162] : memref<2x8x128xi32, #tpu.memory_space<vmem>> -> memref<1x1x128xi32, #tpu.memory_space<vmem>>
      %dma_wait3A_164 = tpu.memref_squeeze %dma_wait3A_163 : memref<1x1x128xi32, #tpu.memory_space<vmem>> -> memref<128xi32, #tpu.memory_space<vmem>>
      %dma_wait3A_165 = arith.constant 0 : i32
      %dma_wait3A_166 = arith.constant 0 : i32
      %dma_wait3A_167 = tpu.memref_slice %arg2[%dma_wait3A_165, %dma_wait3A_166] : memref<10240x128xf32, #tpu.memory_space<hbm>> -> memref<10240x128xf32, #tpu.memory_space<hbm>>
      tpu.wait_indirect_dma semaphore(%arg11 : memref<!tpu.dma_semaphore, #tpu.memory_space<semaphore_mem>>) src(%dma_wait3A_167 : memref<10240x128xf32, #tpu.memory_space<hbm>>) dst(%arg9 : memref<128x128xf32, #tpu.memory_space<vmem>>)
      %run_scoped3A_168 = arith.constant 5 : i32
      "tpu.region"() ({
        %run_scoped3A_198 = tpu.sem_alloc : memref<!tpu.dma_semaphore, #tpu.memory_space<semaphore_mem>>
        %dma_start3A_199 = arith.constant 0 : i32
        %dma_start3A_200 = tpu.memref_slice %arg7[%rem3A_75, %run_scoped3A_168, %dma_start3A_199] : memref<2x8x128xi32, #tpu.memory_space<vmem>> -> memref<1x1x128xi32, #tpu.memory_space<vmem>>
        %dma_start3A_201 = tpu.memref_squeeze %dma_start3A_200 : memref<1x1x128xi32, #tpu.memory_space<vmem>> -> memref<128xi32, #tpu.memory_space<vmem>>
        %dma_start3A_202 = arith.constant 0 : i32
        %dma_start3A_203 = arith.constant 0 : i32
        %dma_start3A_204 = tpu.memref_slice %arg12[%dma_start3A_202, %dma_start3A_203] : memref<10240x128xf32, #tpu.memory_space<vmem_shared>> -> memref<10240x128xf32, #tpu.memory_space<vmem_shared>>
        tpu.enqueue_indirect_dma source(%arg9 : memref<128x128xf32, #tpu.memory_space<vmem>>) target(%dma_start3A_204 : memref<10240x128xf32, #tpu.memory_space<vmem_shared>>) offsets(%dma_start3A_201 : memref<128xi32, #tpu.memory_space<vmem>>) semaphore(%run_scoped3A_198 : memref<!tpu.dma_semaphore, #tpu.memory_space<semaphore_mem>>) {add = true}
        %dma_wait3A_205 = arith.constant 0 : i32
        %dma_wait3A_206 = tpu.memref_slice %arg7[%rem3A_75, %run_scoped3A_168, %dma_wait3A_205] : memref<2x8x128xi32, #tpu.memory_space<vmem>> -> memref<1x1x128xi32, #tpu.memory_space<vmem>>
        %dma_wait3A_207 = tpu.memref_squeeze %dma_wait3A_206 : memref<1x1x128xi32, #tpu.memory_space<vmem>> -> memref<128xi32, #tpu.memory_space<vmem>>
        %dma_wait3A_208 = arith.constant 0 : i32
        %dma_wait3A_209 = arith.constant 0 : i32
        %dma_wait3A_210 = tpu.memref_slice %arg12[%dma_wait3A_208, %dma_wait3A_209] : memref<10240x128xf32, #tpu.memory_space<vmem_shared>> -> memref<10240x128xf32, #tpu.memory_space<vmem_shared>>
        tpu.wait_indirect_dma semaphore(%run_scoped3A_198 : memref<!tpu.dma_semaphore, #tpu.memory_space<semaphore_mem>>) src(%arg9 : memref<128x128xf32, #tpu.memory_space<vmem>>) dst(%dma_wait3A_210 : memref<10240x128xf32, #tpu.memory_space<vmem_shared>>)
        tpu.yield
      }) : () -> ()
      %dma_start3A_169 = arith.constant 7 : i32
      %dma_start3A_170 = arith.constant 0 : i32
      %dma_start3A_171 = tpu.memref_slice %arg6[%rem3A_75, %dma_start3A_169, %dma_start3A_170] : memref<2x8x128xi32, #tpu.memory_space<vmem>> -> memref<1x1x128xi32, #tpu.memory_space<vmem>>
      %dma_start3A_172 = tpu.memref_squeeze %dma_start3A_171 : memref<1x1x128xi32, #tpu.memory_space<vmem>> -> memref<128xi32, #tpu.memory_space<vmem>>
      %dma_start3A_173 = arith.constant 0 : i32
      %dma_start3A_174 = arith.constant 0 : i32
      %dma_start3A_175 = tpu.memref_slice %arg2[%dma_start3A_173, %dma_start3A_174] : memref<10240x128xf32, #tpu.memory_space<hbm>> -> memref<10240x128xf32, #tpu.memory_space<hbm>>
      tpu.enqueue_indirect_dma source(%dma_start3A_175 : memref<10240x128xf32, #tpu.memory_space<hbm>>) target(%arg9 : memref<128x128xf32, #tpu.memory_space<vmem>>) offsets(%dma_start3A_172 : memref<128xi32, #tpu.memory_space<vmem>>) semaphore(%arg11 : memref<!tpu.dma_semaphore, #tpu.memory_space<semaphore_mem>>)
      %dma_wait3A_176 = arith.constant 6 : i32
      %dma_wait3A_177 = arith.constant 0 : i32
      %dma_wait3A_178 = tpu.memref_slice %arg6[%rem3A_75, %dma_wait3A_176, %dma_wait3A_177] : memref<2x8x128xi32, #tpu.memory_space<vmem>> -> memref<1x1x128xi32, #tpu.memory_space<vmem>>
      %dma_wait3A_179 = tpu.memref_squeeze %dma_wait3A_178 : memref<1x1x128xi32, #tpu.memory_space<vmem>> -> memref<128xi32, #tpu.memory_space<vmem>>
      %dma_wait3A_180 = arith.constant 0 : i32
      %dma_wait3A_181 = arith.constant 0 : i32
      %dma_wait3A_182 = tpu.memref_slice %arg2[%dma_wait3A_180, %dma_wait3A_181] : memref<10240x128xf32, #tpu.memory_space<hbm>> -> memref<10240x128xf32, #tpu.memory_space<hbm>>
      tpu.wait_indirect_dma semaphore(%arg10 : memref<!tpu.dma_semaphore, #tpu.memory_space<semaphore_mem>>) src(%dma_wait3A_182 : memref<10240x128xf32, #tpu.memory_space<hbm>>) dst(%arg8 : memref<128x128xf32, #tpu.memory_space<vmem>>)
      %run_scoped3A_183 = arith.constant 6 : i32
      "tpu.region"() ({
        %run_scoped3A_198 = tpu.sem_alloc : memref<!tpu.dma_semaphore, #tpu.memory_space<semaphore_mem>>
        %dma_start3A_199 = arith.constant 0 : i32
        %dma_start3A_200 = tpu.memref_slice %arg7[%rem3A_75, %run_scoped3A_183, %dma_start3A_199] : memref<2x8x128xi32, #tpu.memory_space<vmem>> -> memref<1x1x128xi32, #tpu.memory_space<vmem>>
        %dma_start3A_201 = tpu.memref_squeeze %dma_start3A_200 : memref<1x1x128xi32, #tpu.memory_space<vmem>> -> memref<128xi32, #tpu.memory_space<vmem>>
        %dma_start3A_202 = arith.constant 0 : i32
        %dma_start3A_203 = arith.constant 0 : i32
        %dma_start3A_204 = tpu.memref_slice %arg12[%dma_start3A_202, %dma_start3A_203] : memref<10240x128xf32, #tpu.memory_space<vmem_shared>> -> memref<10240x128xf32, #tpu.memory_space<vmem_shared>>
        tpu.enqueue_indirect_dma source(%arg8 : memref<128x128xf32, #tpu.memory_space<vmem>>) target(%dma_start3A_204 : memref<10240x128xf32, #tpu.memory_space<vmem_shared>>) offsets(%dma_start3A_201 : memref<128xi32, #tpu.memory_space<vmem>>) semaphore(%run_scoped3A_198 : memref<!tpu.dma_semaphore, #tpu.memory_space<semaphore_mem>>) {add = true}
        %dma_wait3A_205 = arith.constant 0 : i32
        %dma_wait3A_206 = tpu.memref_slice %arg7[%rem3A_75, %run_scoped3A_183, %dma_wait3A_205] : memref<2x8x128xi32, #tpu.memory_space<vmem>> -> memref<1x1x128xi32, #tpu.memory_space<vmem>>
        %dma_wait3A_207 = tpu.memref_squeeze %dma_wait3A_206 : memref<1x1x128xi32, #tpu.memory_space<vmem>> -> memref<128xi32, #tpu.memory_space<vmem>>
        %dma_wait3A_208 = arith.constant 0 : i32
        %dma_wait3A_209 = arith.constant 0 : i32
        %dma_wait3A_210 = tpu.memref_slice %arg12[%dma_wait3A_208, %dma_wait3A_209] : memref<10240x128xf32, #tpu.memory_space<vmem_shared>> -> memref<10240x128xf32, #tpu.memory_space<vmem_shared>>
        tpu.wait_indirect_dma semaphore(%run_scoped3A_198 : memref<!tpu.dma_semaphore, #tpu.memory_space<semaphore_mem>>) src(%arg8 : memref<128x128xf32, #tpu.memory_space<vmem>>) dst(%dma_wait3A_210 : memref<10240x128xf32, #tpu.memory_space<vmem_shared>>)
        tpu.yield
      }) : () -> ()
      %sub3A_184 = arith.constant 1 : i32
      %sub3A_185 = arith.subi %select_n3A_11, %sub3A_184 : i32
      %lt3A_186 = arith.cmpi slt, %while3A_74, %sub3A_185 : i32
      %convert_element_type3A_187 = arith.extui %lt3A_186 : i1 to i32
      %cond3A_188 = arith.constant 0 : i32
      %cond3A_189 = arith.cmpi ne, %convert_element_type3A_187, %cond3A_188 : i32
      scf.if %cond3A_189 {
        %dma_start3A_198 = arith.constant 0 : i32
        %dma_start3A_199 = arith.constant 0 : i32
        %dma_start3A_200 = tpu.memref_slice %arg6[%sub3A_76, %dma_start3A_198, %dma_start3A_199] : memref<2x8x128xi32, #tpu.memory_space<vmem>> -> memref<1x1x128xi32, #tpu.memory_space<vmem>>
        %dma_start3A_201 = tpu.memref_squeeze %dma_start3A_200 : memref<1x1x128xi32, #tpu.memory_space<vmem>> -> memref<128xi32, #tpu.memory_space<vmem>>
        %dma_start3A_202 = arith.constant 0 : i32
        %dma_start3A_203 = arith.constant 0 : i32
        %dma_start3A_204 = tpu.memref_slice %arg2[%dma_start3A_202, %dma_start3A_203] : memref<10240x128xf32, #tpu.memory_space<hbm>> -> memref<10240x128xf32, #tpu.memory_space<hbm>>
        tpu.enqueue_indirect_dma source(%dma_start3A_204 : memref<10240x128xf32, #tpu.memory_space<hbm>>) target(%arg8 : memref<128x128xf32, #tpu.memory_space<vmem>>) offsets(%dma_start3A_201 : memref<128xi32, #tpu.memory_space<vmem>>) semaphore(%arg10 : memref<!tpu.dma_semaphore, #tpu.memory_space<semaphore_mem>>)
      } else {
      }
      %dma_wait3A_190 = arith.constant 7 : i32
      %dma_wait3A_191 = arith.constant 0 : i32
      %dma_wait3A_192 = tpu.memref_slice %arg6[%rem3A_75, %dma_wait3A_190, %dma_wait3A_191] : memref<2x8x128xi32, #tpu.memory_space<vmem>> -> memref<1x1x128xi32, #tpu.memory_space<vmem>>
      %dma_wait3A_193 = tpu.memref_squeeze %dma_wait3A_192 : memref<1x1x128xi32, #tpu.memory_space<vmem>> -> memref<128xi32, #tpu.memory_space<vmem>>
      %dma_wait3A_194 = arith.constant 0 : i32
      %dma_wait3A_195 = arith.constant 0 : i32
      %dma_wait3A_196 = tpu.memref_slice %arg2[%dma_wait3A_194, %dma_wait3A_195] : memref<10240x128xf32, #tpu.memory_space<hbm>> -> memref<10240x128xf32, #tpu.memory_space<hbm>>
      tpu.wait_indirect_dma semaphore(%arg11 : memref<!tpu.dma_semaphore, #tpu.memory_space<semaphore_mem>>) src(%dma_wait3A_196 : memref<10240x128xf32, #tpu.memory_space<hbm>>) dst(%arg9 : memref<128x128xf32, #tpu.memory_space<vmem>>)
      %run_scoped3A_197 = arith.constant 7 : i32
      "tpu.region"() ({
        %run_scoped3A_198 = tpu.sem_alloc : memref<!tpu.dma_semaphore, #tpu.memory_space<semaphore_mem>>
        %dma_start3A_199 = arith.constant 0 : i32
        %dma_start3A_200 = tpu.memref_slice %arg7[%rem3A_75, %run_scoped3A_197, %dma_start3A_199] : memref<2x8x128xi32, #tpu.memory_space<vmem>> -> memref<1x1x128xi32, #tpu.memory_space<vmem>>
        %dma_start3A_201 = tpu.memref_squeeze %dma_start3A_200 : memref<1x1x128xi32, #tpu.memory_space<vmem>> -> memref<128xi32, #tpu.memory_space<vmem>>
        %dma_start3A_202 = arith.constant 0 : i32
        %dma_start3A_203 = arith.constant 0 : i32
        %dma_start3A_204 = tpu.memref_slice %arg12[%dma_start3A_202, %dma_start3A_203] : memref<10240x128xf32, #tpu.memory_space<vmem_shared>> -> memref<10240x128xf32, #tpu.memory_space<vmem_shared>>
        tpu.enqueue_indirect_dma source(%arg9 : memref<128x128xf32, #tpu.memory_space<vmem>>) target(%dma_start3A_204 : memref<10240x128xf32, #tpu.memory_space<vmem_shared>>) offsets(%dma_start3A_201 : memref<128xi32, #tpu.memory_space<vmem>>) semaphore(%run_scoped3A_198 : memref<!tpu.dma_semaphore, #tpu.memory_space<semaphore_mem>>) {add = true}
        %dma_wait3A_205 = arith.constant 0 : i32
        %dma_wait3A_206 = tpu.memref_slice %arg7[%rem3A_75, %run_scoped3A_197, %dma_wait3A_205] : memref<2x8x128xi32, #tpu.memory_space<vmem>> -> memref<1x1x128xi32, #tpu.memory_space<vmem>>
        %dma_wait3A_207 = tpu.memref_squeeze %dma_wait3A_206 : memref<1x1x128xi32, #tpu.memory_space<vmem>> -> memref<128xi32, #tpu.memory_space<vmem>>
        %dma_wait3A_208 = arith.constant 0 : i32
        %dma_wait3A_209 = arith.constant 0 : i32
        %dma_wait3A_210 = tpu.memref_slice %arg12[%dma_wait3A_208, %dma_wait3A_209] : memref<10240x128xf32, #tpu.memory_space<vmem_shared>> -> memref<10240x128xf32, #tpu.memory_space<vmem_shared>>
        tpu.wait_indirect_dma semaphore(%run_scoped3A_198 : memref<!tpu.dma_semaphore, #tpu.memory_space<semaphore_mem>>) src(%arg9 : memref<128x128xf32, #tpu.memory_space<vmem>>) dst(%dma_wait3A_210 : memref<10240x128xf32, #tpu.memory_space<vmem_shared>>)
        tpu.yield
      }) : () -> ()
    }
    %while3A_52 = arith.constant 1 : i32
    scf.for %while3A_74 = %while3A_50 to %while3A_46 step %while3A_52  : i32 {
      %rem3A = arith.constant 2 : i32
      %rem3A_75 = arith.remsi %while3A_74, %rem3A : i32
      %sub3A = arith.constant 1 : i32
      %sub3A_76 = arith.subi %sub3A, %rem3A_75 : i32
      %sub3A_77 = arith.constant 1 : i32
      %sub3A_78 = arith.subi %select_n3A_11, %sub3A_77 : i32
      %lt3A = arith.cmpi slt, %while3A_74, %sub3A_78 : i32
      %convert_element_type3A_79 = arith.extui %lt3A : i1 to i32
      %cond3A_80 = arith.constant 0 : i32
      %cond3A_81 = arith.cmpi ne, %convert_element_type3A_79, %cond3A_80 : i32
      scf.if %cond3A_81 {
        %add3A_198 = arith.constant 1 : i32
        %add3A_199 = arith.addi %while3A_74, %add3A_198 : i32
        %mul3A_200 = arith.constant 8 : i32
        %mul3A_201 = arith.muli %add3A_199, %mul3A_200 : i32
        %add3A_202 = arith.addi %select_n3A, %mul3A_201 : i32
        "tpu.region"() ({
          %run_scoped3A_208 = tpu.sem_alloc : memref<!tpu.dma_semaphore, #tpu.memory_space<semaphore_mem>>
          %dma_start3A_209 = arith.constant 0 : i32
          %dma_start3A_210 = arith.constant 0 : i32
          %dma_start3A_211 = tpu.memref_slice %arg6[%sub3A_76, %dma_start3A_209, %dma_start3A_210] : memref<2x8x128xi32, #tpu.memory_space<vmem>> -> memref<1x8x128xi32, #tpu.memory_space<vmem>>
          %dma_start3A_212 = tpu.memref_squeeze %dma_start3A_211 : memref<1x8x128xi32, #tpu.memory_space<vmem>> -> memref<8x128xi32, #tpu.memory_space<vmem>>
          %dma_start3A_213 = arith.constant 0 : i32
          %dma_start3A_214 = tpu.memref_slice %arg3[%add3A_202, %dma_start3A_213] : memref<2560x128xi32, #tpu.memory_space<hbm>> -> memref<8x128xi32, #tpu.memory_space<hbm>>
          %dma_start3A_215 = arith.constant 0 : i32
          %dma_start3A_216 = arith.constant 0 : i32
          %dma_start3A_217 = tpu.memref_slice %arg6[%sub3A_76, %dma_start3A_215, %dma_start3A_216] : memref<2x8x128xi32, #tpu.memory_space<vmem>> -> memref<1x8x128xi32, #tpu.memory_space<vmem>>
          %dma_start3A_218 = tpu.memref_squeeze %dma_start3A_217 : memref<1x8x128xi32, #tpu.memory_space<vmem>> -> memref<8x128xi32, #tpu.memory_space<vmem>>
          %dma_start3A_219 = arith.constant 0 : i32
          %dma_start3A_220 = tpu.memref_slice %arg3[%add3A_202, %dma_start3A_219] : memref<2560x128xi32, #tpu.memory_space<hbm>> -> memref<8x128xi32, #tpu.memory_space<hbm>>
          tpu.enqueue_dma source(%dma_start3A_220 : memref<8x128xi32, #tpu.memory_space<hbm>>) target(%dma_start3A_218 : memref<8x128xi32, #tpu.memory_space<vmem>>) target_semaphore(%run_scoped3A_208 : memref<!tpu.dma_semaphore, #tpu.memory_space<semaphore_mem>>)
          %dma_wait3A_221 = arith.constant 0 : i32
          %dma_wait3A_222 = arith.constant 0 : i32
          %dma_wait3A_223 = tpu.memref_slice %arg6[%sub3A_76, %dma_wait3A_221, %dma_wait3A_222] : memref<2x8x128xi32, #tpu.memory_space<vmem>> -> memref<1x8x128xi32, #tpu.memory_space<vmem>>
          %dma_wait3A_224 = tpu.memref_squeeze %dma_wait3A_223 : memref<1x8x128xi32, #tpu.memory_space<vmem>> -> memref<8x128xi32, #tpu.memory_space<vmem>>
          %dma_wait3A_225 = arith.constant 0 : i32
          %dma_wait3A_226 = tpu.memref_slice %arg3[%add3A_202, %dma_wait3A_225] : memref<2560x128xi32, #tpu.memory_space<hbm>> -> memref<8x128xi32, #tpu.memory_space<hbm>>
          %dma_wait3A_227 = arith.constant 0 : i32
          %dma_wait3A_228 = arith.constant 0 : i32
          %dma_wait3A_229 = tpu.memref_slice %arg6[%sub3A_76, %dma_wait3A_227, %dma_wait3A_228] : memref<2x8x128xi32, #tpu.memory_space<vmem>> -> memref<1x8x128xi32, #tpu.memory_space<vmem>>
          %dma_wait3A_230 = tpu.memref_squeeze %dma_wait3A_229 : memref<1x8x128xi32, #tpu.memory_space<vmem>> -> memref<8x128xi32, #tpu.memory_space<vmem>>
          %dma_wait3A_231 = arith.constant 0 : i32
          %dma_wait3A_232 = tpu.memref_slice %arg3[%add3A_202, %dma_wait3A_231] : memref<2560x128xi32, #tpu.memory_space<hbm>> -> memref<8x128xi32, #tpu.memory_space<hbm>>
          tpu.wait_dma2 semaphore(%run_scoped3A_208 : memref<!tpu.dma_semaphore, #tpu.memory_space<semaphore_mem>>) src(%dma_wait3A_232 : memref<8x128xi32, #tpu.memory_space<hbm>>) dst(%dma_wait3A_230 : memref<8x128xi32, #tpu.memory_space<vmem>>)
          tpu.yield
        }) : () -> ()
        %add3A_203 = arith.constant 1 : i32
        %add3A_204 = arith.addi %while3A_74, %add3A_203 : i32
        %mul3A_205 = arith.constant 8 : i32
        %mul3A_206 = arith.muli %add3A_204, %mul3A_205 : i32
        %add3A_207 = arith.addi %select_n3A, %mul3A_206 : i32
        "tpu.region"() ({
          %run_scoped3A_208 = tpu.sem_alloc : memref<!tpu.dma_semaphore, #tpu.memory_space<semaphore_mem>>
          %dma_start3A_209 = arith.constant 0 : i32
          %dma_start3A_210 = arith.constant 0 : i32
          %dma_start3A_211 = tpu.memref_slice %arg7[%sub3A_76, %dma_start3A_209, %dma_start3A_210] : memref<2x8x128xi32, #tpu.memory_space<vmem>> -> memref<1x8x128xi32, #tpu.memory_space<vmem>>
          %dma_start3A_212 = tpu.memref_squeeze %dma_start3A_211 : memref<1x8x128xi32, #tpu.memory_space<vmem>> -> memref<8x128xi32, #tpu.memory_space<vmem>>
          %dma_start3A_213 = arith.constant 0 : i32
          %dma_start3A_214 = tpu.memref_slice %arg4[%add3A_207, %dma_start3A_213] : memref<2560x128xi32, #tpu.memory_space<hbm>> -> memref<8x128xi32, #tpu.memory_space<hbm>>
          %dma_start3A_215 = arith.constant 0 : i32
          %dma_start3A_216 = arith.constant 0 : i32
          %dma_start3A_217 = tpu.memref_slice %arg7[%sub3A_76, %dma_start3A_215, %dma_start3A_216] : memref<2x8x128xi32, #tpu.memory_space<vmem>> -> memref<1x8x128xi32, #tpu.memory_space<vmem>>
          %dma_start3A_218 = tpu.memref_squeeze %dma_start3A_217 : memref<1x8x128xi32, #tpu.memory_space<vmem>> -> memref<8x128xi32, #tpu.memory_space<vmem>>
          %dma_start3A_219 = arith.constant 0 : i32
          %dma_start3A_220 = tpu.memref_slice %arg4[%add3A_207, %dma_start3A_219] : memref<2560x128xi32, #tpu.memory_space<hbm>> -> memref<8x128xi32, #tpu.memory_space<hbm>>
          tpu.enqueue_dma source(%dma_start3A_220 : memref<8x128xi32, #tpu.memory_space<hbm>>) target(%dma_start3A_218 : memref<8x128xi32, #tpu.memory_space<vmem>>) target_semaphore(%run_scoped3A_208 : memref<!tpu.dma_semaphore, #tpu.memory_space<semaphore_mem>>)
          %dma_wait3A_221 = arith.constant 0 : i32
          %dma_wait3A_222 = arith.constant 0 : i32
          %dma_wait3A_223 = tpu.memref_slice %arg7[%sub3A_76, %dma_wait3A_221, %dma_wait3A_222] : memref<2x8x128xi32, #tpu.memory_space<vmem>> -> memref<1x8x128xi32, #tpu.memory_space<vmem>>
          %dma_wait3A_224 = tpu.memref_squeeze %dma_wait3A_223 : memref<1x8x128xi32, #tpu.memory_space<vmem>> -> memref<8x128xi32, #tpu.memory_space<vmem>>
          %dma_wait3A_225 = arith.constant 0 : i32
          %dma_wait3A_226 = tpu.memref_slice %arg4[%add3A_207, %dma_wait3A_225] : memref<2560x128xi32, #tpu.memory_space<hbm>> -> memref<8x128xi32, #tpu.memory_space<hbm>>
          %dma_wait3A_227 = arith.constant 0 : i32
          %dma_wait3A_228 = arith.constant 0 : i32
          %dma_wait3A_229 = tpu.memref_slice %arg7[%sub3A_76, %dma_wait3A_227, %dma_wait3A_228] : memref<2x8x128xi32, #tpu.memory_space<vmem>> -> memref<1x8x128xi32, #tpu.memory_space<vmem>>
          %dma_wait3A_230 = tpu.memref_squeeze %dma_wait3A_229 : memref<1x8x128xi32, #tpu.memory_space<vmem>> -> memref<8x128xi32, #tpu.memory_space<vmem>>
          %dma_wait3A_231 = arith.constant 0 : i32
          %dma_wait3A_232 = tpu.memref_slice %arg4[%add3A_207, %dma_wait3A_231] : memref<2560x128xi32, #tpu.memory_space<hbm>> -> memref<8x128xi32, #tpu.memory_space<hbm>>
          tpu.wait_dma2 semaphore(%run_scoped3A_208 : memref<!tpu.dma_semaphore, #tpu.memory_space<semaphore_mem>>) src(%dma_wait3A_232 : memref<8x128xi32, #tpu.memory_space<hbm>>) dst(%dma_wait3A_230 : memref<8x128xi32, #tpu.memory_space<vmem>>)
          tpu.yield
        }) : () -> ()
      } else {
      }
      %dma_start3A = arith.constant 1 : i32
      %dma_start3A_82 = arith.constant 0 : i32
      %dma_start3A_83 = tpu.memref_slice %arg6[%rem3A_75, %dma_start3A, %dma_start3A_82] : memref<2x8x128xi32, #tpu.memory_space<vmem>> -> memref<1x1x128xi32, #tpu.memory_space<vmem>>
      %dma_start3A_84 = tpu.memref_squeeze %dma_start3A_83 : memref<1x1x128xi32, #tpu.memory_space<vmem>> -> memref<128xi32, #tpu.memory_space<vmem>>
      %dma_start3A_85 = arith.constant 0 : i32
      %dma_start3A_86 = arith.constant 0 : i32
      %dma_start3A_87 = tpu.memref_slice %arg2[%dma_start3A_85, %dma_start3A_86] : memref<10240x128xf32, #tpu.memory_space<hbm>> -> memref<10240x128xf32, #tpu.memory_space<hbm>>
      tpu.enqueue_indirect_dma source(%dma_start3A_87 : memref<10240x128xf32, #tpu.memory_space<hbm>>) target(%arg9 : memref<128x128xf32, #tpu.memory_space<vmem>>) offsets(%dma_start3A_84 : memref<128xi32, #tpu.memory_space<vmem>>) semaphore(%arg11 : memref<!tpu.dma_semaphore, #tpu.memory_space<semaphore_mem>>)
      %dma_wait3A = arith.constant 0 : i32
      %dma_wait3A_88 = arith.constant 0 : i32
      %dma_wait3A_89 = tpu.memref_slice %arg6[%rem3A_75, %dma_wait3A, %dma_wait3A_88] : memref<2x8x128xi32, #tpu.memory_space<vmem>> -> memref<1x1x128xi32, #tpu.memory_space<vmem>>
      %dma_wait3A_90 = tpu.memref_squeeze %dma_wait3A_89 : memref<1x1x128xi32, #tpu.memory_space<vmem>> -> memref<128xi32, #tpu.memory_space<vmem>>
      %dma_wait3A_91 = arith.constant 0 : i32
      %dma_wait3A_92 = arith.constant 0 : i32
      %dma_wait3A_93 = tpu.memref_slice %arg2[%dma_wait3A_91, %dma_wait3A_92] : memref<10240x128xf32, #tpu.memory_space<hbm>> -> memref<10240x128xf32, #tpu.memory_space<hbm>>
      tpu.wait_indirect_dma semaphore(%arg10 : memref<!tpu.dma_semaphore, #tpu.memory_space<semaphore_mem>>) src(%dma_wait3A_93 : memref<10240x128xf32, #tpu.memory_space<hbm>>) dst(%arg8 : memref<128x128xf32, #tpu.memory_space<vmem>>)
      %run_scoped3A = arith.constant 0 : i32
      "tpu.region"() ({
        %run_scoped3A_198 = tpu.sem_alloc : memref<!tpu.dma_semaphore, #tpu.memory_space<semaphore_mem>>
        %dma_start3A_199 = arith.constant 0 : i32
        %dma_start3A_200 = tpu.memref_slice %arg7[%rem3A_75, %run_scoped3A, %dma_start3A_199] : memref<2x8x128xi32, #tpu.memory_space<vmem>> -> memref<1x1x128xi32, #tpu.memory_space<vmem>>
        %dma_start3A_201 = tpu.memref_squeeze %dma_start3A_200 : memref<1x1x128xi32, #tpu.memory_space<vmem>> -> memref<128xi32, #tpu.memory_space<vmem>>
        %dma_start3A_202 = arith.constant 0 : i32
        %dma_start3A_203 = arith.constant 0 : i32
        %dma_start3A_204 = tpu.memref_slice %arg12[%dma_start3A_202, %dma_start3A_203] : memref<10240x128xf32, #tpu.memory_space<vmem_shared>> -> memref<10240x128xf32, #tpu.memory_space<vmem_shared>>
        tpu.enqueue_indirect_dma source(%arg8 : memref<128x128xf32, #tpu.memory_space<vmem>>) target(%dma_start3A_204 : memref<10240x128xf32, #tpu.memory_space<vmem_shared>>) offsets(%dma_start3A_201 : memref<128xi32, #tpu.memory_space<vmem>>) semaphore(%run_scoped3A_198 : memref<!tpu.dma_semaphore, #tpu.memory_space<semaphore_mem>>) {add = true}
        %dma_wait3A_205 = arith.constant 0 : i32
        %dma_wait3A_206 = tpu.memref_slice %arg7[%rem3A_75, %run_scoped3A, %dma_wait3A_205] : memref<2x8x128xi32, #tpu.memory_space<vmem>> -> memref<1x1x128xi32, #tpu.memory_space<vmem>>
        %dma_wait3A_207 = tpu.memref_squeeze %dma_wait3A_206 : memref<1x1x128xi32, #tpu.memory_space<vmem>> -> memref<128xi32, #tpu.memory_space<vmem>>
        %dma_wait3A_208 = arith.constant 0 : i32
        %dma_wait3A_209 = arith.constant 0 : i32
        %dma_wait3A_210 = tpu.memref_slice %arg12[%dma_wait3A_208, %dma_wait3A_209] : memref<10240x128xf32, #tpu.memory_space<vmem_shared>> -> memref<10240x128xf32, #tpu.memory_space<vmem_shared>>
        tpu.wait_indirect_dma semaphore(%run_scoped3A_198 : memref<!tpu.dma_semaphore, #tpu.memory_space<semaphore_mem>>) src(%arg8 : memref<128x128xf32, #tpu.memory_space<vmem>>) dst(%dma_wait3A_210 : memref<10240x128xf32, #tpu.memory_space<vmem_shared>>)
        tpu.yield
      }) : () -> ()
      %dma_start3A_94 = arith.constant 2 : i32
      %dma_start3A_95 = arith.constant 0 : i32
      %dma_start3A_96 = tpu.memref_slice %arg6[%rem3A_75, %dma_start3A_94, %dma_start3A_95] : memref<2x8x128xi32, #tpu.memory_space<vmem>> -> memref<1x1x128xi32, #tpu.memory_space<vmem>>
      %dma_start3A_97 = tpu.memref_squeeze %dma_start3A_96 : memref<1x1x128xi32, #tpu.memory_space<vmem>> -> memref<128xi32, #tpu.memory_space<vmem>>
      %dma_start3A_98 = arith.constant 0 : i32
      %dma_start3A_99 = arith.constant 0 : i32
      %dma_start3A_100 = tpu.memref_slice %arg2[%dma_start3A_98, %dma_start3A_99] : memref<10240x128xf32, #tpu.memory_space<hbm>> -> memref<10240x128xf32, #tpu.memory_space<hbm>>
      tpu.enqueue_indirect_dma source(%dma_start3A_100 : memref<10240x128xf32, #tpu.memory_space<hbm>>) target(%arg8 : memref<128x128xf32, #tpu.memory_space<vmem>>) offsets(%dma_start3A_97 : memref<128xi32, #tpu.memory_space<vmem>>) semaphore(%arg10 : memref<!tpu.dma_semaphore, #tpu.memory_space<semaphore_mem>>)
      %dma_wait3A_101 = arith.constant 1 : i32
      %dma_wait3A_102 = arith.constant 0 : i32
      %dma_wait3A_103 = tpu.memref_slice %arg6[%rem3A_75, %dma_wait3A_101, %dma_wait3A_102] : memref<2x8x128xi32, #tpu.memory_space<vmem>> -> memref<1x1x128xi32, #tpu.memory_space<vmem>>
      %dma_wait3A_104 = tpu.memref_squeeze %dma_wait3A_103 : memref<1x1x128xi32, #tpu.memory_space<vmem>> -> memref<128xi32, #tpu.memory_space<vmem>>
      %dma_wait3A_105 = arith.constant 0 : i32
      %dma_wait3A_106 = arith.constant 0 : i32
      %dma_wait3A_107 = tpu.memref_slice %arg2[%dma_wait3A_105, %dma_wait3A_106] : memref<10240x128xf32, #tpu.memory_space<hbm>> -> memref<10240x128xf32, #tpu.memory_space<hbm>>
      tpu.wait_indirect_dma semaphore(%arg11 : memref<!tpu.dma_semaphore, #tpu.memory_space<semaphore_mem>>) src(%dma_wait3A_107 : memref<10240x128xf32, #tpu.memory_space<hbm>>) dst(%arg9 : memref<128x128xf32, #tpu.memory_space<vmem>>)
      %run_scoped3A_108 = arith.constant 1 : i32
      "tpu.region"() ({
        %run_scoped3A_198 = tpu.sem_alloc : memref<!tpu.dma_semaphore, #tpu.memory_space<semaphore_mem>>
        %dma_start3A_199 = arith.constant 0 : i32
        %dma_start3A_200 = tpu.memref_slice %arg7[%rem3A_75, %run_scoped3A_108, %dma_start3A_199] : memref<2x8x128xi32, #tpu.memory_space<vmem>> -> memref<1x1x128xi32, #tpu.memory_space<vmem>>
        %dma_start3A_201 = tpu.memref_squeeze %dma_start3A_200 : memref<1x1x128xi32, #tpu.memory_space<vmem>> -> memref<128xi32, #tpu.memory_space<vmem>>
        %dma_start3A_202 = arith.constant 0 : i32
        %dma_start3A_203 = arith.constant 0 : i32
        %dma_start3A_204 = tpu.memref_slice %arg12[%dma_start3A_202, %dma_start3A_203] : memref<10240x128xf32, #tpu.memory_space<vmem_shared>> -> memref<10240x128xf32, #tpu.memory_space<vmem_shared>>
        tpu.enqueue_indirect_dma source(%arg9 : memref<128x128xf32, #tpu.memory_space<vmem>>) target(%dma_start3A_204 : memref<10240x128xf32, #tpu.memory_space<vmem_shared>>) offsets(%dma_start3A_201 : memref<128xi32, #tpu.memory_space<vmem>>) semaphore(%run_scoped3A_198 : memref<!tpu.dma_semaphore, #tpu.memory_space<semaphore_mem>>) {add = true}
        %dma_wait3A_205 = arith.constant 0 : i32
        %dma_wait3A_206 = tpu.memref_slice %arg7[%rem3A_75, %run_scoped3A_108, %dma_wait3A_205] : memref<2x8x128xi32, #tpu.memory_space<vmem>> -> memref<1x1x128xi32, #tpu.memory_space<vmem>>
        %dma_wait3A_207 = tpu.memref_squeeze %dma_wait3A_206 : memref<1x1x128xi32, #tpu.memory_space<vmem>> -> memref<128xi32, #tpu.memory_space<vmem>>
        %dma_wait3A_208 = arith.constant 0 : i32
        %dma_wait3A_209 = arith.constant 0 : i32
        %dma_wait3A_210 = tpu.memref_slice %arg12[%dma_wait3A_208, %dma_wait3A_209] : memref<10240x128xf32, #tpu.memory_space<vmem_shared>> -> memref<10240x128xf32, #tpu.memory_space<vmem_shared>>
        tpu.wait_indirect_dma semaphore(%run_scoped3A_198 : memref<!tpu.dma_semaphore, #tpu.memory_space<semaphore_mem>>) src(%arg9 : memref<128x128xf32, #tpu.memory_space<vmem>>) dst(%dma_wait3A_210 : memref<10240x128xf32, #tpu.memory_space<vmem_shared>>)
        tpu.yield
      }) : () -> ()
      %dma_start3A_109 = arith.constant 3 : i32
      %dma_start3A_110 = arith.constant 0 : i32
      %dma_start3A_111 = tpu.memref_slice %arg6[%rem3A_75, %dma_start3A_109, %dma_start3A_110] : memref<2x8x128xi32, #tpu.memory_space<vmem>> -> memref<1x1x128xi32, #tpu.memory_space<vmem>>
      %dma_start3A_112 = tpu.memref_squeeze %dma_start3A_111 : memref<1x1x128xi32, #tpu.memory_space<vmem>> -> memref<128xi32, #tpu.memory_space<vmem>>
      %dma_start3A_113 = arith.constant 0 : i32
      %dma_start3A_114 = arith.constant 0 : i32
      %dma_start3A_115 = tpu.memref_slice %arg2[%dma_start3A_113, %dma_start3A_114] : memref<10240x128xf32, #tpu.memory_space<hbm>> -> memref<10240x128xf32, #tpu.memory_space<hbm>>
      tpu.enqueue_indirect_dma source(%dma_start3A_115 : memref<10240x128xf32, #tpu.memory_space<hbm>>) target(%arg9 : memref<128x128xf32, #tpu.memory_space<vmem>>) offsets(%dma_start3A_112 : memref<128xi32, #tpu.memory_space<vmem>>) semaphore(%arg11 : memref<!tpu.dma_semaphore, #tpu.memory_space<semaphore_mem>>)
      %dma_wait3A_116 = arith.constant 2 : i32
      %dma_wait3A_117 = arith.constant 0 : i32
      %dma_wait3A_118 = tpu.memref_slice %arg6[%rem3A_75, %dma_wait3A_116, %dma_wait3A_117] : memref<2x8x128xi32, #tpu.memory_space<vmem>> -> memref<1x1x128xi32, #tpu.memory_space<vmem>>
      %dma_wait3A_119 = tpu.memref_squeeze %dma_wait3A_118 : memref<1x1x128xi32, #tpu.memory_space<vmem>> -> memref<128xi32, #tpu.memory_space<vmem>>
      %dma_wait3A_120 = arith.constant 0 : i32
      %dma_wait3A_121 = arith.constant 0 : i32
      %dma_wait3A_122 = tpu.memref_slice %arg2[%dma_wait3A_120, %dma_wait3A_121] : memref<10240x128xf32, #tpu.memory_space<hbm>> -> memref<10240x128xf32, #tpu.memory_space<hbm>>
      tpu.wait_indirect_dma semaphore(%arg10 : memref<!tpu.dma_semaphore, #tpu.memory_space<semaphore_mem>>) src(%dma_wait3A_122 : memref<10240x128xf32, #tpu.memory_space<hbm>>) dst(%arg8 : memref<128x128xf32, #tpu.memory_space<vmem>>)
      %run_scoped3A_123 = arith.constant 2 : i32
      "tpu.region"() ({
        %run_scoped3A_198 = tpu.sem_alloc : memref<!tpu.dma_semaphore, #tpu.memory_space<semaphore_mem>>
        %dma_start3A_199 = arith.constant 0 : i32
        %dma_start3A_200 = tpu.memref_slice %arg7[%rem3A_75, %run_scoped3A_123, %dma_start3A_199] : memref<2x8x128xi32, #tpu.memory_space<vmem>> -> memref<1x1x128xi32, #tpu.memory_space<vmem>>
        %dma_start3A_201 = tpu.memref_squeeze %dma_start3A_200 : memref<1x1x128xi32, #tpu.memory_space<vmem>> -> memref<128xi32, #tpu.memory_space<vmem>>
        %dma_start3A_202 = arith.constant 0 : i32
        %dma_start3A_203 = arith.constant 0 : i32
        %dma_start3A_204 = tpu.memref_slice %arg12[%dma_start3A_202, %dma_start3A_203] : memref<10240x128xf32, #tpu.memory_space<vmem_shared>> -> memref<10240x128xf32, #tpu.memory_space<vmem_shared>>
        tpu.enqueue_indirect_dma source(%arg8 : memref<128x128xf32, #tpu.memory_space<vmem>>) target(%dma_start3A_204 : memref<10240x128xf32, #tpu.memory_space<vmem_shared>>) offsets(%dma_start3A_201 : memref<128xi32, #tpu.memory_space<vmem>>) semaphore(%run_scoped3A_198 : memref<!tpu.dma_semaphore, #tpu.memory_space<semaphore_mem>>) {add = true}
        %dma_wait3A_205 = arith.constant 0 : i32
        %dma_wait3A_206 = tpu.memref_slice %arg7[%rem3A_75, %run_scoped3A_123, %dma_wait3A_205] : memref<2x8x128xi32, #tpu.memory_space<vmem>> -> memref<1x1x128xi32, #tpu.memory_space<vmem>>
        %dma_wait3A_207 = tpu.memref_squeeze %dma_wait3A_206 : memref<1x1x128xi32, #tpu.memory_space<vmem>> -> memref<128xi32, #tpu.memory_space<vmem>>
        %dma_wait3A_208 = arith.constant 0 : i32
        %dma_wait3A_209 = arith.constant 0 : i32
        %dma_wait3A_210 = tpu.memref_slice %arg12[%dma_wait3A_208, %dma_wait3A_209] : memref<10240x128xf32, #tpu.memory_space<vmem_shared>> -> memref<10240x128xf32, #tpu.memory_space<vmem_shared>>
        tpu.wait_indirect_dma semaphore(%run_scoped3A_198 : memref<!tpu.dma_semaphore, #tpu.memory_space<semaphore_mem>>) src(%arg8 : memref<128x128xf32, #tpu.memory_space<vmem>>) dst(%dma_wait3A_210 : memref<10240x128xf32, #tpu.memory_space<vmem_shared>>)
        tpu.yield
      }) : () -> ()
      %dma_start3A_124 = arith.constant 4 : i32
      %dma_start3A_125 = arith.constant 0 : i32
      %dma_start3A_126 = tpu.memref_slice %arg6[%rem3A_75, %dma_start3A_124, %dma_start3A_125] : memref<2x8x128xi32, #tpu.memory_space<vmem>> -> memref<1x1x128xi32, #tpu.memory_space<vmem>>
      %dma_start3A_127 = tpu.memref_squeeze %dma_start3A_126 : memref<1x1x128xi32, #tpu.memory_space<vmem>> -> memref<128xi32, #tpu.memory_space<vmem>>
      %dma_start3A_128 = arith.constant 0 : i32
      %dma_start3A_129 = arith.constant 0 : i32
      %dma_start3A_130 = tpu.memref_slice %arg2[%dma_start3A_128, %dma_start3A_129] : memref<10240x128xf32, #tpu.memory_space<hbm>> -> memref<10240x128xf32, #tpu.memory_space<hbm>>
      tpu.enqueue_indirect_dma source(%dma_start3A_130 : memref<10240x128xf32, #tpu.memory_space<hbm>>) target(%arg8 : memref<128x128xf32, #tpu.memory_space<vmem>>) offsets(%dma_start3A_127 : memref<128xi32, #tpu.memory_space<vmem>>) semaphore(%arg10 : memref<!tpu.dma_semaphore, #tpu.memory_space<semaphore_mem>>)
      %dma_wait3A_131 = arith.constant 3 : i32
      %dma_wait3A_132 = arith.constant 0 : i32
      %dma_wait3A_133 = tpu.memref_slice %arg6[%rem3A_75, %dma_wait3A_131, %dma_wait3A_132] : memref<2x8x128xi32, #tpu.memory_space<vmem>> -> memref<1x1x128xi32, #tpu.memory_space<vmem>>
      %dma_wait3A_134 = tpu.memref_squeeze %dma_wait3A_133 : memref<1x1x128xi32, #tpu.memory_space<vmem>> -> memref<128xi32, #tpu.memory_space<vmem>>
      %dma_wait3A_135 = arith.constant 0 : i32
      %dma_wait3A_136 = arith.constant 0 : i32
      %dma_wait3A_137 = tpu.memref_slice %arg2[%dma_wait3A_135, %dma_wait3A_136] : memref<10240x128xf32, #tpu.memory_space<hbm>> -> memref<10240x128xf32, #tpu.memory_space<hbm>>
      tpu.wait_indirect_dma semaphore(%arg11 : memref<!tpu.dma_semaphore, #tpu.memory_space<semaphore_mem>>) src(%dma_wait3A_137 : memref<10240x128xf32, #tpu.memory_space<hbm>>) dst(%arg9 : memref<128x128xf32, #tpu.memory_space<vmem>>)
      %run_scoped3A_138 = arith.constant 3 : i32
      "tpu.region"() ({
        %run_scoped3A_198 = tpu.sem_alloc : memref<!tpu.dma_semaphore, #tpu.memory_space<semaphore_mem>>
        %dma_start3A_199 = arith.constant 0 : i32
        %dma_start3A_200 = tpu.memref_slice %arg7[%rem3A_75, %run_scoped3A_138, %dma_start3A_199] : memref<2x8x128xi32, #tpu.memory_space<vmem>> -> memref<1x1x128xi32, #tpu.memory_space<vmem>>
        %dma_start3A_201 = tpu.memref_squeeze %dma_start3A_200 : memref<1x1x128xi32, #tpu.memory_space<vmem>> -> memref<128xi32, #tpu.memory_space<vmem>>
        %dma_start3A_202 = arith.constant 0 : i32
        %dma_start3A_203 = arith.constant 0 : i32
        %dma_start3A_204 = tpu.memref_slice %arg12[%dma_start3A_202, %dma_start3A_203] : memref<10240x128xf32, #tpu.memory_space<vmem_shared>> -> memref<10240x128xf32, #tpu.memory_space<vmem_shared>>
        tpu.enqueue_indirect_dma source(%arg9 : memref<128x128xf32, #tpu.memory_space<vmem>>) target(%dma_start3A_204 : memref<10240x128xf32, #tpu.memory_space<vmem_shared>>) offsets(%dma_start3A_201 : memref<128xi32, #tpu.memory_space<vmem>>) semaphore(%run_scoped3A_198 : memref<!tpu.dma_semaphore, #tpu.memory_space<semaphore_mem>>) {add = true}
        %dma_wait3A_205 = arith.constant 0 : i32
        %dma_wait3A_206 = tpu.memref_slice %arg7[%rem3A_75, %run_scoped3A_138, %dma_wait3A_205] : memref<2x8x128xi32, #tpu.memory_space<vmem>> -> memref<1x1x128xi32, #tpu.memory_space<vmem>>
        %dma_wait3A_207 = tpu.memref_squeeze %dma_wait3A_206 : memref<1x1x128xi32, #tpu.memory_space<vmem>> -> memref<128xi32, #tpu.memory_space<vmem>>
        %dma_wait3A_208 = arith.constant 0 : i32
        %dma_wait3A_209 = arith.constant 0 : i32
        %dma_wait3A_210 = tpu.memref_slice %arg12[%dma_wait3A_208, %dma_wait3A_209] : memref<10240x128xf32, #tpu.memory_space<vmem_shared>> -> memref<10240x128xf32, #tpu.memory_space<vmem_shared>>
        tpu.wait_indirect_dma semaphore(%run_scoped3A_198 : memref<!tpu.dma_semaphore, #tpu.memory_space<semaphore_mem>>) src(%arg9 : memref<128x128xf32, #tpu.memory_space<vmem>>) dst(%dma_wait3A_210 : memref<10240x128xf32, #tpu.memory_space<vmem_shared>>)
        tpu.yield
      }) : () -> ()
      %dma_start3A_139 = arith.constant 5 : i32
      %dma_start3A_140 = arith.constant 0 : i32
      %dma_start3A_141 = tpu.memref_slice %arg6[%rem3A_75, %dma_start3A_139, %dma_start3A_140] : memref<2x8x128xi32, #tpu.memory_space<vmem>> -> memref<1x1x128xi32, #tpu.memory_space<vmem>>
      %dma_start3A_142 = tpu.memref_squeeze %dma_start3A_141 : memref<1x1x128xi32, #tpu.memory_space<vmem>> -> memref<128xi32, #tpu.memory_space<vmem>>
      %dma_start3A_143 = arith.constant 0 : i32
      %dma_start3A_144 = arith.constant 0 : i32
      %dma_start3A_145 = tpu.memref_slice %arg2[%dma_start3A_143, %dma_start3A_144] : memref<10240x128xf32, #tpu.memory_space<hbm>> -> memref<10240x128xf32, #tpu.memory_space<hbm>>
      tpu.enqueue_indirect_dma source(%dma_start3A_145 : memref<10240x128xf32, #tpu.memory_space<hbm>>) target(%arg9 : memref<128x128xf32, #tpu.memory_space<vmem>>) offsets(%dma_start3A_142 : memref<128xi32, #tpu.memory_space<vmem>>) semaphore(%arg11 : memref<!tpu.dma_semaphore, #tpu.memory_space<semaphore_mem>>)
      %dma_wait3A_146 = arith.constant 4 : i32
      %dma_wait3A_147 = arith.constant 0 : i32
      %dma_wait3A_148 = tpu.memref_slice %arg6[%rem3A_75, %dma_wait3A_146, %dma_wait3A_147] : memref<2x8x128xi32, #tpu.memory_space<vmem>> -> memref<1x1x128xi32, #tpu.memory_space<vmem>>
      %dma_wait3A_149 = tpu.memref_squeeze %dma_wait3A_148 : memref<1x1x128xi32, #tpu.memory_space<vmem>> -> memref<128xi32, #tpu.memory_space<vmem>>
      %dma_wait3A_150 = arith.constant 0 : i32
      %dma_wait3A_151 = arith.constant 0 : i32
      %dma_wait3A_152 = tpu.memref_slice %arg2[%dma_wait3A_150, %dma_wait3A_151] : memref<10240x128xf32, #tpu.memory_space<hbm>> -> memref<10240x128xf32, #tpu.memory_space<hbm>>
      tpu.wait_indirect_dma semaphore(%arg10 : memref<!tpu.dma_semaphore, #tpu.memory_space<semaphore_mem>>) src(%dma_wait3A_152 : memref<10240x128xf32, #tpu.memory_space<hbm>>) dst(%arg8 : memref<128x128xf32, #tpu.memory_space<vmem>>)
      %run_scoped3A_153 = arith.constant 4 : i32
      "tpu.region"() ({
        %run_scoped3A_198 = tpu.sem_alloc : memref<!tpu.dma_semaphore, #tpu.memory_space<semaphore_mem>>
        %dma_start3A_199 = arith.constant 0 : i32
        %dma_start3A_200 = tpu.memref_slice %arg7[%rem3A_75, %run_scoped3A_153, %dma_start3A_199] : memref<2x8x128xi32, #tpu.memory_space<vmem>> -> memref<1x1x128xi32, #tpu.memory_space<vmem>>
        %dma_start3A_201 = tpu.memref_squeeze %dma_start3A_200 : memref<1x1x128xi32, #tpu.memory_space<vmem>> -> memref<128xi32, #tpu.memory_space<vmem>>
        %dma_start3A_202 = arith.constant 0 : i32
        %dma_start3A_203 = arith.constant 0 : i32
        %dma_start3A_204 = tpu.memref_slice %arg12[%dma_start3A_202, %dma_start3A_203] : memref<10240x128xf32, #tpu.memory_space<vmem_shared>> -> memref<10240x128xf32, #tpu.memory_space<vmem_shared>>
        tpu.enqueue_indirect_dma source(%arg8 : memref<128x128xf32, #tpu.memory_space<vmem>>) target(%dma_start3A_204 : memref<10240x128xf32, #tpu.memory_space<vmem_shared>>) offsets(%dma_start3A_201 : memref<128xi32, #tpu.memory_space<vmem>>) semaphore(%run_scoped3A_198 : memref<!tpu.dma_semaphore, #tpu.memory_space<semaphore_mem>>) {add = true}
        %dma_wait3A_205 = arith.constant 0 : i32
        %dma_wait3A_206 = tpu.memref_slice %arg7[%rem3A_75, %run_scoped3A_153, %dma_wait3A_205] : memref<2x8x128xi32, #tpu.memory_space<vmem>> -> memref<1x1x128xi32, #tpu.memory_space<vmem>>
        %dma_wait3A_207 = tpu.memref_squeeze %dma_wait3A_206 : memref<1x1x128xi32, #tpu.memory_space<vmem>> -> memref<128xi32, #tpu.memory_space<vmem>>
        %dma_wait3A_208 = arith.constant 0 : i32
        %dma_wait3A_209 = arith.constant 0 : i32
        %dma_wait3A_210 = tpu.memref_slice %arg12[%dma_wait3A_208, %dma_wait3A_209] : memref<10240x128xf32, #tpu.memory_space<vmem_shared>> -> memref<10240x128xf32, #tpu.memory_space<vmem_shared>>
        tpu.wait_indirect_dma semaphore(%run_scoped3A_198 : memref<!tpu.dma_semaphore, #tpu.memory_space<semaphore_mem>>) src(%arg8 : memref<128x128xf32, #tpu.memory_space<vmem>>) dst(%dma_wait3A_210 : memref<10240x128xf32, #tpu.memory_space<vmem_shared>>)
        tpu.yield
      }) : () -> ()
      %dma_start3A_154 = arith.constant 6 : i32
      %dma_start3A_155 = arith.constant 0 : i32
      %dma_start3A_156 = tpu.memref_slice %arg6[%rem3A_75, %dma_start3A_154, %dma_start3A_155] : memref<2x8x128xi32, #tpu.memory_space<vmem>> -> memref<1x1x128xi32, #tpu.memory_space<vmem>>
      %dma_start3A_157 = tpu.memref_squeeze %dma_start3A_156 : memref<1x1x128xi32, #tpu.memory_space<vmem>> -> memref<128xi32, #tpu.memory_space<vmem>>
      %dma_start3A_158 = arith.constant 0 : i32
      %dma_start3A_159 = arith.constant 0 : i32
      %dma_start3A_160 = tpu.memref_slice %arg2[%dma_start3A_158, %dma_start3A_159] : memref<10240x128xf32, #tpu.memory_space<hbm>> -> memref<10240x128xf32, #tpu.memory_space<hbm>>
      tpu.enqueue_indirect_dma source(%dma_start3A_160 : memref<10240x128xf32, #tpu.memory_space<hbm>>) target(%arg8 : memref<128x128xf32, #tpu.memory_space<vmem>>) offsets(%dma_start3A_157 : memref<128xi32, #tpu.memory_space<vmem>>) semaphore(%arg10 : memref<!tpu.dma_semaphore, #tpu.memory_space<semaphore_mem>>)
      %dma_wait3A_161 = arith.constant 5 : i32
      %dma_wait3A_162 = arith.constant 0 : i32
      %dma_wait3A_163 = tpu.memref_slice %arg6[%rem3A_75, %dma_wait3A_161, %dma_wait3A_162] : memref<2x8x128xi32, #tpu.memory_space<vmem>> -> memref<1x1x128xi32, #tpu.memory_space<vmem>>
      %dma_wait3A_164 = tpu.memref_squeeze %dma_wait3A_163 : memref<1x1x128xi32, #tpu.memory_space<vmem>> -> memref<128xi32, #tpu.memory_space<vmem>>
      %dma_wait3A_165 = arith.constant 0 : i32
      %dma_wait3A_166 = arith.constant 0 : i32
      %dma_wait3A_167 = tpu.memref_slice %arg2[%dma_wait3A_165, %dma_wait3A_166] : memref<10240x128xf32, #tpu.memory_space<hbm>> -> memref<10240x128xf32, #tpu.memory_space<hbm>>
      tpu.wait_indirect_dma semaphore(%arg11 : memref<!tpu.dma_semaphore, #tpu.memory_space<semaphore_mem>>) src(%dma_wait3A_167 : memref<10240x128xf32, #tpu.memory_space<hbm>>) dst(%arg9 : memref<128x128xf32, #tpu.memory_space<vmem>>)
      %run_scoped3A_168 = arith.constant 5 : i32
      "tpu.region"() ({
        %run_scoped3A_198 = tpu.sem_alloc : memref<!tpu.dma_semaphore, #tpu.memory_space<semaphore_mem>>
        %dma_start3A_199 = arith.constant 0 : i32
        %dma_start3A_200 = tpu.memref_slice %arg7[%rem3A_75, %run_scoped3A_168, %dma_start3A_199] : memref<2x8x128xi32, #tpu.memory_space<vmem>> -> memref<1x1x128xi32, #tpu.memory_space<vmem>>
        %dma_start3A_201 = tpu.memref_squeeze %dma_start3A_200 : memref<1x1x128xi32, #tpu.memory_space<vmem>> -> memref<128xi32, #tpu.memory_space<vmem>>
        %dma_start3A_202 = arith.constant 0 : i32
        %dma_start3A_203 = arith.constant 0 : i32
        %dma_start3A_204 = tpu.memref_slice %arg12[%dma_start3A_202, %dma_start3A_203] : memref<10240x128xf32, #tpu.memory_space<vmem_shared>> -> memref<10240x128xf32, #tpu.memory_space<vmem_shared>>
        tpu.enqueue_indirect_dma source(%arg9 : memref<128x128xf32, #tpu.memory_space<vmem>>) target(%dma_start3A_204 : memref<10240x128xf32, #tpu.memory_space<vmem_shared>>) offsets(%dma_start3A_201 : memref<128xi32, #tpu.memory_space<vmem>>) semaphore(%run_scoped3A_198 : memref<!tpu.dma_semaphore, #tpu.memory_space<semaphore_mem>>) {add = true}
        %dma_wait3A_205 = arith.constant 0 : i32
        %dma_wait3A_206 = tpu.memref_slice %arg7[%rem3A_75, %run_scoped3A_168, %dma_wait3A_205] : memref<2x8x128xi32, #tpu.memory_space<vmem>> -> memref<1x1x128xi32, #tpu.memory_space<vmem>>
        %dma_wait3A_207 = tpu.memref_squeeze %dma_wait3A_206 : memref<1x1x128xi32, #tpu.memory_space<vmem>> -> memref<128xi32, #tpu.memory_space<vmem>>
        %dma_wait3A_208 = arith.constant 0 : i32
        %dma_wait3A_209 = arith.constant 0 : i32
        %dma_wait3A_210 = tpu.memref_slice %arg12[%dma_wait3A_208, %dma_wait3A_209] : memref<10240x128xf32, #tpu.memory_space<vmem_shared>> -> memref<10240x128xf32, #tpu.memory_space<vmem_shared>>
        tpu.wait_indirect_dma semaphore(%run_scoped3A_198 : memref<!tpu.dma_semaphore, #tpu.memory_space<semaphore_mem>>) src(%arg9 : memref<128x128xf32, #tpu.memory_space<vmem>>) dst(%dma_wait3A_210 : memref<10240x128xf32, #tpu.memory_space<vmem_shared>>)
        tpu.yield
      }) : () -> ()
      %dma_start3A_169 = arith.constant 7 : i32
      %dma_start3A_170 = arith.constant 0 : i32
      %dma_start3A_171 = tpu.memref_slice %arg6[%rem3A_75, %dma_start3A_169, %dma_start3A_170] : memref<2x8x128xi32, #tpu.memory_space<vmem>> -> memref<1x1x128xi32, #tpu.memory_space<vmem>>
      %dma_start3A_172 = tpu.memref_squeeze %dma_start3A_171 : memref<1x1x128xi32, #tpu.memory_space<vmem>> -> memref<128xi32, #tpu.memory_space<vmem>>
      %dma_start3A_173 = arith.constant 0 : i32
      %dma_start3A_174 = arith.constant 0 : i32
      %dma_start3A_175 = tpu.memref_slice %arg2[%dma_start3A_173, %dma_start3A_174] : memref<10240x128xf32, #tpu.memory_space<hbm>> -> memref<10240x128xf32, #tpu.memory_space<hbm>>
      tpu.enqueue_indirect_dma source(%dma_start3A_175 : memref<10240x128xf32, #tpu.memory_space<hbm>>) target(%arg9 : memref<128x128xf32, #tpu.memory_space<vmem>>) offsets(%dma_start3A_172 : memref<128xi32, #tpu.memory_space<vmem>>) semaphore(%arg11 : memref<!tpu.dma_semaphore, #tpu.memory_space<semaphore_mem>>)
      %dma_wait3A_176 = arith.constant 6 : i32
      %dma_wait3A_177 = arith.constant 0 : i32
      %dma_wait3A_178 = tpu.memref_slice %arg6[%rem3A_75, %dma_wait3A_176, %dma_wait3A_177] : memref<2x8x128xi32, #tpu.memory_space<vmem>> -> memref<1x1x128xi32, #tpu.memory_space<vmem>>
      %dma_wait3A_179 = tpu.memref_squeeze %dma_wait3A_178 : memref<1x1x128xi32, #tpu.memory_space<vmem>> -> memref<128xi32, #tpu.memory_space<vmem>>
      %dma_wait3A_180 = arith.constant 0 : i32
      %dma_wait3A_181 = arith.constant 0 : i32
      %dma_wait3A_182 = tpu.memref_slice %arg2[%dma_wait3A_180, %dma_wait3A_181] : memref<10240x128xf32, #tpu.memory_space<hbm>> -> memref<10240x128xf32, #tpu.memory_space<hbm>>
      tpu.wait_indirect_dma semaphore(%arg10 : memref<!tpu.dma_semaphore, #tpu.memory_space<semaphore_mem>>) src(%dma_wait3A_182 : memref<10240x128xf32, #tpu.memory_space<hbm>>) dst(%arg8 : memref<128x128xf32, #tpu.memory_space<vmem>>)
      %run_scoped3A_183 = arith.constant 6 : i32
      "tpu.region"() ({
        %run_scoped3A_198 = tpu.sem_alloc : memref<!tpu.dma_semaphore, #tpu.memory_space<semaphore_mem>>
        %dma_start3A_199 = arith.constant 0 : i32
        %dma_start3A_200 = tpu.memref_slice %arg7[%rem3A_75, %run_scoped3A_183, %dma_start3A_199] : memref<2x8x128xi32, #tpu.memory_space<vmem>> -> memref<1x1x128xi32, #tpu.memory_space<vmem>>
        %dma_start3A_201 = tpu.memref_squeeze %dma_start3A_200 : memref<1x1x128xi32, #tpu.memory_space<vmem>> -> memref<128xi32, #tpu.memory_space<vmem>>
        %dma_start3A_202 = arith.constant 0 : i32
        %dma_start3A_203 = arith.constant 0 : i32
        %dma_start3A_204 = tpu.memref_slice %arg12[%dma_start3A_202, %dma_start3A_203] : memref<10240x128xf32, #tpu.memory_space<vmem_shared>> -> memref<10240x128xf32, #tpu.memory_space<vmem_shared>>
        tpu.enqueue_indirect_dma source(%arg8 : memref<128x128xf32, #tpu.memory_space<vmem>>) target(%dma_start3A_204 : memref<10240x128xf32, #tpu.memory_space<vmem_shared>>) offsets(%dma_start3A_201 : memref<128xi32, #tpu.memory_space<vmem>>) semaphore(%run_scoped3A_198 : memref<!tpu.dma_semaphore, #tpu.memory_space<semaphore_mem>>) {add = true}
        %dma_wait3A_205 = arith.constant 0 : i32
        %dma_wait3A_206 = tpu.memref_slice %arg7[%rem3A_75, %run_scoped3A_183, %dma_wait3A_205] : memref<2x8x128xi32, #tpu.memory_space<vmem>> -> memref<1x1x128xi32, #tpu.memory_space<vmem>>
        %dma_wait3A_207 = tpu.memref_squeeze %dma_wait3A_206 : memref<1x1x128xi32, #tpu.memory_space<vmem>> -> memref<128xi32, #tpu.memory_space<vmem>>
        %dma_wait3A_208 = arith.constant 0 : i32
        %dma_wait3A_209 = arith.constant 0 : i32
        %dma_wait3A_210 = tpu.memref_slice %arg12[%dma_wait3A_208, %dma_wait3A_209] : memref<10240x128xf32, #tpu.memory_space<vmem_shared>> -> memref<10240x128xf32, #tpu.memory_space<vmem_shared>>
        tpu.wait_indirect_dma semaphore(%run_scoped3A_198 : memref<!tpu.dma_semaphore, #tpu.memory_space<semaphore_mem>>) src(%arg8 : memref<128x128xf32, #tpu.memory_space<vmem>>) dst(%dma_wait3A_210 : memref<10240x128xf32, #tpu.memory_space<vmem_shared>>)
        tpu.yield
      }) : () -> ()
      %sub3A_184 = arith.constant 1 : i32
      %sub3A_185 = arith.subi %select_n3A_11, %sub3A_184 : i32
      %lt3A_186 = arith.cmpi slt, %while3A_74, %sub3A_185 : i32
      %convert_element_type3A_187 = arith.extui %lt3A_186 : i1 to i32
      %cond3A_188 = arith.constant 0 : i32
      %cond3A_189 = arith.cmpi ne, %convert_element_type3A_187, %cond3A_188 : i32
      scf.if %cond3A_189 {
        %dma_start3A_198 = arith.constant 0 : i32
        %dma_start3A_199 = arith.constant 0 : i32
        %dma_start3A_200 = tpu.memref_slice %arg6[%sub3A_76, %dma_start3A_198, %dma_start3A_199] : memref<2x8x128xi32, #tpu.memory_space<vmem>> -> memref<1x1x128xi32, #tpu.memory_space<vmem>>
        %dma_start3A_201 = tpu.memref_squeeze %dma_start3A_200 : memref<1x1x128xi32, #tpu.memory_space<vmem>> -> memref<128xi32, #tpu.memory_space<vmem>>
        %dma_start3A_202 = arith.constant 0 : i32
        %dma_start3A_203 = arith.constant 0 : i32
        %dma_start3A_204 = tpu.memref_slice %arg2[%dma_start3A_202, %dma_start3A_203] : memref<10240x128xf32, #tpu.memory_space<hbm>> -> memref<10240x128xf32, #tpu.memory_space<hbm>>
        tpu.enqueue_indirect_dma source(%dma_start3A_204 : memref<10240x128xf32, #tpu.memory_space<hbm>>) target(%arg8 : memref<128x128xf32, #tpu.memory_space<vmem>>) offsets(%dma_start3A_201 : memref<128xi32, #tpu.memory_space<vmem>>) semaphore(%arg10 : memref<!tpu.dma_semaphore, #tpu.memory_space<semaphore_mem>>)
      } else {
      }
      %dma_wait3A_190 = arith.constant 7 : i32
      %dma_wait3A_191 = arith.constant 0 : i32
      %dma_wait3A_192 = tpu.memref_slice %arg6[%rem3A_75, %dma_wait3A_190, %dma_wait3A_191] : memref<2x8x128xi32, #tpu.memory_space<vmem>> -> memref<1x1x128xi32, #tpu.memory_space<vmem>>
      %dma_wait3A_193 = tpu.memref_squeeze %dma_wait3A_192 : memref<1x1x128xi32, #tpu.memory_space<vmem>> -> memref<128xi32, #tpu.memory_space<vmem>>
      %dma_wait3A_194 = arith.constant 0 : i32
      %dma_wait3A_195 = arith.constant 0 : i32
      %dma_wait3A_196 = tpu.memref_slice %arg2[%dma_wait3A_194, %dma_wait3A_195] : memref<10240x128xf32, #tpu.memory_space<hbm>> -> memref<10240x128xf32, #tpu.memory_space<hbm>>
      tpu.wait_indirect_dma semaphore(%arg11 : memref<!tpu.dma_semaphore, #tpu.memory_space<semaphore_mem>>) src(%dma_wait3A_196 : memref<10240x128xf32, #tpu.memory_space<hbm>>) dst(%arg9 : memref<128x128xf32, #tpu.memory_space<vmem>>)
      %run_scoped3A_197 = arith.constant 7 : i32
      "tpu.region"() ({
        %run_scoped3A_198 = tpu.sem_alloc : memref<!tpu.dma_semaphore, #tpu.memory_space<semaphore_mem>>
        %dma_start3A_199 = arith.constant 0 : i32
        %dma_start3A_200 = tpu.memref_slice %arg7[%rem3A_75, %run_scoped3A_197, %dma_start3A_199] : memref<2x8x128xi32, #tpu.memory_space<vmem>> -> memref<1x1x128xi32, #tpu.memory_space<vmem>>
        %dma_start3A_201 = tpu.memref_squeeze %dma_start3A_200 : memref<1x1x128xi32, #tpu.memory_space<vmem>> -> memref<128xi32, #tpu.memory_space<vmem>>
        %dma_start3A_202 = arith.constant 0 : i32
        %dma_start3A_203 = arith.constant 0 : i32
        %dma_start3A_204 = tpu.memref_slice %arg12[%dma_start3A_202, %dma_start3A_203] : memref<10240x128xf32, #tpu.memory_space<vmem_shared>> -> memref<10240x128xf32, #tpu.memory_space<vmem_shared>>
        tpu.enqueue_indirect_dma source(%arg9 : memref<128x128xf32, #tpu.memory_space<vmem>>) target(%dma_start3A_204 : memref<10240x128xf32, #tpu.memory_space<vmem_shared>>) offsets(%dma_start3A_201 : memref<128xi32, #tpu.memory_space<vmem>>) semaphore(%run_scoped3A_198 : memref<!tpu.dma_semaphore, #tpu.memory_space<semaphore_mem>>) {add = true}
        %dma_wait3A_205 = arith.constant 0 : i32
        %dma_wait3A_206 = tpu.memref_slice %arg7[%rem3A_75, %run_scoped3A_197, %dma_wait3A_205] : memref<2x8x128xi32, #tpu.memory_space<vmem>> -> memref<1x1x128xi32, #tpu.memory_space<vmem>>
        %dma_wait3A_207 = tpu.memref_squeeze %dma_wait3A_206 : memref<1x1x128xi32, #tpu.memory_space<vmem>> -> memref<128xi32, #tpu.memory_space<vmem>>
        %dma_wait3A_208 = arith.constant 0 : i32
        %dma_wait3A_209 = arith.constant 0 : i32
        %dma_wait3A_210 = tpu.memref_slice %arg12[%dma_wait3A_208, %dma_wait3A_209] : memref<10240x128xf32, #tpu.memory_space<vmem_shared>> -> memref<10240x128xf32, #tpu.memory_space<vmem_shared>>
        tpu.wait_indirect_dma semaphore(%run_scoped3A_198 : memref<!tpu.dma_semaphore, #tpu.memory_space<semaphore_mem>>) src(%arg9 : memref<128x128xf32, #tpu.memory_space<vmem>>) dst(%dma_wait3A_210 : memref<10240x128xf32, #tpu.memory_space<vmem_shared>>)
        tpu.yield
      }) : () -> ()
    }
    %barrier3A_53 = arith.constant 0 : index
    tpu.barrier barrier_id(%barrier3A_53)
    %mul3A_54 = arith.constant 640 : i32
    %mul3A_55 = arith.muli %arg1, %mul3A_54 : i32
    %add3A_56 = arith.constant 0 : i32
    %add3A_57 = arith.addi %mul3A_55, %add3A_56 : i32
    "tpu.region"() ({
      %run_scoped3A = tpu.sem_alloc : memref<!tpu.dma_semaphore, #tpu.memory_space<semaphore_mem>>
      %dma_start3A = arith.constant 0 : i32
      %dma_start3A_74 = tpu.memref_slice %arg12[%add3A_57, %dma_start3A] : memref<10240x128xf32, #tpu.memory_space<vmem_shared>> -> memref<128x128xf32, #tpu.memory_space<vmem_shared>>
      %dma_start3A_75 = arith.constant 0 : i32
      %dma_start3A_76 = tpu.memref_slice %arg12[%add3A_57, %dma_start3A_75] : memref<10240x128xf32, #tpu.memory_space<vmem_shared>> -> memref<128x128xf32, #tpu.memory_space<vmem_shared>>
      tpu.enqueue_dma source(%dma_start3A_76 : memref<128x128xf32, #tpu.memory_space<vmem_shared>>) target(%arg8 : memref<128x128xf32, #tpu.memory_space<vmem>>) target_semaphore(%run_scoped3A : memref<!tpu.dma_semaphore, #tpu.memory_space<semaphore_mem>>)
      %dma_wait3A = arith.constant 0 : i32
      %dma_wait3A_77 = tpu.memref_slice %arg12[%add3A_57, %dma_wait3A] : memref<10240x128xf32, #tpu.memory_space<vmem_shared>> -> memref<128x128xf32, #tpu.memory_space<vmem_shared>>
      %dma_wait3A_78 = arith.constant 0 : i32
      %dma_wait3A_79 = tpu.memref_slice %arg12[%add3A_57, %dma_wait3A_78] : memref<10240x128xf32, #tpu.memory_space<vmem_shared>> -> memref<128x128xf32, #tpu.memory_space<vmem_shared>>
      tpu.wait_dma2 semaphore(%run_scoped3A : memref<!tpu.dma_semaphore, #tpu.memory_space<semaphore_mem>>) src(%dma_wait3A_79 : memref<128x128xf32, #tpu.memory_space<vmem_shared>>) dst(%arg8 : memref<128x128xf32, #tpu.memory_space<vmem>>)
      tpu.yield
    }) : () -> ()
    "tpu.region"() ({
      %run_scoped3A = tpu.sem_alloc : memref<!tpu.dma_semaphore, #tpu.memory_space<semaphore_mem>>
      %dma_start3A = arith.constant 0 : i32
      %dma_start3A_74 = tpu.memref_slice %arg5[%arg0, %add3A_57, %dma_start3A] : memref<2x10240x128xf32, #tpu.memory_space<hbm>> -> memref<1x128x128xf32, #tpu.memory_space<hbm>>
      %dma_start3A_75 = tpu.memref_squeeze %dma_start3A_74 : memref<1x128x128xf32, #tpu.memory_space<hbm>> -> memref<128x128xf32, #tpu.memory_space<hbm>>
      %dma_start3A_76 = arith.constant 0 : i32
      %dma_start3A_77 = tpu.memref_slice %arg5[%arg0, %add3A_57, %dma_start3A_76] : memref<2x10240x128xf32, #tpu.memory_space<hbm>> -> memref<1x128x128xf32, #tpu.memory_space<hbm>>
      %dma_start3A_78 = tpu.memref_squeeze %dma_start3A_77 : memref<1x128x128xf32, #tpu.memory_space<hbm>> -> memref<128x128xf32, #tpu.memory_space<hbm>>
      tpu.enqueue_dma source(%arg8 : memref<128x128xf32, #tpu.memory_space<vmem>>) target(%dma_start3A_78 : memref<128x128xf32, #tpu.memory_space<hbm>>) target_semaphore(%run_scoped3A : memref<!tpu.dma_semaphore, #tpu.memory_space<semaphore_mem>>)
      %dma_wait3A = arith.constant 0 : i32
      %dma_wait3A_79 = tpu.memref_slice %arg5[%arg0, %add3A_57, %dma_wait3A] : memref<2x10240x128xf32, #tpu.memory_space<hbm>> -> memref<1x128x128xf32, #tpu.memory_space<hbm>>
      %dma_wait3A_80 = tpu.memref_squeeze %dma_wait3A_79 : memref<1x128x128xf32, #tpu.memory_space<hbm>> -> memref<128x128xf32, #tpu.memory_space<hbm>>
      %dma_wait3A_81 = arith.constant 0 : i32
      %dma_wait3A_82 = tpu.memref_slice %arg5[%arg0, %add3A_57, %dma_wait3A_81] : memref<2x10240x128xf32, #tpu.memory_space<hbm>> -> memref<1x128x128xf32, #tpu.memory_space<hbm>>
      %dma_wait3A_83 = tpu.memref_squeeze %dma_wait3A_82 : memref<1x128x128xf32, #tpu.memory_space<hbm>> -> memref<128x128xf32, #tpu.memory_space<hbm>>
      tpu.wait_dma2 semaphore(%run_scoped3A : memref<!tpu.dma_semaphore, #tpu.memory_space<semaphore_mem>>) src(%arg8 : memref<128x128xf32, #tpu.memory_space<vmem>>) dst(%dma_wait3A_83 : memref<128x128xf32, #tpu.memory_space<hbm>>)
      tpu.yield
    }) : () -> ()
    %mul3A_58 = arith.constant 640 : i32
    %mul3A_59 = arith.muli %arg1, %mul3A_58 : i32
    %add3A_60 = arith.constant 128 : i32
    %add3A_61 = arith.addi %mul3A_59, %add3A_60 : i32
    "tpu.region"() ({
      %run_scoped3A = tpu.sem_alloc : memref<!tpu.dma_semaphore, #tpu.memory_space<semaphore_mem>>
      %dma_start3A = arith.constant 0 : i32
      %dma_start3A_74 = tpu.memref_slice %arg12[%add3A_61, %dma_start3A] : memref<10240x128xf32, #tpu.memory_space<vmem_shared>> -> memref<128x128xf32, #tpu.memory_space<vmem_shared>>
      %dma_start3A_75 = arith.constant 0 : i32
      %dma_start3A_76 = tpu.memref_slice %arg12[%add3A_61, %dma_start3A_75] : memref<10240x128xf32, #tpu.memory_space<vmem_shared>> -> memref<128x128xf32, #tpu.memory_space<vmem_shared>>
      tpu.enqueue_dma source(%dma_start3A_76 : memref<128x128xf32, #tpu.memory_space<vmem_shared>>) target(%arg8 : memref<128x128xf32, #tpu.memory_space<vmem>>) target_semaphore(%run_scoped3A : memref<!tpu.dma_semaphore, #tpu.memory_space<semaphore_mem>>)
      %dma_wait3A = arith.constant 0 : i32
      %dma_wait3A_77 = tpu.memref_slice %arg12[%add3A_61, %dma_wait3A] : memref<10240x128xf32, #tpu.memory_space<vmem_shared>> -> memref<128x128xf32, #tpu.memory_space<vmem_shared>>
      %dma_wait3A_78 = arith.constant 0 : i32
      %dma_wait3A_79 = tpu.memref_slice %arg12[%add3A_61, %dma_wait3A_78] : memref<10240x128xf32, #tpu.memory_space<vmem_shared>> -> memref<128x128xf32, #tpu.memory_space<vmem_shared>>
      tpu.wait_dma2 semaphore(%run_scoped3A : memref<!tpu.dma_semaphore, #tpu.memory_space<semaphore_mem>>) src(%dma_wait3A_79 : memref<128x128xf32, #tpu.memory_space<vmem_shared>>) dst(%arg8 : memref<128x128xf32, #tpu.memory_space<vmem>>)
      tpu.yield
    }) : () -> ()
    "tpu.region"() ({
      %run_scoped3A = tpu.sem_alloc : memref<!tpu.dma_semaphore, #tpu.memory_space<semaphore_mem>>
      %dma_start3A = arith.constant 0 : i32
      %dma_start3A_74 = tpu.memref_slice %arg5[%arg0, %add3A_61, %dma_start3A] : memref<2x10240x128xf32, #tpu.memory_space<hbm>> -> memref<1x128x128xf32, #tpu.memory_space<hbm>>
      %dma_start3A_75 = tpu.memref_squeeze %dma_start3A_74 : memref<1x128x128xf32, #tpu.memory_space<hbm>> -> memref<128x128xf32, #tpu.memory_space<hbm>>
      %dma_start3A_76 = arith.constant 0 : i32
      %dma_start3A_77 = tpu.memref_slice %arg5[%arg0, %add3A_61, %dma_start3A_76] : memref<2x10240x128xf32, #tpu.memory_space<hbm>> -> memref<1x128x128xf32, #tpu.memory_space<hbm>>
      %dma_start3A_78 = tpu.memref_squeeze %dma_start3A_77 : memref<1x128x128xf32, #tpu.memory_space<hbm>> -> memref<128x128xf32, #tpu.memory_space<hbm>>
      tpu.enqueue_dma source(%arg8 : memref<128x128xf32, #tpu.memory_space<vmem>>) target(%dma_start3A_78 : memref<128x128xf32, #tpu.memory_space<hbm>>) target_semaphore(%run_scoped3A : memref<!tpu.dma_semaphore, #tpu.memory_space<semaphore_mem>>)
      %dma_wait3A = arith.constant 0 : i32
      %dma_wait3A_79 = tpu.memref_slice %arg5[%arg0, %add3A_61, %dma_wait3A] : memref<2x10240x128xf32, #tpu.memory_space<hbm>> -> memref<1x128x128xf32, #tpu.memory_space<hbm>>
      %dma_wait3A_80 = tpu.memref_squeeze %dma_wait3A_79 : memref<1x128x128xf32, #tpu.memory_space<hbm>> -> memref<128x128xf32, #tpu.memory_space<hbm>>
      %dma_wait3A_81 = arith.constant 0 : i32
      %dma_wait3A_82 = tpu.memref_slice %arg5[%arg0, %add3A_61, %dma_wait3A_81] : memref<2x10240x128xf32, #tpu.memory_space<hbm>> -> memref<1x128x128xf32, #tpu.memory_space<hbm>>
      %dma_wait3A_83 = tpu.memref_squeeze %dma_wait3A_82 : memref<1x128x128xf32, #tpu.memory_space<hbm>> -> memref<128x128xf32, #tpu.memory_space<hbm>>
      tpu.wait_dma2 semaphore(%run_scoped3A : memref<!tpu.dma_semaphore, #tpu.memory_space<semaphore_mem>>) src(%arg8 : memref<128x128xf32, #tpu.memory_space<vmem>>) dst(%dma_wait3A_83 : memref<128x128xf32, #tpu.memory_space<hbm>>)
      tpu.yield
    }) : () -> ()
    %mul3A_62 = arith.constant 640 : i32
    %mul3A_63 = arith.muli %arg1, %mul3A_62 : i32
    %add3A_64 = arith.constant 256 : i32
    %add3A_65 = arith.addi %mul3A_63, %add3A_64 : i32
    "tpu.region"() ({
      %run_scoped3A = tpu.sem_alloc : memref<!tpu.dma_semaphore, #tpu.memory_space<semaphore_mem>>
      %dma_start3A = arith.constant 0 : i32
      %dma_start3A_74 = tpu.memref_slice %arg12[%add3A_65, %dma_start3A] : memref<10240x128xf32, #tpu.memory_space<vmem_shared>> -> memref<128x128xf32, #tpu.memory_space<vmem_shared>>
      %dma_start3A_75 = arith.constant 0 : i32
      %dma_start3A_76 = tpu.memref_slice %arg12[%add3A_65, %dma_start3A_75] : memref<10240x128xf32, #tpu.memory_space<vmem_shared>> -> memref<128x128xf32, #tpu.memory_space<vmem_shared>>
      tpu.enqueue_dma source(%dma_start3A_76 : memref<128x128xf32, #tpu.memory_space<vmem_shared>>) target(%arg8 : memref<128x128xf32, #tpu.memory_space<vmem>>) target_semaphore(%run_scoped3A : memref<!tpu.dma_semaphore, #tpu.memory_space<semaphore_mem>>)
      %dma_wait3A = arith.constant 0 : i32
      %dma_wait3A_77 = tpu.memref_slice %arg12[%add3A_65, %dma_wait3A] : memref<10240x128xf32, #tpu.memory_space<vmem_shared>> -> memref<128x128xf32, #tpu.memory_space<vmem_shared>>
      %dma_wait3A_78 = arith.constant 0 : i32
      %dma_wait3A_79 = tpu.memref_slice %arg12[%add3A_65, %dma_wait3A_78] : memref<10240x128xf32, #tpu.memory_space<vmem_shared>> -> memref<128x128xf32, #tpu.memory_space<vmem_shared>>
      tpu.wait_dma2 semaphore(%run_scoped3A : memref<!tpu.dma_semaphore, #tpu.memory_space<semaphore_mem>>) src(%dma_wait3A_79 : memref<128x128xf32, #tpu.memory_space<vmem_shared>>) dst(%arg8 : memref<128x128xf32, #tpu.memory_space<vmem>>)
      tpu.yield
    }) : () -> ()
    "tpu.region"() ({
      %run_scoped3A = tpu.sem_alloc : memref<!tpu.dma_semaphore, #tpu.memory_space<semaphore_mem>>
      %dma_start3A = arith.constant 0 : i32
      %dma_start3A_74 = tpu.memref_slice %arg5[%arg0, %add3A_65, %dma_start3A] : memref<2x10240x128xf32, #tpu.memory_space<hbm>> -> memref<1x128x128xf32, #tpu.memory_space<hbm>>
      %dma_start3A_75 = tpu.memref_squeeze %dma_start3A_74 : memref<1x128x128xf32, #tpu.memory_space<hbm>> -> memref<128x128xf32, #tpu.memory_space<hbm>>
      %dma_start3A_76 = arith.constant 0 : i32
      %dma_start3A_77 = tpu.memref_slice %arg5[%arg0, %add3A_65, %dma_start3A_76] : memref<2x10240x128xf32, #tpu.memory_space<hbm>> -> memref<1x128x128xf32, #tpu.memory_space<hbm>>
      %dma_start3A_78 = tpu.memref_squeeze %dma_start3A_77 : memref<1x128x128xf32, #tpu.memory_space<hbm>> -> memref<128x128xf32, #tpu.memory_space<hbm>>
      tpu.enqueue_dma source(%arg8 : memref<128x128xf32, #tpu.memory_space<vmem>>) target(%dma_start3A_78 : memref<128x128xf32, #tpu.memory_space<hbm>>) target_semaphore(%run_scoped3A : memref<!tpu.dma_semaphore, #tpu.memory_space<semaphore_mem>>)
      %dma_wait3A = arith.constant 0 : i32
      %dma_wait3A_79 = tpu.memref_slice %arg5[%arg0, %add3A_65, %dma_wait3A] : memref<2x10240x128xf32, #tpu.memory_space<hbm>> -> memref<1x128x128xf32, #tpu.memory_space<hbm>>
      %dma_wait3A_80 = tpu.memref_squeeze %dma_wait3A_79 : memref<1x128x128xf32, #tpu.memory_space<hbm>> -> memref<128x128xf32, #tpu.memory_space<hbm>>
      %dma_wait3A_81 = arith.constant 0 : i32
      %dma_wait3A_82 = tpu.memref_slice %arg5[%arg0, %add3A_65, %dma_wait3A_81] : memref<2x10240x128xf32, #tpu.memory_space<hbm>> -> memref<1x128x128xf32, #tpu.memory_space<hbm>>
      %dma_wait3A_83 = tpu.memref_squeeze %dma_wait3A_82 : memref<1x128x128xf32, #tpu.memory_space<hbm>> -> memref<128x128xf32, #tpu.memory_space<hbm>>
      tpu.wait_dma2 semaphore(%run_scoped3A : memref<!tpu.dma_semaphore, #tpu.memory_space<semaphore_mem>>) src(%arg8 : memref<128x128xf32, #tpu.memory_space<vmem>>) dst(%dma_wait3A_83 : memref<128x128xf32, #tpu.memory_space<hbm>>)
      tpu.yield
    }) : () -> ()
    %mul3A_66 = arith.constant 640 : i32
    %mul3A_67 = arith.muli %arg1, %mul3A_66 : i32
    %add3A_68 = arith.constant 384 : i32
    %add3A_69 = arith.addi %mul3A_67, %add3A_68 : i32
    "tpu.region"() ({
      %run_scoped3A = tpu.sem_alloc : memref<!tpu.dma_semaphore, #tpu.memory_space<semaphore_mem>>
      %dma_start3A = arith.constant 0 : i32
      %dma_start3A_74 = tpu.memref_slice %arg12[%add3A_69, %dma_start3A] : memref<10240x128xf32, #tpu.memory_space<vmem_shared>> -> memref<128x128xf32, #tpu.memory_space<vmem_shared>>
      %dma_start3A_75 = arith.constant 0 : i32
      %dma_start3A_76 = tpu.memref_slice %arg12[%add3A_69, %dma_start3A_75] : memref<10240x128xf32, #tpu.memory_space<vmem_shared>> -> memref<128x128xf32, #tpu.memory_space<vmem_shared>>
      tpu.enqueue_dma source(%dma_start3A_76 : memref<128x128xf32, #tpu.memory_space<vmem_shared>>) target(%arg8 : memref<128x128xf32, #tpu.memory_space<vmem>>) target_semaphore(%run_scoped3A : memref<!tpu.dma_semaphore, #tpu.memory_space<semaphore_mem>>)
      %dma_wait3A = arith.constant 0 : i32
      %dma_wait3A_77 = tpu.memref_slice %arg12[%add3A_69, %dma_wait3A] : memref<10240x128xf32, #tpu.memory_space<vmem_shared>> -> memref<128x128xf32, #tpu.memory_space<vmem_shared>>
      %dma_wait3A_78 = arith.constant 0 : i32
      %dma_wait3A_79 = tpu.memref_slice %arg12[%add3A_69, %dma_wait3A_78] : memref<10240x128xf32, #tpu.memory_space<vmem_shared>> -> memref<128x128xf32, #tpu.memory_space<vmem_shared>>
      tpu.wait_dma2 semaphore(%run_scoped3A : memref<!tpu.dma_semaphore, #tpu.memory_space<semaphore_mem>>) src(%dma_wait3A_79 : memref<128x128xf32, #tpu.memory_space<vmem_shared>>) dst(%arg8 : memref<128x128xf32, #tpu.memory_space<vmem>>)
      tpu.yield
    }) : () -> ()
    "tpu.region"() ({
      %run_scoped3A = tpu.sem_alloc : memref<!tpu.dma_semaphore, #tpu.memory_space<semaphore_mem>>
      %dma_start3A = arith.constant 0 : i32
      %dma_start3A_74 = tpu.memref_slice %arg5[%arg0, %add3A_69, %dma_start3A] : memref<2x10240x128xf32, #tpu.memory_space<hbm>> -> memref<1x128x128xf32, #tpu.memory_space<hbm>>
      %dma_start3A_75 = tpu.memref_squeeze %dma_start3A_74 : memref<1x128x128xf32, #tpu.memory_space<hbm>> -> memref<128x128xf32, #tpu.memory_space<hbm>>
      %dma_start3A_76 = arith.constant 0 : i32
      %dma_start3A_77 = tpu.memref_slice %arg5[%arg0, %add3A_69, %dma_start3A_76] : memref<2x10240x128xf32, #tpu.memory_space<hbm>> -> memref<1x128x128xf32, #tpu.memory_space<hbm>>
      %dma_start3A_78 = tpu.memref_squeeze %dma_start3A_77 : memref<1x128x128xf32, #tpu.memory_space<hbm>> -> memref<128x128xf32, #tpu.memory_space<hbm>>
      tpu.enqueue_dma source(%arg8 : memref<128x128xf32, #tpu.memory_space<vmem>>) target(%dma_start3A_78 : memref<128x128xf32, #tpu.memory_space<hbm>>) target_semaphore(%run_scoped3A : memref<!tpu.dma_semaphore, #tpu.memory_space<semaphore_mem>>)
      %dma_wait3A = arith.constant 0 : i32
      %dma_wait3A_79 = tpu.memref_slice %arg5[%arg0, %add3A_69, %dma_wait3A] : memref<2x10240x128xf32, #tpu.memory_space<hbm>> -> memref<1x128x128xf32, #tpu.memory_space<hbm>>
      %dma_wait3A_80 = tpu.memref_squeeze %dma_wait3A_79 : memref<1x128x128xf32, #tpu.memory_space<hbm>> -> memref<128x128xf32, #tpu.memory_space<hbm>>
      %dma_wait3A_81 = arith.constant 0 : i32
      %dma_wait3A_82 = tpu.memref_slice %arg5[%arg0, %add3A_69, %dma_wait3A_81] : memref<2x10240x128xf32, #tpu.memory_space<hbm>> -> memref<1x128x128xf32, #tpu.memory_space<hbm>>
      %dma_wait3A_83 = tpu.memref_squeeze %dma_wait3A_82 : memref<1x128x128xf32, #tpu.memory_space<hbm>> -> memref<128x128xf32, #tpu.memory_space<hbm>>
      tpu.wait_dma2 semaphore(%run_scoped3A : memref<!tpu.dma_semaphore, #tpu.memory_space<semaphore_mem>>) src(%arg8 : memref<128x128xf32, #tpu.memory_space<vmem>>) dst(%dma_wait3A_83 : memref<128x128xf32, #tpu.memory_space<hbm>>)
      tpu.yield
    }) : () -> ()
    %mul3A_70 = arith.constant 640 : i32
    %mul3A_71 = arith.muli %arg1, %mul3A_70 : i32
    %add3A_72 = arith.constant 512 : i32
    %add3A_73 = arith.addi %mul3A_71, %add3A_72 : i32
    "tpu.region"() ({
      %run_scoped3A = tpu.sem_alloc : memref<!tpu.dma_semaphore, #tpu.memory_space<semaphore_mem>>
      %dma_start3A = arith.constant 0 : i32
      %dma_start3A_74 = tpu.memref_slice %arg12[%add3A_73, %dma_start3A] : memref<10240x128xf32, #tpu.memory_space<vmem_shared>> -> memref<128x128xf32, #tpu.memory_space<vmem_shared>>
      %dma_start3A_75 = arith.constant 0 : i32
      %dma_start3A_76 = tpu.memref_slice %arg12[%add3A_73, %dma_start3A_75] : memref<10240x128xf32, #tpu.memory_space<vmem_shared>> -> memref<128x128xf32, #tpu.memory_space<vmem_shared>>
      tpu.enqueue_dma source(%dma_start3A_76 : memref<128x128xf32, #tpu.memory_space<vmem_shared>>) target(%arg8 : memref<128x128xf32, #tpu.memory_space<vmem>>) target_semaphore(%run_scoped3A : memref<!tpu.dma_semaphore, #tpu.memory_space<semaphore_mem>>)
      %dma_wait3A = arith.constant 0 : i32
      %dma_wait3A_77 = tpu.memref_slice %arg12[%add3A_73, %dma_wait3A] : memref<10240x128xf32, #tpu.memory_space<vmem_shared>> -> memref<128x128xf32, #tpu.memory_space<vmem_shared>>
      %dma_wait3A_78 = arith.constant 0 : i32
      %dma_wait3A_79 = tpu.memref_slice %arg12[%add3A_73, %dma_wait3A_78] : memref<10240x128xf32, #tpu.memory_space<vmem_shared>> -> memref<128x128xf32, #tpu.memory_space<vmem_shared>>
      tpu.wait_dma2 semaphore(%run_scoped3A : memref<!tpu.dma_semaphore, #tpu.memory_space<semaphore_mem>>) src(%dma_wait3A_79 : memref<128x128xf32, #tpu.memory_space<vmem_shared>>) dst(%arg8 : memref<128x128xf32, #tpu.memory_space<vmem>>)
      tpu.yield
    }) : () -> ()
    "tpu.region"() ({
      %run_scoped3A = tpu.sem_alloc : memref<!tpu.dma_semaphore, #tpu.memory_space<semaphore_mem>>
      %dma_start3A = arith.constant 0 : i32
      %dma_start3A_74 = tpu.memref_slice %arg5[%arg0, %add3A_73, %dma_start3A] : memref<2x10240x128xf32, #tpu.memory_space<hbm>> -> memref<1x128x128xf32, #tpu.memory_space<hbm>>
      %dma_start3A_75 = tpu.memref_squeeze %dma_start3A_74 : memref<1x128x128xf32, #tpu.memory_space<hbm>> -> memref<128x128xf32, #tpu.memory_space<hbm>>
      %dma_start3A_76 = arith.constant 0 : i32
      %dma_start3A_77 = tpu.memref_slice %arg5[%arg0, %add3A_73, %dma_start3A_76] : memref<2x10240x128xf32, #tpu.memory_space<hbm>> -> memref<1x128x128xf32, #tpu.memory_space<hbm>>
      %dma_start3A_78 = tpu.memref_squeeze %dma_start3A_77 : memref<1x128x128xf32, #tpu.memory_space<hbm>> -> memref<128x128xf32, #tpu.memory_space<hbm>>
      tpu.enqueue_dma source(%arg8 : memref<128x128xf32, #tpu.memory_space<vmem>>) target(%dma_start3A_78 : memref<128x128xf32, #tpu.memory_space<hbm>>) target_semaphore(%run_scoped3A : memref<!tpu.dma_semaphore, #tpu.memory_space<semaphore_mem>>)
      %dma_wait3A = arith.constant 0 : i32
      %dma_wait3A_79 = tpu.memref_slice %arg5[%arg0, %add3A_73, %dma_wait3A] : memref<2x10240x128xf32, #tpu.memory_space<hbm>> -> memref<1x128x128xf32, #tpu.memory_space<hbm>>
      %dma_wait3A_80 = tpu.memref_squeeze %dma_wait3A_79 : memref<1x128x128xf32, #tpu.memory_space<hbm>> -> memref<128x128xf32, #tpu.memory_space<hbm>>
      %dma_wait3A_81 = arith.constant 0 : i32
      %dma_wait3A_82 = tpu.memref_slice %arg5[%arg0, %add3A_73, %dma_wait3A_81] : memref<2x10240x128xf32, #tpu.memory_space<hbm>> -> memref<1x128x128xf32, #tpu.memory_space<hbm>>
      %dma_wait3A_83 = tpu.memref_squeeze %dma_wait3A_82 : memref<1x128x128xf32, #tpu.memory_space<hbm>> -> memref<128x128xf32, #tpu.memory_space<hbm>>
      tpu.wait_dma2 semaphore(%run_scoped3A : memref<!tpu.dma_semaphore, #tpu.memory_space<semaphore_mem>>) src(%arg8 : memref<128x128xf32, #tpu.memory_space<vmem>>) dst(%dma_wait3A_83 : memref<128x128xf32, #tpu.memory_space<hbm>>)
      tpu.yield
    }) : () -> ()
    return
  }
}

#map = affine_map<(d0, d1) -> (0, 0)>
#map1 = affine_map<(d0, d1) -> (0)>
module attributes {stable_mosaic.version = 14 : i64} {
  func.func @_deg_body(%arg0: i32, %arg1: i32, %arg2: memref<2560x128xi32, #tpu.memory_space<hbm>>, %arg3: memref<2560x128xi32, #tpu.memory_space<hbm>>, %arg4: memref<20480xf32, #tpu.memory_space<hbm>>, %arg5: memref<160x128xi32, #tpu.memory_space<vmem>>, %arg6: memref<128xf32, #tpu.memory_space<vmem>>, %arg7: memref<640xf32, #tpu.memory_space<vmem>>, %arg8: memref<10240xf32, #tpu.memory_space<vmem_shared>>) attributes {dimension_semantics = [#tpu.dimension_semantics<core_parallel>, #tpu.dimension_semantics<subcore_parallel>], iteration_bounds = array<i64: 2, 16>, scalar_prefetch = 0 : i64, scratch_operands = 4 : i64, tpu.core_type = #tpu.core_type<sc_vector_subcore>, window_params = [{transform_indices = #map}, {transform_indices = #map}, {transform_indices = #map1}]} {
    %mul3A = arith.constant 2 : i32
    %mul3A_0 = arith.muli %arg1, %mul3A : i32
    %add3A = arith.addi %mul3A_0, %arg0 : i32
    %broadcast_in_dim3A = arith.constant 1.000000e+00 : f32
    %broadcast_in_dim3A_1 = vector.broadcast %broadcast_in_dim3A : f32 to vector<16xf32>
    %swap3A = arith.constant 0 : index
    %swap3A_2 = tpu.vector_load %arg6[%swap3A] {strides = array<i32>} : memref<128xf32, #tpu.memory_space<vmem>>, vector<16xf32>,
    %swap3A_3 = vector.shape_cast %swap3A_2 : vector<16xf32> to vector<16xf32>
    %swap3A_4 = vector.shape_cast %broadcast_in_dim3A_1 : vector<16xf32> to vector<16xf32>
    tpu.vector_store %arg6[%swap3A], %swap3A_4 {strides = array<i32>} : memref<128xf32, #tpu.memory_space<vmem>>, vector<16xf32>,
    %broadcast_in_dim3A_5 = arith.constant 1.000000e+00 : f32
    %broadcast_in_dim3A_6 = vector.broadcast %broadcast_in_dim3A_5 : f32 to vector<16xf32>
    %swap3A_7 = arith.constant 16 : index
    %swap3A_8 = tpu.vector_load %arg6[%swap3A_7] {strides = array<i32>} : memref<128xf32, #tpu.memory_space<vmem>>, vector<16xf32>,
    %swap3A_9 = vector.shape_cast %swap3A_8 : vector<16xf32> to vector<16xf32>
    %swap3A_10 = vector.shape_cast %broadcast_in_dim3A_6 : vector<16xf32> to vector<16xf32>
    tpu.vector_store %arg6[%swap3A_7], %swap3A_10 {strides = array<i32>} : memref<128xf32, #tpu.memory_space<vmem>>, vector<16xf32>,
    %broadcast_in_dim3A_11 = arith.constant 1.000000e+00 : f32
    %broadcast_in_dim3A_12 = vector.broadcast %broadcast_in_dim3A_11 : f32 to vector<16xf32>
    %swap3A_13 = arith.constant 32 : index
    %swap3A_14 = tpu.vector_load %arg6[%swap3A_13] {strides = array<i32>} : memref<128xf32, #tpu.memory_space<vmem>>, vector<16xf32>,
    %swap3A_15 = vector.shape_cast %swap3A_14 : vector<16xf32> to vector<16xf32>
    %swap3A_16 = vector.shape_cast %broadcast_in_dim3A_12 : vector<16xf32> to vector<16xf32>
    tpu.vector_store %arg6[%swap3A_13], %swap3A_16 {strides = array<i32>} : memref<128xf32, #tpu.memory_space<vmem>>, vector<16xf32>,
    %broadcast_in_dim3A_17 = arith.constant 1.000000e+00 : f32
    %broadcast_in_dim3A_18 = vector.broadcast %broadcast_in_dim3A_17 : f32 to vector<16xf32>
    %swap3A_19 = arith.constant 48 : index
    %swap3A_20 = tpu.vector_load %arg6[%swap3A_19] {strides = array<i32>} : memref<128xf32, #tpu.memory_space<vmem>>, vector<16xf32>,
    %swap3A_21 = vector.shape_cast %swap3A_20 : vector<16xf32> to vector<16xf32>
    %swap3A_22 = vector.shape_cast %broadcast_in_dim3A_18 : vector<16xf32> to vector<16xf32>
    tpu.vector_store %arg6[%swap3A_19], %swap3A_22 {strides = array<i32>} : memref<128xf32, #tpu.memory_space<vmem>>, vector<16xf32>,
    %broadcast_in_dim3A_23 = arith.constant 1.000000e+00 : f32
    %broadcast_in_dim3A_24 = vector.broadcast %broadcast_in_dim3A_23 : f32 to vector<16xf32>
    %swap3A_25 = arith.constant 64 : index
    %swap3A_26 = tpu.vector_load %arg6[%swap3A_25] {strides = array<i32>} : memref<128xf32, #tpu.memory_space<vmem>>, vector<16xf32>,
    %swap3A_27 = vector.shape_cast %swap3A_26 : vector<16xf32> to vector<16xf32>
    %swap3A_28 = vector.shape_cast %broadcast_in_dim3A_24 : vector<16xf32> to vector<16xf32>
    tpu.vector_store %arg6[%swap3A_25], %swap3A_28 {strides = array<i32>} : memref<128xf32, #tpu.memory_space<vmem>>, vector<16xf32>,
    %broadcast_in_dim3A_29 = arith.constant 1.000000e+00 : f32
    %broadcast_in_dim3A_30 = vector.broadcast %broadcast_in_dim3A_29 : f32 to vector<16xf32>
    %swap3A_31 = arith.constant 80 : index
    %swap3A_32 = tpu.vector_load %arg6[%swap3A_31] {strides = array<i32>} : memref<128xf32, #tpu.memory_space<vmem>>, vector<16xf32>,
    %swap3A_33 = vector.shape_cast %swap3A_32 : vector<16xf32> to vector<16xf32>
    %swap3A_34 = vector.shape_cast %broadcast_in_dim3A_30 : vector<16xf32> to vector<16xf32>
    tpu.vector_store %arg6[%swap3A_31], %swap3A_34 {strides = array<i32>} : memref<128xf32, #tpu.memory_space<vmem>>, vector<16xf32>,
    %broadcast_in_dim3A_35 = arith.constant 1.000000e+00 : f32
    %broadcast_in_dim3A_36 = vector.broadcast %broadcast_in_dim3A_35 : f32 to vector<16xf32>
    %swap3A_37 = arith.constant 96 : index
    %swap3A_38 = tpu.vector_load %arg6[%swap3A_37] {strides = array<i32>} : memref<128xf32, #tpu.memory_space<vmem>>, vector<16xf32>,
    %swap3A_39 = vector.shape_cast %swap3A_38 : vector<16xf32> to vector<16xf32>
    %swap3A_40 = vector.shape_cast %broadcast_in_dim3A_36 : vector<16xf32> to vector<16xf32>
    tpu.vector_store %arg6[%swap3A_37], %swap3A_40 {strides = array<i32>} : memref<128xf32, #tpu.memory_space<vmem>>, vector<16xf32>,
    %broadcast_in_dim3A_41 = arith.constant 1.000000e+00 : f32
    %broadcast_in_dim3A_42 = vector.broadcast %broadcast_in_dim3A_41 : f32 to vector<16xf32>
    %swap3A_43 = arith.constant 112 : index
    %swap3A_44 = tpu.vector_load %arg6[%swap3A_43] {strides = array<i32>} : memref<128xf32, #tpu.memory_space<vmem>>, vector<16xf32>,
    %swap3A_45 = vector.shape_cast %swap3A_44 : vector<16xf32> to vector<16xf32>
    %swap3A_46 = vector.shape_cast %broadcast_in_dim3A_42 : vector<16xf32> to vector<16xf32>
    tpu.vector_store %arg6[%swap3A_43], %swap3A_46 {strides = array<i32>} : memref<128xf32, #tpu.memory_space<vmem>>, vector<16xf32>,
    %broadcast_in_dim3A_47 = arith.constant 0.000000e+00 : f32
    %broadcast_in_dim3A_48 = vector.broadcast %broadcast_in_dim3A_47 : f32 to vector<16xf32>
    %swap3A_49 = arith.constant 0 : index
    %swap3A_50 = tpu.vector_load %arg7[%swap3A_49] {strides = array<i32>} : memref<640xf32, #tpu.memory_space<vmem>>, vector<16xf32>,
    %swap3A_51 = vector.shape_cast %swap3A_50 : vector<16xf32> to vector<16xf32>
    %swap3A_52 = vector.shape_cast %broadcast_in_dim3A_48 : vector<16xf32> to vector<16xf32>
    tpu.vector_store %arg7[%swap3A_49], %swap3A_52 {strides = array<i32>} : memref<640xf32, #tpu.memory_space<vmem>>, vector<16xf32>,
    %broadcast_in_dim3A_53 = arith.constant 0.000000e+00 : f32
    %broadcast_in_dim3A_54 = vector.broadcast %broadcast_in_dim3A_53 : f32 to vector<16xf32>
    %swap3A_55 = arith.constant 16 : index
    %swap3A_56 = tpu.vector_load %arg7[%swap3A_55] {strides = array<i32>} : memref<640xf32, #tpu.memory_space<vmem>>, vector<16xf32>,
    %swap3A_57 = vector.shape_cast %swap3A_56 : vector<16xf32> to vector<16xf32>
    %swap3A_58 = vector.shape_cast %broadcast_in_dim3A_54 : vector<16xf32> to vector<16xf32>
    tpu.vector_store %arg7[%swap3A_55], %swap3A_58 {strides = array<i32>} : memref<640xf32, #tpu.memory_space<vmem>>, vector<16xf32>,
    %broadcast_in_dim3A_59 = arith.constant 0.000000e+00 : f32
    %broadcast_in_dim3A_60 = vector.broadcast %broadcast_in_dim3A_59 : f32 to vector<16xf32>
    %swap3A_61 = arith.constant 32 : index
    %swap3A_62 = tpu.vector_load %arg7[%swap3A_61] {strides = array<i32>} : memref<640xf32, #tpu.memory_space<vmem>>, vector<16xf32>,
    %swap3A_63 = vector.shape_cast %swap3A_62 : vector<16xf32> to vector<16xf32>
    %swap3A_64 = vector.shape_cast %broadcast_in_dim3A_60 : vector<16xf32> to vector<16xf32>
    tpu.vector_store %arg7[%swap3A_61], %swap3A_64 {strides = array<i32>} : memref<640xf32, #tpu.memory_space<vmem>>, vector<16xf32>,
    %broadcast_in_dim3A_65 = arith.constant 0.000000e+00 : f32
    %broadcast_in_dim3A_66 = vector.broadcast %broadcast_in_dim3A_65 : f32 to vector<16xf32>
    %swap3A_67 = arith.constant 48 : index
    %swap3A_68 = tpu.vector_load %arg7[%swap3A_67] {strides = array<i32>} : memref<640xf32, #tpu.memory_space<vmem>>, vector<16xf32>,
    %swap3A_69 = vector.shape_cast %swap3A_68 : vector<16xf32> to vector<16xf32>
    %swap3A_70 = vector.shape_cast %broadcast_in_dim3A_66 : vector<16xf32> to vector<16xf32>
    tpu.vector_store %arg7[%swap3A_67], %swap3A_70 {strides = array<i32>} : memref<640xf32, #tpu.memory_space<vmem>>, vector<16xf32>,
    %broadcast_in_dim3A_71 = arith.constant 0.000000e+00 : f32
    %broadcast_in_dim3A_72 = vector.broadcast %broadcast_in_dim3A_71 : f32 to vector<16xf32>
    %swap3A_73 = arith.constant 64 : index
    %swap3A_74 = tpu.vector_load %arg7[%swap3A_73] {strides = array<i32>} : memref<640xf32, #tpu.memory_space<vmem>>, vector<16xf32>,
    %swap3A_75 = vector.shape_cast %swap3A_74 : vector<16xf32> to vector<16xf32>
    %swap3A_76 = vector.shape_cast %broadcast_in_dim3A_72 : vector<16xf32> to vector<16xf32>
    tpu.vector_store %arg7[%swap3A_73], %swap3A_76 {strides = array<i32>} : memref<640xf32, #tpu.memory_space<vmem>>, vector<16xf32>,
    %broadcast_in_dim3A_77 = arith.constant 0.000000e+00 : f32
    %broadcast_in_dim3A_78 = vector.broadcast %broadcast_in_dim3A_77 : f32 to vector<16xf32>
    %swap3A_79 = arith.constant 80 : index
    %swap3A_80 = tpu.vector_load %arg7[%swap3A_79] {strides = array<i32>} : memref<640xf32, #tpu.memory_space<vmem>>, vector<16xf32>,
    %swap3A_81 = vector.shape_cast %swap3A_80 : vector<16xf32> to vector<16xf32>
    %swap3A_82 = vector.shape_cast %broadcast_in_dim3A_78 : vector<16xf32> to vector<16xf32>
    tpu.vector_store %arg7[%swap3A_79], %swap3A_82 {strides = array<i32>} : memref<640xf32, #tpu.memory_space<vmem>>, vector<16xf32>,
    %broadcast_in_dim3A_83 = arith.constant 0.000000e+00 : f32
    %broadcast_in_dim3A_84 = vector.broadcast %broadcast_in_dim3A_83 : f32 to vector<16xf32>
    %swap3A_85 = arith.constant 96 : index
    %swap3A_86 = tpu.vector_load %arg7[%swap3A_85] {strides = array<i32>} : memref<640xf32, #tpu.memory_space<vmem>>, vector<16xf32>,
    %swap3A_87 = vector.shape_cast %swap3A_86 : vector<16xf32> to vector<16xf32>
    %swap3A_88 = vector.shape_cast %broadcast_in_dim3A_84 : vector<16xf32> to vector<16xf32>
    tpu.vector_store %arg7[%swap3A_85], %swap3A_88 {strides = array<i32>} : memref<640xf32, #tpu.memory_space<vmem>>, vector<16xf32>,
    %broadcast_in_dim3A_89 = arith.constant 0.000000e+00 : f32
    %broadcast_in_dim3A_90 = vector.broadcast %broadcast_in_dim3A_89 : f32 to vector<16xf32>
    %swap3A_91 = arith.constant 112 : index
    %swap3A_92 = tpu.vector_load %arg7[%swap3A_91] {strides = array<i32>} : memref<640xf32, #tpu.memory_space<vmem>>, vector<16xf32>,
    %swap3A_93 = vector.shape_cast %swap3A_92 : vector<16xf32> to vector<16xf32>
    %swap3A_94 = vector.shape_cast %broadcast_in_dim3A_90 : vector<16xf32> to vector<16xf32>
    tpu.vector_store %arg7[%swap3A_91], %swap3A_94 {strides = array<i32>} : memref<640xf32, #tpu.memory_space<vmem>>, vector<16xf32>,
    %broadcast_in_dim3A_95 = arith.constant 0.000000e+00 : f32
    %broadcast_in_dim3A_96 = vector.broadcast %broadcast_in_dim3A_95 : f32 to vector<16xf32>
    %swap3A_97 = arith.constant 128 : index
    %swap3A_98 = tpu.vector_load %arg7[%swap3A_97] {strides = array<i32>} : memref<640xf32, #tpu.memory_space<vmem>>, vector<16xf32>,
    %swap3A_99 = vector.shape_cast %swap3A_98 : vector<16xf32> to vector<16xf32>
    %swap3A_100 = vector.shape_cast %broadcast_in_dim3A_96 : vector<16xf32> to vector<16xf32>
    tpu.vector_store %arg7[%swap3A_97], %swap3A_100 {strides = array<i32>} : memref<640xf32, #tpu.memory_space<vmem>>, vector<16xf32>,
    %broadcast_in_dim3A_101 = arith.constant 0.000000e+00 : f32
    %broadcast_in_dim3A_102 = vector.broadcast %broadcast_in_dim3A_101 : f32 to vector<16xf32>
    %swap3A_103 = arith.constant 144 : index
    %swap3A_104 = tpu.vector_load %arg7[%swap3A_103] {strides = array<i32>} : memref<640xf32, #tpu.memory_space<vmem>>, vector<16xf32>,
    %swap3A_105 = vector.shape_cast %swap3A_104 : vector<16xf32> to vector<16xf32>
    %swap3A_106 = vector.shape_cast %broadcast_in_dim3A_102 : vector<16xf32> to vector<16xf32>
    tpu.vector_store %arg7[%swap3A_103], %swap3A_106 {strides = array<i32>} : memref<640xf32, #tpu.memory_space<vmem>>, vector<16xf32>,
    %broadcast_in_dim3A_107 = arith.constant 0.000000e+00 : f32
    %broadcast_in_dim3A_108 = vector.broadcast %broadcast_in_dim3A_107 : f32 to vector<16xf32>
    %swap3A_109 = arith.constant 160 : index
    %swap3A_110 = tpu.vector_load %arg7[%swap3A_109] {strides = array<i32>} : memref<640xf32, #tpu.memory_space<vmem>>, vector<16xf32>,
    %swap3A_111 = vector.shape_cast %swap3A_110 : vector<16xf32> to vector<16xf32>
    %swap3A_112 = vector.shape_cast %broadcast_in_dim3A_108 : vector<16xf32> to vector<16xf32>
    tpu.vector_store %arg7[%swap3A_109], %swap3A_112 {strides = array<i32>} : memref<640xf32, #tpu.memory_space<vmem>>, vector<16xf32>,
    %broadcast_in_dim3A_113 = arith.constant 0.000000e+00 : f32
    %broadcast_in_dim3A_114 = vector.broadcast %broadcast_in_dim3A_113 : f32 to vector<16xf32>
    %swap3A_115 = arith.constant 176 : index
    %swap3A_116 = tpu.vector_load %arg7[%swap3A_115] {strides = array<i32>} : memref<640xf32, #tpu.memory_space<vmem>>, vector<16xf32>,
    %swap3A_117 = vector.shape_cast %swap3A_116 : vector<16xf32> to vector<16xf32>
    %swap3A_118 = vector.shape_cast %broadcast_in_dim3A_114 : vector<16xf32> to vector<16xf32>
    tpu.vector_store %arg7[%swap3A_115], %swap3A_118 {strides = array<i32>} : memref<640xf32, #tpu.memory_space<vmem>>, vector<16xf32>,
    %broadcast_in_dim3A_119 = arith.constant 0.000000e+00 : f32
    %broadcast_in_dim3A_120 = vector.broadcast %broadcast_in_dim3A_119 : f32 to vector<16xf32>
    %swap3A_121 = arith.constant 192 : index
    %swap3A_122 = tpu.vector_load %arg7[%swap3A_121] {strides = array<i32>} : memref<640xf32, #tpu.memory_space<vmem>>, vector<16xf32>,
    %swap3A_123 = vector.shape_cast %swap3A_122 : vector<16xf32> to vector<16xf32>
    %swap3A_124 = vector.shape_cast %broadcast_in_dim3A_120 : vector<16xf32> to vector<16xf32>
    tpu.vector_store %arg7[%swap3A_121], %swap3A_124 {strides = array<i32>} : memref<640xf32, #tpu.memory_space<vmem>>, vector<16xf32>,
    %broadcast_in_dim3A_125 = arith.constant 0.000000e+00 : f32
    %broadcast_in_dim3A_126 = vector.broadcast %broadcast_in_dim3A_125 : f32 to vector<16xf32>
    %swap3A_127 = arith.constant 208 : index
    %swap3A_128 = tpu.vector_load %arg7[%swap3A_127] {strides = array<i32>} : memref<640xf32, #tpu.memory_space<vmem>>, vector<16xf32>,
    %swap3A_129 = vector.shape_cast %swap3A_128 : vector<16xf32> to vector<16xf32>
    %swap3A_130 = vector.shape_cast %broadcast_in_dim3A_126 : vector<16xf32> to vector<16xf32>
    tpu.vector_store %arg7[%swap3A_127], %swap3A_130 {strides = array<i32>} : memref<640xf32, #tpu.memory_space<vmem>>, vector<16xf32>,
    %broadcast_in_dim3A_131 = arith.constant 0.000000e+00 : f32
    %broadcast_in_dim3A_132 = vector.broadcast %broadcast_in_dim3A_131 : f32 to vector<16xf32>
    %swap3A_133 = arith.constant 224 : index
    %swap3A_134 = tpu.vector_load %arg7[%swap3A_133] {strides = array<i32>} : memref<640xf32, #tpu.memory_space<vmem>>, vector<16xf32>,
    %swap3A_135 = vector.shape_cast %swap3A_134 : vector<16xf32> to vector<16xf32>
    %swap3A_136 = vector.shape_cast %broadcast_in_dim3A_132 : vector<16xf32> to vector<16xf32>
    tpu.vector_store %arg7[%swap3A_133], %swap3A_136 {strides = array<i32>} : memref<640xf32, #tpu.memory_space<vmem>>, vector<16xf32>,
    %broadcast_in_dim3A_137 = arith.constant 0.000000e+00 : f32
    %broadcast_in_dim3A_138 = vector.broadcast %broadcast_in_dim3A_137 : f32 to vector<16xf32>
    %swap3A_139 = arith.constant 240 : index
    %swap3A_140 = tpu.vector_load %arg7[%swap3A_139] {strides = array<i32>} : memref<640xf32, #tpu.memory_space<vmem>>, vector<16xf32>,
    %swap3A_141 = vector.shape_cast %swap3A_140 : vector<16xf32> to vector<16xf32>
    %swap3A_142 = vector.shape_cast %broadcast_in_dim3A_138 : vector<16xf32> to vector<16xf32>
    tpu.vector_store %arg7[%swap3A_139], %swap3A_142 {strides = array<i32>} : memref<640xf32, #tpu.memory_space<vmem>>, vector<16xf32>,
    %broadcast_in_dim3A_143 = arith.constant 0.000000e+00 : f32
    %broadcast_in_dim3A_144 = vector.broadcast %broadcast_in_dim3A_143 : f32 to vector<16xf32>
    %swap3A_145 = arith.constant 256 : index
    %swap3A_146 = tpu.vector_load %arg7[%swap3A_145] {strides = array<i32>} : memref<640xf32, #tpu.memory_space<vmem>>, vector<16xf32>,
    %swap3A_147 = vector.shape_cast %swap3A_146 : vector<16xf32> to vector<16xf32>
    %swap3A_148 = vector.shape_cast %broadcast_in_dim3A_144 : vector<16xf32> to vector<16xf32>
    tpu.vector_store %arg7[%swap3A_145], %swap3A_148 {strides = array<i32>} : memref<640xf32, #tpu.memory_space<vmem>>, vector<16xf32>,
    %broadcast_in_dim3A_149 = arith.constant 0.000000e+00 : f32
    %broadcast_in_dim3A_150 = vector.broadcast %broadcast_in_dim3A_149 : f32 to vector<16xf32>
    %swap3A_151 = arith.constant 272 : index
    %swap3A_152 = tpu.vector_load %arg7[%swap3A_151] {strides = array<i32>} : memref<640xf32, #tpu.memory_space<vmem>>, vector<16xf32>,
    %swap3A_153 = vector.shape_cast %swap3A_152 : vector<16xf32> to vector<16xf32>
    %swap3A_154 = vector.shape_cast %broadcast_in_dim3A_150 : vector<16xf32> to vector<16xf32>
    tpu.vector_store %arg7[%swap3A_151], %swap3A_154 {strides = array<i32>} : memref<640xf32, #tpu.memory_space<vmem>>, vector<16xf32>,
    %broadcast_in_dim3A_155 = arith.constant 0.000000e+00 : f32
    %broadcast_in_dim3A_156 = vector.broadcast %broadcast_in_dim3A_155 : f32 to vector<16xf32>
    %swap3A_157 = arith.constant 288 : index
    %swap3A_158 = tpu.vector_load %arg7[%swap3A_157] {strides = array<i32>} : memref<640xf32, #tpu.memory_space<vmem>>, vector<16xf32>,
    %swap3A_159 = vector.shape_cast %swap3A_158 : vector<16xf32> to vector<16xf32>
    %swap3A_160 = vector.shape_cast %broadcast_in_dim3A_156 : vector<16xf32> to vector<16xf32>
    tpu.vector_store %arg7[%swap3A_157], %swap3A_160 {strides = array<i32>} : memref<640xf32, #tpu.memory_space<vmem>>, vector<16xf32>,
    %broadcast_in_dim3A_161 = arith.constant 0.000000e+00 : f32
    %broadcast_in_dim3A_162 = vector.broadcast %broadcast_in_dim3A_161 : f32 to vector<16xf32>
    %swap3A_163 = arith.constant 304 : index
    %swap3A_164 = tpu.vector_load %arg7[%swap3A_163] {strides = array<i32>} : memref<640xf32, #tpu.memory_space<vmem>>, vector<16xf32>,
    %swap3A_165 = vector.shape_cast %swap3A_164 : vector<16xf32> to vector<16xf32>
    %swap3A_166 = vector.shape_cast %broadcast_in_dim3A_162 : vector<16xf32> to vector<16xf32>
    tpu.vector_store %arg7[%swap3A_163], %swap3A_166 {strides = array<i32>} : memref<640xf32, #tpu.memory_space<vmem>>, vector<16xf32>,
    %broadcast_in_dim3A_167 = arith.constant 0.000000e+00 : f32
    %broadcast_in_dim3A_168 = vector.broadcast %broadcast_in_dim3A_167 : f32 to vector<16xf32>
    %swap3A_169 = arith.constant 320 : index
    %swap3A_170 = tpu.vector_load %arg7[%swap3A_169] {strides = array<i32>} : memref<640xf32, #tpu.memory_space<vmem>>, vector<16xf32>,
    %swap3A_171 = vector.shape_cast %swap3A_170 : vector<16xf32> to vector<16xf32>
    %swap3A_172 = vector.shape_cast %broadcast_in_dim3A_168 : vector<16xf32> to vector<16xf32>
    tpu.vector_store %arg7[%swap3A_169], %swap3A_172 {strides = array<i32>} : memref<640xf32, #tpu.memory_space<vmem>>, vector<16xf32>,
    %broadcast_in_dim3A_173 = arith.constant 0.000000e+00 : f32
    %broadcast_in_dim3A_174 = vector.broadcast %broadcast_in_dim3A_173 : f32 to vector<16xf32>
    %swap3A_175 = arith.constant 336 : index
    %swap3A_176 = tpu.vector_load %arg7[%swap3A_175] {strides = array<i32>} : memref<640xf32, #tpu.memory_space<vmem>>, vector<16xf32>,
    %swap3A_177 = vector.shape_cast %swap3A_176 : vector<16xf32> to vector<16xf32>
    %swap3A_178 = vector.shape_cast %broadcast_in_dim3A_174 : vector<16xf32> to vector<16xf32>
    tpu.vector_store %arg7[%swap3A_175], %swap3A_178 {strides = array<i32>} : memref<640xf32, #tpu.memory_space<vmem>>, vector<16xf32>,
    %broadcast_in_dim3A_179 = arith.constant 0.000000e+00 : f32
    %broadcast_in_dim3A_180 = vector.broadcast %broadcast_in_dim3A_179 : f32 to vector<16xf32>
    %swap3A_181 = arith.constant 352 : index
    %swap3A_182 = tpu.vector_load %arg7[%swap3A_181] {strides = array<i32>} : memref<640xf32, #tpu.memory_space<vmem>>, vector<16xf32>,
    %swap3A_183 = vector.shape_cast %swap3A_182 : vector<16xf32> to vector<16xf32>
    %swap3A_184 = vector.shape_cast %broadcast_in_dim3A_180 : vector<16xf32> to vector<16xf32>
    tpu.vector_store %arg7[%swap3A_181], %swap3A_184 {strides = array<i32>} : memref<640xf32, #tpu.memory_space<vmem>>, vector<16xf32>,
    %broadcast_in_dim3A_185 = arith.constant 0.000000e+00 : f32
    %broadcast_in_dim3A_186 = vector.broadcast %broadcast_in_dim3A_185 : f32 to vector<16xf32>
    %swap3A_187 = arith.constant 368 : index
    %swap3A_188 = tpu.vector_load %arg7[%swap3A_187] {strides = array<i32>} : memref<640xf32, #tpu.memory_space<vmem>>, vector<16xf32>,
    %swap3A_189 = vector.shape_cast %swap3A_188 : vector<16xf32> to vector<16xf32>
    %swap3A_190 = vector.shape_cast %broadcast_in_dim3A_186 : vector<16xf32> to vector<16xf32>
    tpu.vector_store %arg7[%swap3A_187], %swap3A_190 {strides = array<i32>} : memref<640xf32, #tpu.memory_space<vmem>>, vector<16xf32>,
    %broadcast_in_dim3A_191 = arith.constant 0.000000e+00 : f32
    %broadcast_in_dim3A_192 = vector.broadcast %broadcast_in_dim3A_191 : f32 to vector<16xf32>
    %swap3A_193 = arith.constant 384 : index
    %swap3A_194 = tpu.vector_load %arg7[%swap3A_193] {strides = array<i32>} : memref<640xf32, #tpu.memory_space<vmem>>, vector<16xf32>,
    %swap3A_195 = vector.shape_cast %swap3A_194 : vector<16xf32> to vector<16xf32>
    %swap3A_196 = vector.shape_cast %broadcast_in_dim3A_192 : vector<16xf32> to vector<16xf32>
    tpu.vector_store %arg7[%swap3A_193], %swap3A_196 {strides = array<i32>} : memref<640xf32, #tpu.memory_space<vmem>>, vector<16xf32>,
    %broadcast_in_dim3A_197 = arith.constant 0.000000e+00 : f32
    %broadcast_in_dim3A_198 = vector.broadcast %broadcast_in_dim3A_197 : f32 to vector<16xf32>
    %swap3A_199 = arith.constant 400 : index
    %swap3A_200 = tpu.vector_load %arg7[%swap3A_199] {strides = array<i32>} : memref<640xf32, #tpu.memory_space<vmem>>, vector<16xf32>,
    %swap3A_201 = vector.shape_cast %swap3A_200 : vector<16xf32> to vector<16xf32>
    %swap3A_202 = vector.shape_cast %broadcast_in_dim3A_198 : vector<16xf32> to vector<16xf32>
    tpu.vector_store %arg7[%swap3A_199], %swap3A_202 {strides = array<i32>} : memref<640xf32, #tpu.memory_space<vmem>>, vector<16xf32>,
    %broadcast_in_dim3A_203 = arith.constant 0.000000e+00 : f32
    %broadcast_in_dim3A_204 = vector.broadcast %broadcast_in_dim3A_203 : f32 to vector<16xf32>
    %swap3A_205 = arith.constant 416 : index
    %swap3A_206 = tpu.vector_load %arg7[%swap3A_205] {strides = array<i32>} : memref<640xf32, #tpu.memory_space<vmem>>, vector<16xf32>,
    %swap3A_207 = vector.shape_cast %swap3A_206 : vector<16xf32> to vector<16xf32>
    %swap3A_208 = vector.shape_cast %broadcast_in_dim3A_204 : vector<16xf32> to vector<16xf32>
    tpu.vector_store %arg7[%swap3A_205], %swap3A_208 {strides = array<i32>} : memref<640xf32, #tpu.memory_space<vmem>>, vector<16xf32>,
    %broadcast_in_dim3A_209 = arith.constant 0.000000e+00 : f32
    %broadcast_in_dim3A_210 = vector.broadcast %broadcast_in_dim3A_209 : f32 to vector<16xf32>
    %swap3A_211 = arith.constant 432 : index
    %swap3A_212 = tpu.vector_load %arg7[%swap3A_211] {strides = array<i32>} : memref<640xf32, #tpu.memory_space<vmem>>, vector<16xf32>,
    %swap3A_213 = vector.shape_cast %swap3A_212 : vector<16xf32> to vector<16xf32>
    %swap3A_214 = vector.shape_cast %broadcast_in_dim3A_210 : vector<16xf32> to vector<16xf32>
    tpu.vector_store %arg7[%swap3A_211], %swap3A_214 {strides = array<i32>} : memref<640xf32, #tpu.memory_space<vmem>>, vector<16xf32>,
    %broadcast_in_dim3A_215 = arith.constant 0.000000e+00 : f32
    %broadcast_in_dim3A_216 = vector.broadcast %broadcast_in_dim3A_215 : f32 to vector<16xf32>
    %swap3A_217 = arith.constant 448 : index
    %swap3A_218 = tpu.vector_load %arg7[%swap3A_217] {strides = array<i32>} : memref<640xf32, #tpu.memory_space<vmem>>, vector<16xf32>,
    %swap3A_219 = vector.shape_cast %swap3A_218 : vector<16xf32> to vector<16xf32>
    %swap3A_220 = vector.shape_cast %broadcast_in_dim3A_216 : vector<16xf32> to vector<16xf32>
    tpu.vector_store %arg7[%swap3A_217], %swap3A_220 {strides = array<i32>} : memref<640xf32, #tpu.memory_space<vmem>>, vector<16xf32>,
    %broadcast_in_dim3A_221 = arith.constant 0.000000e+00 : f32
    %broadcast_in_dim3A_222 = vector.broadcast %broadcast_in_dim3A_221 : f32 to vector<16xf32>
    %swap3A_223 = arith.constant 464 : index
    %swap3A_224 = tpu.vector_load %arg7[%swap3A_223] {strides = array<i32>} : memref<640xf32, #tpu.memory_space<vmem>>, vector<16xf32>,
    %swap3A_225 = vector.shape_cast %swap3A_224 : vector<16xf32> to vector<16xf32>
    %swap3A_226 = vector.shape_cast %broadcast_in_dim3A_222 : vector<16xf32> to vector<16xf32>
    tpu.vector_store %arg7[%swap3A_223], %swap3A_226 {strides = array<i32>} : memref<640xf32, #tpu.memory_space<vmem>>, vector<16xf32>,
    %broadcast_in_dim3A_227 = arith.constant 0.000000e+00 : f32
    %broadcast_in_dim3A_228 = vector.broadcast %broadcast_in_dim3A_227 : f32 to vector<16xf32>
    %swap3A_229 = arith.constant 480 : index
    %swap3A_230 = tpu.vector_load %arg7[%swap3A_229] {strides = array<i32>} : memref<640xf32, #tpu.memory_space<vmem>>, vector<16xf32>,
    %swap3A_231 = vector.shape_cast %swap3A_230 : vector<16xf32> to vector<16xf32>
    %swap3A_232 = vector.shape_cast %broadcast_in_dim3A_228 : vector<16xf32> to vector<16xf32>
    tpu.vector_store %arg7[%swap3A_229], %swap3A_232 {strides = array<i32>} : memref<640xf32, #tpu.memory_space<vmem>>, vector<16xf32>,
    %broadcast_in_dim3A_233 = arith.constant 0.000000e+00 : f32
    %broadcast_in_dim3A_234 = vector.broadcast %broadcast_in_dim3A_233 : f32 to vector<16xf32>
    %swap3A_235 = arith.constant 496 : index
    %swap3A_236 = tpu.vector_load %arg7[%swap3A_235] {strides = array<i32>} : memref<640xf32, #tpu.memory_space<vmem>>, vector<16xf32>,
    %swap3A_237 = vector.shape_cast %swap3A_236 : vector<16xf32> to vector<16xf32>
    %swap3A_238 = vector.shape_cast %broadcast_in_dim3A_234 : vector<16xf32> to vector<16xf32>
    tpu.vector_store %arg7[%swap3A_235], %swap3A_238 {strides = array<i32>} : memref<640xf32, #tpu.memory_space<vmem>>, vector<16xf32>,
    %broadcast_in_dim3A_239 = arith.constant 0.000000e+00 : f32
    %broadcast_in_dim3A_240 = vector.broadcast %broadcast_in_dim3A_239 : f32 to vector<16xf32>
    %swap3A_241 = arith.constant 512 : index
    %swap3A_242 = tpu.vector_load %arg7[%swap3A_241] {strides = array<i32>} : memref<640xf32, #tpu.memory_space<vmem>>, vector<16xf32>,
    %swap3A_243 = vector.shape_cast %swap3A_242 : vector<16xf32> to vector<16xf32>
    %swap3A_244 = vector.shape_cast %broadcast_in_dim3A_240 : vector<16xf32> to vector<16xf32>
    tpu.vector_store %arg7[%swap3A_241], %swap3A_244 {strides = array<i32>} : memref<640xf32, #tpu.memory_space<vmem>>, vector<16xf32>,
    %broadcast_in_dim3A_245 = arith.constant 0.000000e+00 : f32
    %broadcast_in_dim3A_246 = vector.broadcast %broadcast_in_dim3A_245 : f32 to vector<16xf32>
    %swap3A_247 = arith.constant 528 : index
    %swap3A_248 = tpu.vector_load %arg7[%swap3A_247] {strides = array<i32>} : memref<640xf32, #tpu.memory_space<vmem>>, vector<16xf32>,
    %swap3A_249 = vector.shape_cast %swap3A_248 : vector<16xf32> to vector<16xf32>
    %swap3A_250 = vector.shape_cast %broadcast_in_dim3A_246 : vector<16xf32> to vector<16xf32>
    tpu.vector_store %arg7[%swap3A_247], %swap3A_250 {strides = array<i32>} : memref<640xf32, #tpu.memory_space<vmem>>, vector<16xf32>,
    %broadcast_in_dim3A_251 = arith.constant 0.000000e+00 : f32
    %broadcast_in_dim3A_252 = vector.broadcast %broadcast_in_dim3A_251 : f32 to vector<16xf32>
    %swap3A_253 = arith.constant 544 : index
    %swap3A_254 = tpu.vector_load %arg7[%swap3A_253] {strides = array<i32>} : memref<640xf32, #tpu.memory_space<vmem>>, vector<16xf32>,
    %swap3A_255 = vector.shape_cast %swap3A_254 : vector<16xf32> to vector<16xf32>
    %swap3A_256 = vector.shape_cast %broadcast_in_dim3A_252 : vector<16xf32> to vector<16xf32>
    tpu.vector_store %arg7[%swap3A_253], %swap3A_256 {strides = array<i32>} : memref<640xf32, #tpu.memory_space<vmem>>, vector<16xf32>,
    %broadcast_in_dim3A_257 = arith.constant 0.000000e+00 : f32
    %broadcast_in_dim3A_258 = vector.broadcast %broadcast_in_dim3A_257 : f32 to vector<16xf32>
    %swap3A_259 = arith.constant 560 : index
    %swap3A_260 = tpu.vector_load %arg7[%swap3A_259] {strides = array<i32>} : memref<640xf32, #tpu.memory_space<vmem>>, vector<16xf32>,
    %swap3A_261 = vector.shape_cast %swap3A_260 : vector<16xf32> to vector<16xf32>
    %swap3A_262 = vector.shape_cast %broadcast_in_dim3A_258 : vector<16xf32> to vector<16xf32>
    tpu.vector_store %arg7[%swap3A_259], %swap3A_262 {strides = array<i32>} : memref<640xf32, #tpu.memory_space<vmem>>, vector<16xf32>,
    %broadcast_in_dim3A_263 = arith.constant 0.000000e+00 : f32
    %broadcast_in_dim3A_264 = vector.broadcast %broadcast_in_dim3A_263 : f32 to vector<16xf32>
    %swap3A_265 = arith.constant 576 : index
    %swap3A_266 = tpu.vector_load %arg7[%swap3A_265] {strides = array<i32>} : memref<640xf32, #tpu.memory_space<vmem>>, vector<16xf32>,
    %swap3A_267 = vector.shape_cast %swap3A_266 : vector<16xf32> to vector<16xf32>
    %swap3A_268 = vector.shape_cast %broadcast_in_dim3A_264 : vector<16xf32> to vector<16xf32>
    tpu.vector_store %arg7[%swap3A_265], %swap3A_268 {strides = array<i32>} : memref<640xf32, #tpu.memory_space<vmem>>, vector<16xf32>,
    %broadcast_in_dim3A_269 = arith.constant 0.000000e+00 : f32
    %broadcast_in_dim3A_270 = vector.broadcast %broadcast_in_dim3A_269 : f32 to vector<16xf32>
    %swap3A_271 = arith.constant 592 : index
    %swap3A_272 = tpu.vector_load %arg7[%swap3A_271] {strides = array<i32>} : memref<640xf32, #tpu.memory_space<vmem>>, vector<16xf32>,
    %swap3A_273 = vector.shape_cast %swap3A_272 : vector<16xf32> to vector<16xf32>
    %swap3A_274 = vector.shape_cast %broadcast_in_dim3A_270 : vector<16xf32> to vector<16xf32>
    tpu.vector_store %arg7[%swap3A_271], %swap3A_274 {strides = array<i32>} : memref<640xf32, #tpu.memory_space<vmem>>, vector<16xf32>,
    %broadcast_in_dim3A_275 = arith.constant 0.000000e+00 : f32
    %broadcast_in_dim3A_276 = vector.broadcast %broadcast_in_dim3A_275 : f32 to vector<16xf32>
    %swap3A_277 = arith.constant 608 : index
    %swap3A_278 = tpu.vector_load %arg7[%swap3A_277] {strides = array<i32>} : memref<640xf32, #tpu.memory_space<vmem>>, vector<16xf32>,
    %swap3A_279 = vector.shape_cast %swap3A_278 : vector<16xf32> to vector<16xf32>
    %swap3A_280 = vector.shape_cast %broadcast_in_dim3A_276 : vector<16xf32> to vector<16xf32>
    tpu.vector_store %arg7[%swap3A_277], %swap3A_280 {strides = array<i32>} : memref<640xf32, #tpu.memory_space<vmem>>, vector<16xf32>,
    %broadcast_in_dim3A_281 = arith.constant 0.000000e+00 : f32
    %broadcast_in_dim3A_282 = vector.broadcast %broadcast_in_dim3A_281 : f32 to vector<16xf32>
    %swap3A_283 = arith.constant 624 : index
    %swap3A_284 = tpu.vector_load %arg7[%swap3A_283] {strides = array<i32>} : memref<640xf32, #tpu.memory_space<vmem>>, vector<16xf32>,
    %swap3A_285 = vector.shape_cast %swap3A_284 : vector<16xf32> to vector<16xf32>
    %swap3A_286 = vector.shape_cast %broadcast_in_dim3A_282 : vector<16xf32> to vector<16xf32>
    tpu.vector_store %arg7[%swap3A_283], %swap3A_286 {strides = array<i32>} : memref<640xf32, #tpu.memory_space<vmem>>, vector<16xf32>,
    %mul3A_287 = arith.constant 640 : i32
    %mul3A_288 = arith.muli %arg1, %mul3A_287 : i32
    "tpu.region"() ({
      %run_scoped3A = tpu.sem_alloc : memref<!tpu.dma_semaphore, #tpu.memory_space<semaphore_mem>>
      %dma_start3A = tpu.memref_slice %arg8[%mul3A_288] : memref<10240xf32, #tpu.memory_space<vmem_shared>> -> memref<640xf32, #tpu.memory_space<vmem_shared>>
      %dma_start3A_326 = tpu.memref_slice %arg8[%mul3A_288] : memref<10240xf32, #tpu.memory_space<vmem_shared>> -> memref<640xf32, #tpu.memory_space<vmem_shared>>
      tpu.enqueue_dma source(%arg7 : memref<640xf32, #tpu.memory_space<vmem>>) target(%dma_start3A_326 : memref<640xf32, #tpu.memory_space<vmem_shared>>) target_semaphore(%run_scoped3A : memref<!tpu.dma_semaphore, #tpu.memory_space<semaphore_mem>>)
      %dma_wait3A = tpu.memref_slice %arg8[%mul3A_288] : memref<10240xf32, #tpu.memory_space<vmem_shared>> -> memref<640xf32, #tpu.memory_space<vmem_shared>>
      %dma_wait3A_327 = tpu.memref_slice %arg8[%mul3A_288] : memref<10240xf32, #tpu.memory_space<vmem_shared>> -> memref<640xf32, #tpu.memory_space<vmem_shared>>
      tpu.wait_dma2 semaphore(%run_scoped3A : memref<!tpu.dma_semaphore, #tpu.memory_space<semaphore_mem>>) src(%arg7 : memref<640xf32, #tpu.memory_space<vmem>>) dst(%dma_wait3A_327 : memref<640xf32, #tpu.memory_space<vmem_shared>>)
      tpu.yield
    }) : () -> ()
    %eq3A = arith.constant 0 : i32
    %eq3A_289 = arith.cmpi eq, %arg0, %eq3A : i32
    %mul3A_290 = arith.constant 80 : i32
    %mul3A_291 = arith.muli %arg1, %mul3A_290 : i32
    %mul3A_292 = arith.constant 80 : i32
    %mul3A_293 = arith.muli %arg1, %mul3A_292 : i32
    %add3A_294 = arith.constant 1280 : i32
    %add3A_295 = arith.addi %add3A_294, %mul3A_293 : i32
    %select_n3A = arith.select %eq3A_289, %mul3A_291, %add3A_295 : i32
    %eq3A_296 = arith.constant 0 : i32
    %eq3A_297 = arith.cmpi eq, %arg0, %eq3A_296 : i32
    %jit3A = arith.constant 80 : i32
    %jit3A_298 = arith.constant 80 : i32
    %select_n3A_299 = arith.select %eq3A_297, %jit3A, %jit3A_298 : i32
    %mul3A_300 = arith.constant 2 : i32
    %mul3A_301 = arith.muli %mul3A_300, %select_n3A_299 : i32
    %eq3A_302 = arith.constant 0 : i32
    %eq3A_303 = arith.cmpi eq, %arg0, %eq3A_302 : i32
    %convert_element_type3A = arith.extui %eq3A_303 : i1 to i32
    %cond3A = arith.constant 0 : i32
    %cond3A_304 = arith.cmpi ne, %convert_element_type3A, %cond3A : i32
    scf.if %cond3A_304 {
      "tpu.region"() ({
        %run_scoped3A = tpu.sem_alloc : memref<!tpu.dma_semaphore, #tpu.memory_space<semaphore_mem>>
        %dma_start3A = arith.constant 0 : i32
        %dma_start3A_326 = arith.constant 0 : i32
        %dma_start3A_327 = tpu.memref_slice %arg5[%dma_start3A, %dma_start3A_326] : memref<160x128xi32, #tpu.memory_space<vmem>> -> memref<80x128xi32, #tpu.memory_space<vmem>>
        %dma_start3A_328 = arith.constant 0 : i32
        %dma_start3A_329 = tpu.memref_slice %arg2[%select_n3A, %dma_start3A_328] : memref<2560x128xi32, #tpu.memory_space<hbm>> -> memref<80x128xi32, #tpu.memory_space<hbm>>
        %dma_start3A_330 = arith.constant 0 : i32
        %dma_start3A_331 = arith.constant 0 : i32
        %dma_start3A_332 = tpu.memref_slice %arg5[%dma_start3A_330, %dma_start3A_331] : memref<160x128xi32, #tpu.memory_space<vmem>> -> memref<80x128xi32, #tpu.memory_space<vmem>>
        %dma_start3A_333 = arith.constant 0 : i32
        %dma_start3A_334 = tpu.memref_slice %arg2[%select_n3A, %dma_start3A_333] : memref<2560x128xi32, #tpu.memory_space<hbm>> -> memref<80x128xi32, #tpu.memory_space<hbm>>
        tpu.enqueue_dma source(%dma_start3A_334 : memref<80x128xi32, #tpu.memory_space<hbm>>) target(%dma_start3A_332 : memref<80x128xi32, #tpu.memory_space<vmem>>) target_semaphore(%run_scoped3A : memref<!tpu.dma_semaphore, #tpu.memory_space<semaphore_mem>>)
        %dma_wait3A = arith.constant 0 : i32
        %dma_wait3A_335 = arith.constant 0 : i32
        %dma_wait3A_336 = tpu.memref_slice %arg5[%dma_wait3A, %dma_wait3A_335] : memref<160x128xi32, #tpu.memory_space<vmem>> -> memref<80x128xi32, #tpu.memory_space<vmem>>
        %dma_wait3A_337 = arith.constant 0 : i32
        %dma_wait3A_338 = tpu.memref_slice %arg2[%select_n3A, %dma_wait3A_337] : memref<2560x128xi32, #tpu.memory_space<hbm>> -> memref<80x128xi32, #tpu.memory_space<hbm>>
        %dma_wait3A_339 = arith.constant 0 : i32
        %dma_wait3A_340 = arith.constant 0 : i32
        %dma_wait3A_341 = tpu.memref_slice %arg5[%dma_wait3A_339, %dma_wait3A_340] : memref<160x128xi32, #tpu.memory_space<vmem>> -> memref<80x128xi32, #tpu.memory_space<vmem>>
        %dma_wait3A_342 = arith.constant 0 : i32
        %dma_wait3A_343 = tpu.memref_slice %arg2[%select_n3A, %dma_wait3A_342] : memref<2560x128xi32, #tpu.memory_space<hbm>> -> memref<80x128xi32, #tpu.memory_space<hbm>>
        tpu.wait_dma2 semaphore(%run_scoped3A : memref<!tpu.dma_semaphore, #tpu.memory_space<semaphore_mem>>) src(%dma_wait3A_343 : memref<80x128xi32, #tpu.memory_space<hbm>>) dst(%dma_wait3A_341 : memref<80x128xi32, #tpu.memory_space<vmem>>)
        tpu.yield
      }) : () -> ()
      "tpu.region"() ({
        %run_scoped3A = tpu.sem_alloc : memref<!tpu.dma_semaphore, #tpu.memory_space<semaphore_mem>>
        %dma_start3A = arith.constant 80 : i32
        %dma_start3A_326 = arith.constant 0 : i32
        %dma_start3A_327 = tpu.memref_slice %arg5[%dma_start3A, %dma_start3A_326] : memref<160x128xi32, #tpu.memory_space<vmem>> -> memref<80x128xi32, #tpu.memory_space<vmem>>
        %dma_start3A_328 = arith.constant 0 : i32
        %dma_start3A_329 = tpu.memref_slice %arg3[%select_n3A, %dma_start3A_328] : memref<2560x128xi32, #tpu.memory_space<hbm>> -> memref<80x128xi32, #tpu.memory_space<hbm>>
        %dma_start3A_330 = arith.constant 80 : i32
        %dma_start3A_331 = arith.constant 0 : i32
        %dma_start3A_332 = tpu.memref_slice %arg5[%dma_start3A_330, %dma_start3A_331] : memref<160x128xi32, #tpu.memory_space<vmem>> -> memref<80x128xi32, #tpu.memory_space<vmem>>
        %dma_start3A_333 = arith.constant 0 : i32
        %dma_start3A_334 = tpu.memref_slice %arg3[%select_n3A, %dma_start3A_333] : memref<2560x128xi32, #tpu.memory_space<hbm>> -> memref<80x128xi32, #tpu.memory_space<hbm>>
        tpu.enqueue_dma source(%dma_start3A_334 : memref<80x128xi32, #tpu.memory_space<hbm>>) target(%dma_start3A_332 : memref<80x128xi32, #tpu.memory_space<vmem>>) target_semaphore(%run_scoped3A : memref<!tpu.dma_semaphore, #tpu.memory_space<semaphore_mem>>)
        %dma_wait3A = arith.constant 80 : i32
        %dma_wait3A_335 = arith.constant 0 : i32
        %dma_wait3A_336 = tpu.memref_slice %arg5[%dma_wait3A, %dma_wait3A_335] : memref<160x128xi32, #tpu.memory_space<vmem>> -> memref<80x128xi32, #tpu.memory_space<vmem>>
        %dma_wait3A_337 = arith.constant 0 : i32
        %dma_wait3A_338 = tpu.memref_slice %arg3[%select_n3A, %dma_wait3A_337] : memref<2560x128xi32, #tpu.memory_space<hbm>> -> memref<80x128xi32, #tpu.memory_space<hbm>>
        %dma_wait3A_339 = arith.constant 80 : i32
        %dma_wait3A_340 = arith.constant 0 : i32
        %dma_wait3A_341 = tpu.memref_slice %arg5[%dma_wait3A_339, %dma_wait3A_340] : memref<160x128xi32, #tpu.memory_space<vmem>> -> memref<80x128xi32, #tpu.memory_space<vmem>>
        %dma_wait3A_342 = arith.constant 0 : i32
        %dma_wait3A_343 = tpu.memref_slice %arg3[%select_n3A, %dma_wait3A_342] : memref<2560x128xi32, #tpu.memory_space<hbm>> -> memref<80x128xi32, #tpu.memory_space<hbm>>
        tpu.wait_dma2 semaphore(%run_scoped3A : memref<!tpu.dma_semaphore, #tpu.memory_space<semaphore_mem>>) src(%dma_wait3A_343 : memref<80x128xi32, #tpu.memory_space<hbm>>) dst(%dma_wait3A_341 : memref<80x128xi32, #tpu.memory_space<vmem>>)
        tpu.yield
      }) : () -> ()
    } else {
    }
    %ne3A = arith.constant 0 : i32
    %ne3A_305 = arith.cmpi ne, %arg0, %ne3A : i32
    %convert_element_type3A_306 = arith.extui %ne3A_305 : i1 to i32
    %cond3A_307 = arith.constant 0 : i32
    %cond3A_308 = arith.cmpi ne, %convert_element_type3A_306, %cond3A_307 : i32
    scf.if %cond3A_308 {
      "tpu.region"() ({
        %run_scoped3A = tpu.sem_alloc : memref<!tpu.dma_semaphore, #tpu.memory_space<semaphore_mem>>
        %dma_start3A = arith.constant 0 : i32
        %dma_start3A_326 = arith.constant 0 : i32
        %dma_start3A_327 = tpu.memref_slice %arg5[%dma_start3A, %dma_start3A_326] : memref<160x128xi32, #tpu.memory_space<vmem>> -> memref<80x128xi32, #tpu.memory_space<vmem>>
        %dma_start3A_328 = arith.constant 0 : i32
        %dma_start3A_329 = tpu.memref_slice %arg2[%select_n3A, %dma_start3A_328] : memref<2560x128xi32, #tpu.memory_space<hbm>> -> memref<80x128xi32, #tpu.memory_space<hbm>>
        %dma_start3A_330 = arith.constant 0 : i32
        %dma_start3A_331 = arith.constant 0 : i32
        %dma_start3A_332 = tpu.memref_slice %arg5[%dma_start3A_330, %dma_start3A_331] : memref<160x128xi32, #tpu.memory_space<vmem>> -> memref<80x128xi32, #tpu.memory_space<vmem>>
        %dma_start3A_333 = arith.constant 0 : i32
        %dma_start3A_334 = tpu.memref_slice %arg2[%select_n3A, %dma_start3A_333] : memref<2560x128xi32, #tpu.memory_space<hbm>> -> memref<80x128xi32, #tpu.memory_space<hbm>>
        tpu.enqueue_dma source(%dma_start3A_334 : memref<80x128xi32, #tpu.memory_space<hbm>>) target(%dma_start3A_332 : memref<80x128xi32, #tpu.memory_space<vmem>>) target_semaphore(%run_scoped3A : memref<!tpu.dma_semaphore, #tpu.memory_space<semaphore_mem>>)
        %dma_wait3A = arith.constant 0 : i32
        %dma_wait3A_335 = arith.constant 0 : i32
        %dma_wait3A_336 = tpu.memref_slice %arg5[%dma_wait3A, %dma_wait3A_335] : memref<160x128xi32, #tpu.memory_space<vmem>> -> memref<80x128xi32, #tpu.memory_space<vmem>>
        %dma_wait3A_337 = arith.constant 0 : i32
        %dma_wait3A_338 = tpu.memref_slice %arg2[%select_n3A, %dma_wait3A_337] : memref<2560x128xi32, #tpu.memory_space<hbm>> -> memref<80x128xi32, #tpu.memory_space<hbm>>
        %dma_wait3A_339 = arith.constant 0 : i32
        %dma_wait3A_340 = arith.constant 0 : i32
        %dma_wait3A_341 = tpu.memref_slice %arg5[%dma_wait3A_339, %dma_wait3A_340] : memref<160x128xi32, #tpu.memory_space<vmem>> -> memref<80x128xi32, #tpu.memory_space<vmem>>
        %dma_wait3A_342 = arith.constant 0 : i32
        %dma_wait3A_343 = tpu.memref_slice %arg2[%select_n3A, %dma_wait3A_342] : memref<2560x128xi32, #tpu.memory_space<hbm>> -> memref<80x128xi32, #tpu.memory_space<hbm>>
        tpu.wait_dma2 semaphore(%run_scoped3A : memref<!tpu.dma_semaphore, #tpu.memory_space<semaphore_mem>>) src(%dma_wait3A_343 : memref<80x128xi32, #tpu.memory_space<hbm>>) dst(%dma_wait3A_341 : memref<80x128xi32, #tpu.memory_space<vmem>>)
        tpu.yield
      }) : () -> ()
      "tpu.region"() ({
        %run_scoped3A = tpu.sem_alloc : memref<!tpu.dma_semaphore, #tpu.memory_space<semaphore_mem>>
        %dma_start3A = arith.constant 80 : i32
        %dma_start3A_326 = arith.constant 0 : i32
        %dma_start3A_327 = tpu.memref_slice %arg5[%dma_start3A, %dma_start3A_326] : memref<160x128xi32, #tpu.memory_space<vmem>> -> memref<80x128xi32, #tpu.memory_space<vmem>>
        %dma_start3A_328 = arith.constant 0 : i32
        %dma_start3A_329 = tpu.memref_slice %arg3[%select_n3A, %dma_start3A_328] : memref<2560x128xi32, #tpu.memory_space<hbm>> -> memref<80x128xi32, #tpu.memory_space<hbm>>
        %dma_start3A_330 = arith.constant 80 : i32
        %dma_start3A_331 = arith.constant 0 : i32
        %dma_start3A_332 = tpu.memref_slice %arg5[%dma_start3A_330, %dma_start3A_331] : memref<160x128xi32, #tpu.memory_space<vmem>> -> memref<80x128xi32, #tpu.memory_space<vmem>>
        %dma_start3A_333 = arith.constant 0 : i32
        %dma_start3A_334 = tpu.memref_slice %arg3[%select_n3A, %dma_start3A_333] : memref<2560x128xi32, #tpu.memory_space<hbm>> -> memref<80x128xi32, #tpu.memory_space<hbm>>
        tpu.enqueue_dma source(%dma_start3A_334 : memref<80x128xi32, #tpu.memory_space<hbm>>) target(%dma_start3A_332 : memref<80x128xi32, #tpu.memory_space<vmem>>) target_semaphore(%run_scoped3A : memref<!tpu.dma_semaphore, #tpu.memory_space<semaphore_mem>>)
        %dma_wait3A = arith.constant 80 : i32
        %dma_wait3A_335 = arith.constant 0 : i32
        %dma_wait3A_336 = tpu.memref_slice %arg5[%dma_wait3A, %dma_wait3A_335] : memref<160x128xi32, #tpu.memory_space<vmem>> -> memref<80x128xi32, #tpu.memory_space<vmem>>
        %dma_wait3A_337 = arith.constant 0 : i32
        %dma_wait3A_338 = tpu.memref_slice %arg3[%select_n3A, %dma_wait3A_337] : memref<2560x128xi32, #tpu.memory_space<hbm>> -> memref<80x128xi32, #tpu.memory_space<hbm>>
        %dma_wait3A_339 = arith.constant 80 : i32
        %dma_wait3A_340 = arith.constant 0 : i32
        %dma_wait3A_341 = tpu.memref_slice %arg5[%dma_wait3A_339, %dma_wait3A_340] : memref<160x128xi32, #tpu.memory_space<vmem>> -> memref<80x128xi32, #tpu.memory_space<vmem>>
        %dma_wait3A_342 = arith.constant 0 : i32
        %dma_wait3A_343 = tpu.memref_slice %arg3[%select_n3A, %dma_wait3A_342] : memref<2560x128xi32, #tpu.memory_space<hbm>> -> memref<80x128xi32, #tpu.memory_space<hbm>>
        tpu.wait_dma2 semaphore(%run_scoped3A : memref<!tpu.dma_semaphore, #tpu.memory_space<semaphore_mem>>) src(%dma_wait3A_343 : memref<80x128xi32, #tpu.memory_space<hbm>>) dst(%dma_wait3A_341 : memref<80x128xi32, #tpu.memory_space<vmem>>)
        tpu.yield
      }) : () -> ()
    } else {
    }
    %barrier3A = arith.constant 0 : index
    tpu.barrier barrier_id(%barrier3A)
    %while3A = arith.constant 0 : i32
    %while3A_309 = arith.constant 0 : i32
    %while3A_310 = arith.subi %mul3A_301, %while3A_309 : i32
    %while3A_311 = arith.addi %while3A_309, %while3A_310 : i32
    %while3A_312 = arith.constant 1 : i32
    %while3A_313 = arith.divsi %while3A_310, %while3A_312 : i32
    %while3A_314 = arith.muli %while3A_313, %while3A_312 : i32
    %while3A_315 = arith.addi %while3A_309, %while3A_314 : i32
    %while3A_316 = arith.constant 1 : i32
    scf.for %while3A_326 = %while3A_309 to %while3A_315 step %while3A_316  : i32 {
      "tpu.region"() ({
        %run_scoped3A = tpu.sem_alloc : memref<!tpu.dma_semaphore, #tpu.memory_space<semaphore_mem>>
        %dma_start3A = arith.constant 0 : i32
        %dma_start3A_327 = tpu.memref_slice %arg5[%while3A_326, %dma_start3A] : memref<160x128xi32, #tpu.memory_space<vmem>> -> memref<1x128xi32, #tpu.memory_space<vmem>>
        %dma_start3A_328 = tpu.memref_squeeze %dma_start3A_327 : memref<1x128xi32, #tpu.memory_space<vmem>> -> memref<128xi32, #tpu.memory_space<vmem>>
        %dma_start3A_329 = arith.constant 0 : i32
        %dma_start3A_330 = tpu.memref_slice %arg8[%dma_start3A_329] : memref<10240xf32, #tpu.memory_space<vmem_shared>> -> memref<10240xf32, #tpu.memory_space<vmem_shared>>
        tpu.enqueue_indirect_dma source(%arg6 : memref<128xf32, #tpu.memory_space<vmem>>) target(%dma_start3A_330 : memref<10240xf32, #tpu.memory_space<vmem_shared>>) offsets(%dma_start3A_328 : memref<128xi32, #tpu.memory_space<vmem>>) semaphore(%run_scoped3A : memref<!tpu.dma_semaphore, #tpu.memory_space<semaphore_mem>>) {add = true}
        %dma_wait3A = arith.constant 0 : i32
        %dma_wait3A_331 = tpu.memref_slice %arg5[%while3A_326, %dma_wait3A] : memref<160x128xi32, #tpu.memory_space<vmem>> -> memref<1x128xi32, #tpu.memory_space<vmem>>
        %dma_wait3A_332 = tpu.memref_squeeze %dma_wait3A_331 : memref<1x128xi32, #tpu.memory_space<vmem>> -> memref<128xi32, #tpu.memory_space<vmem>>
        %dma_wait3A_333 = arith.constant 0 : i32
        %dma_wait3A_334 = tpu.memref_slice %arg8[%dma_wait3A_333] : memref<10240xf32, #tpu.memory_space<vmem_shared>> -> memref<10240xf32, #tpu.memory_space<vmem_shared>>
        tpu.wait_indirect_dma semaphore(%run_scoped3A : memref<!tpu.dma_semaphore, #tpu.memory_space<semaphore_mem>>) src(%arg6 : memref<128xf32, #tpu.memory_space<vmem>>) dst(%dma_wait3A_334 : memref<10240xf32, #tpu.memory_space<vmem_shared>>)
        tpu.yield
      }) : () -> ()
    }
    %while3A_317 = arith.constant 1 : i32
    scf.for %while3A_326 = %while3A_315 to %while3A_311 step %while3A_317  : i32 {
      "tpu.region"() ({
        %run_scoped3A = tpu.sem_alloc : memref<!tpu.dma_semaphore, #tpu.memory_space<semaphore_mem>>
        %dma_start3A = arith.constant 0 : i32
        %dma_start3A_327 = tpu.memref_slice %arg5[%while3A_326, %dma_start3A] : memref<160x128xi32, #tpu.memory_space<vmem>> -> memref<1x128xi32, #tpu.memory_space<vmem>>
        %dma_start3A_328 = tpu.memref_squeeze %dma_start3A_327 : memref<1x128xi32, #tpu.memory_space<vmem>> -> memref<128xi32, #tpu.memory_space<vmem>>
        %dma_start3A_329 = arith.constant 0 : i32
        %dma_start3A_330 = tpu.memref_slice %arg8[%dma_start3A_329] : memref<10240xf32, #tpu.memory_space<vmem_shared>> -> memref<10240xf32, #tpu.memory_space<vmem_shared>>
        tpu.enqueue_indirect_dma source(%arg6 : memref<128xf32, #tpu.memory_space<vmem>>) target(%dma_start3A_330 : memref<10240xf32, #tpu.memory_space<vmem_shared>>) offsets(%dma_start3A_328 : memref<128xi32, #tpu.memory_space<vmem>>) semaphore(%run_scoped3A : memref<!tpu.dma_semaphore, #tpu.memory_space<semaphore_mem>>) {add = true}
        %dma_wait3A = arith.constant 0 : i32
        %dma_wait3A_331 = tpu.memref_slice %arg5[%while3A_326, %dma_wait3A] : memref<160x128xi32, #tpu.memory_space<vmem>> -> memref<1x128xi32, #tpu.memory_space<vmem>>
        %dma_wait3A_332 = tpu.memref_squeeze %dma_wait3A_331 : memref<1x128xi32, #tpu.memory_space<vmem>> -> memref<128xi32, #tpu.memory_space<vmem>>
        %dma_wait3A_333 = arith.constant 0 : i32
        %dma_wait3A_334 = tpu.memref_slice %arg8[%dma_wait3A_333] : memref<10240xf32, #tpu.memory_space<vmem_shared>> -> memref<10240xf32, #tpu.memory_space<vmem_shared>>
        tpu.wait_indirect_dma semaphore(%run_scoped3A : memref<!tpu.dma_semaphore, #tpu.memory_space<semaphore_mem>>) src(%arg6 : memref<128xf32, #tpu.memory_space<vmem>>) dst(%dma_wait3A_334 : memref<10240xf32, #tpu.memory_space<vmem_shared>>)
        tpu.yield
      }) : () -> ()
    }
    %barrier3A_318 = arith.constant 0 : index
    tpu.barrier barrier_id(%barrier3A_318)
    %mul3A_319 = arith.constant 640 : i32
    %mul3A_320 = arith.muli %arg1, %mul3A_319 : i32
    "tpu.region"() ({
      %run_scoped3A = tpu.sem_alloc : memref<!tpu.dma_semaphore, #tpu.memory_space<semaphore_mem>>
      %dma_start3A = tpu.memref_slice %arg8[%mul3A_320] : memref<10240xf32, #tpu.memory_space<vmem_shared>> -> memref<640xf32, #tpu.memory_space<vmem_shared>>
      %dma_start3A_326 = tpu.memref_slice %arg8[%mul3A_320] : memref<10240xf32, #tpu.memory_space<vmem_shared>> -> memref<640xf32, #tpu.memory_space<vmem_shared>>
      tpu.enqueue_dma source(%dma_start3A_326 : memref<640xf32, #tpu.memory_space<vmem_shared>>) target(%arg7 : memref<640xf32, #tpu.memory_space<vmem>>) target_semaphore(%run_scoped3A : memref<!tpu.dma_semaphore, #tpu.memory_space<semaphore_mem>>)
      %dma_wait3A = tpu.memref_slice %arg8[%mul3A_320] : memref<10240xf32, #tpu.memory_space<vmem_shared>> -> memref<640xf32, #tpu.memory_space<vmem_shared>>
      %dma_wait3A_327 = tpu.memref_slice %arg8[%mul3A_320] : memref<10240xf32, #tpu.memory_space<vmem_shared>> -> memref<640xf32, #tpu.memory_space<vmem_shared>>
      tpu.wait_dma2 semaphore(%run_scoped3A : memref<!tpu.dma_semaphore, #tpu.memory_space<semaphore_mem>>) src(%dma_wait3A_327 : memref<640xf32, #tpu.memory_space<vmem_shared>>) dst(%arg7 : memref<640xf32, #tpu.memory_space<vmem>>)
      tpu.yield
    }) : () -> ()
    %mul3A_321 = arith.constant 10240 : i32
    %mul3A_322 = arith.muli %arg0, %mul3A_321 : i32
    %mul3A_323 = arith.constant 640 : i32
    %mul3A_324 = arith.muli %arg1, %mul3A_323 : i32
    %add3A_325 = arith.addi %mul3A_322, %mul3A_324 : i32
    "tpu.region"() ({
      %run_scoped3A = tpu.sem_alloc : memref<!tpu.dma_semaphore, #tpu.memory_space<semaphore_mem>>
      %dma_start3A = tpu.memref_slice %arg4[%add3A_325] : memref<20480xf32, #tpu.memory_space<hbm>> -> memref<640xf32, #tpu.memory_space<hbm>>
      %dma_start3A_326 = tpu.memref_slice %arg4[%add3A_325] : memref<20480xf32, #tpu.memory_space<hbm>> -> memref<640xf32, #tpu.memory_space<hbm>>
      tpu.enqueue_dma source(%arg7 : memref<640xf32, #tpu.memory_space<vmem>>) target(%dma_start3A_326 : memref<640xf32, #tpu.memory_space<hbm>>) target_semaphore(%run_scoped3A : memref<!tpu.dma_semaphore, #tpu.memory_space<semaphore_mem>>)
      %dma_wait3A = tpu.memref_slice %arg4[%add3A_325] : memref<20480xf32, #tpu.memory_space<hbm>> -> memref<640xf32, #tpu.memory_space<hbm>>
      %dma_wait3A_327 = tpu.memref_slice %arg4[%add3A_325] : memref<20480xf32, #tpu.memory_space<hbm>> -> memref<640xf32, #tpu.memory_space<hbm>>
      tpu.wait_dma2 semaphore(%run_scoped3A : memref<!tpu.dma_semaphore, #tpu.memory_space<semaphore_mem>>) src(%arg7 : memref<640xf32, #tpu.memory_space<vmem>>) dst(%dma_wait3A_327 : memref<640xf32, #tpu.memory_space<hbm>>)
      tpu.yield
    }) : () -> ()
    return
  }
}

#map = affine_map<(d0, d1) -> (0, 0)>
#map1 = affine_map<(d0, d1) -> (0, 0, 0)>
module attributes {stable_mosaic.version = 14 : i64} {
  func.func @_msg_body(%arg0: i32, %arg1: i32, %arg2: memref<10240x64xf32, #tpu.memory_space<hbm>>, %arg3: memref<2560x128xi32, #tpu.memory_space<hbm>>, %arg4: memref<2560x128xi32, #tpu.memory_space<hbm>>, %arg5: memref<2x10240x64xf32, #tpu.memory_space<hbm>>, %arg6: memref<2x8x128xi32, #tpu.memory_space<vmem>>, %arg7: memref<2x8x128xi32, #tpu.memory_space<vmem>>, %arg8: memref<128x64xf32, #tpu.memory_space<vmem>>, %arg9: memref<128x64xf32, #tpu.memory_space<vmem>>, %arg10: memref<!tpu.dma_semaphore, #tpu.memory_space<semaphore_mem>>, %arg11: memref<!tpu.dma_semaphore, #tpu.memory_space<semaphore_mem>>, %arg12: memref<10240x64xf32, #tpu.memory_space<vmem_shared>>) attributes {dimension_semantics = [#tpu.dimension_semantics<core_parallel>, #tpu.dimension_semantics<subcore_parallel>], iteration_bounds = array<i64: 2, 16>, scalar_prefetch = 0 : i64, scratch_operands = 7 : i64, tpu.core_type = #tpu.core_type<sc_vector_subcore>, window_params = [{transform_indices = #map}, {transform_indices = #map}, {transform_indices = #map}, {transform_indices = #map1}]} {
    %mul3A = arith.constant 2 : i32
    %mul3A_0 = arith.muli %arg1, %mul3A : i32
    %add3A = arith.addi %mul3A_0, %arg0 : i32
    %eq3A = arith.constant 0 : i32
    %eq3A_1 = arith.cmpi eq, %arg0, %eq3A : i32
    %mul3A_2 = arith.constant 80 : i32
    %mul3A_3 = arith.muli %arg1, %mul3A_2 : i32
    %mul3A_4 = arith.constant 80 : i32
    %mul3A_5 = arith.muli %arg1, %mul3A_4 : i32
    %add3A_6 = arith.constant 1280 : i32
    %add3A_7 = arith.addi %add3A_6, %mul3A_5 : i32
    %select_n3A = arith.select %eq3A_1, %mul3A_3, %add3A_7 : i32
    %eq3A_8 = arith.constant 0 : i32
    %eq3A_9 = arith.cmpi eq, %arg0, %eq3A_8 : i32
    %jit3A = arith.constant 10 : i32
    %jit3A_10 = arith.constant 10 : i32
    %select_n3A_11 = arith.select %eq3A_9, %jit3A, %jit3A_10 : i32
    %scan3A = arith.constant 0 : i32
    %scan3A_12 = arith.constant 0 : i32
    %scan3A_13 = arith.constant 128 : i32
    %scan3A_14 = arith.addi %scan3A_12, %scan3A_13 : i32
    %scan3A_15 = arith.constant 1 : i32
    scf.for %scan3A_74 = %scan3A_12 to %scan3A_14 step %scan3A_15  : i32 {
      %broadcast_in_dim3A = arith.constant 0.000000e+00 : f32
      %broadcast_in_dim3A_75 = vector.broadcast %broadcast_in_dim3A : f32 to vector<16xf32>
      %swap3A = arith.index_cast %scan3A_74 : i32 to index
      %swap3A_76 = arith.constant 0 : index
      %swap3A_77 = tpu.vector_load %arg8[%swap3A, %swap3A_76] {strides = array<i32>} : memref<128x64xf32, #tpu.memory_space<vmem>>, vector<1x16xf32>,
      %swap3A_78 = vector.shape_cast %swap3A_77 : vector<1x16xf32> to vector<16xf32>
      %swap3A_79 = vector.shape_cast %broadcast_in_dim3A_75 : vector<16xf32> to vector<1x16xf32>
      tpu.vector_store %arg8[%swap3A, %swap3A_76], %swap3A_79 {strides = array<i32>} : memref<128x64xf32, #tpu.memory_space<vmem>>, vector<1x16xf32>,
      %broadcast_in_dim3A_80 = arith.constant 0.000000e+00 : f32
      %broadcast_in_dim3A_81 = vector.broadcast %broadcast_in_dim3A_80 : f32 to vector<16xf32>
      %swap3A_82 = arith.index_cast %scan3A_74 : i32 to index
      %swap3A_83 = arith.constant 16 : index
      %swap3A_84 = tpu.vector_load %arg8[%swap3A_82, %swap3A_83] {strides = array<i32>} : memref<128x64xf32, #tpu.memory_space<vmem>>, vector<1x16xf32>,
      %swap3A_85 = vector.shape_cast %swap3A_84 : vector<1x16xf32> to vector<16xf32>
      %swap3A_86 = vector.shape_cast %broadcast_in_dim3A_81 : vector<16xf32> to vector<1x16xf32>
      tpu.vector_store %arg8[%swap3A_82, %swap3A_83], %swap3A_86 {strides = array<i32>} : memref<128x64xf32, #tpu.memory_space<vmem>>, vector<1x16xf32>,
      %broadcast_in_dim3A_87 = arith.constant 0.000000e+00 : f32
      %broadcast_in_dim3A_88 = vector.broadcast %broadcast_in_dim3A_87 : f32 to vector<16xf32>
      %swap3A_89 = arith.index_cast %scan3A_74 : i32 to index
      %swap3A_90 = arith.constant 32 : index
      %swap3A_91 = tpu.vector_load %arg8[%swap3A_89, %swap3A_90] {strides = array<i32>} : memref<128x64xf32, #tpu.memory_space<vmem>>, vector<1x16xf32>,
      %swap3A_92 = vector.shape_cast %swap3A_91 : vector<1x16xf32> to vector<16xf32>
      %swap3A_93 = vector.shape_cast %broadcast_in_dim3A_88 : vector<16xf32> to vector<1x16xf32>
      tpu.vector_store %arg8[%swap3A_89, %swap3A_90], %swap3A_93 {strides = array<i32>} : memref<128x64xf32, #tpu.memory_space<vmem>>, vector<1x16xf32>,
      %broadcast_in_dim3A_94 = arith.constant 0.000000e+00 : f32
      %broadcast_in_dim3A_95 = vector.broadcast %broadcast_in_dim3A_94 : f32 to vector<16xf32>
      %swap3A_96 = arith.index_cast %scan3A_74 : i32 to index
      %swap3A_97 = arith.constant 48 : index
      %swap3A_98 = tpu.vector_load %arg8[%swap3A_96, %swap3A_97] {strides = array<i32>} : memref<128x64xf32, #tpu.memory_space<vmem>>, vector<1x16xf32>,
      %swap3A_99 = vector.shape_cast %swap3A_98 : vector<1x16xf32> to vector<16xf32>
      %swap3A_100 = vector.shape_cast %broadcast_in_dim3A_95 : vector<16xf32> to vector<1x16xf32>
      tpu.vector_store %arg8[%swap3A_96, %swap3A_97], %swap3A_100 {strides = array<i32>} : memref<128x64xf32, #tpu.memory_space<vmem>>, vector<1x16xf32>,
    }
    %scan3A_16 = arith.constant 128 : i32
    %mul3A_17 = arith.constant 640 : i32
    %mul3A_18 = arith.muli %arg1, %mul3A_17 : i32
    %add3A_19 = arith.constant 0 : i32
    %add3A_20 = arith.addi %mul3A_18, %add3A_19 : i32
    "tpu.region"() ({
      %run_scoped3A = tpu.sem_alloc : memref<!tpu.dma_semaphore, #tpu.memory_space<semaphore_mem>>
      %dma_start3A = arith.constant 0 : i32
      %dma_start3A_74 = tpu.memref_slice %arg12[%add3A_20, %dma_start3A] : memref<10240x64xf32, #tpu.memory_space<vmem_shared>> -> memref<128x64xf32, #tpu.memory_space<vmem_shared>>
      %dma_start3A_75 = arith.constant 0 : i32
      %dma_start3A_76 = tpu.memref_slice %arg12[%add3A_20, %dma_start3A_75] : memref<10240x64xf32, #tpu.memory_space<vmem_shared>> -> memref<128x64xf32, #tpu.memory_space<vmem_shared>>
      tpu.enqueue_dma source(%arg8 : memref<128x64xf32, #tpu.memory_space<vmem>>) target(%dma_start3A_76 : memref<128x64xf32, #tpu.memory_space<vmem_shared>>) target_semaphore(%run_scoped3A : memref<!tpu.dma_semaphore, #tpu.memory_space<semaphore_mem>>)
      %dma_wait3A = arith.constant 0 : i32
      %dma_wait3A_77 = tpu.memref_slice %arg12[%add3A_20, %dma_wait3A] : memref<10240x64xf32, #tpu.memory_space<vmem_shared>> -> memref<128x64xf32, #tpu.memory_space<vmem_shared>>
      %dma_wait3A_78 = arith.constant 0 : i32
      %dma_wait3A_79 = tpu.memref_slice %arg12[%add3A_20, %dma_wait3A_78] : memref<10240x64xf32, #tpu.memory_space<vmem_shared>> -> memref<128x64xf32, #tpu.memory_space<vmem_shared>>
      tpu.wait_dma2 semaphore(%run_scoped3A : memref<!tpu.dma_semaphore, #tpu.memory_space<semaphore_mem>>) src(%arg8 : memref<128x64xf32, #tpu.memory_space<vmem>>) dst(%dma_wait3A_79 : memref<128x64xf32, #tpu.memory_space<vmem_shared>>)
      tpu.yield
    }) : () -> ()
    %mul3A_21 = arith.constant 640 : i32
    %mul3A_22 = arith.muli %arg1, %mul3A_21 : i32
    %add3A_23 = arith.constant 128 : i32
    %add3A_24 = arith.addi %mul3A_22, %add3A_23 : i32
    "tpu.region"() ({
      %run_scoped3A = tpu.sem_alloc : memref<!tpu.dma_semaphore, #tpu.memory_space<semaphore_mem>>
      %dma_start3A = arith.constant 0 : i32
      %dma_start3A_74 = tpu.memref_slice %arg12[%add3A_24, %dma_start3A] : memref<10240x64xf32, #tpu.memory_space<vmem_shared>> -> memref<128x64xf32, #tpu.memory_space<vmem_shared>>
      %dma_start3A_75 = arith.constant 0 : i32
      %dma_start3A_76 = tpu.memref_slice %arg12[%add3A_24, %dma_start3A_75] : memref<10240x64xf32, #tpu.memory_space<vmem_shared>> -> memref<128x64xf32, #tpu.memory_space<vmem_shared>>
      tpu.enqueue_dma source(%arg8 : memref<128x64xf32, #tpu.memory_space<vmem>>) target(%dma_start3A_76 : memref<128x64xf32, #tpu.memory_space<vmem_shared>>) target_semaphore(%run_scoped3A : memref<!tpu.dma_semaphore, #tpu.memory_space<semaphore_mem>>)
      %dma_wait3A = arith.constant 0 : i32
      %dma_wait3A_77 = tpu.memref_slice %arg12[%add3A_24, %dma_wait3A] : memref<10240x64xf32, #tpu.memory_space<vmem_shared>> -> memref<128x64xf32, #tpu.memory_space<vmem_shared>>
      %dma_wait3A_78 = arith.constant 0 : i32
      %dma_wait3A_79 = tpu.memref_slice %arg12[%add3A_24, %dma_wait3A_78] : memref<10240x64xf32, #tpu.memory_space<vmem_shared>> -> memref<128x64xf32, #tpu.memory_space<vmem_shared>>
      tpu.wait_dma2 semaphore(%run_scoped3A : memref<!tpu.dma_semaphore, #tpu.memory_space<semaphore_mem>>) src(%arg8 : memref<128x64xf32, #tpu.memory_space<vmem>>) dst(%dma_wait3A_79 : memref<128x64xf32, #tpu.memory_space<vmem_shared>>)
      tpu.yield
    }) : () -> ()
    %mul3A_25 = arith.constant 640 : i32
    %mul3A_26 = arith.muli %arg1, %mul3A_25 : i32
    %add3A_27 = arith.constant 256 : i32
    %add3A_28 = arith.addi %mul3A_26, %add3A_27 : i32
    "tpu.region"() ({
      %run_scoped3A = tpu.sem_alloc : memref<!tpu.dma_semaphore, #tpu.memory_space<semaphore_mem>>
      %dma_start3A = arith.constant 0 : i32
      %dma_start3A_74 = tpu.memref_slice %arg12[%add3A_28, %dma_start3A] : memref<10240x64xf32, #tpu.memory_space<vmem_shared>> -> memref<128x64xf32, #tpu.memory_space<vmem_shared>>
      %dma_start3A_75 = arith.constant 0 : i32
      %dma_start3A_76 = tpu.memref_slice %arg12[%add3A_28, %dma_start3A_75] : memref<10240x64xf32, #tpu.memory_space<vmem_shared>> -> memref<128x64xf32, #tpu.memory_space<vmem_shared>>
      tpu.enqueue_dma source(%arg8 : memref<128x64xf32, #tpu.memory_space<vmem>>) target(%dma_start3A_76 : memref<128x64xf32, #tpu.memory_space<vmem_shared>>) target_semaphore(%run_scoped3A : memref<!tpu.dma_semaphore, #tpu.memory_space<semaphore_mem>>)
      %dma_wait3A = arith.constant 0 : i32
      %dma_wait3A_77 = tpu.memref_slice %arg12[%add3A_28, %dma_wait3A] : memref<10240x64xf32, #tpu.memory_space<vmem_shared>> -> memref<128x64xf32, #tpu.memory_space<vmem_shared>>
      %dma_wait3A_78 = arith.constant 0 : i32
      %dma_wait3A_79 = tpu.memref_slice %arg12[%add3A_28, %dma_wait3A_78] : memref<10240x64xf32, #tpu.memory_space<vmem_shared>> -> memref<128x64xf32, #tpu.memory_space<vmem_shared>>
      tpu.wait_dma2 semaphore(%run_scoped3A : memref<!tpu.dma_semaphore, #tpu.memory_space<semaphore_mem>>) src(%arg8 : memref<128x64xf32, #tpu.memory_space<vmem>>) dst(%dma_wait3A_79 : memref<128x64xf32, #tpu.memory_space<vmem_shared>>)
      tpu.yield
    }) : () -> ()
    %mul3A_29 = arith.constant 640 : i32
    %mul3A_30 = arith.muli %arg1, %mul3A_29 : i32
    %add3A_31 = arith.constant 384 : i32
    %add3A_32 = arith.addi %mul3A_30, %add3A_31 : i32
    "tpu.region"() ({
      %run_scoped3A = tpu.sem_alloc : memref<!tpu.dma_semaphore, #tpu.memory_space<semaphore_mem>>
      %dma_start3A = arith.constant 0 : i32
      %dma_start3A_74 = tpu.memref_slice %arg12[%add3A_32, %dma_start3A] : memref<10240x64xf32, #tpu.memory_space<vmem_shared>> -> memref<128x64xf32, #tpu.memory_space<vmem_shared>>
      %dma_start3A_75 = arith.constant 0 : i32
      %dma_start3A_76 = tpu.memref_slice %arg12[%add3A_32, %dma_start3A_75] : memref<10240x64xf32, #tpu.memory_space<vmem_shared>> -> memref<128x64xf32, #tpu.memory_space<vmem_shared>>
      tpu.enqueue_dma source(%arg8 : memref<128x64xf32, #tpu.memory_space<vmem>>) target(%dma_start3A_76 : memref<128x64xf32, #tpu.memory_space<vmem_shared>>) target_semaphore(%run_scoped3A : memref<!tpu.dma_semaphore, #tpu.memory_space<semaphore_mem>>)
      %dma_wait3A = arith.constant 0 : i32
      %dma_wait3A_77 = tpu.memref_slice %arg12[%add3A_32, %dma_wait3A] : memref<10240x64xf32, #tpu.memory_space<vmem_shared>> -> memref<128x64xf32, #tpu.memory_space<vmem_shared>>
      %dma_wait3A_78 = arith.constant 0 : i32
      %dma_wait3A_79 = tpu.memref_slice %arg12[%add3A_32, %dma_wait3A_78] : memref<10240x64xf32, #tpu.memory_space<vmem_shared>> -> memref<128x64xf32, #tpu.memory_space<vmem_shared>>
      tpu.wait_dma2 semaphore(%run_scoped3A : memref<!tpu.dma_semaphore, #tpu.memory_space<semaphore_mem>>) src(%arg8 : memref<128x64xf32, #tpu.memory_space<vmem>>) dst(%dma_wait3A_79 : memref<128x64xf32, #tpu.memory_space<vmem_shared>>)
      tpu.yield
    }) : () -> ()
    %mul3A_33 = arith.constant 640 : i32
    %mul3A_34 = arith.muli %arg1, %mul3A_33 : i32
    %add3A_35 = arith.constant 512 : i32
    %add3A_36 = arith.addi %mul3A_34, %add3A_35 : i32
    "tpu.region"() ({
      %run_scoped3A = tpu.sem_alloc : memref<!tpu.dma_semaphore, #tpu.memory_space<semaphore_mem>>
      %dma_start3A = arith.constant 0 : i32
      %dma_start3A_74 = tpu.memref_slice %arg12[%add3A_36, %dma_start3A] : memref<10240x64xf32, #tpu.memory_space<vmem_shared>> -> memref<128x64xf32, #tpu.memory_space<vmem_shared>>
      %dma_start3A_75 = arith.constant 0 : i32
      %dma_start3A_76 = tpu.memref_slice %arg12[%add3A_36, %dma_start3A_75] : memref<10240x64xf32, #tpu.memory_space<vmem_shared>> -> memref<128x64xf32, #tpu.memory_space<vmem_shared>>
      tpu.enqueue_dma source(%arg8 : memref<128x64xf32, #tpu.memory_space<vmem>>) target(%dma_start3A_76 : memref<128x64xf32, #tpu.memory_space<vmem_shared>>) target_semaphore(%run_scoped3A : memref<!tpu.dma_semaphore, #tpu.memory_space<semaphore_mem>>)
      %dma_wait3A = arith.constant 0 : i32
      %dma_wait3A_77 = tpu.memref_slice %arg12[%add3A_36, %dma_wait3A] : memref<10240x64xf32, #tpu.memory_space<vmem_shared>> -> memref<128x64xf32, #tpu.memory_space<vmem_shared>>
      %dma_wait3A_78 = arith.constant 0 : i32
      %dma_wait3A_79 = tpu.memref_slice %arg12[%add3A_36, %dma_wait3A_78] : memref<10240x64xf32, #tpu.memory_space<vmem_shared>> -> memref<128x64xf32, #tpu.memory_space<vmem_shared>>
      tpu.wait_dma2 semaphore(%run_scoped3A : memref<!tpu.dma_semaphore, #tpu.memory_space<semaphore_mem>>) src(%arg8 : memref<128x64xf32, #tpu.memory_space<vmem>>) dst(%dma_wait3A_79 : memref<128x64xf32, #tpu.memory_space<vmem_shared>>)
      tpu.yield
    }) : () -> ()
    %gt3A = arith.constant 0 : i32
    %gt3A_37 = arith.cmpi sgt, %select_n3A_11, %gt3A : i32
    %convert_element_type3A = arith.extui %gt3A_37 : i1 to i32
    %cond3A = arith.constant 0 : i32
    %cond3A_38 = arith.cmpi ne, %convert_element_type3A, %cond3A : i32
    scf.if %cond3A_38 {
      %run_scoped3A = arith.constant 0 : i32
      "tpu.region"() ({
        %run_scoped3A_75 = tpu.sem_alloc : memref<!tpu.dma_semaphore, #tpu.memory_space<semaphore_mem>>
        %dma_start3A = arith.constant 0 : i32
        %dma_start3A_76 = arith.constant 0 : i32
        %dma_start3A_77 = tpu.memref_slice %arg6[%run_scoped3A, %dma_start3A, %dma_start3A_76] : memref<2x8x128xi32, #tpu.memory_space<vmem>> -> memref<1x8x128xi32, #tpu.memory_space<vmem>>
        %dma_start3A_78 = tpu.memref_squeeze %dma_start3A_77 : memref<1x8x128xi32, #tpu.memory_space<vmem>> -> memref<8x128xi32, #tpu.memory_space<vmem>>
        %dma_start3A_79 = arith.constant 0 : i32
        %dma_start3A_80 = tpu.memref_slice %arg3[%select_n3A, %dma_start3A_79] : memref<2560x128xi32, #tpu.memory_space<hbm>> -> memref<8x128xi32, #tpu.memory_space<hbm>>
        %dma_start3A_81 = arith.constant 0 : i32
        %dma_start3A_82 = arith.constant 0 : i32
        %dma_start3A_83 = tpu.memref_slice %arg6[%run_scoped3A, %dma_start3A_81, %dma_start3A_82] : memref<2x8x128xi32, #tpu.memory_space<vmem>> -> memref<1x8x128xi32, #tpu.memory_space<vmem>>
        %dma_start3A_84 = tpu.memref_squeeze %dma_start3A_83 : memref<1x8x128xi32, #tpu.memory_space<vmem>> -> memref<8x128xi32, #tpu.memory_space<vmem>>
        %dma_start3A_85 = arith.constant 0 : i32
        %dma_start3A_86 = tpu.memref_slice %arg3[%select_n3A, %dma_start3A_85] : memref<2560x128xi32, #tpu.memory_space<hbm>> -> memref<8x128xi32, #tpu.memory_space<hbm>>
        tpu.enqueue_dma source(%dma_start3A_86 : memref<8x128xi32, #tpu.memory_space<hbm>>) target(%dma_start3A_84 : memref<8x128xi32, #tpu.memory_space<vmem>>) target_semaphore(%run_scoped3A_75 : memref<!tpu.dma_semaphore, #tpu.memory_space<semaphore_mem>>)
        %dma_wait3A = arith.constant 0 : i32
        %dma_wait3A_87 = arith.constant 0 : i32
        %dma_wait3A_88 = tpu.memref_slice %arg6[%run_scoped3A, %dma_wait3A, %dma_wait3A_87] : memref<2x8x128xi32, #tpu.memory_space<vmem>> -> memref<1x8x128xi32, #tpu.memory_space<vmem>>
        %dma_wait3A_89 = tpu.memref_squeeze %dma_wait3A_88 : memref<1x8x128xi32, #tpu.memory_space<vmem>> -> memref<8x128xi32, #tpu.memory_space<vmem>>
        %dma_wait3A_90 = arith.constant 0 : i32
        %dma_wait3A_91 = tpu.memref_slice %arg3[%select_n3A, %dma_wait3A_90] : memref<2560x128xi32, #tpu.memory_space<hbm>> -> memref<8x128xi32, #tpu.memory_space<hbm>>
        %dma_wait3A_92 = arith.constant 0 : i32
        %dma_wait3A_93 = arith.constant 0 : i32
        %dma_wait3A_94 = tpu.memref_slice %arg6[%run_scoped3A, %dma_wait3A_92, %dma_wait3A_93] : memref<2x8x128xi32, #tpu.memory_space<vmem>> -> memref<1x8x128xi32, #tpu.memory_space<vmem>>
        %dma_wait3A_95 = tpu.memref_squeeze %dma_wait3A_94 : memref<1x8x128xi32, #tpu.memory_space<vmem>> -> memref<8x128xi32, #tpu.memory_space<vmem>>
        %dma_wait3A_96 = arith.constant 0 : i32
        %dma_wait3A_97 = tpu.memref_slice %arg3[%select_n3A, %dma_wait3A_96] : memref<2560x128xi32, #tpu.memory_space<hbm>> -> memref<8x128xi32, #tpu.memory_space<hbm>>
        tpu.wait_dma2 semaphore(%run_scoped3A_75 : memref<!tpu.dma_semaphore, #tpu.memory_space<semaphore_mem>>) src(%dma_wait3A_97 : memref<8x128xi32, #tpu.memory_space<hbm>>) dst(%dma_wait3A_95 : memref<8x128xi32, #tpu.memory_space<vmem>>)
        tpu.yield
      }) : () -> ()
      %run_scoped3A_74 = arith.constant 0 : i32
      "tpu.region"() ({
        %run_scoped3A_75 = tpu.sem_alloc : memref<!tpu.dma_semaphore, #tpu.memory_space<semaphore_mem>>
        %dma_start3A = arith.constant 0 : i32
        %dma_start3A_76 = arith.constant 0 : i32
        %dma_start3A_77 = tpu.memref_slice %arg7[%run_scoped3A_74, %dma_start3A, %dma_start3A_76] : memref<2x8x128xi32, #tpu.memory_space<vmem>> -> memref<1x8x128xi32, #tpu.memory_space<vmem>>
        %dma_start3A_78 = tpu.memref_squeeze %dma_start3A_77 : memref<1x8x128xi32, #tpu.memory_space<vmem>> -> memref<8x128xi32, #tpu.memory_space<vmem>>
        %dma_start3A_79 = arith.constant 0 : i32
        %dma_start3A_80 = tpu.memref_slice %arg4[%select_n3A, %dma_start3A_79] : memref<2560x128xi32, #tpu.memory_space<hbm>> -> memref<8x128xi32, #tpu.memory_space<hbm>>
        %dma_start3A_81 = arith.constant 0 : i32
        %dma_start3A_82 = arith.constant 0 : i32
        %dma_start3A_83 = tpu.memref_slice %arg7[%run_scoped3A_74, %dma_start3A_81, %dma_start3A_82] : memref<2x8x128xi32, #tpu.memory_space<vmem>> -> memref<1x8x128xi32, #tpu.memory_space<vmem>>
        %dma_start3A_84 = tpu.memref_squeeze %dma_start3A_83 : memref<1x8x128xi32, #tpu.memory_space<vmem>> -> memref<8x128xi32, #tpu.memory_space<vmem>>
        %dma_start3A_85 = arith.constant 0 : i32
        %dma_start3A_86 = tpu.memref_slice %arg4[%select_n3A, %dma_start3A_85] : memref<2560x128xi32, #tpu.memory_space<hbm>> -> memref<8x128xi32, #tpu.memory_space<hbm>>
        tpu.enqueue_dma source(%dma_start3A_86 : memref<8x128xi32, #tpu.memory_space<hbm>>) target(%dma_start3A_84 : memref<8x128xi32, #tpu.memory_space<vmem>>) target_semaphore(%run_scoped3A_75 : memref<!tpu.dma_semaphore, #tpu.memory_space<semaphore_mem>>)
        %dma_wait3A = arith.constant 0 : i32
        %dma_wait3A_87 = arith.constant 0 : i32
        %dma_wait3A_88 = tpu.memref_slice %arg7[%run_scoped3A_74, %dma_wait3A, %dma_wait3A_87] : memref<2x8x128xi32, #tpu.memory_space<vmem>> -> memref<1x8x128xi32, #tpu.memory_space<vmem>>
        %dma_wait3A_89 = tpu.memref_squeeze %dma_wait3A_88 : memref<1x8x128xi32, #tpu.memory_space<vmem>> -> memref<8x128xi32, #tpu.memory_space<vmem>>
        %dma_wait3A_90 = arith.constant 0 : i32
        %dma_wait3A_91 = tpu.memref_slice %arg4[%select_n3A, %dma_wait3A_90] : memref<2560x128xi32, #tpu.memory_space<hbm>> -> memref<8x128xi32, #tpu.memory_space<hbm>>
        %dma_wait3A_92 = arith.constant 0 : i32
        %dma_wait3A_93 = arith.constant 0 : i32
        %dma_wait3A_94 = tpu.memref_slice %arg7[%run_scoped3A_74, %dma_wait3A_92, %dma_wait3A_93] : memref<2x8x128xi32, #tpu.memory_space<vmem>> -> memref<1x8x128xi32, #tpu.memory_space<vmem>>
        %dma_wait3A_95 = tpu.memref_squeeze %dma_wait3A_94 : memref<1x8x128xi32, #tpu.memory_space<vmem>> -> memref<8x128xi32, #tpu.memory_space<vmem>>
        %dma_wait3A_96 = arith.constant 0 : i32
        %dma_wait3A_97 = tpu.memref_slice %arg4[%select_n3A, %dma_wait3A_96] : memref<2560x128xi32, #tpu.memory_space<hbm>> -> memref<8x128xi32, #tpu.memory_space<hbm>>
        tpu.wait_dma2 semaphore(%run_scoped3A_75 : memref<!tpu.dma_semaphore, #tpu.memory_space<semaphore_mem>>) src(%dma_wait3A_97 : memref<8x128xi32, #tpu.memory_space<hbm>>) dst(%dma_wait3A_95 : memref<8x128xi32, #tpu.memory_space<vmem>>)
        tpu.yield
      }) : () -> ()
    } else {
    }
    %barrier3A = arith.constant 0 : index
    tpu.barrier barrier_id(%barrier3A)
    %gt3A_39 = arith.constant 0 : i32
    %gt3A_40 = arith.cmpi sgt, %select_n3A_11, %gt3A_39 : i32
    %convert_element_type3A_41 = arith.extui %gt3A_40 : i1 to i32
    %cond3A_42 = arith.constant 0 : i32
    %cond3A_43 = arith.cmpi ne, %convert_element_type3A_41, %cond3A_42 : i32
    scf.if %cond3A_43 {
      %dma_start3A = arith.constant 0 : i32
      %dma_start3A_74 = arith.constant 0 : i32
      %dma_start3A_75 = arith.constant 0 : i32
      %dma_start3A_76 = tpu.memref_slice %arg6[%dma_start3A, %dma_start3A_74, %dma_start3A_75] : memref<2x8x128xi32, #tpu.memory_space<vmem>> -> memref<1x1x128xi32, #tpu.memory_space<vmem>>
      %dma_start3A_77 = tpu.memref_squeeze %dma_start3A_76 : memref<1x1x128xi32, #tpu.memory_space<vmem>> -> memref<128xi32, #tpu.memory_space<vmem>>
      %dma_start3A_78 = arith.constant 0 : i32
      %dma_start3A_79 = arith.constant 0 : i32
      %dma_start3A_80 = tpu.memref_slice %arg2[%dma_start3A_78, %dma_start3A_79] : memref<10240x64xf32, #tpu.memory_space<hbm>> -> memref<10240x64xf32, #tpu.memory_space<hbm>>
      tpu.enqueue_indirect_dma source(%dma_start3A_80 : memref<10240x64xf32, #tpu.memory_space<hbm>>) target(%arg8 : memref<128x64xf32, #tpu.memory_space<vmem>>) offsets(%dma_start3A_77 : memref<128xi32, #tpu.memory_space<vmem>>) semaphore(%arg10 : memref<!tpu.dma_semaphore, #tpu.memory_space<semaphore_mem>>)
    } else {
    }
    %while3A = arith.constant 0 : i32
    %while3A_44 = arith.constant 0 : i32
    %while3A_45 = arith.subi %select_n3A_11, %while3A_44 : i32
    %while3A_46 = arith.addi %while3A_44, %while3A_45 : i32
    %while3A_47 = arith.constant 1 : i32
    %while3A_48 = arith.divsi %while3A_45, %while3A_47 : i32
    %while3A_49 = arith.muli %while3A_48, %while3A_47 : i32
    %while3A_50 = arith.addi %while3A_44, %while3A_49 : i32
    %while3A_51 = arith.constant 1 : i32
    scf.for %while3A_74 = %while3A_44 to %while3A_50 step %while3A_51  : i32 {
      %rem3A = arith.constant 2 : i32
      %rem3A_75 = arith.remsi %while3A_74, %rem3A : i32
      %sub3A = arith.constant 1 : i32
      %sub3A_76 = arith.subi %sub3A, %rem3A_75 : i32
      %sub3A_77 = arith.constant 1 : i32
      %sub3A_78 = arith.subi %select_n3A_11, %sub3A_77 : i32
      %lt3A = arith.cmpi slt, %while3A_74, %sub3A_78 : i32
      %convert_element_type3A_79 = arith.extui %lt3A : i1 to i32
      %cond3A_80 = arith.constant 0 : i32
      %cond3A_81 = arith.cmpi ne, %convert_element_type3A_79, %cond3A_80 : i32
      scf.if %cond3A_81 {
        %add3A_198 = arith.constant 1 : i32
        %add3A_199 = arith.addi %while3A_74, %add3A_198 : i32
        %mul3A_200 = arith.constant 8 : i32
        %mul3A_201 = arith.muli %add3A_199, %mul3A_200 : i32
        %add3A_202 = arith.addi %select_n3A, %mul3A_201 : i32
        "tpu.region"() ({
          %run_scoped3A_208 = tpu.sem_alloc : memref<!tpu.dma_semaphore, #tpu.memory_space<semaphore_mem>>
          %dma_start3A_209 = arith.constant 0 : i32
          %dma_start3A_210 = arith.constant 0 : i32
          %dma_start3A_211 = tpu.memref_slice %arg6[%sub3A_76, %dma_start3A_209, %dma_start3A_210] : memref<2x8x128xi32, #tpu.memory_space<vmem>> -> memref<1x8x128xi32, #tpu.memory_space<vmem>>
          %dma_start3A_212 = tpu.memref_squeeze %dma_start3A_211 : memref<1x8x128xi32, #tpu.memory_space<vmem>> -> memref<8x128xi32, #tpu.memory_space<vmem>>
          %dma_start3A_213 = arith.constant 0 : i32
          %dma_start3A_214 = tpu.memref_slice %arg3[%add3A_202, %dma_start3A_213] : memref<2560x128xi32, #tpu.memory_space<hbm>> -> memref<8x128xi32, #tpu.memory_space<hbm>>
          %dma_start3A_215 = arith.constant 0 : i32
          %dma_start3A_216 = arith.constant 0 : i32
          %dma_start3A_217 = tpu.memref_slice %arg6[%sub3A_76, %dma_start3A_215, %dma_start3A_216] : memref<2x8x128xi32, #tpu.memory_space<vmem>> -> memref<1x8x128xi32, #tpu.memory_space<vmem>>
          %dma_start3A_218 = tpu.memref_squeeze %dma_start3A_217 : memref<1x8x128xi32, #tpu.memory_space<vmem>> -> memref<8x128xi32, #tpu.memory_space<vmem>>
          %dma_start3A_219 = arith.constant 0 : i32
          %dma_start3A_220 = tpu.memref_slice %arg3[%add3A_202, %dma_start3A_219] : memref<2560x128xi32, #tpu.memory_space<hbm>> -> memref<8x128xi32, #tpu.memory_space<hbm>>
          tpu.enqueue_dma source(%dma_start3A_220 : memref<8x128xi32, #tpu.memory_space<hbm>>) target(%dma_start3A_218 : memref<8x128xi32, #tpu.memory_space<vmem>>) target_semaphore(%run_scoped3A_208 : memref<!tpu.dma_semaphore, #tpu.memory_space<semaphore_mem>>)
          %dma_wait3A_221 = arith.constant 0 : i32
          %dma_wait3A_222 = arith.constant 0 : i32
          %dma_wait3A_223 = tpu.memref_slice %arg6[%sub3A_76, %dma_wait3A_221, %dma_wait3A_222] : memref<2x8x128xi32, #tpu.memory_space<vmem>> -> memref<1x8x128xi32, #tpu.memory_space<vmem>>
          %dma_wait3A_224 = tpu.memref_squeeze %dma_wait3A_223 : memref<1x8x128xi32, #tpu.memory_space<vmem>> -> memref<8x128xi32, #tpu.memory_space<vmem>>
          %dma_wait3A_225 = arith.constant 0 : i32
          %dma_wait3A_226 = tpu.memref_slice %arg3[%add3A_202, %dma_wait3A_225] : memref<2560x128xi32, #tpu.memory_space<hbm>> -> memref<8x128xi32, #tpu.memory_space<hbm>>
          %dma_wait3A_227 = arith.constant 0 : i32
          %dma_wait3A_228 = arith.constant 0 : i32
          %dma_wait3A_229 = tpu.memref_slice %arg6[%sub3A_76, %dma_wait3A_227, %dma_wait3A_228] : memref<2x8x128xi32, #tpu.memory_space<vmem>> -> memref<1x8x128xi32, #tpu.memory_space<vmem>>
          %dma_wait3A_230 = tpu.memref_squeeze %dma_wait3A_229 : memref<1x8x128xi32, #tpu.memory_space<vmem>> -> memref<8x128xi32, #tpu.memory_space<vmem>>
          %dma_wait3A_231 = arith.constant 0 : i32
          %dma_wait3A_232 = tpu.memref_slice %arg3[%add3A_202, %dma_wait3A_231] : memref<2560x128xi32, #tpu.memory_space<hbm>> -> memref<8x128xi32, #tpu.memory_space<hbm>>
          tpu.wait_dma2 semaphore(%run_scoped3A_208 : memref<!tpu.dma_semaphore, #tpu.memory_space<semaphore_mem>>) src(%dma_wait3A_232 : memref<8x128xi32, #tpu.memory_space<hbm>>) dst(%dma_wait3A_230 : memref<8x128xi32, #tpu.memory_space<vmem>>)
          tpu.yield
        }) : () -> ()
        %add3A_203 = arith.constant 1 : i32
        %add3A_204 = arith.addi %while3A_74, %add3A_203 : i32
        %mul3A_205 = arith.constant 8 : i32
        %mul3A_206 = arith.muli %add3A_204, %mul3A_205 : i32
        %add3A_207 = arith.addi %select_n3A, %mul3A_206 : i32
        "tpu.region"() ({
          %run_scoped3A_208 = tpu.sem_alloc : memref<!tpu.dma_semaphore, #tpu.memory_space<semaphore_mem>>
          %dma_start3A_209 = arith.constant 0 : i32
          %dma_start3A_210 = arith.constant 0 : i32
          %dma_start3A_211 = tpu.memref_slice %arg7[%sub3A_76, %dma_start3A_209, %dma_start3A_210] : memref<2x8x128xi32, #tpu.memory_space<vmem>> -> memref<1x8x128xi32, #tpu.memory_space<vmem>>
          %dma_start3A_212 = tpu.memref_squeeze %dma_start3A_211 : memref<1x8x128xi32, #tpu.memory_space<vmem>> -> memref<8x128xi32, #tpu.memory_space<vmem>>
          %dma_start3A_213 = arith.constant 0 : i32
          %dma_start3A_214 = tpu.memref_slice %arg4[%add3A_207, %dma_start3A_213] : memref<2560x128xi32, #tpu.memory_space<hbm>> -> memref<8x128xi32, #tpu.memory_space<hbm>>
          %dma_start3A_215 = arith.constant 0 : i32
          %dma_start3A_216 = arith.constant 0 : i32
          %dma_start3A_217 = tpu.memref_slice %arg7[%sub3A_76, %dma_start3A_215, %dma_start3A_216] : memref<2x8x128xi32, #tpu.memory_space<vmem>> -> memref<1x8x128xi32, #tpu.memory_space<vmem>>
          %dma_start3A_218 = tpu.memref_squeeze %dma_start3A_217 : memref<1x8x128xi32, #tpu.memory_space<vmem>> -> memref<8x128xi32, #tpu.memory_space<vmem>>
          %dma_start3A_219 = arith.constant 0 : i32
          %dma_start3A_220 = tpu.memref_slice %arg4[%add3A_207, %dma_start3A_219] : memref<2560x128xi32, #tpu.memory_space<hbm>> -> memref<8x128xi32, #tpu.memory_space<hbm>>
          tpu.enqueue_dma source(%dma_start3A_220 : memref<8x128xi32, #tpu.memory_space<hbm>>) target(%dma_start3A_218 : memref<8x128xi32, #tpu.memory_space<vmem>>) target_semaphore(%run_scoped3A_208 : memref<!tpu.dma_semaphore, #tpu.memory_space<semaphore_mem>>)
          %dma_wait3A_221 = arith.constant 0 : i32
          %dma_wait3A_222 = arith.constant 0 : i32
          %dma_wait3A_223 = tpu.memref_slice %arg7[%sub3A_76, %dma_wait3A_221, %dma_wait3A_222] : memref<2x8x128xi32, #tpu.memory_space<vmem>> -> memref<1x8x128xi32, #tpu.memory_space<vmem>>
          %dma_wait3A_224 = tpu.memref_squeeze %dma_wait3A_223 : memref<1x8x128xi32, #tpu.memory_space<vmem>> -> memref<8x128xi32, #tpu.memory_space<vmem>>
          %dma_wait3A_225 = arith.constant 0 : i32
          %dma_wait3A_226 = tpu.memref_slice %arg4[%add3A_207, %dma_wait3A_225] : memref<2560x128xi32, #tpu.memory_space<hbm>> -> memref<8x128xi32, #tpu.memory_space<hbm>>
          %dma_wait3A_227 = arith.constant 0 : i32
          %dma_wait3A_228 = arith.constant 0 : i32
          %dma_wait3A_229 = tpu.memref_slice %arg7[%sub3A_76, %dma_wait3A_227, %dma_wait3A_228] : memref<2x8x128xi32, #tpu.memory_space<vmem>> -> memref<1x8x128xi32, #tpu.memory_space<vmem>>
          %dma_wait3A_230 = tpu.memref_squeeze %dma_wait3A_229 : memref<1x8x128xi32, #tpu.memory_space<vmem>> -> memref<8x128xi32, #tpu.memory_space<vmem>>
          %dma_wait3A_231 = arith.constant 0 : i32
          %dma_wait3A_232 = tpu.memref_slice %arg4[%add3A_207, %dma_wait3A_231] : memref<2560x128xi32, #tpu.memory_space<hbm>> -> memref<8x128xi32, #tpu.memory_space<hbm>>
          tpu.wait_dma2 semaphore(%run_scoped3A_208 : memref<!tpu.dma_semaphore, #tpu.memory_space<semaphore_mem>>) src(%dma_wait3A_232 : memref<8x128xi32, #tpu.memory_space<hbm>>) dst(%dma_wait3A_230 : memref<8x128xi32, #tpu.memory_space<vmem>>)
          tpu.yield
        }) : () -> ()
      } else {
      }
      %dma_start3A = arith.constant 1 : i32
      %dma_start3A_82 = arith.constant 0 : i32
      %dma_start3A_83 = tpu.memref_slice %arg6[%rem3A_75, %dma_start3A, %dma_start3A_82] : memref<2x8x128xi32, #tpu.memory_space<vmem>> -> memref<1x1x128xi32, #tpu.memory_space<vmem>>
      %dma_start3A_84 = tpu.memref_squeeze %dma_start3A_83 : memref<1x1x128xi32, #tpu.memory_space<vmem>> -> memref<128xi32, #tpu.memory_space<vmem>>
      %dma_start3A_85 = arith.constant 0 : i32
      %dma_start3A_86 = arith.constant 0 : i32
      %dma_start3A_87 = tpu.memref_slice %arg2[%dma_start3A_85, %dma_start3A_86] : memref<10240x64xf32, #tpu.memory_space<hbm>> -> memref<10240x64xf32, #tpu.memory_space<hbm>>
      tpu.enqueue_indirect_dma source(%dma_start3A_87 : memref<10240x64xf32, #tpu.memory_space<hbm>>) target(%arg9 : memref<128x64xf32, #tpu.memory_space<vmem>>) offsets(%dma_start3A_84 : memref<128xi32, #tpu.memory_space<vmem>>) semaphore(%arg11 : memref<!tpu.dma_semaphore, #tpu.memory_space<semaphore_mem>>)
      %dma_wait3A = arith.constant 0 : i32
      %dma_wait3A_88 = arith.constant 0 : i32
      %dma_wait3A_89 = tpu.memref_slice %arg6[%rem3A_75, %dma_wait3A, %dma_wait3A_88] : memref<2x8x128xi32, #tpu.memory_space<vmem>> -> memref<1x1x128xi32, #tpu.memory_space<vmem>>
      %dma_wait3A_90 = tpu.memref_squeeze %dma_wait3A_89 : memref<1x1x128xi32, #tpu.memory_space<vmem>> -> memref<128xi32, #tpu.memory_space<vmem>>
      %dma_wait3A_91 = arith.constant 0 : i32
      %dma_wait3A_92 = arith.constant 0 : i32
      %dma_wait3A_93 = tpu.memref_slice %arg2[%dma_wait3A_91, %dma_wait3A_92] : memref<10240x64xf32, #tpu.memory_space<hbm>> -> memref<10240x64xf32, #tpu.memory_space<hbm>>
      tpu.wait_indirect_dma semaphore(%arg10 : memref<!tpu.dma_semaphore, #tpu.memory_space<semaphore_mem>>) src(%dma_wait3A_93 : memref<10240x64xf32, #tpu.memory_space<hbm>>) dst(%arg8 : memref<128x64xf32, #tpu.memory_space<vmem>>)
      %run_scoped3A = arith.constant 0 : i32
      "tpu.region"() ({
        %run_scoped3A_198 = tpu.sem_alloc : memref<!tpu.dma_semaphore, #tpu.memory_space<semaphore_mem>>
        %dma_start3A_199 = arith.constant 0 : i32
        %dma_start3A_200 = tpu.memref_slice %arg7[%rem3A_75, %run_scoped3A, %dma_start3A_199] : memref<2x8x128xi32, #tpu.memory_space<vmem>> -> memref<1x1x128xi32, #tpu.memory_space<vmem>>
        %dma_start3A_201 = tpu.memref_squeeze %dma_start3A_200 : memref<1x1x128xi32, #tpu.memory_space<vmem>> -> memref<128xi32, #tpu.memory_space<vmem>>
        %dma_start3A_202 = arith.constant 0 : i32
        %dma_start3A_203 = arith.constant 0 : i32
        %dma_start3A_204 = tpu.memref_slice %arg12[%dma_start3A_202, %dma_start3A_203] : memref<10240x64xf32, #tpu.memory_space<vmem_shared>> -> memref<10240x64xf32, #tpu.memory_space<vmem_shared>>
        tpu.enqueue_indirect_dma source(%arg8 : memref<128x64xf32, #tpu.memory_space<vmem>>) target(%dma_start3A_204 : memref<10240x64xf32, #tpu.memory_space<vmem_shared>>) offsets(%dma_start3A_201 : memref<128xi32, #tpu.memory_space<vmem>>) semaphore(%run_scoped3A_198 : memref<!tpu.dma_semaphore, #tpu.memory_space<semaphore_mem>>) {add = true}
        %dma_wait3A_205 = arith.constant 0 : i32
        %dma_wait3A_206 = tpu.memref_slice %arg7[%rem3A_75, %run_scoped3A, %dma_wait3A_205] : memref<2x8x128xi32, #tpu.memory_space<vmem>> -> memref<1x1x128xi32, #tpu.memory_space<vmem>>
        %dma_wait3A_207 = tpu.memref_squeeze %dma_wait3A_206 : memref<1x1x128xi32, #tpu.memory_space<vmem>> -> memref<128xi32, #tpu.memory_space<vmem>>
        %dma_wait3A_208 = arith.constant 0 : i32
        %dma_wait3A_209 = arith.constant 0 : i32
        %dma_wait3A_210 = tpu.memref_slice %arg12[%dma_wait3A_208, %dma_wait3A_209] : memref<10240x64xf32, #tpu.memory_space<vmem_shared>> -> memref<10240x64xf32, #tpu.memory_space<vmem_shared>>
        tpu.wait_indirect_dma semaphore(%run_scoped3A_198 : memref<!tpu.dma_semaphore, #tpu.memory_space<semaphore_mem>>) src(%arg8 : memref<128x64xf32, #tpu.memory_space<vmem>>) dst(%dma_wait3A_210 : memref<10240x64xf32, #tpu.memory_space<vmem_shared>>)
        tpu.yield
      }) : () -> ()
      %dma_start3A_94 = arith.constant 2 : i32
      %dma_start3A_95 = arith.constant 0 : i32
      %dma_start3A_96 = tpu.memref_slice %arg6[%rem3A_75, %dma_start3A_94, %dma_start3A_95] : memref<2x8x128xi32, #tpu.memory_space<vmem>> -> memref<1x1x128xi32, #tpu.memory_space<vmem>>
      %dma_start3A_97 = tpu.memref_squeeze %dma_start3A_96 : memref<1x1x128xi32, #tpu.memory_space<vmem>> -> memref<128xi32, #tpu.memory_space<vmem>>
      %dma_start3A_98 = arith.constant 0 : i32
      %dma_start3A_99 = arith.constant 0 : i32
      %dma_start3A_100 = tpu.memref_slice %arg2[%dma_start3A_98, %dma_start3A_99] : memref<10240x64xf32, #tpu.memory_space<hbm>> -> memref<10240x64xf32, #tpu.memory_space<hbm>>
      tpu.enqueue_indirect_dma source(%dma_start3A_100 : memref<10240x64xf32, #tpu.memory_space<hbm>>) target(%arg8 : memref<128x64xf32, #tpu.memory_space<vmem>>) offsets(%dma_start3A_97 : memref<128xi32, #tpu.memory_space<vmem>>) semaphore(%arg10 : memref<!tpu.dma_semaphore, #tpu.memory_space<semaphore_mem>>)
      %dma_wait3A_101 = arith.constant 1 : i32
      %dma_wait3A_102 = arith.constant 0 : i32
      %dma_wait3A_103 = tpu.memref_slice %arg6[%rem3A_75, %dma_wait3A_101, %dma_wait3A_102] : memref<2x8x128xi32, #tpu.memory_space<vmem>> -> memref<1x1x128xi32, #tpu.memory_space<vmem>>
      %dma_wait3A_104 = tpu.memref_squeeze %dma_wait3A_103 : memref<1x1x128xi32, #tpu.memory_space<vmem>> -> memref<128xi32, #tpu.memory_space<vmem>>
      %dma_wait3A_105 = arith.constant 0 : i32
      %dma_wait3A_106 = arith.constant 0 : i32
      %dma_wait3A_107 = tpu.memref_slice %arg2[%dma_wait3A_105, %dma_wait3A_106] : memref<10240x64xf32, #tpu.memory_space<hbm>> -> memref<10240x64xf32, #tpu.memory_space<hbm>>
      tpu.wait_indirect_dma semaphore(%arg11 : memref<!tpu.dma_semaphore, #tpu.memory_space<semaphore_mem>>) src(%dma_wait3A_107 : memref<10240x64xf32, #tpu.memory_space<hbm>>) dst(%arg9 : memref<128x64xf32, #tpu.memory_space<vmem>>)
      %run_scoped3A_108 = arith.constant 1 : i32
      "tpu.region"() ({
        %run_scoped3A_198 = tpu.sem_alloc : memref<!tpu.dma_semaphore, #tpu.memory_space<semaphore_mem>>
        %dma_start3A_199 = arith.constant 0 : i32
        %dma_start3A_200 = tpu.memref_slice %arg7[%rem3A_75, %run_scoped3A_108, %dma_start3A_199] : memref<2x8x128xi32, #tpu.memory_space<vmem>> -> memref<1x1x128xi32, #tpu.memory_space<vmem>>
        %dma_start3A_201 = tpu.memref_squeeze %dma_start3A_200 : memref<1x1x128xi32, #tpu.memory_space<vmem>> -> memref<128xi32, #tpu.memory_space<vmem>>
        %dma_start3A_202 = arith.constant 0 : i32
        %dma_start3A_203 = arith.constant 0 : i32
        %dma_start3A_204 = tpu.memref_slice %arg12[%dma_start3A_202, %dma_start3A_203] : memref<10240x64xf32, #tpu.memory_space<vmem_shared>> -> memref<10240x64xf32, #tpu.memory_space<vmem_shared>>
        tpu.enqueue_indirect_dma source(%arg9 : memref<128x64xf32, #tpu.memory_space<vmem>>) target(%dma_start3A_204 : memref<10240x64xf32, #tpu.memory_space<vmem_shared>>) offsets(%dma_start3A_201 : memref<128xi32, #tpu.memory_space<vmem>>) semaphore(%run_scoped3A_198 : memref<!tpu.dma_semaphore, #tpu.memory_space<semaphore_mem>>) {add = true}
        %dma_wait3A_205 = arith.constant 0 : i32
        %dma_wait3A_206 = tpu.memref_slice %arg7[%rem3A_75, %run_scoped3A_108, %dma_wait3A_205] : memref<2x8x128xi32, #tpu.memory_space<vmem>> -> memref<1x1x128xi32, #tpu.memory_space<vmem>>
        %dma_wait3A_207 = tpu.memref_squeeze %dma_wait3A_206 : memref<1x1x128xi32, #tpu.memory_space<vmem>> -> memref<128xi32, #tpu.memory_space<vmem>>
        %dma_wait3A_208 = arith.constant 0 : i32
        %dma_wait3A_209 = arith.constant 0 : i32
        %dma_wait3A_210 = tpu.memref_slice %arg12[%dma_wait3A_208, %dma_wait3A_209] : memref<10240x64xf32, #tpu.memory_space<vmem_shared>> -> memref<10240x64xf32, #tpu.memory_space<vmem_shared>>
        tpu.wait_indirect_dma semaphore(%run_scoped3A_198 : memref<!tpu.dma_semaphore, #tpu.memory_space<semaphore_mem>>) src(%arg9 : memref<128x64xf32, #tpu.memory_space<vmem>>) dst(%dma_wait3A_210 : memref<10240x64xf32, #tpu.memory_space<vmem_shared>>)
        tpu.yield
      }) : () -> ()
      %dma_start3A_109 = arith.constant 3 : i32
      %dma_start3A_110 = arith.constant 0 : i32
      %dma_start3A_111 = tpu.memref_slice %arg6[%rem3A_75, %dma_start3A_109, %dma_start3A_110] : memref<2x8x128xi32, #tpu.memory_space<vmem>> -> memref<1x1x128xi32, #tpu.memory_space<vmem>>
      %dma_start3A_112 = tpu.memref_squeeze %dma_start3A_111 : memref<1x1x128xi32, #tpu.memory_space<vmem>> -> memref<128xi32, #tpu.memory_space<vmem>>
      %dma_start3A_113 = arith.constant 0 : i32
      %dma_start3A_114 = arith.constant 0 : i32
      %dma_start3A_115 = tpu.memref_slice %arg2[%dma_start3A_113, %dma_start3A_114] : memref<10240x64xf32, #tpu.memory_space<hbm>> -> memref<10240x64xf32, #tpu.memory_space<hbm>>
      tpu.enqueue_indirect_dma source(%dma_start3A_115 : memref<10240x64xf32, #tpu.memory_space<hbm>>) target(%arg9 : memref<128x64xf32, #tpu.memory_space<vmem>>) offsets(%dma_start3A_112 : memref<128xi32, #tpu.memory_space<vmem>>) semaphore(%arg11 : memref<!tpu.dma_semaphore, #tpu.memory_space<semaphore_mem>>)
      %dma_wait3A_116 = arith.constant 2 : i32
      %dma_wait3A_117 = arith.constant 0 : i32
      %dma_wait3A_118 = tpu.memref_slice %arg6[%rem3A_75, %dma_wait3A_116, %dma_wait3A_117] : memref<2x8x128xi32, #tpu.memory_space<vmem>> -> memref<1x1x128xi32, #tpu.memory_space<vmem>>
      %dma_wait3A_119 = tpu.memref_squeeze %dma_wait3A_118 : memref<1x1x128xi32, #tpu.memory_space<vmem>> -> memref<128xi32, #tpu.memory_space<vmem>>
      %dma_wait3A_120 = arith.constant 0 : i32
      %dma_wait3A_121 = arith.constant 0 : i32
      %dma_wait3A_122 = tpu.memref_slice %arg2[%dma_wait3A_120, %dma_wait3A_121] : memref<10240x64xf32, #tpu.memory_space<hbm>> -> memref<10240x64xf32, #tpu.memory_space<hbm>>
      tpu.wait_indirect_dma semaphore(%arg10 : memref<!tpu.dma_semaphore, #tpu.memory_space<semaphore_mem>>) src(%dma_wait3A_122 : memref<10240x64xf32, #tpu.memory_space<hbm>>) dst(%arg8 : memref<128x64xf32, #tpu.memory_space<vmem>>)
      %run_scoped3A_123 = arith.constant 2 : i32
      "tpu.region"() ({
        %run_scoped3A_198 = tpu.sem_alloc : memref<!tpu.dma_semaphore, #tpu.memory_space<semaphore_mem>>
        %dma_start3A_199 = arith.constant 0 : i32
        %dma_start3A_200 = tpu.memref_slice %arg7[%rem3A_75, %run_scoped3A_123, %dma_start3A_199] : memref<2x8x128xi32, #tpu.memory_space<vmem>> -> memref<1x1x128xi32, #tpu.memory_space<vmem>>
        %dma_start3A_201 = tpu.memref_squeeze %dma_start3A_200 : memref<1x1x128xi32, #tpu.memory_space<vmem>> -> memref<128xi32, #tpu.memory_space<vmem>>
        %dma_start3A_202 = arith.constant 0 : i32
        %dma_start3A_203 = arith.constant 0 : i32
        %dma_start3A_204 = tpu.memref_slice %arg12[%dma_start3A_202, %dma_start3A_203] : memref<10240x64xf32, #tpu.memory_space<vmem_shared>> -> memref<10240x64xf32, #tpu.memory_space<vmem_shared>>
        tpu.enqueue_indirect_dma source(%arg8 : memref<128x64xf32, #tpu.memory_space<vmem>>) target(%dma_start3A_204 : memref<10240x64xf32, #tpu.memory_space<vmem_shared>>) offsets(%dma_start3A_201 : memref<128xi32, #tpu.memory_space<vmem>>) semaphore(%run_scoped3A_198 : memref<!tpu.dma_semaphore, #tpu.memory_space<semaphore_mem>>) {add = true}
        %dma_wait3A_205 = arith.constant 0 : i32
        %dma_wait3A_206 = tpu.memref_slice %arg7[%rem3A_75, %run_scoped3A_123, %dma_wait3A_205] : memref<2x8x128xi32, #tpu.memory_space<vmem>> -> memref<1x1x128xi32, #tpu.memory_space<vmem>>
        %dma_wait3A_207 = tpu.memref_squeeze %dma_wait3A_206 : memref<1x1x128xi32, #tpu.memory_space<vmem>> -> memref<128xi32, #tpu.memory_space<vmem>>
        %dma_wait3A_208 = arith.constant 0 : i32
        %dma_wait3A_209 = arith.constant 0 : i32
        %dma_wait3A_210 = tpu.memref_slice %arg12[%dma_wait3A_208, %dma_wait3A_209] : memref<10240x64xf32, #tpu.memory_space<vmem_shared>> -> memref<10240x64xf32, #tpu.memory_space<vmem_shared>>
        tpu.wait_indirect_dma semaphore(%run_scoped3A_198 : memref<!tpu.dma_semaphore, #tpu.memory_space<semaphore_mem>>) src(%arg8 : memref<128x64xf32, #tpu.memory_space<vmem>>) dst(%dma_wait3A_210 : memref<10240x64xf32, #tpu.memory_space<vmem_shared>>)
        tpu.yield
      }) : () -> ()
      %dma_start3A_124 = arith.constant 4 : i32
      %dma_start3A_125 = arith.constant 0 : i32
      %dma_start3A_126 = tpu.memref_slice %arg6[%rem3A_75, %dma_start3A_124, %dma_start3A_125] : memref<2x8x128xi32, #tpu.memory_space<vmem>> -> memref<1x1x128xi32, #tpu.memory_space<vmem>>
      %dma_start3A_127 = tpu.memref_squeeze %dma_start3A_126 : memref<1x1x128xi32, #tpu.memory_space<vmem>> -> memref<128xi32, #tpu.memory_space<vmem>>
      %dma_start3A_128 = arith.constant 0 : i32
      %dma_start3A_129 = arith.constant 0 : i32
      %dma_start3A_130 = tpu.memref_slice %arg2[%dma_start3A_128, %dma_start3A_129] : memref<10240x64xf32, #tpu.memory_space<hbm>> -> memref<10240x64xf32, #tpu.memory_space<hbm>>
      tpu.enqueue_indirect_dma source(%dma_start3A_130 : memref<10240x64xf32, #tpu.memory_space<hbm>>) target(%arg8 : memref<128x64xf32, #tpu.memory_space<vmem>>) offsets(%dma_start3A_127 : memref<128xi32, #tpu.memory_space<vmem>>) semaphore(%arg10 : memref<!tpu.dma_semaphore, #tpu.memory_space<semaphore_mem>>)
      %dma_wait3A_131 = arith.constant 3 : i32
      %dma_wait3A_132 = arith.constant 0 : i32
      %dma_wait3A_133 = tpu.memref_slice %arg6[%rem3A_75, %dma_wait3A_131, %dma_wait3A_132] : memref<2x8x128xi32, #tpu.memory_space<vmem>> -> memref<1x1x128xi32, #tpu.memory_space<vmem>>
      %dma_wait3A_134 = tpu.memref_squeeze %dma_wait3A_133 : memref<1x1x128xi32, #tpu.memory_space<vmem>> -> memref<128xi32, #tpu.memory_space<vmem>>
      %dma_wait3A_135 = arith.constant 0 : i32
      %dma_wait3A_136 = arith.constant 0 : i32
      %dma_wait3A_137 = tpu.memref_slice %arg2[%dma_wait3A_135, %dma_wait3A_136] : memref<10240x64xf32, #tpu.memory_space<hbm>> -> memref<10240x64xf32, #tpu.memory_space<hbm>>
      tpu.wait_indirect_dma semaphore(%arg11 : memref<!tpu.dma_semaphore, #tpu.memory_space<semaphore_mem>>) src(%dma_wait3A_137 : memref<10240x64xf32, #tpu.memory_space<hbm>>) dst(%arg9 : memref<128x64xf32, #tpu.memory_space<vmem>>)
      %run_scoped3A_138 = arith.constant 3 : i32
      "tpu.region"() ({
        %run_scoped3A_198 = tpu.sem_alloc : memref<!tpu.dma_semaphore, #tpu.memory_space<semaphore_mem>>
        %dma_start3A_199 = arith.constant 0 : i32
        %dma_start3A_200 = tpu.memref_slice %arg7[%rem3A_75, %run_scoped3A_138, %dma_start3A_199] : memref<2x8x128xi32, #tpu.memory_space<vmem>> -> memref<1x1x128xi32, #tpu.memory_space<vmem>>
        %dma_start3A_201 = tpu.memref_squeeze %dma_start3A_200 : memref<1x1x128xi32, #tpu.memory_space<vmem>> -> memref<128xi32, #tpu.memory_space<vmem>>
        %dma_start3A_202 = arith.constant 0 : i32
        %dma_start3A_203 = arith.constant 0 : i32
        %dma_start3A_204 = tpu.memref_slice %arg12[%dma_start3A_202, %dma_start3A_203] : memref<10240x64xf32, #tpu.memory_space<vmem_shared>> -> memref<10240x64xf32, #tpu.memory_space<vmem_shared>>
        tpu.enqueue_indirect_dma source(%arg9 : memref<128x64xf32, #tpu.memory_space<vmem>>) target(%dma_start3A_204 : memref<10240x64xf32, #tpu.memory_space<vmem_shared>>) offsets(%dma_start3A_201 : memref<128xi32, #tpu.memory_space<vmem>>) semaphore(%run_scoped3A_198 : memref<!tpu.dma_semaphore, #tpu.memory_space<semaphore_mem>>) {add = true}
        %dma_wait3A_205 = arith.constant 0 : i32
        %dma_wait3A_206 = tpu.memref_slice %arg7[%rem3A_75, %run_scoped3A_138, %dma_wait3A_205] : memref<2x8x128xi32, #tpu.memory_space<vmem>> -> memref<1x1x128xi32, #tpu.memory_space<vmem>>
        %dma_wait3A_207 = tpu.memref_squeeze %dma_wait3A_206 : memref<1x1x128xi32, #tpu.memory_space<vmem>> -> memref<128xi32, #tpu.memory_space<vmem>>
        %dma_wait3A_208 = arith.constant 0 : i32
        %dma_wait3A_209 = arith.constant 0 : i32
        %dma_wait3A_210 = tpu.memref_slice %arg12[%dma_wait3A_208, %dma_wait3A_209] : memref<10240x64xf32, #tpu.memory_space<vmem_shared>> -> memref<10240x64xf32, #tpu.memory_space<vmem_shared>>
        tpu.wait_indirect_dma semaphore(%run_scoped3A_198 : memref<!tpu.dma_semaphore, #tpu.memory_space<semaphore_mem>>) src(%arg9 : memref<128x64xf32, #tpu.memory_space<vmem>>) dst(%dma_wait3A_210 : memref<10240x64xf32, #tpu.memory_space<vmem_shared>>)
        tpu.yield
      }) : () -> ()
      %dma_start3A_139 = arith.constant 5 : i32
      %dma_start3A_140 = arith.constant 0 : i32
      %dma_start3A_141 = tpu.memref_slice %arg6[%rem3A_75, %dma_start3A_139, %dma_start3A_140] : memref<2x8x128xi32, #tpu.memory_space<vmem>> -> memref<1x1x128xi32, #tpu.memory_space<vmem>>
      %dma_start3A_142 = tpu.memref_squeeze %dma_start3A_141 : memref<1x1x128xi32, #tpu.memory_space<vmem>> -> memref<128xi32, #tpu.memory_space<vmem>>
      %dma_start3A_143 = arith.constant 0 : i32
      %dma_start3A_144 = arith.constant 0 : i32
      %dma_start3A_145 = tpu.memref_slice %arg2[%dma_start3A_143, %dma_start3A_144] : memref<10240x64xf32, #tpu.memory_space<hbm>> -> memref<10240x64xf32, #tpu.memory_space<hbm>>
      tpu.enqueue_indirect_dma source(%dma_start3A_145 : memref<10240x64xf32, #tpu.memory_space<hbm>>) target(%arg9 : memref<128x64xf32, #tpu.memory_space<vmem>>) offsets(%dma_start3A_142 : memref<128xi32, #tpu.memory_space<vmem>>) semaphore(%arg11 : memref<!tpu.dma_semaphore, #tpu.memory_space<semaphore_mem>>)
      %dma_wait3A_146 = arith.constant 4 : i32
      %dma_wait3A_147 = arith.constant 0 : i32
      %dma_wait3A_148 = tpu.memref_slice %arg6[%rem3A_75, %dma_wait3A_146, %dma_wait3A_147] : memref<2x8x128xi32, #tpu.memory_space<vmem>> -> memref<1x1x128xi32, #tpu.memory_space<vmem>>
      %dma_wait3A_149 = tpu.memref_squeeze %dma_wait3A_148 : memref<1x1x128xi32, #tpu.memory_space<vmem>> -> memref<128xi32, #tpu.memory_space<vmem>>
      %dma_wait3A_150 = arith.constant 0 : i32
      %dma_wait3A_151 = arith.constant 0 : i32
      %dma_wait3A_152 = tpu.memref_slice %arg2[%dma_wait3A_150, %dma_wait3A_151] : memref<10240x64xf32, #tpu.memory_space<hbm>> -> memref<10240x64xf32, #tpu.memory_space<hbm>>
      tpu.wait_indirect_dma semaphore(%arg10 : memref<!tpu.dma_semaphore, #tpu.memory_space<semaphore_mem>>) src(%dma_wait3A_152 : memref<10240x64xf32, #tpu.memory_space<hbm>>) dst(%arg8 : memref<128x64xf32, #tpu.memory_space<vmem>>)
      %run_scoped3A_153 = arith.constant 4 : i32
      "tpu.region"() ({
        %run_scoped3A_198 = tpu.sem_alloc : memref<!tpu.dma_semaphore, #tpu.memory_space<semaphore_mem>>
        %dma_start3A_199 = arith.constant 0 : i32
        %dma_start3A_200 = tpu.memref_slice %arg7[%rem3A_75, %run_scoped3A_153, %dma_start3A_199] : memref<2x8x128xi32, #tpu.memory_space<vmem>> -> memref<1x1x128xi32, #tpu.memory_space<vmem>>
        %dma_start3A_201 = tpu.memref_squeeze %dma_start3A_200 : memref<1x1x128xi32, #tpu.memory_space<vmem>> -> memref<128xi32, #tpu.memory_space<vmem>>
        %dma_start3A_202 = arith.constant 0 : i32
        %dma_start3A_203 = arith.constant 0 : i32
        %dma_start3A_204 = tpu.memref_slice %arg12[%dma_start3A_202, %dma_start3A_203] : memref<10240x64xf32, #tpu.memory_space<vmem_shared>> -> memref<10240x64xf32, #tpu.memory_space<vmem_shared>>
        tpu.enqueue_indirect_dma source(%arg8 : memref<128x64xf32, #tpu.memory_space<vmem>>) target(%dma_start3A_204 : memref<10240x64xf32, #tpu.memory_space<vmem_shared>>) offsets(%dma_start3A_201 : memref<128xi32, #tpu.memory_space<vmem>>) semaphore(%run_scoped3A_198 : memref<!tpu.dma_semaphore, #tpu.memory_space<semaphore_mem>>) {add = true}
        %dma_wait3A_205 = arith.constant 0 : i32
        %dma_wait3A_206 = tpu.memref_slice %arg7[%rem3A_75, %run_scoped3A_153, %dma_wait3A_205] : memref<2x8x128xi32, #tpu.memory_space<vmem>> -> memref<1x1x128xi32, #tpu.memory_space<vmem>>
        %dma_wait3A_207 = tpu.memref_squeeze %dma_wait3A_206 : memref<1x1x128xi32, #tpu.memory_space<vmem>> -> memref<128xi32, #tpu.memory_space<vmem>>
        %dma_wait3A_208 = arith.constant 0 : i32
        %dma_wait3A_209 = arith.constant 0 : i32
        %dma_wait3A_210 = tpu.memref_slice %arg12[%dma_wait3A_208, %dma_wait3A_209] : memref<10240x64xf32, #tpu.memory_space<vmem_shared>> -> memref<10240x64xf32, #tpu.memory_space<vmem_shared>>
        tpu.wait_indirect_dma semaphore(%run_scoped3A_198 : memref<!tpu.dma_semaphore, #tpu.memory_space<semaphore_mem>>) src(%arg8 : memref<128x64xf32, #tpu.memory_space<vmem>>) dst(%dma_wait3A_210 : memref<10240x64xf32, #tpu.memory_space<vmem_shared>>)
        tpu.yield
      }) : () -> ()
      %dma_start3A_154 = arith.constant 6 : i32
      %dma_start3A_155 = arith.constant 0 : i32
      %dma_start3A_156 = tpu.memref_slice %arg6[%rem3A_75, %dma_start3A_154, %dma_start3A_155] : memref<2x8x128xi32, #tpu.memory_space<vmem>> -> memref<1x1x128xi32, #tpu.memory_space<vmem>>
      %dma_start3A_157 = tpu.memref_squeeze %dma_start3A_156 : memref<1x1x128xi32, #tpu.memory_space<vmem>> -> memref<128xi32, #tpu.memory_space<vmem>>
      %dma_start3A_158 = arith.constant 0 : i32
      %dma_start3A_159 = arith.constant 0 : i32
      %dma_start3A_160 = tpu.memref_slice %arg2[%dma_start3A_158, %dma_start3A_159] : memref<10240x64xf32, #tpu.memory_space<hbm>> -> memref<10240x64xf32, #tpu.memory_space<hbm>>
      tpu.enqueue_indirect_dma source(%dma_start3A_160 : memref<10240x64xf32, #tpu.memory_space<hbm>>) target(%arg8 : memref<128x64xf32, #tpu.memory_space<vmem>>) offsets(%dma_start3A_157 : memref<128xi32, #tpu.memory_space<vmem>>) semaphore(%arg10 : memref<!tpu.dma_semaphore, #tpu.memory_space<semaphore_mem>>)
      %dma_wait3A_161 = arith.constant 5 : i32
      %dma_wait3A_162 = arith.constant 0 : i32
      %dma_wait3A_163 = tpu.memref_slice %arg6[%rem3A_75, %dma_wait3A_161, %dma_wait3A_162] : memref<2x8x128xi32, #tpu.memory_space<vmem>> -> memref<1x1x128xi32, #tpu.memory_space<vmem>>
      %dma_wait3A_164 = tpu.memref_squeeze %dma_wait3A_163 : memref<1x1x128xi32, #tpu.memory_space<vmem>> -> memref<128xi32, #tpu.memory_space<vmem>>
      %dma_wait3A_165 = arith.constant 0 : i32
      %dma_wait3A_166 = arith.constant 0 : i32
      %dma_wait3A_167 = tpu.memref_slice %arg2[%dma_wait3A_165, %dma_wait3A_166] : memref<10240x64xf32, #tpu.memory_space<hbm>> -> memref<10240x64xf32, #tpu.memory_space<hbm>>
      tpu.wait_indirect_dma semaphore(%arg11 : memref<!tpu.dma_semaphore, #tpu.memory_space<semaphore_mem>>) src(%dma_wait3A_167 : memref<10240x64xf32, #tpu.memory_space<hbm>>) dst(%arg9 : memref<128x64xf32, #tpu.memory_space<vmem>>)
      %run_scoped3A_168 = arith.constant 5 : i32
      "tpu.region"() ({
        %run_scoped3A_198 = tpu.sem_alloc : memref<!tpu.dma_semaphore, #tpu.memory_space<semaphore_mem>>
        %dma_start3A_199 = arith.constant 0 : i32
        %dma_start3A_200 = tpu.memref_slice %arg7[%rem3A_75, %run_scoped3A_168, %dma_start3A_199] : memref<2x8x128xi32, #tpu.memory_space<vmem>> -> memref<1x1x128xi32, #tpu.memory_space<vmem>>
        %dma_start3A_201 = tpu.memref_squeeze %dma_start3A_200 : memref<1x1x128xi32, #tpu.memory_space<vmem>> -> memref<128xi32, #tpu.memory_space<vmem>>
        %dma_start3A_202 = arith.constant 0 : i32
        %dma_start3A_203 = arith.constant 0 : i32
        %dma_start3A_204 = tpu.memref_slice %arg12[%dma_start3A_202, %dma_start3A_203] : memref<10240x64xf32, #tpu.memory_space<vmem_shared>> -> memref<10240x64xf32, #tpu.memory_space<vmem_shared>>
        tpu.enqueue_indirect_dma source(%arg9 : memref<128x64xf32, #tpu.memory_space<vmem>>) target(%dma_start3A_204 : memref<10240x64xf32, #tpu.memory_space<vmem_shared>>) offsets(%dma_start3A_201 : memref<128xi32, #tpu.memory_space<vmem>>) semaphore(%run_scoped3A_198 : memref<!tpu.dma_semaphore, #tpu.memory_space<semaphore_mem>>) {add = true}
        %dma_wait3A_205 = arith.constant 0 : i32
        %dma_wait3A_206 = tpu.memref_slice %arg7[%rem3A_75, %run_scoped3A_168, %dma_wait3A_205] : memref<2x8x128xi32, #tpu.memory_space<vmem>> -> memref<1x1x128xi32, #tpu.memory_space<vmem>>
        %dma_wait3A_207 = tpu.memref_squeeze %dma_wait3A_206 : memref<1x1x128xi32, #tpu.memory_space<vmem>> -> memref<128xi32, #tpu.memory_space<vmem>>
        %dma_wait3A_208 = arith.constant 0 : i32
        %dma_wait3A_209 = arith.constant 0 : i32
        %dma_wait3A_210 = tpu.memref_slice %arg12[%dma_wait3A_208, %dma_wait3A_209] : memref<10240x64xf32, #tpu.memory_space<vmem_shared>> -> memref<10240x64xf32, #tpu.memory_space<vmem_shared>>
        tpu.wait_indirect_dma semaphore(%run_scoped3A_198 : memref<!tpu.dma_semaphore, #tpu.memory_space<semaphore_mem>>) src(%arg9 : memref<128x64xf32, #tpu.memory_space<vmem>>) dst(%dma_wait3A_210 : memref<10240x64xf32, #tpu.memory_space<vmem_shared>>)
        tpu.yield
      }) : () -> ()
      %dma_start3A_169 = arith.constant 7 : i32
      %dma_start3A_170 = arith.constant 0 : i32
      %dma_start3A_171 = tpu.memref_slice %arg6[%rem3A_75, %dma_start3A_169, %dma_start3A_170] : memref<2x8x128xi32, #tpu.memory_space<vmem>> -> memref<1x1x128xi32, #tpu.memory_space<vmem>>
      %dma_start3A_172 = tpu.memref_squeeze %dma_start3A_171 : memref<1x1x128xi32, #tpu.memory_space<vmem>> -> memref<128xi32, #tpu.memory_space<vmem>>
      %dma_start3A_173 = arith.constant 0 : i32
      %dma_start3A_174 = arith.constant 0 : i32
      %dma_start3A_175 = tpu.memref_slice %arg2[%dma_start3A_173, %dma_start3A_174] : memref<10240x64xf32, #tpu.memory_space<hbm>> -> memref<10240x64xf32, #tpu.memory_space<hbm>>
      tpu.enqueue_indirect_dma source(%dma_start3A_175 : memref<10240x64xf32, #tpu.memory_space<hbm>>) target(%arg9 : memref<128x64xf32, #tpu.memory_space<vmem>>) offsets(%dma_start3A_172 : memref<128xi32, #tpu.memory_space<vmem>>) semaphore(%arg11 : memref<!tpu.dma_semaphore, #tpu.memory_space<semaphore_mem>>)
      %dma_wait3A_176 = arith.constant 6 : i32
      %dma_wait3A_177 = arith.constant 0 : i32
      %dma_wait3A_178 = tpu.memref_slice %arg6[%rem3A_75, %dma_wait3A_176, %dma_wait3A_177] : memref<2x8x128xi32, #tpu.memory_space<vmem>> -> memref<1x1x128xi32, #tpu.memory_space<vmem>>
      %dma_wait3A_179 = tpu.memref_squeeze %dma_wait3A_178 : memref<1x1x128xi32, #tpu.memory_space<vmem>> -> memref<128xi32, #tpu.memory_space<vmem>>
      %dma_wait3A_180 = arith.constant 0 : i32
      %dma_wait3A_181 = arith.constant 0 : i32
      %dma_wait3A_182 = tpu.memref_slice %arg2[%dma_wait3A_180, %dma_wait3A_181] : memref<10240x64xf32, #tpu.memory_space<hbm>> -> memref<10240x64xf32, #tpu.memory_space<hbm>>
      tpu.wait_indirect_dma semaphore(%arg10 : memref<!tpu.dma_semaphore, #tpu.memory_space<semaphore_mem>>) src(%dma_wait3A_182 : memref<10240x64xf32, #tpu.memory_space<hbm>>) dst(%arg8 : memref<128x64xf32, #tpu.memory_space<vmem>>)
      %run_scoped3A_183 = arith.constant 6 : i32
      "tpu.region"() ({
        %run_scoped3A_198 = tpu.sem_alloc : memref<!tpu.dma_semaphore, #tpu.memory_space<semaphore_mem>>
        %dma_start3A_199 = arith.constant 0 : i32
        %dma_start3A_200 = tpu.memref_slice %arg7[%rem3A_75, %run_scoped3A_183, %dma_start3A_199] : memref<2x8x128xi32, #tpu.memory_space<vmem>> -> memref<1x1x128xi32, #tpu.memory_space<vmem>>
        %dma_start3A_201 = tpu.memref_squeeze %dma_start3A_200 : memref<1x1x128xi32, #tpu.memory_space<vmem>> -> memref<128xi32, #tpu.memory_space<vmem>>
        %dma_start3A_202 = arith.constant 0 : i32
        %dma_start3A_203 = arith.constant 0 : i32
        %dma_start3A_204 = tpu.memref_slice %arg12[%dma_start3A_202, %dma_start3A_203] : memref<10240x64xf32, #tpu.memory_space<vmem_shared>> -> memref<10240x64xf32, #tpu.memory_space<vmem_shared>>
        tpu.enqueue_indirect_dma source(%arg8 : memref<128x64xf32, #tpu.memory_space<vmem>>) target(%dma_start3A_204 : memref<10240x64xf32, #tpu.memory_space<vmem_shared>>) offsets(%dma_start3A_201 : memref<128xi32, #tpu.memory_space<vmem>>) semaphore(%run_scoped3A_198 : memref<!tpu.dma_semaphore, #tpu.memory_space<semaphore_mem>>) {add = true}
        %dma_wait3A_205 = arith.constant 0 : i32
        %dma_wait3A_206 = tpu.memref_slice %arg7[%rem3A_75, %run_scoped3A_183, %dma_wait3A_205] : memref<2x8x128xi32, #tpu.memory_space<vmem>> -> memref<1x1x128xi32, #tpu.memory_space<vmem>>
        %dma_wait3A_207 = tpu.memref_squeeze %dma_wait3A_206 : memref<1x1x128xi32, #tpu.memory_space<vmem>> -> memref<128xi32, #tpu.memory_space<vmem>>
        %dma_wait3A_208 = arith.constant 0 : i32
        %dma_wait3A_209 = arith.constant 0 : i32
        %dma_wait3A_210 = tpu.memref_slice %arg12[%dma_wait3A_208, %dma_wait3A_209] : memref<10240x64xf32, #tpu.memory_space<vmem_shared>> -> memref<10240x64xf32, #tpu.memory_space<vmem_shared>>
        tpu.wait_indirect_dma semaphore(%run_scoped3A_198 : memref<!tpu.dma_semaphore, #tpu.memory_space<semaphore_mem>>) src(%arg8 : memref<128x64xf32, #tpu.memory_space<vmem>>) dst(%dma_wait3A_210 : memref<10240x64xf32, #tpu.memory_space<vmem_shared>>)
        tpu.yield
      }) : () -> ()
      %sub3A_184 = arith.constant 1 : i32
      %sub3A_185 = arith.subi %select_n3A_11, %sub3A_184 : i32
      %lt3A_186 = arith.cmpi slt, %while3A_74, %sub3A_185 : i32
      %convert_element_type3A_187 = arith.extui %lt3A_186 : i1 to i32
      %cond3A_188 = arith.constant 0 : i32
      %cond3A_189 = arith.cmpi ne, %convert_element_type3A_187, %cond3A_188 : i32
      scf.if %cond3A_189 {
        %dma_start3A_198 = arith.constant 0 : i32
        %dma_start3A_199 = arith.constant 0 : i32
        %dma_start3A_200 = tpu.memref_slice %arg6[%sub3A_76, %dma_start3A_198, %dma_start3A_199] : memref<2x8x128xi32, #tpu.memory_space<vmem>> -> memref<1x1x128xi32, #tpu.memory_space<vmem>>
        %dma_start3A_201 = tpu.memref_squeeze %dma_start3A_200 : memref<1x1x128xi32, #tpu.memory_space<vmem>> -> memref<128xi32, #tpu.memory_space<vmem>>
        %dma_start3A_202 = arith.constant 0 : i32
        %dma_start3A_203 = arith.constant 0 : i32
        %dma_start3A_204 = tpu.memref_slice %arg2[%dma_start3A_202, %dma_start3A_203] : memref<10240x64xf32, #tpu.memory_space<hbm>> -> memref<10240x64xf32, #tpu.memory_space<hbm>>
        tpu.enqueue_indirect_dma source(%dma_start3A_204 : memref<10240x64xf32, #tpu.memory_space<hbm>>) target(%arg8 : memref<128x64xf32, #tpu.memory_space<vmem>>) offsets(%dma_start3A_201 : memref<128xi32, #tpu.memory_space<vmem>>) semaphore(%arg10 : memref<!tpu.dma_semaphore, #tpu.memory_space<semaphore_mem>>)
      } else {
      }
      %dma_wait3A_190 = arith.constant 7 : i32
      %dma_wait3A_191 = arith.constant 0 : i32
      %dma_wait3A_192 = tpu.memref_slice %arg6[%rem3A_75, %dma_wait3A_190, %dma_wait3A_191] : memref<2x8x128xi32, #tpu.memory_space<vmem>> -> memref<1x1x128xi32, #tpu.memory_space<vmem>>
      %dma_wait3A_193 = tpu.memref_squeeze %dma_wait3A_192 : memref<1x1x128xi32, #tpu.memory_space<vmem>> -> memref<128xi32, #tpu.memory_space<vmem>>
      %dma_wait3A_194 = arith.constant 0 : i32
      %dma_wait3A_195 = arith.constant 0 : i32
      %dma_wait3A_196 = tpu.memref_slice %arg2[%dma_wait3A_194, %dma_wait3A_195] : memref<10240x64xf32, #tpu.memory_space<hbm>> -> memref<10240x64xf32, #tpu.memory_space<hbm>>
      tpu.wait_indirect_dma semaphore(%arg11 : memref<!tpu.dma_semaphore, #tpu.memory_space<semaphore_mem>>) src(%dma_wait3A_196 : memref<10240x64xf32, #tpu.memory_space<hbm>>) dst(%arg9 : memref<128x64xf32, #tpu.memory_space<vmem>>)
      %run_scoped3A_197 = arith.constant 7 : i32
      "tpu.region"() ({
        %run_scoped3A_198 = tpu.sem_alloc : memref<!tpu.dma_semaphore, #tpu.memory_space<semaphore_mem>>
        %dma_start3A_199 = arith.constant 0 : i32
        %dma_start3A_200 = tpu.memref_slice %arg7[%rem3A_75, %run_scoped3A_197, %dma_start3A_199] : memref<2x8x128xi32, #tpu.memory_space<vmem>> -> memref<1x1x128xi32, #tpu.memory_space<vmem>>
        %dma_start3A_201 = tpu.memref_squeeze %dma_start3A_200 : memref<1x1x128xi32, #tpu.memory_space<vmem>> -> memref<128xi32, #tpu.memory_space<vmem>>
        %dma_start3A_202 = arith.constant 0 : i32
        %dma_start3A_203 = arith.constant 0 : i32
        %dma_start3A_204 = tpu.memref_slice %arg12[%dma_start3A_202, %dma_start3A_203] : memref<10240x64xf32, #tpu.memory_space<vmem_shared>> -> memref<10240x64xf32, #tpu.memory_space<vmem_shared>>
        tpu.enqueue_indirect_dma source(%arg9 : memref<128x64xf32, #tpu.memory_space<vmem>>) target(%dma_start3A_204 : memref<10240x64xf32, #tpu.memory_space<vmem_shared>>) offsets(%dma_start3A_201 : memref<128xi32, #tpu.memory_space<vmem>>) semaphore(%run_scoped3A_198 : memref<!tpu.dma_semaphore, #tpu.memory_space<semaphore_mem>>) {add = true}
        %dma_wait3A_205 = arith.constant 0 : i32
        %dma_wait3A_206 = tpu.memref_slice %arg7[%rem3A_75, %run_scoped3A_197, %dma_wait3A_205] : memref<2x8x128xi32, #tpu.memory_space<vmem>> -> memref<1x1x128xi32, #tpu.memory_space<vmem>>
        %dma_wait3A_207 = tpu.memref_squeeze %dma_wait3A_206 : memref<1x1x128xi32, #tpu.memory_space<vmem>> -> memref<128xi32, #tpu.memory_space<vmem>>
        %dma_wait3A_208 = arith.constant 0 : i32
        %dma_wait3A_209 = arith.constant 0 : i32
        %dma_wait3A_210 = tpu.memref_slice %arg12[%dma_wait3A_208, %dma_wait3A_209] : memref<10240x64xf32, #tpu.memory_space<vmem_shared>> -> memref<10240x64xf32, #tpu.memory_space<vmem_shared>>
        tpu.wait_indirect_dma semaphore(%run_scoped3A_198 : memref<!tpu.dma_semaphore, #tpu.memory_space<semaphore_mem>>) src(%arg9 : memref<128x64xf32, #tpu.memory_space<vmem>>) dst(%dma_wait3A_210 : memref<10240x64xf32, #tpu.memory_space<vmem_shared>>)
        tpu.yield
      }) : () -> ()
    }
    %while3A_52 = arith.constant 1 : i32
    scf.for %while3A_74 = %while3A_50 to %while3A_46 step %while3A_52  : i32 {
      %rem3A = arith.constant 2 : i32
      %rem3A_75 = arith.remsi %while3A_74, %rem3A : i32
      %sub3A = arith.constant 1 : i32
      %sub3A_76 = arith.subi %sub3A, %rem3A_75 : i32
      %sub3A_77 = arith.constant 1 : i32
      %sub3A_78 = arith.subi %select_n3A_11, %sub3A_77 : i32
      %lt3A = arith.cmpi slt, %while3A_74, %sub3A_78 : i32
      %convert_element_type3A_79 = arith.extui %lt3A : i1 to i32
      %cond3A_80 = arith.constant 0 : i32
      %cond3A_81 = arith.cmpi ne, %convert_element_type3A_79, %cond3A_80 : i32
      scf.if %cond3A_81 {
        %add3A_198 = arith.constant 1 : i32
        %add3A_199 = arith.addi %while3A_74, %add3A_198 : i32
        %mul3A_200 = arith.constant 8 : i32
        %mul3A_201 = arith.muli %add3A_199, %mul3A_200 : i32
        %add3A_202 = arith.addi %select_n3A, %mul3A_201 : i32
        "tpu.region"() ({
          %run_scoped3A_208 = tpu.sem_alloc : memref<!tpu.dma_semaphore, #tpu.memory_space<semaphore_mem>>
          %dma_start3A_209 = arith.constant 0 : i32
          %dma_start3A_210 = arith.constant 0 : i32
          %dma_start3A_211 = tpu.memref_slice %arg6[%sub3A_76, %dma_start3A_209, %dma_start3A_210] : memref<2x8x128xi32, #tpu.memory_space<vmem>> -> memref<1x8x128xi32, #tpu.memory_space<vmem>>
          %dma_start3A_212 = tpu.memref_squeeze %dma_start3A_211 : memref<1x8x128xi32, #tpu.memory_space<vmem>> -> memref<8x128xi32, #tpu.memory_space<vmem>>
          %dma_start3A_213 = arith.constant 0 : i32
          %dma_start3A_214 = tpu.memref_slice %arg3[%add3A_202, %dma_start3A_213] : memref<2560x128xi32, #tpu.memory_space<hbm>> -> memref<8x128xi32, #tpu.memory_space<hbm>>
          %dma_start3A_215 = arith.constant 0 : i32
          %dma_start3A_216 = arith.constant 0 : i32
          %dma_start3A_217 = tpu.memref_slice %arg6[%sub3A_76, %dma_start3A_215, %dma_start3A_216] : memref<2x8x128xi32, #tpu.memory_space<vmem>> -> memref<1x8x128xi32, #tpu.memory_space<vmem>>
          %dma_start3A_218 = tpu.memref_squeeze %dma_start3A_217 : memref<1x8x128xi32, #tpu.memory_space<vmem>> -> memref<8x128xi32, #tpu.memory_space<vmem>>
          %dma_start3A_219 = arith.constant 0 : i32
          %dma_start3A_220 = tpu.memref_slice %arg3[%add3A_202, %dma_start3A_219] : memref<2560x128xi32, #tpu.memory_space<hbm>> -> memref<8x128xi32, #tpu.memory_space<hbm>>
          tpu.enqueue_dma source(%dma_start3A_220 : memref<8x128xi32, #tpu.memory_space<hbm>>) target(%dma_start3A_218 : memref<8x128xi32, #tpu.memory_space<vmem>>) target_semaphore(%run_scoped3A_208 : memref<!tpu.dma_semaphore, #tpu.memory_space<semaphore_mem>>)
          %dma_wait3A_221 = arith.constant 0 : i32
          %dma_wait3A_222 = arith.constant 0 : i32
          %dma_wait3A_223 = tpu.memref_slice %arg6[%sub3A_76, %dma_wait3A_221, %dma_wait3A_222] : memref<2x8x128xi32, #tpu.memory_space<vmem>> -> memref<1x8x128xi32, #tpu.memory_space<vmem>>
          %dma_wait3A_224 = tpu.memref_squeeze %dma_wait3A_223 : memref<1x8x128xi32, #tpu.memory_space<vmem>> -> memref<8x128xi32, #tpu.memory_space<vmem>>
          %dma_wait3A_225 = arith.constant 0 : i32
          %dma_wait3A_226 = tpu.memref_slice %arg3[%add3A_202, %dma_wait3A_225] : memref<2560x128xi32, #tpu.memory_space<hbm>> -> memref<8x128xi32, #tpu.memory_space<hbm>>
          %dma_wait3A_227 = arith.constant 0 : i32
          %dma_wait3A_228 = arith.constant 0 : i32
          %dma_wait3A_229 = tpu.memref_slice %arg6[%sub3A_76, %dma_wait3A_227, %dma_wait3A_228] : memref<2x8x128xi32, #tpu.memory_space<vmem>> -> memref<1x8x128xi32, #tpu.memory_space<vmem>>
          %dma_wait3A_230 = tpu.memref_squeeze %dma_wait3A_229 : memref<1x8x128xi32, #tpu.memory_space<vmem>> -> memref<8x128xi32, #tpu.memory_space<vmem>>
          %dma_wait3A_231 = arith.constant 0 : i32
          %dma_wait3A_232 = tpu.memref_slice %arg3[%add3A_202, %dma_wait3A_231] : memref<2560x128xi32, #tpu.memory_space<hbm>> -> memref<8x128xi32, #tpu.memory_space<hbm>>
          tpu.wait_dma2 semaphore(%run_scoped3A_208 : memref<!tpu.dma_semaphore, #tpu.memory_space<semaphore_mem>>) src(%dma_wait3A_232 : memref<8x128xi32, #tpu.memory_space<hbm>>) dst(%dma_wait3A_230 : memref<8x128xi32, #tpu.memory_space<vmem>>)
          tpu.yield
        }) : () -> ()
        %add3A_203 = arith.constant 1 : i32
        %add3A_204 = arith.addi %while3A_74, %add3A_203 : i32
        %mul3A_205 = arith.constant 8 : i32
        %mul3A_206 = arith.muli %add3A_204, %mul3A_205 : i32
        %add3A_207 = arith.addi %select_n3A, %mul3A_206 : i32
        "tpu.region"() ({
          %run_scoped3A_208 = tpu.sem_alloc : memref<!tpu.dma_semaphore, #tpu.memory_space<semaphore_mem>>
          %dma_start3A_209 = arith.constant 0 : i32
          %dma_start3A_210 = arith.constant 0 : i32
          %dma_start3A_211 = tpu.memref_slice %arg7[%sub3A_76, %dma_start3A_209, %dma_start3A_210] : memref<2x8x128xi32, #tpu.memory_space<vmem>> -> memref<1x8x128xi32, #tpu.memory_space<vmem>>
          %dma_start3A_212 = tpu.memref_squeeze %dma_start3A_211 : memref<1x8x128xi32, #tpu.memory_space<vmem>> -> memref<8x128xi32, #tpu.memory_space<vmem>>
          %dma_start3A_213 = arith.constant 0 : i32
          %dma_start3A_214 = tpu.memref_slice %arg4[%add3A_207, %dma_start3A_213] : memref<2560x128xi32, #tpu.memory_space<hbm>> -> memref<8x128xi32, #tpu.memory_space<hbm>>
          %dma_start3A_215 = arith.constant 0 : i32
          %dma_start3A_216 = arith.constant 0 : i32
          %dma_start3A_217 = tpu.memref_slice %arg7[%sub3A_76, %dma_start3A_215, %dma_start3A_216] : memref<2x8x128xi32, #tpu.memory_space<vmem>> -> memref<1x8x128xi32, #tpu.memory_space<vmem>>
          %dma_start3A_218 = tpu.memref_squeeze %dma_start3A_217 : memref<1x8x128xi32, #tpu.memory_space<vmem>> -> memref<8x128xi32, #tpu.memory_space<vmem>>
          %dma_start3A_219 = arith.constant 0 : i32
          %dma_start3A_220 = tpu.memref_slice %arg4[%add3A_207, %dma_start3A_219] : memref<2560x128xi32, #tpu.memory_space<hbm>> -> memref<8x128xi32, #tpu.memory_space<hbm>>
          tpu.enqueue_dma source(%dma_start3A_220 : memref<8x128xi32, #tpu.memory_space<hbm>>) target(%dma_start3A_218 : memref<8x128xi32, #tpu.memory_space<vmem>>) target_semaphore(%run_scoped3A_208 : memref<!tpu.dma_semaphore, #tpu.memory_space<semaphore_mem>>)
          %dma_wait3A_221 = arith.constant 0 : i32
          %dma_wait3A_222 = arith.constant 0 : i32
          %dma_wait3A_223 = tpu.memref_slice %arg7[%sub3A_76, %dma_wait3A_221, %dma_wait3A_222] : memref<2x8x128xi32, #tpu.memory_space<vmem>> -> memref<1x8x128xi32, #tpu.memory_space<vmem>>
          %dma_wait3A_224 = tpu.memref_squeeze %dma_wait3A_223 : memref<1x8x128xi32, #tpu.memory_space<vmem>> -> memref<8x128xi32, #tpu.memory_space<vmem>>
          %dma_wait3A_225 = arith.constant 0 : i32
          %dma_wait3A_226 = tpu.memref_slice %arg4[%add3A_207, %dma_wait3A_225] : memref<2560x128xi32, #tpu.memory_space<hbm>> -> memref<8x128xi32, #tpu.memory_space<hbm>>
          %dma_wait3A_227 = arith.constant 0 : i32
          %dma_wait3A_228 = arith.constant 0 : i32
          %dma_wait3A_229 = tpu.memref_slice %arg7[%sub3A_76, %dma_wait3A_227, %dma_wait3A_228] : memref<2x8x128xi32, #tpu.memory_space<vmem>> -> memref<1x8x128xi32, #tpu.memory_space<vmem>>
          %dma_wait3A_230 = tpu.memref_squeeze %dma_wait3A_229 : memref<1x8x128xi32, #tpu.memory_space<vmem>> -> memref<8x128xi32, #tpu.memory_space<vmem>>
          %dma_wait3A_231 = arith.constant 0 : i32
          %dma_wait3A_232 = tpu.memref_slice %arg4[%add3A_207, %dma_wait3A_231] : memref<2560x128xi32, #tpu.memory_space<hbm>> -> memref<8x128xi32, #tpu.memory_space<hbm>>
          tpu.wait_dma2 semaphore(%run_scoped3A_208 : memref<!tpu.dma_semaphore, #tpu.memory_space<semaphore_mem>>) src(%dma_wait3A_232 : memref<8x128xi32, #tpu.memory_space<hbm>>) dst(%dma_wait3A_230 : memref<8x128xi32, #tpu.memory_space<vmem>>)
          tpu.yield
        }) : () -> ()
      } else {
      }
      %dma_start3A = arith.constant 1 : i32
      %dma_start3A_82 = arith.constant 0 : i32
      %dma_start3A_83 = tpu.memref_slice %arg6[%rem3A_75, %dma_start3A, %dma_start3A_82] : memref<2x8x128xi32, #tpu.memory_space<vmem>> -> memref<1x1x128xi32, #tpu.memory_space<vmem>>
      %dma_start3A_84 = tpu.memref_squeeze %dma_start3A_83 : memref<1x1x128xi32, #tpu.memory_space<vmem>> -> memref<128xi32, #tpu.memory_space<vmem>>
      %dma_start3A_85 = arith.constant 0 : i32
      %dma_start3A_86 = arith.constant 0 : i32
      %dma_start3A_87 = tpu.memref_slice %arg2[%dma_start3A_85, %dma_start3A_86] : memref<10240x64xf32, #tpu.memory_space<hbm>> -> memref<10240x64xf32, #tpu.memory_space<hbm>>
      tpu.enqueue_indirect_dma source(%dma_start3A_87 : memref<10240x64xf32, #tpu.memory_space<hbm>>) target(%arg9 : memref<128x64xf32, #tpu.memory_space<vmem>>) offsets(%dma_start3A_84 : memref<128xi32, #tpu.memory_space<vmem>>) semaphore(%arg11 : memref<!tpu.dma_semaphore, #tpu.memory_space<semaphore_mem>>)
      %dma_wait3A = arith.constant 0 : i32
      %dma_wait3A_88 = arith.constant 0 : i32
      %dma_wait3A_89 = tpu.memref_slice %arg6[%rem3A_75, %dma_wait3A, %dma_wait3A_88] : memref<2x8x128xi32, #tpu.memory_space<vmem>> -> memref<1x1x128xi32, #tpu.memory_space<vmem>>
      %dma_wait3A_90 = tpu.memref_squeeze %dma_wait3A_89 : memref<1x1x128xi32, #tpu.memory_space<vmem>> -> memref<128xi32, #tpu.memory_space<vmem>>
      %dma_wait3A_91 = arith.constant 0 : i32
      %dma_wait3A_92 = arith.constant 0 : i32
      %dma_wait3A_93 = tpu.memref_slice %arg2[%dma_wait3A_91, %dma_wait3A_92] : memref<10240x64xf32, #tpu.memory_space<hbm>> -> memref<10240x64xf32, #tpu.memory_space<hbm>>
      tpu.wait_indirect_dma semaphore(%arg10 : memref<!tpu.dma_semaphore, #tpu.memory_space<semaphore_mem>>) src(%dma_wait3A_93 : memref<10240x64xf32, #tpu.memory_space<hbm>>) dst(%arg8 : memref<128x64xf32, #tpu.memory_space<vmem>>)
      %run_scoped3A = arith.constant 0 : i32
      "tpu.region"() ({
        %run_scoped3A_198 = tpu.sem_alloc : memref<!tpu.dma_semaphore, #tpu.memory_space<semaphore_mem>>
        %dma_start3A_199 = arith.constant 0 : i32
        %dma_start3A_200 = tpu.memref_slice %arg7[%rem3A_75, %run_scoped3A, %dma_start3A_199] : memref<2x8x128xi32, #tpu.memory_space<vmem>> -> memref<1x1x128xi32, #tpu.memory_space<vmem>>
        %dma_start3A_201 = tpu.memref_squeeze %dma_start3A_200 : memref<1x1x128xi32, #tpu.memory_space<vmem>> -> memref<128xi32, #tpu.memory_space<vmem>>
        %dma_start3A_202 = arith.constant 0 : i32
        %dma_start3A_203 = arith.constant 0 : i32
        %dma_start3A_204 = tpu.memref_slice %arg12[%dma_start3A_202, %dma_start3A_203] : memref<10240x64xf32, #tpu.memory_space<vmem_shared>> -> memref<10240x64xf32, #tpu.memory_space<vmem_shared>>
        tpu.enqueue_indirect_dma source(%arg8 : memref<128x64xf32, #tpu.memory_space<vmem>>) target(%dma_start3A_204 : memref<10240x64xf32, #tpu.memory_space<vmem_shared>>) offsets(%dma_start3A_201 : memref<128xi32, #tpu.memory_space<vmem>>) semaphore(%run_scoped3A_198 : memref<!tpu.dma_semaphore, #tpu.memory_space<semaphore_mem>>) {add = true}
        %dma_wait3A_205 = arith.constant 0 : i32
        %dma_wait3A_206 = tpu.memref_slice %arg7[%rem3A_75, %run_scoped3A, %dma_wait3A_205] : memref<2x8x128xi32, #tpu.memory_space<vmem>> -> memref<1x1x128xi32, #tpu.memory_space<vmem>>
        %dma_wait3A_207 = tpu.memref_squeeze %dma_wait3A_206 : memref<1x1x128xi32, #tpu.memory_space<vmem>> -> memref<128xi32, #tpu.memory_space<vmem>>
        %dma_wait3A_208 = arith.constant 0 : i32
        %dma_wait3A_209 = arith.constant 0 : i32
        %dma_wait3A_210 = tpu.memref_slice %arg12[%dma_wait3A_208, %dma_wait3A_209] : memref<10240x64xf32, #tpu.memory_space<vmem_shared>> -> memref<10240x64xf32, #tpu.memory_space<vmem_shared>>
        tpu.wait_indirect_dma semaphore(%run_scoped3A_198 : memref<!tpu.dma_semaphore, #tpu.memory_space<semaphore_mem>>) src(%arg8 : memref<128x64xf32, #tpu.memory_space<vmem>>) dst(%dma_wait3A_210 : memref<10240x64xf32, #tpu.memory_space<vmem_shared>>)
        tpu.yield
      }) : () -> ()
      %dma_start3A_94 = arith.constant 2 : i32
      %dma_start3A_95 = arith.constant 0 : i32
      %dma_start3A_96 = tpu.memref_slice %arg6[%rem3A_75, %dma_start3A_94, %dma_start3A_95] : memref<2x8x128xi32, #tpu.memory_space<vmem>> -> memref<1x1x128xi32, #tpu.memory_space<vmem>>
      %dma_start3A_97 = tpu.memref_squeeze %dma_start3A_96 : memref<1x1x128xi32, #tpu.memory_space<vmem>> -> memref<128xi32, #tpu.memory_space<vmem>>
      %dma_start3A_98 = arith.constant 0 : i32
      %dma_start3A_99 = arith.constant 0 : i32
      %dma_start3A_100 = tpu.memref_slice %arg2[%dma_start3A_98, %dma_start3A_99] : memref<10240x64xf32, #tpu.memory_space<hbm>> -> memref<10240x64xf32, #tpu.memory_space<hbm>>
      tpu.enqueue_indirect_dma source(%dma_start3A_100 : memref<10240x64xf32, #tpu.memory_space<hbm>>) target(%arg8 : memref<128x64xf32, #tpu.memory_space<vmem>>) offsets(%dma_start3A_97 : memref<128xi32, #tpu.memory_space<vmem>>) semaphore(%arg10 : memref<!tpu.dma_semaphore, #tpu.memory_space<semaphore_mem>>)
      %dma_wait3A_101 = arith.constant 1 : i32
      %dma_wait3A_102 = arith.constant 0 : i32
      %dma_wait3A_103 = tpu.memref_slice %arg6[%rem3A_75, %dma_wait3A_101, %dma_wait3A_102] : memref<2x8x128xi32, #tpu.memory_space<vmem>> -> memref<1x1x128xi32, #tpu.memory_space<vmem>>
      %dma_wait3A_104 = tpu.memref_squeeze %dma_wait3A_103 : memref<1x1x128xi32, #tpu.memory_space<vmem>> -> memref<128xi32, #tpu.memory_space<vmem>>
      %dma_wait3A_105 = arith.constant 0 : i32
      %dma_wait3A_106 = arith.constant 0 : i32
      %dma_wait3A_107 = tpu.memref_slice %arg2[%dma_wait3A_105, %dma_wait3A_106] : memref<10240x64xf32, #tpu.memory_space<hbm>> -> memref<10240x64xf32, #tpu.memory_space<hbm>>
      tpu.wait_indirect_dma semaphore(%arg11 : memref<!tpu.dma_semaphore, #tpu.memory_space<semaphore_mem>>) src(%dma_wait3A_107 : memref<10240x64xf32, #tpu.memory_space<hbm>>) dst(%arg9 : memref<128x64xf32, #tpu.memory_space<vmem>>)
      %run_scoped3A_108 = arith.constant 1 : i32
      "tpu.region"() ({
        %run_scoped3A_198 = tpu.sem_alloc : memref<!tpu.dma_semaphore, #tpu.memory_space<semaphore_mem>>
        %dma_start3A_199 = arith.constant 0 : i32
        %dma_start3A_200 = tpu.memref_slice %arg7[%rem3A_75, %run_scoped3A_108, %dma_start3A_199] : memref<2x8x128xi32, #tpu.memory_space<vmem>> -> memref<1x1x128xi32, #tpu.memory_space<vmem>>
        %dma_start3A_201 = tpu.memref_squeeze %dma_start3A_200 : memref<1x1x128xi32, #tpu.memory_space<vmem>> -> memref<128xi32, #tpu.memory_space<vmem>>
        %dma_start3A_202 = arith.constant 0 : i32
        %dma_start3A_203 = arith.constant 0 : i32
        %dma_start3A_204 = tpu.memref_slice %arg12[%dma_start3A_202, %dma_start3A_203] : memref<10240x64xf32, #tpu.memory_space<vmem_shared>> -> memref<10240x64xf32, #tpu.memory_space<vmem_shared>>
        tpu.enqueue_indirect_dma source(%arg9 : memref<128x64xf32, #tpu.memory_space<vmem>>) target(%dma_start3A_204 : memref<10240x64xf32, #tpu.memory_space<vmem_shared>>) offsets(%dma_start3A_201 : memref<128xi32, #tpu.memory_space<vmem>>) semaphore(%run_scoped3A_198 : memref<!tpu.dma_semaphore, #tpu.memory_space<semaphore_mem>>) {add = true}
        %dma_wait3A_205 = arith.constant 0 : i32
        %dma_wait3A_206 = tpu.memref_slice %arg7[%rem3A_75, %run_scoped3A_108, %dma_wait3A_205] : memref<2x8x128xi32, #tpu.memory_space<vmem>> -> memref<1x1x128xi32, #tpu.memory_space<vmem>>
        %dma_wait3A_207 = tpu.memref_squeeze %dma_wait3A_206 : memref<1x1x128xi32, #tpu.memory_space<vmem>> -> memref<128xi32, #tpu.memory_space<vmem>>
        %dma_wait3A_208 = arith.constant 0 : i32
        %dma_wait3A_209 = arith.constant 0 : i32
        %dma_wait3A_210 = tpu.memref_slice %arg12[%dma_wait3A_208, %dma_wait3A_209] : memref<10240x64xf32, #tpu.memory_space<vmem_shared>> -> memref<10240x64xf32, #tpu.memory_space<vmem_shared>>
        tpu.wait_indirect_dma semaphore(%run_scoped3A_198 : memref<!tpu.dma_semaphore, #tpu.memory_space<semaphore_mem>>) src(%arg9 : memref<128x64xf32, #tpu.memory_space<vmem>>) dst(%dma_wait3A_210 : memref<10240x64xf32, #tpu.memory_space<vmem_shared>>)
        tpu.yield
      }) : () -> ()
      %dma_start3A_109 = arith.constant 3 : i32
      %dma_start3A_110 = arith.constant 0 : i32
      %dma_start3A_111 = tpu.memref_slice %arg6[%rem3A_75, %dma_start3A_109, %dma_start3A_110] : memref<2x8x128xi32, #tpu.memory_space<vmem>> -> memref<1x1x128xi32, #tpu.memory_space<vmem>>
      %dma_start3A_112 = tpu.memref_squeeze %dma_start3A_111 : memref<1x1x128xi32, #tpu.memory_space<vmem>> -> memref<128xi32, #tpu.memory_space<vmem>>
      %dma_start3A_113 = arith.constant 0 : i32
      %dma_start3A_114 = arith.constant 0 : i32
      %dma_start3A_115 = tpu.memref_slice %arg2[%dma_start3A_113, %dma_start3A_114] : memref<10240x64xf32, #tpu.memory_space<hbm>> -> memref<10240x64xf32, #tpu.memory_space<hbm>>
      tpu.enqueue_indirect_dma source(%dma_start3A_115 : memref<10240x64xf32, #tpu.memory_space<hbm>>) target(%arg9 : memref<128x64xf32, #tpu.memory_space<vmem>>) offsets(%dma_start3A_112 : memref<128xi32, #tpu.memory_space<vmem>>) semaphore(%arg11 : memref<!tpu.dma_semaphore, #tpu.memory_space<semaphore_mem>>)
      %dma_wait3A_116 = arith.constant 2 : i32
      %dma_wait3A_117 = arith.constant 0 : i32
      %dma_wait3A_118 = tpu.memref_slice %arg6[%rem3A_75, %dma_wait3A_116, %dma_wait3A_117] : memref<2x8x128xi32, #tpu.memory_space<vmem>> -> memref<1x1x128xi32, #tpu.memory_space<vmem>>
      %dma_wait3A_119 = tpu.memref_squeeze %dma_wait3A_118 : memref<1x1x128xi32, #tpu.memory_space<vmem>> -> memref<128xi32, #tpu.memory_space<vmem>>
      %dma_wait3A_120 = arith.constant 0 : i32
      %dma_wait3A_121 = arith.constant 0 : i32
      %dma_wait3A_122 = tpu.memref_slice %arg2[%dma_wait3A_120, %dma_wait3A_121] : memref<10240x64xf32, #tpu.memory_space<hbm>> -> memref<10240x64xf32, #tpu.memory_space<hbm>>
      tpu.wait_indirect_dma semaphore(%arg10 : memref<!tpu.dma_semaphore, #tpu.memory_space<semaphore_mem>>) src(%dma_wait3A_122 : memref<10240x64xf32, #tpu.memory_space<hbm>>) dst(%arg8 : memref<128x64xf32, #tpu.memory_space<vmem>>)
      %run_scoped3A_123 = arith.constant 2 : i32
      "tpu.region"() ({
        %run_scoped3A_198 = tpu.sem_alloc : memref<!tpu.dma_semaphore, #tpu.memory_space<semaphore_mem>>
        %dma_start3A_199 = arith.constant 0 : i32
        %dma_start3A_200 = tpu.memref_slice %arg7[%rem3A_75, %run_scoped3A_123, %dma_start3A_199] : memref<2x8x128xi32, #tpu.memory_space<vmem>> -> memref<1x1x128xi32, #tpu.memory_space<vmem>>
        %dma_start3A_201 = tpu.memref_squeeze %dma_start3A_200 : memref<1x1x128xi32, #tpu.memory_space<vmem>> -> memref<128xi32, #tpu.memory_space<vmem>>
        %dma_start3A_202 = arith.constant 0 : i32
        %dma_start3A_203 = arith.constant 0 : i32
        %dma_start3A_204 = tpu.memref_slice %arg12[%dma_start3A_202, %dma_start3A_203] : memref<10240x64xf32, #tpu.memory_space<vmem_shared>> -> memref<10240x64xf32, #tpu.memory_space<vmem_shared>>
        tpu.enqueue_indirect_dma source(%arg8 : memref<128x64xf32, #tpu.memory_space<vmem>>) target(%dma_start3A_204 : memref<10240x64xf32, #tpu.memory_space<vmem_shared>>) offsets(%dma_start3A_201 : memref<128xi32, #tpu.memory_space<vmem>>) semaphore(%run_scoped3A_198 : memref<!tpu.dma_semaphore, #tpu.memory_space<semaphore_mem>>) {add = true}
        %dma_wait3A_205 = arith.constant 0 : i32
        %dma_wait3A_206 = tpu.memref_slice %arg7[%rem3A_75, %run_scoped3A_123, %dma_wait3A_205] : memref<2x8x128xi32, #tpu.memory_space<vmem>> -> memref<1x1x128xi32, #tpu.memory_space<vmem>>
        %dma_wait3A_207 = tpu.memref_squeeze %dma_wait3A_206 : memref<1x1x128xi32, #tpu.memory_space<vmem>> -> memref<128xi32, #tpu.memory_space<vmem>>
        %dma_wait3A_208 = arith.constant 0 : i32
        %dma_wait3A_209 = arith.constant 0 : i32
        %dma_wait3A_210 = tpu.memref_slice %arg12[%dma_wait3A_208, %dma_wait3A_209] : memref<10240x64xf32, #tpu.memory_space<vmem_shared>> -> memref<10240x64xf32, #tpu.memory_space<vmem_shared>>
        tpu.wait_indirect_dma semaphore(%run_scoped3A_198 : memref<!tpu.dma_semaphore, #tpu.memory_space<semaphore_mem>>) src(%arg8 : memref<128x64xf32, #tpu.memory_space<vmem>>) dst(%dma_wait3A_210 : memref<10240x64xf32, #tpu.memory_space<vmem_shared>>)
        tpu.yield
      }) : () -> ()
      %dma_start3A_124 = arith.constant 4 : i32
      %dma_start3A_125 = arith.constant 0 : i32
      %dma_start3A_126 = tpu.memref_slice %arg6[%rem3A_75, %dma_start3A_124, %dma_start3A_125] : memref<2x8x128xi32, #tpu.memory_space<vmem>> -> memref<1x1x128xi32, #tpu.memory_space<vmem>>
      %dma_start3A_127 = tpu.memref_squeeze %dma_start3A_126 : memref<1x1x128xi32, #tpu.memory_space<vmem>> -> memref<128xi32, #tpu.memory_space<vmem>>
      %dma_start3A_128 = arith.constant 0 : i32
      %dma_start3A_129 = arith.constant 0 : i32
      %dma_start3A_130 = tpu.memref_slice %arg2[%dma_start3A_128, %dma_start3A_129] : memref<10240x64xf32, #tpu.memory_space<hbm>> -> memref<10240x64xf32, #tpu.memory_space<hbm>>
      tpu.enqueue_indirect_dma source(%dma_start3A_130 : memref<10240x64xf32, #tpu.memory_space<hbm>>) target(%arg8 : memref<128x64xf32, #tpu.memory_space<vmem>>) offsets(%dma_start3A_127 : memref<128xi32, #tpu.memory_space<vmem>>) semaphore(%arg10 : memref<!tpu.dma_semaphore, #tpu.memory_space<semaphore_mem>>)
      %dma_wait3A_131 = arith.constant 3 : i32
      %dma_wait3A_132 = arith.constant 0 : i32
      %dma_wait3A_133 = tpu.memref_slice %arg6[%rem3A_75, %dma_wait3A_131, %dma_wait3A_132] : memref<2x8x128xi32, #tpu.memory_space<vmem>> -> memref<1x1x128xi32, #tpu.memory_space<vmem>>
      %dma_wait3A_134 = tpu.memref_squeeze %dma_wait3A_133 : memref<1x1x128xi32, #tpu.memory_space<vmem>> -> memref<128xi32, #tpu.memory_space<vmem>>
      %dma_wait3A_135 = arith.constant 0 : i32
      %dma_wait3A_136 = arith.constant 0 : i32
      %dma_wait3A_137 = tpu.memref_slice %arg2[%dma_wait3A_135, %dma_wait3A_136] : memref<10240x64xf32, #tpu.memory_space<hbm>> -> memref<10240x64xf32, #tpu.memory_space<hbm>>
      tpu.wait_indirect_dma semaphore(%arg11 : memref<!tpu.dma_semaphore, #tpu.memory_space<semaphore_mem>>) src(%dma_wait3A_137 : memref<10240x64xf32, #tpu.memory_space<hbm>>) dst(%arg9 : memref<128x64xf32, #tpu.memory_space<vmem>>)
      %run_scoped3A_138 = arith.constant 3 : i32
      "tpu.region"() ({
        %run_scoped3A_198 = tpu.sem_alloc : memref<!tpu.dma_semaphore, #tpu.memory_space<semaphore_mem>>
        %dma_start3A_199 = arith.constant 0 : i32
        %dma_start3A_200 = tpu.memref_slice %arg7[%rem3A_75, %run_scoped3A_138, %dma_start3A_199] : memref<2x8x128xi32, #tpu.memory_space<vmem>> -> memref<1x1x128xi32, #tpu.memory_space<vmem>>
        %dma_start3A_201 = tpu.memref_squeeze %dma_start3A_200 : memref<1x1x128xi32, #tpu.memory_space<vmem>> -> memref<128xi32, #tpu.memory_space<vmem>>
        %dma_start3A_202 = arith.constant 0 : i32
        %dma_start3A_203 = arith.constant 0 : i32
        %dma_start3A_204 = tpu.memref_slice %arg12[%dma_start3A_202, %dma_start3A_203] : memref<10240x64xf32, #tpu.memory_space<vmem_shared>> -> memref<10240x64xf32, #tpu.memory_space<vmem_shared>>
        tpu.enqueue_indirect_dma source(%arg9 : memref<128x64xf32, #tpu.memory_space<vmem>>) target(%dma_start3A_204 : memref<10240x64xf32, #tpu.memory_space<vmem_shared>>) offsets(%dma_start3A_201 : memref<128xi32, #tpu.memory_space<vmem>>) semaphore(%run_scoped3A_198 : memref<!tpu.dma_semaphore, #tpu.memory_space<semaphore_mem>>) {add = true}
        %dma_wait3A_205 = arith.constant 0 : i32
        %dma_wait3A_206 = tpu.memref_slice %arg7[%rem3A_75, %run_scoped3A_138, %dma_wait3A_205] : memref<2x8x128xi32, #tpu.memory_space<vmem>> -> memref<1x1x128xi32, #tpu.memory_space<vmem>>
        %dma_wait3A_207 = tpu.memref_squeeze %dma_wait3A_206 : memref<1x1x128xi32, #tpu.memory_space<vmem>> -> memref<128xi32, #tpu.memory_space<vmem>>
        %dma_wait3A_208 = arith.constant 0 : i32
        %dma_wait3A_209 = arith.constant 0 : i32
        %dma_wait3A_210 = tpu.memref_slice %arg12[%dma_wait3A_208, %dma_wait3A_209] : memref<10240x64xf32, #tpu.memory_space<vmem_shared>> -> memref<10240x64xf32, #tpu.memory_space<vmem_shared>>
        tpu.wait_indirect_dma semaphore(%run_scoped3A_198 : memref<!tpu.dma_semaphore, #tpu.memory_space<semaphore_mem>>) src(%arg9 : memref<128x64xf32, #tpu.memory_space<vmem>>) dst(%dma_wait3A_210 : memref<10240x64xf32, #tpu.memory_space<vmem_shared>>)
        tpu.yield
      }) : () -> ()
      %dma_start3A_139 = arith.constant 5 : i32
      %dma_start3A_140 = arith.constant 0 : i32
      %dma_start3A_141 = tpu.memref_slice %arg6[%rem3A_75, %dma_start3A_139, %dma_start3A_140] : memref<2x8x128xi32, #tpu.memory_space<vmem>> -> memref<1x1x128xi32, #tpu.memory_space<vmem>>
      %dma_start3A_142 = tpu.memref_squeeze %dma_start3A_141 : memref<1x1x128xi32, #tpu.memory_space<vmem>> -> memref<128xi32, #tpu.memory_space<vmem>>
      %dma_start3A_143 = arith.constant 0 : i32
      %dma_start3A_144 = arith.constant 0 : i32
      %dma_start3A_145 = tpu.memref_slice %arg2[%dma_start3A_143, %dma_start3A_144] : memref<10240x64xf32, #tpu.memory_space<hbm>> -> memref<10240x64xf32, #tpu.memory_space<hbm>>
      tpu.enqueue_indirect_dma source(%dma_start3A_145 : memref<10240x64xf32, #tpu.memory_space<hbm>>) target(%arg9 : memref<128x64xf32, #tpu.memory_space<vmem>>) offsets(%dma_start3A_142 : memref<128xi32, #tpu.memory_space<vmem>>) semaphore(%arg11 : memref<!tpu.dma_semaphore, #tpu.memory_space<semaphore_mem>>)
      %dma_wait3A_146 = arith.constant 4 : i32
      %dma_wait3A_147 = arith.constant 0 : i32
      %dma_wait3A_148 = tpu.memref_slice %arg6[%rem3A_75, %dma_wait3A_146, %dma_wait3A_147] : memref<2x8x128xi32, #tpu.memory_space<vmem>> -> memref<1x1x128xi32, #tpu.memory_space<vmem>>
      %dma_wait3A_149 = tpu.memref_squeeze %dma_wait3A_148 : memref<1x1x128xi32, #tpu.memory_space<vmem>> -> memref<128xi32, #tpu.memory_space<vmem>>
      %dma_wait3A_150 = arith.constant 0 : i32
      %dma_wait3A_151 = arith.constant 0 : i32
      %dma_wait3A_152 = tpu.memref_slice %arg2[%dma_wait3A_150, %dma_wait3A_151] : memref<10240x64xf32, #tpu.memory_space<hbm>> -> memref<10240x64xf32, #tpu.memory_space<hbm>>
      tpu.wait_indirect_dma semaphore(%arg10 : memref<!tpu.dma_semaphore, #tpu.memory_space<semaphore_mem>>) src(%dma_wait3A_152 : memref<10240x64xf32, #tpu.memory_space<hbm>>) dst(%arg8 : memref<128x64xf32, #tpu.memory_space<vmem>>)
      %run_scoped3A_153 = arith.constant 4 : i32
      "tpu.region"() ({
        %run_scoped3A_198 = tpu.sem_alloc : memref<!tpu.dma_semaphore, #tpu.memory_space<semaphore_mem>>
        %dma_start3A_199 = arith.constant 0 : i32
        %dma_start3A_200 = tpu.memref_slice %arg7[%rem3A_75, %run_scoped3A_153, %dma_start3A_199] : memref<2x8x128xi32, #tpu.memory_space<vmem>> -> memref<1x1x128xi32, #tpu.memory_space<vmem>>
        %dma_start3A_201 = tpu.memref_squeeze %dma_start3A_200 : memref<1x1x128xi32, #tpu.memory_space<vmem>> -> memref<128xi32, #tpu.memory_space<vmem>>
        %dma_start3A_202 = arith.constant 0 : i32
        %dma_start3A_203 = arith.constant 0 : i32
        %dma_start3A_204 = tpu.memref_slice %arg12[%dma_start3A_202, %dma_start3A_203] : memref<10240x64xf32, #tpu.memory_space<vmem_shared>> -> memref<10240x64xf32, #tpu.memory_space<vmem_shared>>
        tpu.enqueue_indirect_dma source(%arg8 : memref<128x64xf32, #tpu.memory_space<vmem>>) target(%dma_start3A_204 : memref<10240x64xf32, #tpu.memory_space<vmem_shared>>) offsets(%dma_start3A_201 : memref<128xi32, #tpu.memory_space<vmem>>) semaphore(%run_scoped3A_198 : memref<!tpu.dma_semaphore, #tpu.memory_space<semaphore_mem>>) {add = true}
        %dma_wait3A_205 = arith.constant 0 : i32
        %dma_wait3A_206 = tpu.memref_slice %arg7[%rem3A_75, %run_scoped3A_153, %dma_wait3A_205] : memref<2x8x128xi32, #tpu.memory_space<vmem>> -> memref<1x1x128xi32, #tpu.memory_space<vmem>>
        %dma_wait3A_207 = tpu.memref_squeeze %dma_wait3A_206 : memref<1x1x128xi32, #tpu.memory_space<vmem>> -> memref<128xi32, #tpu.memory_space<vmem>>
        %dma_wait3A_208 = arith.constant 0 : i32
        %dma_wait3A_209 = arith.constant 0 : i32
        %dma_wait3A_210 = tpu.memref_slice %arg12[%dma_wait3A_208, %dma_wait3A_209] : memref<10240x64xf32, #tpu.memory_space<vmem_shared>> -> memref<10240x64xf32, #tpu.memory_space<vmem_shared>>
        tpu.wait_indirect_dma semaphore(%run_scoped3A_198 : memref<!tpu.dma_semaphore, #tpu.memory_space<semaphore_mem>>) src(%arg8 : memref<128x64xf32, #tpu.memory_space<vmem>>) dst(%dma_wait3A_210 : memref<10240x64xf32, #tpu.memory_space<vmem_shared>>)
        tpu.yield
      }) : () -> ()
      %dma_start3A_154 = arith.constant 6 : i32
      %dma_start3A_155 = arith.constant 0 : i32
      %dma_start3A_156 = tpu.memref_slice %arg6[%rem3A_75, %dma_start3A_154, %dma_start3A_155] : memref<2x8x128xi32, #tpu.memory_space<vmem>> -> memref<1x1x128xi32, #tpu.memory_space<vmem>>
      %dma_start3A_157 = tpu.memref_squeeze %dma_start3A_156 : memref<1x1x128xi32, #tpu.memory_space<vmem>> -> memref<128xi32, #tpu.memory_space<vmem>>
      %dma_start3A_158 = arith.constant 0 : i32
      %dma_start3A_159 = arith.constant 0 : i32
      %dma_start3A_160 = tpu.memref_slice %arg2[%dma_start3A_158, %dma_start3A_159] : memref<10240x64xf32, #tpu.memory_space<hbm>> -> memref<10240x64xf32, #tpu.memory_space<hbm>>
      tpu.enqueue_indirect_dma source(%dma_start3A_160 : memref<10240x64xf32, #tpu.memory_space<hbm>>) target(%arg8 : memref<128x64xf32, #tpu.memory_space<vmem>>) offsets(%dma_start3A_157 : memref<128xi32, #tpu.memory_space<vmem>>) semaphore(%arg10 : memref<!tpu.dma_semaphore, #tpu.memory_space<semaphore_mem>>)
      %dma_wait3A_161 = arith.constant 5 : i32
      %dma_wait3A_162 = arith.constant 0 : i32
      %dma_wait3A_163 = tpu.memref_slice %arg6[%rem3A_75, %dma_wait3A_161, %dma_wait3A_162] : memref<2x8x128xi32, #tpu.memory_space<vmem>> -> memref<1x1x128xi32, #tpu.memory_space<vmem>>
      %dma_wait3A_164 = tpu.memref_squeeze %dma_wait3A_163 : memref<1x1x128xi32, #tpu.memory_space<vmem>> -> memref<128xi32, #tpu.memory_space<vmem>>
      %dma_wait3A_165 = arith.constant 0 : i32
      %dma_wait3A_166 = arith.constant 0 : i32
      %dma_wait3A_167 = tpu.memref_slice %arg2[%dma_wait3A_165, %dma_wait3A_166] : memref<10240x64xf32, #tpu.memory_space<hbm>> -> memref<10240x64xf32, #tpu.memory_space<hbm>>
      tpu.wait_indirect_dma semaphore(%arg11 : memref<!tpu.dma_semaphore, #tpu.memory_space<semaphore_mem>>) src(%dma_wait3A_167 : memref<10240x64xf32, #tpu.memory_space<hbm>>) dst(%arg9 : memref<128x64xf32, #tpu.memory_space<vmem>>)
      %run_scoped3A_168 = arith.constant 5 : i32
      "tpu.region"() ({
        %run_scoped3A_198 = tpu.sem_alloc : memref<!tpu.dma_semaphore, #tpu.memory_space<semaphore_mem>>
        %dma_start3A_199 = arith.constant 0 : i32
        %dma_start3A_200 = tpu.memref_slice %arg7[%rem3A_75, %run_scoped3A_168, %dma_start3A_199] : memref<2x8x128xi32, #tpu.memory_space<vmem>> -> memref<1x1x128xi32, #tpu.memory_space<vmem>>
        %dma_start3A_201 = tpu.memref_squeeze %dma_start3A_200 : memref<1x1x128xi32, #tpu.memory_space<vmem>> -> memref<128xi32, #tpu.memory_space<vmem>>
        %dma_start3A_202 = arith.constant 0 : i32
        %dma_start3A_203 = arith.constant 0 : i32
        %dma_start3A_204 = tpu.memref_slice %arg12[%dma_start3A_202, %dma_start3A_203] : memref<10240x64xf32, #tpu.memory_space<vmem_shared>> -> memref<10240x64xf32, #tpu.memory_space<vmem_shared>>
        tpu.enqueue_indirect_dma source(%arg9 : memref<128x64xf32, #tpu.memory_space<vmem>>) target(%dma_start3A_204 : memref<10240x64xf32, #tpu.memory_space<vmem_shared>>) offsets(%dma_start3A_201 : memref<128xi32, #tpu.memory_space<vmem>>) semaphore(%run_scoped3A_198 : memref<!tpu.dma_semaphore, #tpu.memory_space<semaphore_mem>>) {add = true}
        %dma_wait3A_205 = arith.constant 0 : i32
        %dma_wait3A_206 = tpu.memref_slice %arg7[%rem3A_75, %run_scoped3A_168, %dma_wait3A_205] : memref<2x8x128xi32, #tpu.memory_space<vmem>> -> memref<1x1x128xi32, #tpu.memory_space<vmem>>
        %dma_wait3A_207 = tpu.memref_squeeze %dma_wait3A_206 : memref<1x1x128xi32, #tpu.memory_space<vmem>> -> memref<128xi32, #tpu.memory_space<vmem>>
        %dma_wait3A_208 = arith.constant 0 : i32
        %dma_wait3A_209 = arith.constant 0 : i32
        %dma_wait3A_210 = tpu.memref_slice %arg12[%dma_wait3A_208, %dma_wait3A_209] : memref<10240x64xf32, #tpu.memory_space<vmem_shared>> -> memref<10240x64xf32, #tpu.memory_space<vmem_shared>>
        tpu.wait_indirect_dma semaphore(%run_scoped3A_198 : memref<!tpu.dma_semaphore, #tpu.memory_space<semaphore_mem>>) src(%arg9 : memref<128x64xf32, #tpu.memory_space<vmem>>) dst(%dma_wait3A_210 : memref<10240x64xf32, #tpu.memory_space<vmem_shared>>)
        tpu.yield
      }) : () -> ()
      %dma_start3A_169 = arith.constant 7 : i32
      %dma_start3A_170 = arith.constant 0 : i32
      %dma_start3A_171 = tpu.memref_slice %arg6[%rem3A_75, %dma_start3A_169, %dma_start3A_170] : memref<2x8x128xi32, #tpu.memory_space<vmem>> -> memref<1x1x128xi32, #tpu.memory_space<vmem>>
      %dma_start3A_172 = tpu.memref_squeeze %dma_start3A_171 : memref<1x1x128xi32, #tpu.memory_space<vmem>> -> memref<128xi32, #tpu.memory_space<vmem>>
      %dma_start3A_173 = arith.constant 0 : i32
      %dma_start3A_174 = arith.constant 0 : i32
      %dma_start3A_175 = tpu.memref_slice %arg2[%dma_start3A_173, %dma_start3A_174] : memref<10240x64xf32, #tpu.memory_space<hbm>> -> memref<10240x64xf32, #tpu.memory_space<hbm>>
      tpu.enqueue_indirect_dma source(%dma_start3A_175 : memref<10240x64xf32, #tpu.memory_space<hbm>>) target(%arg9 : memref<128x64xf32, #tpu.memory_space<vmem>>) offsets(%dma_start3A_172 : memref<128xi32, #tpu.memory_space<vmem>>) semaphore(%arg11 : memref<!tpu.dma_semaphore, #tpu.memory_space<semaphore_mem>>)
      %dma_wait3A_176 = arith.constant 6 : i32
      %dma_wait3A_177 = arith.constant 0 : i32
      %dma_wait3A_178 = tpu.memref_slice %arg6[%rem3A_75, %dma_wait3A_176, %dma_wait3A_177] : memref<2x8x128xi32, #tpu.memory_space<vmem>> -> memref<1x1x128xi32, #tpu.memory_space<vmem>>
      %dma_wait3A_179 = tpu.memref_squeeze %dma_wait3A_178 : memref<1x1x128xi32, #tpu.memory_space<vmem>> -> memref<128xi32, #tpu.memory_space<vmem>>
      %dma_wait3A_180 = arith.constant 0 : i32
      %dma_wait3A_181 = arith.constant 0 : i32
      %dma_wait3A_182 = tpu.memref_slice %arg2[%dma_wait3A_180, %dma_wait3A_181] : memref<10240x64xf32, #tpu.memory_space<hbm>> -> memref<10240x64xf32, #tpu.memory_space<hbm>>
      tpu.wait_indirect_dma semaphore(%arg10 : memref<!tpu.dma_semaphore, #tpu.memory_space<semaphore_mem>>) src(%dma_wait3A_182 : memref<10240x64xf32, #tpu.memory_space<hbm>>) dst(%arg8 : memref<128x64xf32, #tpu.memory_space<vmem>>)
      %run_scoped3A_183 = arith.constant 6 : i32
      "tpu.region"() ({
        %run_scoped3A_198 = tpu.sem_alloc : memref<!tpu.dma_semaphore, #tpu.memory_space<semaphore_mem>>
        %dma_start3A_199 = arith.constant 0 : i32
        %dma_start3A_200 = tpu.memref_slice %arg7[%rem3A_75, %run_scoped3A_183, %dma_start3A_199] : memref<2x8x128xi32, #tpu.memory_space<vmem>> -> memref<1x1x128xi32, #tpu.memory_space<vmem>>
        %dma_start3A_201 = tpu.memref_squeeze %dma_start3A_200 : memref<1x1x128xi32, #tpu.memory_space<vmem>> -> memref<128xi32, #tpu.memory_space<vmem>>
        %dma_start3A_202 = arith.constant 0 : i32
        %dma_start3A_203 = arith.constant 0 : i32
        %dma_start3A_204 = tpu.memref_slice %arg12[%dma_start3A_202, %dma_start3A_203] : memref<10240x64xf32, #tpu.memory_space<vmem_shared>> -> memref<10240x64xf32, #tpu.memory_space<vmem_shared>>
        tpu.enqueue_indirect_dma source(%arg8 : memref<128x64xf32, #tpu.memory_space<vmem>>) target(%dma_start3A_204 : memref<10240x64xf32, #tpu.memory_space<vmem_shared>>) offsets(%dma_start3A_201 : memref<128xi32, #tpu.memory_space<vmem>>) semaphore(%run_scoped3A_198 : memref<!tpu.dma_semaphore, #tpu.memory_space<semaphore_mem>>) {add = true}
        %dma_wait3A_205 = arith.constant 0 : i32
        %dma_wait3A_206 = tpu.memref_slice %arg7[%rem3A_75, %run_scoped3A_183, %dma_wait3A_205] : memref<2x8x128xi32, #tpu.memory_space<vmem>> -> memref<1x1x128xi32, #tpu.memory_space<vmem>>
        %dma_wait3A_207 = tpu.memref_squeeze %dma_wait3A_206 : memref<1x1x128xi32, #tpu.memory_space<vmem>> -> memref<128xi32, #tpu.memory_space<vmem>>
        %dma_wait3A_208 = arith.constant 0 : i32
        %dma_wait3A_209 = arith.constant 0 : i32
        %dma_wait3A_210 = tpu.memref_slice %arg12[%dma_wait3A_208, %dma_wait3A_209] : memref<10240x64xf32, #tpu.memory_space<vmem_shared>> -> memref<10240x64xf32, #tpu.memory_space<vmem_shared>>
        tpu.wait_indirect_dma semaphore(%run_scoped3A_198 : memref<!tpu.dma_semaphore, #tpu.memory_space<semaphore_mem>>) src(%arg8 : memref<128x64xf32, #tpu.memory_space<vmem>>) dst(%dma_wait3A_210 : memref<10240x64xf32, #tpu.memory_space<vmem_shared>>)
        tpu.yield
      }) : () -> ()
      %sub3A_184 = arith.constant 1 : i32
      %sub3A_185 = arith.subi %select_n3A_11, %sub3A_184 : i32
      %lt3A_186 = arith.cmpi slt, %while3A_74, %sub3A_185 : i32
      %convert_element_type3A_187 = arith.extui %lt3A_186 : i1 to i32
      %cond3A_188 = arith.constant 0 : i32
      %cond3A_189 = arith.cmpi ne, %convert_element_type3A_187, %cond3A_188 : i32
      scf.if %cond3A_189 {
        %dma_start3A_198 = arith.constant 0 : i32
        %dma_start3A_199 = arith.constant 0 : i32
        %dma_start3A_200 = tpu.memref_slice %arg6[%sub3A_76, %dma_start3A_198, %dma_start3A_199] : memref<2x8x128xi32, #tpu.memory_space<vmem>> -> memref<1x1x128xi32, #tpu.memory_space<vmem>>
        %dma_start3A_201 = tpu.memref_squeeze %dma_start3A_200 : memref<1x1x128xi32, #tpu.memory_space<vmem>> -> memref<128xi32, #tpu.memory_space<vmem>>
        %dma_start3A_202 = arith.constant 0 : i32
        %dma_start3A_203 = arith.constant 0 : i32
        %dma_start3A_204 = tpu.memref_slice %arg2[%dma_start3A_202, %dma_start3A_203] : memref<10240x64xf32, #tpu.memory_space<hbm>> -> memref<10240x64xf32, #tpu.memory_space<hbm>>
        tpu.enqueue_indirect_dma source(%dma_start3A_204 : memref<10240x64xf32, #tpu.memory_space<hbm>>) target(%arg8 : memref<128x64xf32, #tpu.memory_space<vmem>>) offsets(%dma_start3A_201 : memref<128xi32, #tpu.memory_space<vmem>>) semaphore(%arg10 : memref<!tpu.dma_semaphore, #tpu.memory_space<semaphore_mem>>)
      } else {
      }
      %dma_wait3A_190 = arith.constant 7 : i32
      %dma_wait3A_191 = arith.constant 0 : i32
      %dma_wait3A_192 = tpu.memref_slice %arg6[%rem3A_75, %dma_wait3A_190, %dma_wait3A_191] : memref<2x8x128xi32, #tpu.memory_space<vmem>> -> memref<1x1x128xi32, #tpu.memory_space<vmem>>
      %dma_wait3A_193 = tpu.memref_squeeze %dma_wait3A_192 : memref<1x1x128xi32, #tpu.memory_space<vmem>> -> memref<128xi32, #tpu.memory_space<vmem>>
      %dma_wait3A_194 = arith.constant 0 : i32
      %dma_wait3A_195 = arith.constant 0 : i32
      %dma_wait3A_196 = tpu.memref_slice %arg2[%dma_wait3A_194, %dma_wait3A_195] : memref<10240x64xf32, #tpu.memory_space<hbm>> -> memref<10240x64xf32, #tpu.memory_space<hbm>>
      tpu.wait_indirect_dma semaphore(%arg11 : memref<!tpu.dma_semaphore, #tpu.memory_space<semaphore_mem>>) src(%dma_wait3A_196 : memref<10240x64xf32, #tpu.memory_space<hbm>>) dst(%arg9 : memref<128x64xf32, #tpu.memory_space<vmem>>)
      %run_scoped3A_197 = arith.constant 7 : i32
      "tpu.region"() ({
        %run_scoped3A_198 = tpu.sem_alloc : memref<!tpu.dma_semaphore, #tpu.memory_space<semaphore_mem>>
        %dma_start3A_199 = arith.constant 0 : i32
        %dma_start3A_200 = tpu.memref_slice %arg7[%rem3A_75, %run_scoped3A_197, %dma_start3A_199] : memref<2x8x128xi32, #tpu.memory_space<vmem>> -> memref<1x1x128xi32, #tpu.memory_space<vmem>>
        %dma_start3A_201 = tpu.memref_squeeze %dma_start3A_200 : memref<1x1x128xi32, #tpu.memory_space<vmem>> -> memref<128xi32, #tpu.memory_space<vmem>>
        %dma_start3A_202 = arith.constant 0 : i32
        %dma_start3A_203 = arith.constant 0 : i32
        %dma_start3A_204 = tpu.memref_slice %arg12[%dma_start3A_202, %dma_start3A_203] : memref<10240x64xf32, #tpu.memory_space<vmem_shared>> -> memref<10240x64xf32, #tpu.memory_space<vmem_shared>>
        tpu.enqueue_indirect_dma source(%arg9 : memref<128x64xf32, #tpu.memory_space<vmem>>) target(%dma_start3A_204 : memref<10240x64xf32, #tpu.memory_space<vmem_shared>>) offsets(%dma_start3A_201 : memref<128xi32, #tpu.memory_space<vmem>>) semaphore(%run_scoped3A_198 : memref<!tpu.dma_semaphore, #tpu.memory_space<semaphore_mem>>) {add = true}
        %dma_wait3A_205 = arith.constant 0 : i32
        %dma_wait3A_206 = tpu.memref_slice %arg7[%rem3A_75, %run_scoped3A_197, %dma_wait3A_205] : memref<2x8x128xi32, #tpu.memory_space<vmem>> -> memref<1x1x128xi32, #tpu.memory_space<vmem>>
        %dma_wait3A_207 = tpu.memref_squeeze %dma_wait3A_206 : memref<1x1x128xi32, #tpu.memory_space<vmem>> -> memref<128xi32, #tpu.memory_space<vmem>>
        %dma_wait3A_208 = arith.constant 0 : i32
        %dma_wait3A_209 = arith.constant 0 : i32
        %dma_wait3A_210 = tpu.memref_slice %arg12[%dma_wait3A_208, %dma_wait3A_209] : memref<10240x64xf32, #tpu.memory_space<vmem_shared>> -> memref<10240x64xf32, #tpu.memory_space<vmem_shared>>
        tpu.wait_indirect_dma semaphore(%run_scoped3A_198 : memref<!tpu.dma_semaphore, #tpu.memory_space<semaphore_mem>>) src(%arg9 : memref<128x64xf32, #tpu.memory_space<vmem>>) dst(%dma_wait3A_210 : memref<10240x64xf32, #tpu.memory_space<vmem_shared>>)
        tpu.yield
      }) : () -> ()
    }
    %barrier3A_53 = arith.constant 0 : index
    tpu.barrier barrier_id(%barrier3A_53)
    %mul3A_54 = arith.constant 640 : i32
    %mul3A_55 = arith.muli %arg1, %mul3A_54 : i32
    %add3A_56 = arith.constant 0 : i32
    %add3A_57 = arith.addi %mul3A_55, %add3A_56 : i32
    "tpu.region"() ({
      %run_scoped3A = tpu.sem_alloc : memref<!tpu.dma_semaphore, #tpu.memory_space<semaphore_mem>>
      %dma_start3A = arith.constant 0 : i32
      %dma_start3A_74 = tpu.memref_slice %arg12[%add3A_57, %dma_start3A] : memref<10240x64xf32, #tpu.memory_space<vmem_shared>> -> memref<128x64xf32, #tpu.memory_space<vmem_shared>>
      %dma_start3A_75 = arith.constant 0 : i32
      %dma_start3A_76 = tpu.memref_slice %arg12[%add3A_57, %dma_start3A_75] : memref<10240x64xf32, #tpu.memory_space<vmem_shared>> -> memref<128x64xf32, #tpu.memory_space<vmem_shared>>
      tpu.enqueue_dma source(%dma_start3A_76 : memref<128x64xf32, #tpu.memory_space<vmem_shared>>) target(%arg8 : memref<128x64xf32, #tpu.memory_space<vmem>>) target_semaphore(%run_scoped3A : memref<!tpu.dma_semaphore, #tpu.memory_space<semaphore_mem>>)
      %dma_wait3A = arith.constant 0 : i32
      %dma_wait3A_77 = tpu.memref_slice %arg12[%add3A_57, %dma_wait3A] : memref<10240x64xf32, #tpu.memory_space<vmem_shared>> -> memref<128x64xf32, #tpu.memory_space<vmem_shared>>
      %dma_wait3A_78 = arith.constant 0 : i32
      %dma_wait3A_79 = tpu.memref_slice %arg12[%add3A_57, %dma_wait3A_78] : memref<10240x64xf32, #tpu.memory_space<vmem_shared>> -> memref<128x64xf32, #tpu.memory_space<vmem_shared>>
      tpu.wait_dma2 semaphore(%run_scoped3A : memref<!tpu.dma_semaphore, #tpu.memory_space<semaphore_mem>>) src(%dma_wait3A_79 : memref<128x64xf32, #tpu.memory_space<vmem_shared>>) dst(%arg8 : memref<128x64xf32, #tpu.memory_space<vmem>>)
      tpu.yield
    }) : () -> ()
    "tpu.region"() ({
      %run_scoped3A = tpu.sem_alloc : memref<!tpu.dma_semaphore, #tpu.memory_space<semaphore_mem>>
      %dma_start3A = arith.constant 0 : i32
      %dma_start3A_74 = tpu.memref_slice %arg5[%arg0, %add3A_57, %dma_start3A] : memref<2x10240x64xf32, #tpu.memory_space<hbm>> -> memref<1x128x64xf32, #tpu.memory_space<hbm>>
      %dma_start3A_75 = tpu.memref_squeeze %dma_start3A_74 : memref<1x128x64xf32, #tpu.memory_space<hbm>> -> memref<128x64xf32, #tpu.memory_space<hbm>>
      %dma_start3A_76 = arith.constant 0 : i32
      %dma_start3A_77 = tpu.memref_slice %arg5[%arg0, %add3A_57, %dma_start3A_76] : memref<2x10240x64xf32, #tpu.memory_space<hbm>> -> memref<1x128x64xf32, #tpu.memory_space<hbm>>
      %dma_start3A_78 = tpu.memref_squeeze %dma_start3A_77 : memref<1x128x64xf32, #tpu.memory_space<hbm>> -> memref<128x64xf32, #tpu.memory_space<hbm>>
      tpu.enqueue_dma source(%arg8 : memref<128x64xf32, #tpu.memory_space<vmem>>) target(%dma_start3A_78 : memref<128x64xf32, #tpu.memory_space<hbm>>) target_semaphore(%run_scoped3A : memref<!tpu.dma_semaphore, #tpu.memory_space<semaphore_mem>>)
      %dma_wait3A = arith.constant 0 : i32
      %dma_wait3A_79 = tpu.memref_slice %arg5[%arg0, %add3A_57, %dma_wait3A] : memref<2x10240x64xf32, #tpu.memory_space<hbm>> -> memref<1x128x64xf32, #tpu.memory_space<hbm>>
      %dma_wait3A_80 = tpu.memref_squeeze %dma_wait3A_79 : memref<1x128x64xf32, #tpu.memory_space<hbm>> -> memref<128x64xf32, #tpu.memory_space<hbm>>
      %dma_wait3A_81 = arith.constant 0 : i32
      %dma_wait3A_82 = tpu.memref_slice %arg5[%arg0, %add3A_57, %dma_wait3A_81] : memref<2x10240x64xf32, #tpu.memory_space<hbm>> -> memref<1x128x64xf32, #tpu.memory_space<hbm>>
      %dma_wait3A_83 = tpu.memref_squeeze %dma_wait3A_82 : memref<1x128x64xf32, #tpu.memory_space<hbm>> -> memref<128x64xf32, #tpu.memory_space<hbm>>
      tpu.wait_dma2 semaphore(%run_scoped3A : memref<!tpu.dma_semaphore, #tpu.memory_space<semaphore_mem>>) src(%arg8 : memref<128x64xf32, #tpu.memory_space<vmem>>) dst(%dma_wait3A_83 : memref<128x64xf32, #tpu.memory_space<hbm>>)
      tpu.yield
    }) : () -> ()
    %mul3A_58 = arith.constant 640 : i32
    %mul3A_59 = arith.muli %arg1, %mul3A_58 : i32
    %add3A_60 = arith.constant 128 : i32
    %add3A_61 = arith.addi %mul3A_59, %add3A_60 : i32
    "tpu.region"() ({
      %run_scoped3A = tpu.sem_alloc : memref<!tpu.dma_semaphore, #tpu.memory_space<semaphore_mem>>
      %dma_start3A = arith.constant 0 : i32
      %dma_start3A_74 = tpu.memref_slice %arg12[%add3A_61, %dma_start3A] : memref<10240x64xf32, #tpu.memory_space<vmem_shared>> -> memref<128x64xf32, #tpu.memory_space<vmem_shared>>
      %dma_start3A_75 = arith.constant 0 : i32
      %dma_start3A_76 = tpu.memref_slice %arg12[%add3A_61, %dma_start3A_75] : memref<10240x64xf32, #tpu.memory_space<vmem_shared>> -> memref<128x64xf32, #tpu.memory_space<vmem_shared>>
      tpu.enqueue_dma source(%dma_start3A_76 : memref<128x64xf32, #tpu.memory_space<vmem_shared>>) target(%arg8 : memref<128x64xf32, #tpu.memory_space<vmem>>) target_semaphore(%run_scoped3A : memref<!tpu.dma_semaphore, #tpu.memory_space<semaphore_mem>>)
      %dma_wait3A = arith.constant 0 : i32
      %dma_wait3A_77 = tpu.memref_slice %arg12[%add3A_61, %dma_wait3A] : memref<10240x64xf32, #tpu.memory_space<vmem_shared>> -> memref<128x64xf32, #tpu.memory_space<vmem_shared>>
      %dma_wait3A_78 = arith.constant 0 : i32
      %dma_wait3A_79 = tpu.memref_slice %arg12[%add3A_61, %dma_wait3A_78] : memref<10240x64xf32, #tpu.memory_space<vmem_shared>> -> memref<128x64xf32, #tpu.memory_space<vmem_shared>>
      tpu.wait_dma2 semaphore(%run_scoped3A : memref<!tpu.dma_semaphore, #tpu.memory_space<semaphore_mem>>) src(%dma_wait3A_79 : memref<128x64xf32, #tpu.memory_space<vmem_shared>>) dst(%arg8 : memref<128x64xf32, #tpu.memory_space<vmem>>)
      tpu.yield
    }) : () -> ()
    "tpu.region"() ({
      %run_scoped3A = tpu.sem_alloc : memref<!tpu.dma_semaphore, #tpu.memory_space<semaphore_mem>>
      %dma_start3A = arith.constant 0 : i32
      %dma_start3A_74 = tpu.memref_slice %arg5[%arg0, %add3A_61, %dma_start3A] : memref<2x10240x64xf32, #tpu.memory_space<hbm>> -> memref<1x128x64xf32, #tpu.memory_space<hbm>>
      %dma_start3A_75 = tpu.memref_squeeze %dma_start3A_74 : memref<1x128x64xf32, #tpu.memory_space<hbm>> -> memref<128x64xf32, #tpu.memory_space<hbm>>
      %dma_start3A_76 = arith.constant 0 : i32
      %dma_start3A_77 = tpu.memref_slice %arg5[%arg0, %add3A_61, %dma_start3A_76] : memref<2x10240x64xf32, #tpu.memory_space<hbm>> -> memref<1x128x64xf32, #tpu.memory_space<hbm>>
      %dma_start3A_78 = tpu.memref_squeeze %dma_start3A_77 : memref<1x128x64xf32, #tpu.memory_space<hbm>> -> memref<128x64xf32, #tpu.memory_space<hbm>>
      tpu.enqueue_dma source(%arg8 : memref<128x64xf32, #tpu.memory_space<vmem>>) target(%dma_start3A_78 : memref<128x64xf32, #tpu.memory_space<hbm>>) target_semaphore(%run_scoped3A : memref<!tpu.dma_semaphore, #tpu.memory_space<semaphore_mem>>)
      %dma_wait3A = arith.constant 0 : i32
      %dma_wait3A_79 = tpu.memref_slice %arg5[%arg0, %add3A_61, %dma_wait3A] : memref<2x10240x64xf32, #tpu.memory_space<hbm>> -> memref<1x128x64xf32, #tpu.memory_space<hbm>>
      %dma_wait3A_80 = tpu.memref_squeeze %dma_wait3A_79 : memref<1x128x64xf32, #tpu.memory_space<hbm>> -> memref<128x64xf32, #tpu.memory_space<hbm>>
      %dma_wait3A_81 = arith.constant 0 : i32
      %dma_wait3A_82 = tpu.memref_slice %arg5[%arg0, %add3A_61, %dma_wait3A_81] : memref<2x10240x64xf32, #tpu.memory_space<hbm>> -> memref<1x128x64xf32, #tpu.memory_space<hbm>>
      %dma_wait3A_83 = tpu.memref_squeeze %dma_wait3A_82 : memref<1x128x64xf32, #tpu.memory_space<hbm>> -> memref<128x64xf32, #tpu.memory_space<hbm>>
      tpu.wait_dma2 semaphore(%run_scoped3A : memref<!tpu.dma_semaphore, #tpu.memory_space<semaphore_mem>>) src(%arg8 : memref<128x64xf32, #tpu.memory_space<vmem>>) dst(%dma_wait3A_83 : memref<128x64xf32, #tpu.memory_space<hbm>>)
      tpu.yield
    }) : () -> ()
    %mul3A_62 = arith.constant 640 : i32
    %mul3A_63 = arith.muli %arg1, %mul3A_62 : i32
    %add3A_64 = arith.constant 256 : i32
    %add3A_65 = arith.addi %mul3A_63, %add3A_64 : i32
    "tpu.region"() ({
      %run_scoped3A = tpu.sem_alloc : memref<!tpu.dma_semaphore, #tpu.memory_space<semaphore_mem>>
      %dma_start3A = arith.constant 0 : i32
      %dma_start3A_74 = tpu.memref_slice %arg12[%add3A_65, %dma_start3A] : memref<10240x64xf32, #tpu.memory_space<vmem_shared>> -> memref<128x64xf32, #tpu.memory_space<vmem_shared>>
      %dma_start3A_75 = arith.constant 0 : i32
      %dma_start3A_76 = tpu.memref_slice %arg12[%add3A_65, %dma_start3A_75] : memref<10240x64xf32, #tpu.memory_space<vmem_shared>> -> memref<128x64xf32, #tpu.memory_space<vmem_shared>>
      tpu.enqueue_dma source(%dma_start3A_76 : memref<128x64xf32, #tpu.memory_space<vmem_shared>>) target(%arg8 : memref<128x64xf32, #tpu.memory_space<vmem>>) target_semaphore(%run_scoped3A : memref<!tpu.dma_semaphore, #tpu.memory_space<semaphore_mem>>)
      %dma_wait3A = arith.constant 0 : i32
      %dma_wait3A_77 = tpu.memref_slice %arg12[%add3A_65, %dma_wait3A] : memref<10240x64xf32, #tpu.memory_space<vmem_shared>> -> memref<128x64xf32, #tpu.memory_space<vmem_shared>>
      %dma_wait3A_78 = arith.constant 0 : i32
      %dma_wait3A_79 = tpu.memref_slice %arg12[%add3A_65, %dma_wait3A_78] : memref<10240x64xf32, #tpu.memory_space<vmem_shared>> -> memref<128x64xf32, #tpu.memory_space<vmem_shared>>
      tpu.wait_dma2 semaphore(%run_scoped3A : memref<!tpu.dma_semaphore, #tpu.memory_space<semaphore_mem>>) src(%dma_wait3A_79 : memref<128x64xf32, #tpu.memory_space<vmem_shared>>) dst(%arg8 : memref<128x64xf32, #tpu.memory_space<vmem>>)
      tpu.yield
    }) : () -> ()
    "tpu.region"() ({
      %run_scoped3A = tpu.sem_alloc : memref<!tpu.dma_semaphore, #tpu.memory_space<semaphore_mem>>
      %dma_start3A = arith.constant 0 : i32
      %dma_start3A_74 = tpu.memref_slice %arg5[%arg0, %add3A_65, %dma_start3A] : memref<2x10240x64xf32, #tpu.memory_space<hbm>> -> memref<1x128x64xf32, #tpu.memory_space<hbm>>
      %dma_start3A_75 = tpu.memref_squeeze %dma_start3A_74 : memref<1x128x64xf32, #tpu.memory_space<hbm>> -> memref<128x64xf32, #tpu.memory_space<hbm>>
      %dma_start3A_76 = arith.constant 0 : i32
      %dma_start3A_77 = tpu.memref_slice %arg5[%arg0, %add3A_65, %dma_start3A_76] : memref<2x10240x64xf32, #tpu.memory_space<hbm>> -> memref<1x128x64xf32, #tpu.memory_space<hbm>>
      %dma_start3A_78 = tpu.memref_squeeze %dma_start3A_77 : memref<1x128x64xf32, #tpu.memory_space<hbm>> -> memref<128x64xf32, #tpu.memory_space<hbm>>
      tpu.enqueue_dma source(%arg8 : memref<128x64xf32, #tpu.memory_space<vmem>>) target(%dma_start3A_78 : memref<128x64xf32, #tpu.memory_space<hbm>>) target_semaphore(%run_scoped3A : memref<!tpu.dma_semaphore, #tpu.memory_space<semaphore_mem>>)
      %dma_wait3A = arith.constant 0 : i32
      %dma_wait3A_79 = tpu.memref_slice %arg5[%arg0, %add3A_65, %dma_wait3A] : memref<2x10240x64xf32, #tpu.memory_space<hbm>> -> memref<1x128x64xf32, #tpu.memory_space<hbm>>
      %dma_wait3A_80 = tpu.memref_squeeze %dma_wait3A_79 : memref<1x128x64xf32, #tpu.memory_space<hbm>> -> memref<128x64xf32, #tpu.memory_space<hbm>>
      %dma_wait3A_81 = arith.constant 0 : i32
      %dma_wait3A_82 = tpu.memref_slice %arg5[%arg0, %add3A_65, %dma_wait3A_81] : memref<2x10240x64xf32, #tpu.memory_space<hbm>> -> memref<1x128x64xf32, #tpu.memory_space<hbm>>
      %dma_wait3A_83 = tpu.memref_squeeze %dma_wait3A_82 : memref<1x128x64xf32, #tpu.memory_space<hbm>> -> memref<128x64xf32, #tpu.memory_space<hbm>>
      tpu.wait_dma2 semaphore(%run_scoped3A : memref<!tpu.dma_semaphore, #tpu.memory_space<semaphore_mem>>) src(%arg8 : memref<128x64xf32, #tpu.memory_space<vmem>>) dst(%dma_wait3A_83 : memref<128x64xf32, #tpu.memory_space<hbm>>)
      tpu.yield
    }) : () -> ()
    %mul3A_66 = arith.constant 640 : i32
    %mul3A_67 = arith.muli %arg1, %mul3A_66 : i32
    %add3A_68 = arith.constant 384 : i32
    %add3A_69 = arith.addi %mul3A_67, %add3A_68 : i32
    "tpu.region"() ({
      %run_scoped3A = tpu.sem_alloc : memref<!tpu.dma_semaphore, #tpu.memory_space<semaphore_mem>>
      %dma_start3A = arith.constant 0 : i32
      %dma_start3A_74 = tpu.memref_slice %arg12[%add3A_69, %dma_start3A] : memref<10240x64xf32, #tpu.memory_space<vmem_shared>> -> memref<128x64xf32, #tpu.memory_space<vmem_shared>>
      %dma_start3A_75 = arith.constant 0 : i32
      %dma_start3A_76 = tpu.memref_slice %arg12[%add3A_69, %dma_start3A_75] : memref<10240x64xf32, #tpu.memory_space<vmem_shared>> -> memref<128x64xf32, #tpu.memory_space<vmem_shared>>
      tpu.enqueue_dma source(%dma_start3A_76 : memref<128x64xf32, #tpu.memory_space<vmem_shared>>) target(%arg8 : memref<128x64xf32, #tpu.memory_space<vmem>>) target_semaphore(%run_scoped3A : memref<!tpu.dma_semaphore, #tpu.memory_space<semaphore_mem>>)
      %dma_wait3A = arith.constant 0 : i32
      %dma_wait3A_77 = tpu.memref_slice %arg12[%add3A_69, %dma_wait3A] : memref<10240x64xf32, #tpu.memory_space<vmem_shared>> -> memref<128x64xf32, #tpu.memory_space<vmem_shared>>
      %dma_wait3A_78 = arith.constant 0 : i32
      %dma_wait3A_79 = tpu.memref_slice %arg12[%add3A_69, %dma_wait3A_78] : memref<10240x64xf32, #tpu.memory_space<vmem_shared>> -> memref<128x64xf32, #tpu.memory_space<vmem_shared>>
      tpu.wait_dma2 semaphore(%run_scoped3A : memref<!tpu.dma_semaphore, #tpu.memory_space<semaphore_mem>>) src(%dma_wait3A_79 : memref<128x64xf32, #tpu.memory_space<vmem_shared>>) dst(%arg8 : memref<128x64xf32, #tpu.memory_space<vmem>>)
      tpu.yield
    }) : () -> ()
    "tpu.region"() ({
      %run_scoped3A = tpu.sem_alloc : memref<!tpu.dma_semaphore, #tpu.memory_space<semaphore_mem>>
      %dma_start3A = arith.constant 0 : i32
      %dma_start3A_74 = tpu.memref_slice %arg5[%arg0, %add3A_69, %dma_start3A] : memref<2x10240x64xf32, #tpu.memory_space<hbm>> -> memref<1x128x64xf32, #tpu.memory_space<hbm>>
      %dma_start3A_75 = tpu.memref_squeeze %dma_start3A_74 : memref<1x128x64xf32, #tpu.memory_space<hbm>> -> memref<128x64xf32, #tpu.memory_space<hbm>>
      %dma_start3A_76 = arith.constant 0 : i32
      %dma_start3A_77 = tpu.memref_slice %arg5[%arg0, %add3A_69, %dma_start3A_76] : memref<2x10240x64xf32, #tpu.memory_space<hbm>> -> memref<1x128x64xf32, #tpu.memory_space<hbm>>
      %dma_start3A_78 = tpu.memref_squeeze %dma_start3A_77 : memref<1x128x64xf32, #tpu.memory_space<hbm>> -> memref<128x64xf32, #tpu.memory_space<hbm>>
      tpu.enqueue_dma source(%arg8 : memref<128x64xf32, #tpu.memory_space<vmem>>) target(%dma_start3A_78 : memref<128x64xf32, #tpu.memory_space<hbm>>) target_semaphore(%run_scoped3A : memref<!tpu.dma_semaphore, #tpu.memory_space<semaphore_mem>>)
      %dma_wait3A = arith.constant 0 : i32
      %dma_wait3A_79 = tpu.memref_slice %arg5[%arg0, %add3A_69, %dma_wait3A] : memref<2x10240x64xf32, #tpu.memory_space<hbm>> -> memref<1x128x64xf32, #tpu.memory_space<hbm>>
      %dma_wait3A_80 = tpu.memref_squeeze %dma_wait3A_79 : memref<1x128x64xf32, #tpu.memory_space<hbm>> -> memref<128x64xf32, #tpu.memory_space<hbm>>
      %dma_wait3A_81 = arith.constant 0 : i32
      %dma_wait3A_82 = tpu.memref_slice %arg5[%arg0, %add3A_69, %dma_wait3A_81] : memref<2x10240x64xf32, #tpu.memory_space<hbm>> -> memref<1x128x64xf32, #tpu.memory_space<hbm>>
      %dma_wait3A_83 = tpu.memref_squeeze %dma_wait3A_82 : memref<1x128x64xf32, #tpu.memory_space<hbm>> -> memref<128x64xf32, #tpu.memory_space<hbm>>
      tpu.wait_dma2 semaphore(%run_scoped3A : memref<!tpu.dma_semaphore, #tpu.memory_space<semaphore_mem>>) src(%arg8 : memref<128x64xf32, #tpu.memory_space<vmem>>) dst(%dma_wait3A_83 : memref<128x64xf32, #tpu.memory_space<hbm>>)
      tpu.yield
    }) : () -> ()
    %mul3A_70 = arith.constant 640 : i32
    %mul3A_71 = arith.muli %arg1, %mul3A_70 : i32
    %add3A_72 = arith.constant 512 : i32
    %add3A_73 = arith.addi %mul3A_71, %add3A_72 : i32
    "tpu.region"() ({
      %run_scoped3A = tpu.sem_alloc : memref<!tpu.dma_semaphore, #tpu.memory_space<semaphore_mem>>
      %dma_start3A = arith.constant 0 : i32
      %dma_start3A_74 = tpu.memref_slice %arg12[%add3A_73, %dma_start3A] : memref<10240x64xf32, #tpu.memory_space<vmem_shared>> -> memref<128x64xf32, #tpu.memory_space<vmem_shared>>
      %dma_start3A_75 = arith.constant 0 : i32
      %dma_start3A_76 = tpu.memref_slice %arg12[%add3A_73, %dma_start3A_75] : memref<10240x64xf32, #tpu.memory_space<vmem_shared>> -> memref<128x64xf32, #tpu.memory_space<vmem_shared>>
      tpu.enqueue_dma source(%dma_start3A_76 : memref<128x64xf32, #tpu.memory_space<vmem_shared>>) target(%arg8 : memref<128x64xf32, #tpu.memory_space<vmem>>) target_semaphore(%run_scoped3A : memref<!tpu.dma_semaphore, #tpu.memory_space<semaphore_mem>>)
      %dma_wait3A = arith.constant 0 : i32
      %dma_wait3A_77 = tpu.memref_slice %arg12[%add3A_73, %dma_wait3A] : memref<10240x64xf32, #tpu.memory_space<vmem_shared>> -> memref<128x64xf32, #tpu.memory_space<vmem_shared>>
      %dma_wait3A_78 = arith.constant 0 : i32
      %dma_wait3A_79 = tpu.memref_slice %arg12[%add3A_73, %dma_wait3A_78] : memref<10240x64xf32, #tpu.memory_space<vmem_shared>> -> memref<128x64xf32, #tpu.memory_space<vmem_shared>>
      tpu.wait_dma2 semaphore(%run_scoped3A : memref<!tpu.dma_semaphore, #tpu.memory_space<semaphore_mem>>) src(%dma_wait3A_79 : memref<128x64xf32, #tpu.memory_space<vmem_shared>>) dst(%arg8 : memref<128x64xf32, #tpu.memory_space<vmem>>)
      tpu.yield
    }) : () -> ()
    "tpu.region"() ({
      %run_scoped3A = tpu.sem_alloc : memref<!tpu.dma_semaphore, #tpu.memory_space<semaphore_mem>>
      %dma_start3A = arith.constant 0 : i32
      %dma_start3A_74 = tpu.memref_slice %arg5[%arg0, %add3A_73, %dma_start3A] : memref<2x10240x64xf32, #tpu.memory_space<hbm>> -> memref<1x128x64xf32, #tpu.memory_space<hbm>>
      %dma_start3A_75 = tpu.memref_squeeze %dma_start3A_74 : memref<1x128x64xf32, #tpu.memory_space<hbm>> -> memref<128x64xf32, #tpu.memory_space<hbm>>
      %dma_start3A_76 = arith.constant 0 : i32
      %dma_start3A_77 = tpu.memref_slice %arg5[%arg0, %add3A_73, %dma_start3A_76] : memref<2x10240x64xf32, #tpu.memory_space<hbm>> -> memref<1x128x64xf32, #tpu.memory_space<hbm>>
      %dma_start3A_78 = tpu.memref_squeeze %dma_start3A_77 : memref<1x128x64xf32, #tpu.memory_space<hbm>> -> memref<128x64xf32, #tpu.memory_space<hbm>>
      tpu.enqueue_dma source(%arg8 : memref<128x64xf32, #tpu.memory_space<vmem>>) target(%dma_start3A_78 : memref<128x64xf32, #tpu.memory_space<hbm>>) target_semaphore(%run_scoped3A : memref<!tpu.dma_semaphore, #tpu.memory_space<semaphore_mem>>)
      %dma_wait3A = arith.constant 0 : i32
      %dma_wait3A_79 = tpu.memref_slice %arg5[%arg0, %add3A_73, %dma_wait3A] : memref<2x10240x64xf32, #tpu.memory_space<hbm>> -> memref<1x128x64xf32, #tpu.memory_space<hbm>>
      %dma_wait3A_80 = tpu.memref_squeeze %dma_wait3A_79 : memref<1x128x64xf32, #tpu.memory_space<hbm>> -> memref<128x64xf32, #tpu.memory_space<hbm>>
      %dma_wait3A_81 = arith.constant 0 : i32
      %dma_wait3A_82 = tpu.memref_slice %arg5[%arg0, %add3A_73, %dma_wait3A_81] : memref<2x10240x64xf32, #tpu.memory_space<hbm>> -> memref<1x128x64xf32, #tpu.memory_space<hbm>>
      %dma_wait3A_83 = tpu.memref_squeeze %dma_wait3A_82 : memref<1x128x64xf32, #tpu.memory_space<hbm>> -> memref<128x64xf32, #tpu.memory_space<hbm>>
      tpu.wait_dma2 semaphore(%run_scoped3A : memref<!tpu.dma_semaphore, #tpu.memory_space<semaphore_mem>>) src(%arg8 : memref<128x64xf32, #tpu.memory_space<vmem>>) dst(%dma_wait3A_83 : memref<128x64xf32, #tpu.memory_space<hbm>>)
      tpu.yield
    }) : () -> ()
    return
  }
}

module attributes {stable_mosaic.version = 14 : i64} {
  func.func @_stage_a1_body(%arg0: i32, %arg1: memref<1024x128xf32, #tpu.memory_space<vmem>>, %arg2: memref<128x128xf32, #tpu.memory_space<vmem>>, %arg3: memref<1024x128xf32, #tpu.memory_space<vmem>>, %arg4: memref<128x128xf32, #tpu.memory_space<vmem>>) attributes {dimension_semantics = [#tpu.dimension_semantics<arbitrary>], iteration_bounds = array<i64: 10>, scalar_prefetch = 0 : i64, scratch_operands = 0 : i64, tpu.core_type = #tpu.core_type<tc>, window_params = [{transform_indices = @transform_0, window_bounds = array<i64: 1024, 128>}, {pipeline_mode = #tpu.pipeline_mode<synchronous>, transform_indices = @transform_1, window_bounds = array<i64: 128, 128>}, {transform_indices = @transform_2, window_bounds = array<i64: 1024, 128>}, {pipeline_mode = #tpu.pipeline_mode<synchronous>, transform_indices = @transform_3, window_bounds = array<i64: 128, 128>}]} {
    %mul3A = arith.constant 1024 : i32
    %mul3A_0 = arith.muli %arg0, %mul3A : i32
    %iota3A = tpu.iota {dimensions = array<i32: 0>} : vector<1024x1xi32>
    %add3A = vector.broadcast %mul3A_0 : i32 to vector<1024x1xi32>
    %add3A_1 = arith.addi %add3A, %iota3A : vector<1024x1xi32>
    %lt3A = arith.constant 10000 : i32
    %lt3A_2 = vector.broadcast %lt3A : i32 to vector<1024x1xi32>
    %lt3A_3 = arith.cmpi slt, %add3A_1, %lt3A_2 : vector<1024x1xi32>
    %get3A = arith.constant 0 : index
    %get3A_4 = arith.constant 0 : index
    %get3A_5 = vector.load %arg1[%get3A, %get3A_4] : memref<1024x128xf32, #tpu.memory_space<vmem>>, vector<1024x128xf32>
    %jit3A = arith.constant 0.000000e+00 : f32
    %broadcast_in_dim3A = vector.shape_cast %lt3A_3 : vector<1024x1xi1> to vector<1024x1xi1>
    %broadcast_in_dim3A_6 = vector.broadcast %broadcast_in_dim3A : vector<1024x1xi1> to vector<1024x128xi1>
    %broadcast_in_dim3A_7 = vector.broadcast %jit3A : f32 to vector<1024x128xf32>
    %select_n3A = arith.select %broadcast_in_dim3A_6, %get3A_5, %broadcast_in_dim3A_7 : vector<1024x128xi1>, vector<1024x128xf32>
    %get3A_8 = arith.constant 0 : index
    %get3A_9 = arith.constant 0 : index
    %get3A_10 = vector.load %arg2[%get3A_8, %get3A_9] : memref<128x128xf32, #tpu.memory_space<vmem>>, vector<128x128xf32>
    %dot_general3A = arith.constant dense<0.000000e+00> : vector<1024x128xf32>
    %dot_general3A_11 = tpu.matmul %select_n3A, %get3A_10, %dot_general3A {dimension_numbers = #tpu.dot_dimension_numbers<[1], [0], [0], [1], [0, 0, 1, 1], [], []>, transpose_lhs_hint = false} : vector<1024x128xf32>, vector<128x128xf32>, vector<1024x128xf32> -> vector<1024x128xf32>
    %swap3A = arith.constant 0 : index
    %swap3A_12 = arith.constant 0 : index
    %swap3A_13 = vector.load %arg3[%swap3A, %swap3A_12] : memref<1024x128xf32, #tpu.memory_space<vmem>>, vector<1024x128xf32>
    tpu.vector_store %arg3[%swap3A, %swap3A_12], %dot_general3A_11 {strides = array<i32>} : memref<1024x128xf32, #tpu.memory_space<vmem>>, vector<1024x128xf32>,
    %eq3A = arith.constant 0 : i32
    %eq3A_14 = arith.cmpi eq, %arg0, %eq3A : i32
    %convert_element_type3A = arith.extui %eq3A_14 : i1 to i32
    %cond3A = arith.constant 0 : i32
    %cond3A_15 = arith.cmpi ne, %convert_element_type3A, %cond3A : i32
    scf.if %cond3A_15 {
      %broadcast_in_dim3A_25 = arith.constant 0.000000e+00 : f32
      %broadcast_in_dim3A_26 = vector.broadcast %broadcast_in_dim3A_25 : f32 to vector<128x128xf32>
      %swap3A_27 = arith.constant 0 : index
      %swap3A_28 = arith.constant 0 : index
      %swap3A_29 = vector.load %arg4[%swap3A_27, %swap3A_28] : memref<128x128xf32, #tpu.memory_space<vmem>>, vector<128x128xf32>
      tpu.vector_store %arg4[%swap3A_27, %swap3A_28], %broadcast_in_dim3A_26 {strides = array<i32>} : memref<128x128xf32, #tpu.memory_space<vmem>>, vector<128x128xf32>,
    } else {
    }
    %get3A_16 = arith.constant 0 : index
    %get3A_17 = arith.constant 0 : index
    %get3A_18 = vector.load %arg4[%get3A_16, %get3A_17] : memref<128x128xf32, #tpu.memory_space<vmem>>, vector<128x128xf32>
    %dot_general3A_19 = arith.constant dense<0.000000e+00> : vector<128x128xf32>
    %dot_general3A_20 = tpu.matmul %dot_general3A_11, %dot_general3A_11, %dot_general3A_19 {dimension_numbers = #tpu.dot_dimension_numbers<[0], [0], [1], [1], [0, 1, 1, 1], [], []>, transpose_lhs_hint = false} : vector<1024x128xf32>, vector<1024x128xf32>, vector<128x128xf32> -> vector<128x128xf32>
    %add3A_21 = arith.addf %get3A_18, %dot_general3A_20 : vector<128x128xf32>
    %swap3A_22 = arith.constant 0 : index
    %swap3A_23 = arith.constant 0 : index
    %swap3A_24 = vector.load %arg4[%swap3A_22, %swap3A_23] : memref<128x128xf32, #tpu.memory_space<vmem>>, vector<128x128xf32>
    tpu.vector_store %arg4[%swap3A_22, %swap3A_23], %add3A_21 {strides = array<i32>} : memref<128x128xf32, #tpu.memory_space<vmem>>, vector<128x128xf32>,
    return
  }
  func.func @transform_0(%arg0: i32) -> (i32, i32) {
    %c0_i32 = arith.constant 0 : i32
    %c0_i32_0 = arith.constant 0 : i32
    return %arg0, %c0_i32 : i32, i32
  }
  func.func @transform_1(%arg0: i32) -> (i32, i32) {
    %c0_i32 = arith.constant 0 : i32
    %c0_i32_0 = arith.constant 0 : i32
    %c0_i32_1 = arith.constant 0 : i32
    return %c0_i32, %c0_i32_0 : i32, i32
  }
  func.func @transform_2(%arg0: i32) -> (i32, i32) {
    %c0_i32 = arith.constant 0 : i32
    %c0_i32_0 = arith.constant 0 : i32
    return %arg0, %c0_i32 : i32, i32
  }
  func.func @transform_3(%arg0: i32) -> (i32, i32) {
    %c0_i32 = arith.constant 0 : i32
    %c0_i32_0 = arith.constant 0 : i32
    %c0_i32_1 = arith.constant 0 : i32
    return %c0_i32, %c0_i32_0 : i32, i32
  }
}

module attributes {stable_mosaic.version = 14 : i64} {
  func.func @_stage_a2_body(%arg0: i32, %arg1: memref<1024x128xf32, #tpu.memory_space<vmem>>, %arg2: memref<2x1024xf32, #tpu.memory_space<vmem>>, %arg3: memref<1024x128xf32, #tpu.memory_space<vmem>>) attributes {dimension_semantics = [#tpu.dimension_semantics<arbitrary>], iteration_bounds = array<i64: 10>, scalar_prefetch = 0 : i64, scratch_operands = 0 : i64, tpu.core_type = #tpu.core_type<tc>, window_params = [{transform_indices = @transform_0, window_bounds = array<i64: 1024, 128>}, {transform_indices = @transform_1, window_bounds = array<i64: 2, 1024>}, {transform_indices = @transform_2, window_bounds = array<i64: 1024, 128>}]} {
    %get3A = arith.constant 0 : index
    %get3A_0 = arith.constant 0 : index
    %get3A_1 = vector.load %arg1[%get3A, %get3A_0] : memref<1024x128xf32, #tpu.memory_space<vmem>>, vector<1024x128xf32>
    %get3A_2 = arith.constant 0 : index
    %get3A_3 = arith.constant 0 : index
    %get3A_4 = vector.load %arg2[%get3A_2, %get3A_3] : memref<2x1024xf32, #tpu.memory_space<vmem>>, vector<2x1024xf32>
    %slice3A = vector.extract_strided_slice %get3A_4 {offsets = [0, 0], sizes = [1, 1024], strides = [1, 1]} : vector<2x1024xf32> to vector<1x1024xf32>
    %squeeze3A = vector.shape_cast %slice3A : vector<1x1024xf32> to vector<1024xf32>
    %slice3A_5 = vector.extract_strided_slice %get3A_4 {offsets = [1, 0], sizes = [1, 1024], strides = [1, 1]} : vector<2x1024xf32> to vector<1x1024xf32>
    %squeeze3A_6 = vector.shape_cast %slice3A_5 : vector<1x1024xf32> to vector<1024xf32>
    %add3A = arith.addf %squeeze3A, %squeeze3A_6 : vector<1024xf32>
    %max3A = arith.constant 1.000000e+00 : f32
    %max3A_7 = vector.broadcast %max3A : f32 to vector<1024xf32>
    %max3A_8 = arith.maximumf %add3A, %max3A_7 : vector<1024xf32>
    %sqrt3A = math.sqrt %max3A_8 : vector<1024xf32>
    %div3A = arith.constant 1.000000e+00 : f32
    %div3A_9 = vector.broadcast %div3A : f32 to vector<1024xf32>
    %div3A_10 = arith.divf %div3A_9, %sqrt3A : vector<1024xf32>
    %broadcast_in_dim3A = vector.shape_cast %div3A_10 : vector<1024xf32> to vector<1024x1xf32>
    %mul3A = vector.broadcast %broadcast_in_dim3A : vector<1024x1xf32> to vector<1024x128xf32>
    %mul3A_11 = arith.mulf %get3A_1, %mul3A : vector<1024x128xf32>
    %swap3A = arith.constant 0 : index
    %swap3A_12 = arith.constant 0 : index
    %swap3A_13 = vector.load %arg3[%swap3A, %swap3A_12] : memref<1024x128xf32, #tpu.memory_space<vmem>>, vector<1024x128xf32>
    tpu.vector_store %arg3[%swap3A, %swap3A_12], %mul3A_11 {strides = array<i32>} : memref<1024x128xf32, #tpu.memory_space<vmem>>, vector<1024x128xf32>,
    return
  }
  func.func @transform_0(%arg0: i32) -> (i32, i32) {
    %c0_i32 = arith.constant 0 : i32
    %c0_i32_0 = arith.constant 0 : i32
    return %arg0, %c0_i32 : i32, i32
  }
  func.func @transform_1(%arg0: i32) -> (i32, i32) {
    %c0_i32 = arith.constant 0 : i32
    %c0_i32_0 = arith.constant 0 : i32
    return %c0_i32, %arg0 : i32, i32
  }
  func.func @transform_2(%arg0: i32) -> (i32, i32) {
    %c0_i32 = arith.constant 0 : i32
    %c0_i32_0 = arith.constant 0 : i32
    return %arg0, %c0_i32 : i32, i32
  }
}

module attributes {stable_mosaic.version = 14 : i64} {
  func.func @_stage_b1_body(%arg0: i32, %arg1: memref<1024x128xf32, #tpu.memory_space<vmem>>, %arg2: memref<128x128xf32, #tpu.memory_space<vmem>>, %arg3: memref<1024x128xf32, #tpu.memory_space<vmem>>) attributes {dimension_semantics = [#tpu.dimension_semantics<arbitrary>], iteration_bounds = array<i64: 10>, scalar_prefetch = 0 : i64, scratch_operands = 0 : i64, tpu.core_type = #tpu.core_type<tc>, window_params = [{transform_indices = @transform_0, window_bounds = array<i64: 1024, 128>}, {pipeline_mode = #tpu.pipeline_mode<synchronous>, transform_indices = @transform_1, window_bounds = array<i64: 128, 128>}, {transform_indices = @transform_2, window_bounds = array<i64: 1024, 128>}]} {
    %get3A = arith.constant 0 : index
    %get3A_0 = arith.constant 0 : index
    %get3A_1 = vector.load %arg1[%get3A, %get3A_0] : memref<1024x128xf32, #tpu.memory_space<vmem>>, vector<1024x128xf32>
    %get3A_2 = arith.constant 0 : index
    %get3A_3 = arith.constant 0 : index
    %get3A_4 = vector.load %arg2[%get3A_2, %get3A_3] : memref<128x128xf32, #tpu.memory_space<vmem>>, vector<128x128xf32>
    %iota3A = tpu.iota {dimensions = array<i32: 0>} : vector<128x128xi32>
    %iota3A_5 = tpu.iota {dimensions = array<i32: 1>} : vector<128x128xi32>
    %eq3A = arith.cmpi eq, %iota3A, %iota3A_5 : vector<128x128xi32>
    %convert_element_type3A = arith.extui %eq3A : vector<128x128xi1> to vector<128x128xi32>
    %convert_element_type3A_6 = arith.sitofp %convert_element_type3A : vector<128x128xi32> to vector<128x128xf32>
    %sub3A = arith.subf %get3A_4, %convert_element_type3A_6 : vector<128x128xf32>
    %mul3A = arith.constant 5.000000e-01 : f32
    %mul3A_7 = vector.broadcast %mul3A : f32 to vector<1024x128xf32>
    %mul3A_8 = arith.mulf %mul3A_7, %get3A_1 : vector<1024x128xf32>
    %dot_general3A = arith.constant dense<0.000000e+00> : vector<1024x128xf32>
    %dot_general3A_9 = tpu.matmul %get3A_1, %sub3A, %dot_general3A {dimension_numbers = #tpu.dot_dimension_numbers<[1], [0], [0], [1], [0, 0, 1, 1], [], []>, transpose_lhs_hint = false} : vector<1024x128xf32>, vector<128x128xf32>, vector<1024x128xf32> -> vector<1024x128xf32>
    %mul3A_10 = arith.constant 5.000000e-02 : f32
    %mul3A_11 = vector.broadcast %mul3A_10 : f32 to vector<1024x128xf32>
    %mul3A_12 = arith.mulf %mul3A_11, %dot_general3A_9 : vector<1024x128xf32>
    %sub3A_13 = arith.subf %mul3A_8, %mul3A_12 : vector<1024x128xf32>
    %swap3A = arith.constant 0 : index
    %swap3A_14 = arith.constant 0 : index
    %swap3A_15 = vector.load %arg3[%swap3A, %swap3A_14] : memref<1024x128xf32, #tpu.memory_space<vmem>>, vector<1024x128xf32>
    tpu.vector_store %arg3[%swap3A, %swap3A_14], %sub3A_13 {strides = array<i32>} : memref<1024x128xf32, #tpu.memory_space<vmem>>, vector<1024x128xf32>,
    return
  }
  func.func @transform_0(%arg0: i32) -> (i32, i32) {
    %c0_i32 = arith.constant 0 : i32
    %c0_i32_0 = arith.constant 0 : i32
    return %arg0, %c0_i32 : i32, i32
  }
  func.func @transform_1(%arg0: i32) -> (i32, i32) {
    %c0_i32 = arith.constant 0 : i32
    %c0_i32_0 = arith.constant 0 : i32
    %c0_i32_1 = arith.constant 0 : i32
    return %c0_i32, %c0_i32_0 : i32, i32
  }
  func.func @transform_2(%arg0: i32) -> (i32, i32) {
    %c0_i32 = arith.constant 0 : i32
    %c0_i32_0 = arith.constant 0 : i32
    return %arg0, %c0_i32 : i32, i32
  }
}

module attributes {stable_mosaic.version = 14 : i64} {
  func.func @_stage_b2_body(%arg0: i32, %arg1: memref<1024x128xf32, #tpu.memory_space<vmem>>, %arg2: memref<2x1024x128xf32, #tpu.memory_space<vmem>>, %arg3: memref<2x1024xf32, #tpu.memory_space<vmem>>, %arg4: memref<128x64xf32, #tpu.memory_space<vmem>>, %arg5: memref<1024x64xf32, #tpu.memory_space<vmem>>, %arg6: memref<1024x64xf32, #tpu.memory_space<vmem>>) attributes {dimension_semantics = [#tpu.dimension_semantics<arbitrary>], iteration_bounds = array<i64: 10>, scalar_prefetch = 0 : i64, scratch_operands = 0 : i64, tpu.core_type = #tpu.core_type<tc>, window_params = [{transform_indices = @transform_0, window_bounds = array<i64: 1024, 128>}, {transform_indices = @transform_1, window_bounds = array<i64: 2, 1024, 128>}, {transform_indices = @transform_2, window_bounds = array<i64: 2, 1024>}, {pipeline_mode = #tpu.pipeline_mode<synchronous>, transform_indices = @transform_3, window_bounds = array<i64: 128, 64>}, {transform_indices = @transform_4, window_bounds = array<i64: 1024, 64>}, {transform_indices = @transform_5, window_bounds = array<i64: 1024, 64>}]} {
    %get3A = arith.constant 0 : index
    %get3A_0 = arith.constant 0 : index
    %get3A_1 = vector.load %arg3[%get3A, %get3A_0] : memref<2x1024xf32, #tpu.memory_space<vmem>>, vector<2x1024xf32>
    %slice3A = vector.extract_strided_slice %get3A_1 {offsets = [0, 0], sizes = [1, 1024], strides = [1, 1]} : vector<2x1024xf32> to vector<1x1024xf32>
    %squeeze3A = vector.shape_cast %slice3A : vector<1x1024xf32> to vector<1024xf32>
    %slice3A_2 = vector.extract_strided_slice %get3A_1 {offsets = [1, 0], sizes = [1, 1024], strides = [1, 1]} : vector<2x1024xf32> to vector<1x1024xf32>
    %squeeze3A_3 = vector.shape_cast %slice3A_2 : vector<1x1024xf32> to vector<1024xf32>
    %add3A = arith.addf %squeeze3A, %squeeze3A_3 : vector<1024xf32>
    %max3A = arith.constant 1.000000e+00 : f32
    %max3A_4 = vector.broadcast %max3A : f32 to vector<1024xf32>
    %max3A_5 = arith.maximumf %add3A, %max3A_4 : vector<1024xf32>
    %sqrt3A = math.sqrt %max3A_5 : vector<1024xf32>
    %div3A = arith.constant 1.000000e+00 : f32
    %div3A_6 = vector.broadcast %div3A : f32 to vector<1024xf32>
    %div3A_7 = arith.divf %div3A_6, %sqrt3A : vector<1024xf32>
    %get3A_8 = arith.constant 0 : index
    %get3A_9 = arith.constant 0 : index
    %get3A_10 = arith.constant 0 : index
    %get3A_11 = vector.load %arg2[%get3A_8, %get3A_9, %get3A_10] : memref<2x1024x128xf32, #tpu.memory_space<vmem>>, vector<1x1024x128xf32>
    %get3A_12 = vector.shape_cast %get3A_11 : vector<1x1024x128xf32> to vector<1024x128xf32>
    %get3A_13 = arith.constant 1 : index
    %get3A_14 = arith.constant 0 : index
    %get3A_15 = arith.constant 0 : index
    %get3A_16 = vector.load %arg2[%get3A_13, %get3A_14, %get3A_15] : memref<2x1024x128xf32, #tpu.memory_space<vmem>>, vector<1x1024x128xf32>
    %get3A_17 = vector.shape_cast %get3A_16 : vector<1x1024x128xf32> to vector<1024x128xf32>
    %add3A_18 = arith.addf %get3A_12, %get3A_17 : vector<1024x128xf32>
    %broadcast_in_dim3A = vector.shape_cast %div3A_7 : vector<1024xf32> to vector<1024x1xf32>
    %mul3A = vector.broadcast %broadcast_in_dim3A : vector<1024x1xf32> to vector<1024x128xf32>
    %mul3A_19 = arith.mulf %add3A_18, %mul3A : vector<1024x128xf32>
    %get3A_20 = arith.constant 0 : index
    %get3A_21 = arith.constant 0 : index
    %get3A_22 = vector.load %arg1[%get3A_20, %get3A_21] : memref<1024x128xf32, #tpu.memory_space<vmem>>, vector<1024x128xf32>
    %mul3A_23 = arith.constant 5.000000e-01 : f32
    %mul3A_24 = vector.broadcast %mul3A_23 : f32 to vector<1024x128xf32>
    %mul3A_25 = arith.mulf %mul3A_24, %mul3A_19 : vector<1024x128xf32>
    %add3A_26 = arith.addf %get3A_22, %mul3A_25 : vector<1024x128xf32>
    %max3A_27 = arith.constant 0.000000e+00 : f32
    %max3A_28 = vector.broadcast %max3A_27 : f32 to vector<1024x128xf32>
    %max3A_29 = arith.maximumf %add3A_26, %max3A_28 : vector<1024x128xf32>
    %get3A_30 = arith.constant 0 : index
    %get3A_31 = arith.constant 0 : index
    %get3A_32 = vector.load %arg4[%get3A_30, %get3A_31] : memref<128x64xf32, #tpu.memory_space<vmem>>, vector<128x64xf32>
    %dot_general3A = arith.constant dense<0.000000e+00> : vector<1024x64xf32>
    %dot_general3A_33 = tpu.matmul %max3A_29, %get3A_32, %dot_general3A {dimension_numbers = #tpu.dot_dimension_numbers<[1], [0], [0], [1], [0, 0, 1, 1], [], []>, transpose_lhs_hint = false} : vector<1024x128xf32>, vector<128x64xf32>, vector<1024x64xf32> -> vector<1024x64xf32>
    %swap3A = arith.constant 0 : index
    %swap3A_34 = arith.constant 0 : index
    %swap3A_35 = vector.load %arg5[%swap3A, %swap3A_34] : memref<1024x64xf32, #tpu.memory_space<vmem>>, vector<1024x64xf32>
    tpu.vector_store %arg5[%swap3A, %swap3A_34], %dot_general3A_33 {strides = array<i32>} : memref<1024x64xf32, #tpu.memory_space<vmem>>, vector<1024x64xf32>,
    %broadcast_in_dim3A_36 = vector.shape_cast %div3A_7 : vector<1024xf32> to vector<1024x1xf32>
    %mul3A_37 = vector.broadcast %broadcast_in_dim3A_36 : vector<1024x1xf32> to vector<1024x64xf32>
    %mul3A_38 = arith.mulf %dot_general3A_33, %mul3A_37 : vector<1024x64xf32>
    %swap3A_39 = arith.constant 0 : index
    %swap3A_40 = arith.constant 0 : index
    %swap3A_41 = vector.load %arg6[%swap3A_39, %swap3A_40] : memref<1024x64xf32, #tpu.memory_space<vmem>>, vector<1024x64xf32>
    tpu.vector_store %arg6[%swap3A_39, %swap3A_40], %mul3A_38 {strides = array<i32>} : memref<1024x64xf32, #tpu.memory_space<vmem>>, vector<1024x64xf32>,
    return
  }
  func.func @transform_0(%arg0: i32) -> (i32, i32) {
    %c0_i32 = arith.constant 0 : i32
    %c0_i32_0 = arith.constant 0 : i32
    return %arg0, %c0_i32 : i32, i32
  }
  func.func @transform_1(%arg0: i32) -> (i32, i32, i32) {
    %c0_i32 = arith.constant 0 : i32
    %c0_i32_0 = arith.constant 0 : i32
    %c0_i32_1 = arith.constant 0 : i32
    return %c0_i32, %arg0, %c0_i32_0 : i32, i32, i32
  }
  func.func @transform_2(%arg0: i32) -> (i32, i32) {
    %c0_i32 = arith.constant 0 : i32
    %c0_i32_0 = arith.constant 0 : i32
    return %c0_i32, %arg0 : i32, i32
  }
  func.func @transform_3(%arg0: i32) -> (i32, i32) {
    %c0_i32 = arith.constant 0 : i32
    %c0_i32_0 = arith.constant 0 : i32
    %c0_i32_1 = arith.constant 0 : i32
    return %c0_i32, %c0_i32_0 : i32, i32
  }
  func.func @transform_4(%arg0: i32) -> (i32, i32) {
    %c0_i32 = arith.constant 0 : i32
    %c0_i32_0 = arith.constant 0 : i32
    return %arg0, %c0_i32 : i32, i32
  }
  func.func @transform_5(%arg0: i32) -> (i32, i32) {
    %c0_i32 = arith.constant 0 : i32
    %c0_i32_0 = arith.constant 0 : i32
    return %arg0, %c0_i32 : i32, i32
  }
}

module attributes {stable_mosaic.version = 14 : i64} {
  func.func @_stage_b3_body(%arg0: i32, %arg1: memref<1024x64xf32, #tpu.memory_space<vmem>>, %arg2: memref<64x64xf32, #tpu.memory_space<vmem>>) attributes {dimension_semantics = [#tpu.dimension_semantics<arbitrary>], iteration_bounds = array<i64: 10>, scalar_prefetch = 0 : i64, scratch_operands = 0 : i64, tpu.core_type = #tpu.core_type<tc>, window_params = [{transform_indices = @transform_0, window_bounds = array<i64: 1024, 64>}, {pipeline_mode = #tpu.pipeline_mode<synchronous>, transform_indices = @transform_1, window_bounds = array<i64: 64, 64>}]} {
    %get3A = arith.constant 0 : index
    %get3A_0 = arith.constant 0 : index
    %get3A_1 = vector.load %arg1[%get3A, %get3A_0] : memref<1024x64xf32, #tpu.memory_space<vmem>>, vector<1024x64xf32>
    %eq3A = arith.constant 0 : i32
    %eq3A_2 = arith.cmpi eq, %arg0, %eq3A : i32
    %convert_element_type3A = arith.extui %eq3A_2 : i1 to i32
    %cond3A = arith.constant 0 : i32
    %cond3A_3 = arith.cmpi ne, %convert_element_type3A, %cond3A : i32
    scf.if %cond3A_3 {
      %broadcast_in_dim3A = arith.constant 0.000000e+00 : f32
      %broadcast_in_dim3A_10 = vector.broadcast %broadcast_in_dim3A : f32 to vector<64x64xf32>
      %swap3A_11 = arith.constant 0 : index
      %swap3A_12 = arith.constant 0 : index
      %swap3A_13 = vector.load %arg2[%swap3A_11, %swap3A_12] : memref<64x64xf32, #tpu.memory_space<vmem>>, vector<64x64xf32>
      tpu.vector_store %arg2[%swap3A_11, %swap3A_12], %broadcast_in_dim3A_10 {strides = array<i32>} : memref<64x64xf32, #tpu.memory_space<vmem>>, vector<64x64xf32>,
    } else {
    }
    %get3A_4 = arith.constant 0 : index
    %get3A_5 = arith.constant 0 : index
    %get3A_6 = vector.load %arg2[%get3A_4, %get3A_5] : memref<64x64xf32, #tpu.memory_space<vmem>>, vector<64x64xf32>
    %dot_general3A = arith.constant dense<0.000000e+00> : vector<64x64xf32>
    %dot_general3A_7 = tpu.matmul %get3A_1, %get3A_1, %dot_general3A {dimension_numbers = #tpu.dot_dimension_numbers<[0], [0], [1], [1], [0, 1, 1, 1], [], []>, transpose_lhs_hint = false} : vector<1024x64xf32>, vector<1024x64xf32>, vector<64x64xf32> -> vector<64x64xf32>
    %add3A = arith.addf %get3A_6, %dot_general3A_7 : vector<64x64xf32>
    %swap3A = arith.constant 0 : index
    %swap3A_8 = arith.constant 0 : index
    %swap3A_9 = vector.load %arg2[%swap3A, %swap3A_8] : memref<64x64xf32, #tpu.memory_space<vmem>>, vector<64x64xf32>
    tpu.vector_store %arg2[%swap3A, %swap3A_8], %add3A {strides = array<i32>} : memref<64x64xf32, #tpu.memory_space<vmem>>, vector<64x64xf32>,
    return
  }
  func.func @transform_0(%arg0: i32) -> (i32, i32) {
    %c0_i32 = arith.constant 0 : i32
    %c0_i32_0 = arith.constant 0 : i32
    return %arg0, %c0_i32 : i32, i32
  }
  func.func @transform_1(%arg0: i32) -> (i32, i32) {
    %c0_i32 = arith.constant 0 : i32
    %c0_i32_0 = arith.constant 0 : i32
    %c0_i32_1 = arith.constant 0 : i32
    return %c0_i32, %c0_i32_0 : i32, i32
  }
}

module attributes {stable_mosaic.version = 14 : i64} {
  func.func @_stage_c_body(%arg0: i32, %arg1: memref<1024x64xf32, #tpu.memory_space<vmem>>, %arg2: memref<2x1024x64xf32, #tpu.memory_space<vmem>>, %arg3: memref<2x1024xf32, #tpu.memory_space<vmem>>, %arg4: memref<64x64xf32, #tpu.memory_space<vmem>>, %arg5: memref<1024x40xf32, #tpu.memory_space<vmem>>) attributes {dimension_semantics = [#tpu.dimension_semantics<arbitrary>], iteration_bounds = array<i64: 10>, scalar_prefetch = 0 : i64, scratch_operands = 0 : i64, tpu.core_type = #tpu.core_type<tc>, window_params = [{transform_indices = @transform_0, window_bounds = array<i64: 1024, 64>}, {transform_indices = @transform_1, window_bounds = array<i64: 2, 1024, 64>}, {transform_indices = @transform_2, window_bounds = array<i64: 2, 1024>}, {pipeline_mode = #tpu.pipeline_mode<synchronous>, transform_indices = @transform_3, window_bounds = array<i64: 64, 64>}, {transform_indices = @transform_4, window_bounds = array<i64: 1024, 40>}]} {
    %get3A = arith.constant 0 : index
    %get3A_0 = arith.constant 0 : index
    %get3A_1 = vector.load %arg1[%get3A, %get3A_0] : memref<1024x64xf32, #tpu.memory_space<vmem>>, vector<1024x64xf32>
    %get3A_2 = arith.constant 0 : index
    %get3A_3 = arith.constant 0 : index
    %get3A_4 = vector.load %arg3[%get3A_2, %get3A_3] : memref<2x1024xf32, #tpu.memory_space<vmem>>, vector<2x1024xf32>
    %slice3A = vector.extract_strided_slice %get3A_4 {offsets = [0, 0], sizes = [1, 1024], strides = [1, 1]} : vector<2x1024xf32> to vector<1x1024xf32>
    %squeeze3A = vector.shape_cast %slice3A : vector<1x1024xf32> to vector<1024xf32>
    %slice3A_5 = vector.extract_strided_slice %get3A_4 {offsets = [1, 0], sizes = [1, 1024], strides = [1, 1]} : vector<2x1024xf32> to vector<1x1024xf32>
    %squeeze3A_6 = vector.shape_cast %slice3A_5 : vector<1x1024xf32> to vector<1024xf32>
    %add3A = arith.addf %squeeze3A, %squeeze3A_6 : vector<1024xf32>
    %max3A = arith.constant 1.000000e+00 : f32
    %max3A_7 = vector.broadcast %max3A : f32 to vector<1024xf32>
    %max3A_8 = arith.maximumf %add3A, %max3A_7 : vector<1024xf32>
    %sqrt3A = math.sqrt %max3A_8 : vector<1024xf32>
    %div3A = arith.constant 1.000000e+00 : f32
    %div3A_9 = vector.broadcast %div3A : f32 to vector<1024xf32>
    %div3A_10 = arith.divf %div3A_9, %sqrt3A : vector<1024xf32>
    %get3A_11 = arith.constant 0 : index
    %get3A_12 = arith.constant 0 : index
    %get3A_13 = arith.constant 0 : index
    %get3A_14 = vector.load %arg2[%get3A_11, %get3A_12, %get3A_13] : memref<2x1024x64xf32, #tpu.memory_space<vmem>>, vector<1x1024x64xf32>
    %get3A_15 = vector.shape_cast %get3A_14 : vector<1x1024x64xf32> to vector<1024x64xf32>
    %get3A_16 = arith.constant 1 : index
    %get3A_17 = arith.constant 0 : index
    %get3A_18 = arith.constant 0 : index
    %get3A_19 = vector.load %arg2[%get3A_16, %get3A_17, %get3A_18] : memref<2x1024x64xf32, #tpu.memory_space<vmem>>, vector<1x1024x64xf32>
    %get3A_20 = vector.shape_cast %get3A_19 : vector<1x1024x64xf32> to vector<1024x64xf32>
    %add3A_21 = arith.addf %get3A_15, %get3A_20 : vector<1024x64xf32>
    %broadcast_in_dim3A = vector.shape_cast %div3A_10 : vector<1024xf32> to vector<1024x1xf32>
    %mul3A = vector.broadcast %broadcast_in_dim3A : vector<1024x1xf32> to vector<1024x64xf32>
    %mul3A_22 = arith.mulf %add3A_21, %mul3A : vector<1024x64xf32>
    %get3A_23 = arith.constant 0 : index
    %get3A_24 = arith.constant 0 : index
    %get3A_25 = vector.load %arg4[%get3A_23, %get3A_24] : memref<64x64xf32, #tpu.memory_space<vmem>>, vector<64x64xf32>
    %iota3A = tpu.iota {dimensions = array<i32: 0>} : vector<64x64xi32>
    %iota3A_26 = tpu.iota {dimensions = array<i32: 1>} : vector<64x64xi32>
    %eq3A = arith.cmpi eq, %iota3A, %iota3A_26 : vector<64x64xi32>
    %convert_element_type3A = arith.extui %eq3A : vector<64x64xi1> to vector<64x64xi32>
    %convert_element_type3A_27 = arith.sitofp %convert_element_type3A : vector<64x64xi32> to vector<64x64xf32>
    %sub3A = arith.subf %get3A_25, %convert_element_type3A_27 : vector<64x64xf32>
    %mul3A_28 = arith.constant 5.000000e-01 : f32
    %mul3A_29 = vector.broadcast %mul3A_28 : f32 to vector<1024x64xf32>
    %mul3A_30 = arith.mulf %mul3A_29, %get3A_1 : vector<1024x64xf32>
    %mul3A_31 = arith.constant 5.000000e-01 : f32
    %mul3A_32 = vector.broadcast %mul3A_31 : f32 to vector<1024x64xf32>
    %mul3A_33 = arith.mulf %mul3A_32, %mul3A_22 : vector<1024x64xf32>
    %add3A_34 = arith.addf %mul3A_30, %mul3A_33 : vector<1024x64xf32>
    %dot_general3A = arith.constant dense<0.000000e+00> : vector<1024x64xf32>
    %dot_general3A_35 = tpu.matmul %get3A_1, %sub3A, %dot_general3A {dimension_numbers = #tpu.dot_dimension_numbers<[1], [0], [0], [1], [0, 0, 1, 1], [], []>, transpose_lhs_hint = false} : vector<1024x64xf32>, vector<64x64xf32>, vector<1024x64xf32> -> vector<1024x64xf32>
    %mul3A_36 = arith.constant 5.000000e-02 : f32
    %mul3A_37 = vector.broadcast %mul3A_36 : f32 to vector<1024x64xf32>
    %mul3A_38 = arith.mulf %mul3A_37, %dot_general3A_35 : vector<1024x64xf32>
    %sub3A_39 = arith.subf %add3A_34, %mul3A_38 : vector<1024x64xf32>
    %iota3A_40 = tpu.iota {dimensions = array<i32: 1>} : vector<1024x64xi32>
    %lt3A = arith.constant 40 : i32
    %lt3A_41 = vector.broadcast %lt3A : i32 to vector<1024x64xi32>
    %lt3A_42 = arith.cmpi slt, %iota3A_40, %lt3A_41 : vector<1024x64xi32>
    %jit3A = arith.constant 0xFF800000 : f32
    %broadcast_in_dim3A_43 = vector.broadcast %jit3A : f32 to vector<1024x64xf32>
    %select_n3A = arith.select %lt3A_42, %sub3A_39, %broadcast_in_dim3A_43 : vector<1024x64xi1>, vector<1024x64xf32>
    %reduce_max3A = arith.constant dense<0xFF800000> : vector<1024xf32>
    %reduce_max3A_44 = vector.multi_reduction <maximumf>, %select_n3A, %reduce_max3A [1] : vector<1024x64xf32> to vector<1024xf32>
    %broadcast_in_dim3A_45 = vector.shape_cast %reduce_max3A_44 : vector<1024xf32> to vector<1024x1xf32>
    %sub3A_46 = vector.broadcast %broadcast_in_dim3A_45 : vector<1024x1xf32> to vector<1024x64xf32>
    %sub3A_47 = arith.subf %sub3A_39, %sub3A_46 : vector<1024x64xf32>
    %exp3A = math.exp %sub3A_47 : vector<1024x64xf32>
    %jit3A_48 = arith.constant 0.000000e+00 : f32
    %broadcast_in_dim3A_49 = vector.broadcast %jit3A_48 : f32 to vector<1024x64xf32>
    %select_n3A_50 = arith.select %lt3A_42, %exp3A, %broadcast_in_dim3A_49 : vector<1024x64xi1>, vector<1024x64xf32>
    %reduce_sum3A = arith.constant dense<0.000000e+00> : vector<1024xf32>
    %reduce_sum3A_51 = vector.multi_reduction <add>, %select_n3A_50, %reduce_sum3A [1] : vector<1024x64xf32> to vector<1024xf32>
    %broadcast_in_dim3A_52 = vector.shape_cast %reduce_sum3A_51 : vector<1024xf32> to vector<1024x1xf32>
    %log3A = math.log %broadcast_in_dim3A_52 : vector<1024x1xf32>
    %sub3A_53 = vector.broadcast %broadcast_in_dim3A_45 : vector<1024x1xf32> to vector<1024x64xf32>
    %sub3A_54 = arith.subf %sub3A_39, %sub3A_53 : vector<1024x64xf32>
    %sub3A_55 = vector.broadcast %log3A : vector<1024x1xf32> to vector<1024x64xf32>
    %sub3A_56 = arith.subf %sub3A_54, %sub3A_55 : vector<1024x64xf32>
    %slice3A_57 = vector.extract_strided_slice %sub3A_56 {offsets = [0, 0], sizes = [1024, 40], strides = [1, 1]} : vector<1024x64xf32> to vector<1024x40xf32>
    %swap3A = arith.constant 0 : index
    %swap3A_58 = arith.constant 0 : index
    %swap3A_59 = vector.load %arg5[%swap3A, %swap3A_58] : memref<1024x40xf32, #tpu.memory_space<vmem>>, vector<1024x40xf32>
    tpu.vector_store %arg5[%swap3A, %swap3A_58], %slice3A_57 {strides = array<i32>} : memref<1024x40xf32, #tpu.memory_space<vmem>>, vector<1024x40xf32>,
    return
  }
  func.func @transform_0(%arg0: i32) -> (i32, i32) {
    %c0_i32 = arith.constant 0 : i32
    %c0_i32_0 = arith.constant 0 : i32
    return %arg0, %c0_i32 : i32, i32
  }
  func.func @transform_1(%arg0: i32) -> (i32, i32, i32) {
    %c0_i32 = arith.constant 0 : i32
    %c0_i32_0 = arith.constant 0 : i32
    %c0_i32_1 = arith.constant 0 : i32
    return %c0_i32, %arg0, %c0_i32_0 : i32, i32, i32
  }
  func.func @transform_2(%arg0: i32) -> (i32, i32) {
    %c0_i32 = arith.constant 0 : i32
    %c0_i32_0 = arith.constant 0 : i32
    return %c0_i32, %arg0 : i32, i32
  }
  func.func @transform_3(%arg0: i32) -> (i32, i32) {
    %c0_i32 = arith.constant 0 : i32
    %c0_i32_0 = arith.constant 0 : i32
    %c0_i32_1 = arith.constant 0 : i32
    return %c0_i32, %c0_i32_0 : i32, i32
  }
  func.func @transform_4(%arg0: i32) -> (i32, i32) {
    %c0_i32 = arith.constant 0 : i32
    %c0_i32_0 = arith.constant 0 : i32
    return %arg0, %c0_i32 : i32, i32
  }
}

</mosaic_0001>

<sc_bundles>
// kernel: kernel.11.cloned.1.call-start
scs
__scs_entry_jumppad:
0x0: {  	(pc) =	sbr.rel $0x88, $3  }
0x1: {  	(tag) =	ssettag $0x0;
	lr =	simm.s32 $0x1  }
0x2: {  	[smem:$0x3F9D] =	sst lr;
	_ =	strace $0xD0000000  }
0x3: {  	_ = 	snop  }
0x4: {  	_ = 	snop  }
0x5: {  	_ = 	snop  }
0x6: {  	_ = 	snop  }
0x7: {  	_ = 	snop  }
__scs_overlays_trampoline_lowered:
0x8: {  	[smem:$0x3FAC] =	sst s0  }
0x9: {  	[smem:$0x3FAD] =	sst s1  }
0xa: {  	[smem:$0x3FAE] =	sst s2  }
0xb: {  	[smem:$0x3FAF] =	sst s3  }
0xc: {  	[smem:$0x3FB0] =	sst s4  }
0xd: {  	[smem:$0x3FB1] =	sst s5  }
0xe: {  	[smem:$0x3FB2] =	sst s6  }
0xf: {  	[smem:$0x3FB3] =	sst s7  }
0x10: {  	[smem:$0x3FB4] =	sst s8  }
0x11: {  	[smem:$0x3FB5] =	sst s9;
	s0 =	simm.s32 @!p0 $0x0  }
0x12: {  	s1 =	sld [smem:$0x3F9B];
	s0 =	simm.s32 @p0 $0x1  }
0x13: {  	[smem:$0x3FB6] =	sst s0;
	s0 =	simm.s32 @!p1 $0x0  }
0x14: {  	s2 =	sld [smem:$0x3F9A];
	s0 =	simm.s32 @p1 $0x1  }
0x15: {  	[smem:$0x3FB7] =	sst s0;
	s0 =	simm.s32 @!p2 $0x0  }
0x16: {  	s3 =	sld [smem:$0x3FDB];
	s0 =	simm.s32 @p2 $0x1  }
0x17: {  	s4 =	simm.s32 $0x1BF5;
	[smem:$0x3FB9] =	sst s0  }
0x18: {  	s0 =	sld [smem:$0x3F9C];
	_ =	swait.ge [sflag:s4], $0x0  }
0x19: {  	s7 =	sld [smem:$0x3F9D]  }
0x1a: {  	s8 =	sadd.s32 $0xFFFFE003, lr  }
0x1b: {  	s9 =	sadd.s32 $0xFFFFFEF7, lr;
	s5 =	simm.s32 $0xFFFFFFFF;
	p2 =	slt.u32 s8, $0xFFFFF086  }
0x1c: {  	p1 =	slt.u32 s9, $0xF7A;
	s5 =	simm.s32 @!p2 $0x0  }
0x1d: {  	s5 =	simm.s32 @p1 $0x1;
	p0 =	seq.s32 s7, s2  }
0x1e: {  	s7 =	smul.u32 @!p0 $0xF7A, s2;
	p2 =	seq.s32 @!p0 s5, $0x0  }
0x1f: {  	s9 =	smul.u32 $0xF7A, s1;
	s8 =	simm.s32 @!p0 $0x1BF5;
	p2 =	por !p2, p0  }
0x20: {  	[sflag:s8] =	ssyncset.s32 @!p0 $0xFFFFF086;
	s6 =	sadd.s32 @!p0 s3, s7;
	s7 =	simm.s32 @!p0 $0x108  }
0x21: {  	s3 =	sadd.s32 s3, s9;
	s6 =	sadd.s32 @!p0 $0x88, s6;
	s7 =	simm.s32 @p2 $0x1082  }
0x22: {  	[simem:s7], [sflag:s8] =	dma.local @!p0 [hbm:s6], $0xF7A  }
0x23: {  	s9 =	sor.u32 $0xD0000000, s2;
	s6 =	simm.s32 $0x108;
	_ =	swait.ge @!p0 [sflag:s8], $0x0  }
0x24: {  	s3 =	sadd.s32 $0x88, s3;
	s6 =	simm.s32 @!p1 $0x1082;
	[sflag:s4] =	ssyncset.s32 $0xFFFFF086  }
0x25: {  	[simem:s6], [sflag:s4] =	dma.local [hbm:s3], $0xF7A  }
0x26: {  	[smem:$0x3F9D] =	sst s1;
	(tag) =	ssettag s2;
	_ =	strace s9  }
0x27: {  	s1 =	sld [smem:$0x3FAD]  }
0x28: {  	s2 =	sld [smem:$0x3FAE]  }
0x29: {  	s4 =	sld [smem:$0x3FB0]  }
0x2a: {  	p0 =	seq.s32 s5, $0x0;
	s5 =	sld [smem:$0x3FB1]  }
0x2b: {  	s6 =	sld [smem:$0x3FB2]  }
0x2c: {  	s7 =	sld [smem:$0x3FB3]  }
0x2d: {  	s3 =	simm.s32 $0x108;
	s8 =	sld [smem:$0x3FB4]  }
0x2e: {  	s3 =	simm.s32 @!p0 $0x1082;
	s9 =	sld [smem:$0x3FB5]  }
0x2f: {  	lr =	sadd.s32 s0, s3;
	s0 =	sld [smem:$0x3FAC]  }
0x30: {  	s3 =	sld [smem:$0x3FAF]  }
0x31: {  	[smem:$0x3FB8] =	sst s10  }
0x32: {  	s10 =	sld [smem:$0x3FB6];
	_ =	sdelay $0x3  }
0x33: {  	p0 =	seq.s32 s10, $0x1;
	s10 =	sld [smem:$0x3FB8];
	_ =	sdelay $0x3  }
0x34: {  	[smem:$0x3FB8] =	sst s10  }
0x35: {  	s10 =	sld [smem:$0x3FB7];
	_ =	sdelay $0x3  }
0x36: {  	p1 =	seq.s32 s10, $0x1;
	s10 =	sld [smem:$0x3FB8];
	_ =	sdelay $0x3  }
0x37: {  	[smem:$0x3FB8] =	sst s10  }
0x38: {  	s10 =	sld [smem:$0x3FB9]  }
0x39: {  	_ = 	snop;
	(pc) =	sbr.ind lr, $3  }
0x3a: {  	_ = 	snop  }
0x3b: {  	_ = 	snop  }
0x3c: {  	p2 =	seq.s32 s10, $0x1;
	s10 =	sld [smem:$0x3FB8]  }
0x3d: {  	_ =	shalt  }
0x3e: {  	_ =	shalt  }
0x3f: {  	_ =	shalt  }
0x40: {  	_ =	shalt  }
0x41: {  	_ =	shalt  }
0x42: {  	_ =	shalt  }
0x43: {  	_ =	shalt  }
0x44: {  	_ =	shalt  }
0x45: {  	_ =	shalt  }
0x46: {  	_ =	shalt  }
0x47: {  	_ =	shalt  }
0x48: {  	_ =	shalt  }
0x49: {  	_ =	shalt  }
0x4a: {  	_ =	shalt  }
0x4b: {  	_ =	shalt  }
0x4c: {  	_ =	shalt  }
0x4d: {  	_ =	shalt  }
0x4e: {  	_ =	shalt  }
0x4f: {  	_ =	shalt  }
0x50: {  	_ =	shalt  }
0x51: {  	_ =	shalt  }
0x52: {  	_ =	shalt  }
0x53: {  	_ =	shalt  }
0x54: {  	_ =	shalt  }
0x55: {  	_ =	shalt  }
0x56: {  	_ =	shalt  }
0x57: {  	_ =	shalt  }
0x58: {  	_ =	shalt  }
0x59: {  	_ =	shalt  }
0x5a: {  	_ =	shalt  }
0x5b: {  	_ =	shalt  }
0x5c: {  	_ =	shalt  }
0x5d: {  	_ =	shalt  }
0x5e: {  	_ =	shalt  }
0x5f: {  	_ =	shalt  }
0x60: {  	_ =	shalt  }
0x61: {  	_ =	shalt  }
0x62: {  	_ =	shalt  }
0x63: {  	_ =	shalt  }
0x64: {  	_ =	shalt  }
0x65: {  	_ =	shalt  }
0x66: {  	_ =	shalt  }
0x67: {  	_ =	shalt  }
0x68: {  	_ =	shalt  }
0x69: {  	_ =	shalt  }
0x6a: {  	_ =	shalt  }
0x6b: {  	_ =	shalt  }
0x6c: {  	_ =	shalt  }
0x6d: {  	_ =	shalt  }
0x6e: {  	_ =	shalt  }
0x6f: {  	_ =	shalt  }
0x70: {  	_ =	shalt  }
0x71: {  	_ =	shalt  }
0x72: {  	_ =	shalt  }
0x73: {  	_ =	shalt  }
0x74: {  	_ =	shalt  }
0x75: {  	_ =	shalt  }
0x76: {  	_ =	shalt  }
0x77: {  	_ =	shalt  }
0x78: {  	_ =	shalt  }
0x79: {  	_ =	shalt  }
0x7a: {  	_ =	shalt  }
0x7b: {  	_ =	shalt  }
0x7c: {  	_ =	shalt  }
0x7d: {  	_ =	shalt  }
0x7e: {  	_ =	shalt  }
0x7f: {  	_ =	shalt  }
0x80: {  	_ =	shalt  }
0x81: {  	_ =	shalt  }
0x82: {  	_ =	shalt  }
0x83: {  	_ =	shalt  }
0x84: {  	_ =	shalt  }
0x85: {  	_ =	shalt  }
0x86: {  	_ =	shalt  }
0x87: {  	_ =	shalt  }
.Lfunc_end0:
.L_simem_size_0:
called_computation_lowered:
.L_overlay_start_0:
0x88: {  	s2 =	sld [smem:$0x3FD9]  }
0x89: {  	s3 =	sld [smem:$0x3FFE];
	_ =	sdelay $0x1  }
0x8a: {  	s1 =	srdreg.scid  }
0x8b: {  	s0 =	sand.u32 $0x1, s1  }
0x8c: {  	s16 =	sshll.u32 s0, $0xA;
	s2 =	sadd.s32 s3, s2  }
0x8d: {  	s2 =	sadd.s32 s2, s16  }
0x8e: {  	[smem:$0x3FC4] =	sst s2  }
0x8f: {  	_ = 	snop  }
0x90: {  	(tm) =	ssettm $0x1  }
0x91: {  	s17 =	sld [smem:$0x3FFB];
	_ =	sdelay $0x3  }
0x92: {  	_ =	strace s17  }
0x93: {  	s2 =	sld [smem:$0x3FFC];
	_ =	sdelay $0x3  }
0x94: {  	_ =	strace s2  }
0x95: {  	s2 =	sld [smem:$0x3FFD];
	_ =	sdelay $0x3  }
0x96: {  	_ =	strace s2  }
0x97: {  	_ =	strace $0x8FFFFFFF  }
0x98: {  	s18 =	sld [smem:$0x3FDB];
	_ =	sdelay $0x1  }
0x99: {  	s19 =	simm.s32 $_scs_section_size  }
0x9a: {  	s4 =	simm.s32 $_size__tile_overlayer_lowered;
	s5 =	simm.s32 $_tile_overlayer_lowered  }
0x9b: {  	s22 =	simm.s32 $0x1BFF;
	s21 =	sshll.u32 s5, $0x1;
	s2 =	sadd.s32 s19, s18  }
0x9c: {  	s6 =	simm.s32 $0x0;
	s20 =	sshll.u32 s4, $0x1;
	s4 =	sadd.s32 s21, s2  }
0x9d: {  	[timem:s6], [sflag:s22] =	dma.local [hbm:s4], s20  }
0x9e: {  	_ =	swait.ge [sflag:s22], s20  }
0x9f: {  	s3 =	ssub.s32 $0x0, s20;
	[sflag:s22] =	ssyncset.done $0x0  }
0xa0: {  	[sflag:s22] =	ssyncadd.s32 s3;
	_ =	sdelay $0x1  }
0xa1: {  	s23 =	simm.s32 $0x1B8B  }
0xa2: {  	_ =	swait.ge [sflag:s23], $0x1  }
0xa3: {  	[sflag:s23] =	ssyncset.done $0x0  }
0xa4: {  	s25 =	simm.s32 $0x1B8E;
	s24 =	sld [smem:$0x3FFE];
	[sflag:s23] =	ssyncadd.s32 $0xFFFFFFFF  }
0xa5: {  	s26 =	simm.s32 $execute0_lowered;
	[smem:$0x3FD2] =	sst s25  }
0xa6: {  	s4 =	sshll.u32 s26, $0x1;
	_ =	strace $0x80000046;
	[dreg:$0x1] =	wrdreg $0xFFFFFFFF  }
0xa7: {  	s28 =	simm.s32 $_size_execute0_lowered;
	s2 =	sadd.s32 s2, s4;
	[dreg:$0x0] =	wrdreg $0x0  }
0xa8: {  	s4 =	sshll.u32 s28, $0x1;
	[dreg:$0x2] =	wrdreg s2  }
0xa9: {  	[dreg:$0x3] =	wrdreg s4  }
0xaa: {  	[dreg:$0x4] =	wrdreg $0xC0  }
0xab: {  	_ =	task [dreg:s6], $0x5FFFF  }
0xac: {  	[dreg:$0x1] =	wrdreg $0xFFFFFFFF  }
0xad: {  	[dreg:$0x0] =	wrdreg $0x60  }
0xae: {  	[dreg:$0x2] =	wrdreg s24  }
0xaf: {  	[dreg:$0x3] =	wrdreg $0x53000  }
0xb0: {  	[dreg:$0x4] =	wrdreg $0x9  }
0xb1: {  	_ =	task.clear_ibuf [dreg:s6], $0x5FFFF;
	_ =	strace $0x90000046  }
0xb2: {  	s29 =	simm.s32 $0x9;
	_ =	strace $0x80000048  }
0xb3: {  	_ =	swait.ge [sflag:s29], $0x1  }
0xb4: {  	[sflag:s29] =	ssyncadd.s32 $0xFFFFFFFF  }
0xb5: {  	_ =	strace $0x90000048  }
0xb6: {  	_ =	sfence  }
0xb7: {  	s30 =	sld [smem:$0x0];
	_ =	sdelay $0x2  }
0xb8: {  	s31 =	sshll.u32 s1, $0xD;
	s1 =	sshrl.u32 s1, $0x2  }
0xb9: {  	s3 =	sand.u32 $0x4000, s31;
	s1 =	sadd.s32 s1, s30  }
0xba: {  	s0 =	sor.u32 s3, s0;
	s1 =	sshll.u32 s1, $0x11  }
0xbb: {  	s0 =	sor.u32 s1, s0  }
0xbc: {  	s0 =	sadd.s32 $0x8F2B, s0  }
0xbd: {  	[sflag:s0] =	ssyncadd.remote.s32 $0x1  }
0xbe: {  	_ =	sfence.sel $0xFFFF  }
0xbf: {  	[dreg:$0x0] =	wrdreg $0xFFFFFFFF;
	(pc) =	sbr.abs _section_cstart, $3  }
0xc0: {  	[dreg:$0x1] =	wrdreg $0xFFFFFFFF  }
0xc1: {  	_ =	task.clear_ibuf [dreg:s6], $0x2FFFF;
	_ =	strace $0x9FFFFFFF  }
0xc2: {  	(tm) =	ssettm $0x7FFFFFFF  }
0xc3: {  	_ =	shalt  }
tec
execute0_lowered:
.L_overlay_start_1:
0x0: {  	(tag) =	ssettag $0x1  }
0x1: {  	s4 =	rddreg [dreg:$0x0]  }
0x2: {  	s2 =	rddreg [dreg:$0x1]  }
0x3: {  	s0 =	rddreg [dreg:$0x2]  }
0x4: {  	s1 =	stileid.u32;
	s5 =	srdreg.scid;
	s3 =	simm.s32 $0x0  }
0x5: {  	s10 =	simm.s32 $0x1;
	s11 =	simm.s32 $0x2800;
	s12 =	simm.s32 $0x80  }
0x6: {  	s13 =	simm.s32 $0x5000;
	s14 =	simm.s32 $0x0;
	s6 =	smul.u32 $0x500, s1  }
0x7: {  	s5 =	sand.u32 $0x1, s5;
	s7 =	smul.u32 $0x280, s1;
	[smem:$0x7FF] =	sst s3  }
0x8: {  	s8 =	smul.u32 $0x2800, s5;
	p0 =	seq.s32 s5, $0x0;
	s5 =	ssub.s32 $0x2, s5  }
0x9: {  	_ =	strace $0x80000047;
	s9 =	sadd.s32 $0x5000, s6;
	s30 =	sshrl.u32 s5, $0x1  }
0xa: {  	s8 =	sadd.s32 s7, s8;
	s9 =	smov.u32 @p0 s6;
	s31 =	ssub.s32 s5, s30  }
0xb: {  	s28 =	sshrl.u32 s8, $0x3;
	s29 =	sadd.s32 s9, s4;
	s9 =	simm.s32 $0x5080  }
0xc: {  	s6 =	sadd.s32 s28, s4;
	s4 =	sadd.s32 s7, s2;
	s7 =	sadd.s32 $0xBA00, s29  }
0xd: {  	v0 =	vimm.f32 $1.000000000e+00;
	v1 =	vimm.f32 $0.0e+00;
	s8 =	sadd.s32 $0x1A00, s29;
	s5 =	sadd.s32 $0x1FA00, s6;
	s6 =	smax.u32 s31, $0x1  }
.LBB2_1:
0xe: {  	[tilespmem:$0x5000] =	vst v0  }
0xf: {  	[tilespmem:$0x5010] =	vst v0  }
0x10: {  	[tilespmem:$0x5020] =	vst v0  }
0x11: {  	[tilespmem:$0x5030] =	vst v0  }
0x12: {  	[tilespmem:$0x5040] =	vst v0  }
0x13: {  	[tilespmem:$0x5050] =	vst v0  }
0x14: {  	[tilespmem:$0x5060] =	vst v0  }
0x15: {  	[tilespmem:$0x5070] =	vst v0  }
0x16: {  	[tilespmem:$0x5080] =	vst v1  }
0x17: {  	[tilespmem:$0x5090] =	vst v1  }
0x18: {  	[tilespmem:$0x50A0] =	vst v1  }
0x19: {  	[tilespmem:$0x50B0] =	vst v1  }
0x1a: {  	[tilespmem:$0x50C0] =	vst v1  }
0x1b: {  	[tilespmem:$0x50D0] =	vst v1  }
0x1c: {  	[tilespmem:$0x50E0] =	vst v1  }
0x1d: {  	[tilespmem:$0x50F0] =	vst v1  }
0x1e: {  	[tilespmem:$0x5100] =	vst v1  }
0x1f: {  	[tilespmem:$0x5110] =	vst v1  }
0x20: {  	[tilespmem:$0x5120] =	vst v1  }
0x21: {  	[tilespmem:$0x5130] =	vst v1  }
0x22: {  	[tilespmem:$0x5140] =	vst v1  }
0x23: {  	[tilespmem:$0x5150] =	vst v1  }
0x24: {  	[tilespmem:$0x5160] =	vst v1  }
0x25: {  	[tilespmem:$0x5170] =	vst v1  }
0x26: {  	[tilespmem:$0x5180] =	vst v1  }
0x27: {  	[tilespmem:$0x5190] =	vst v1  }
0x28: {  	[tilespmem:$0x51A0] =	vst v1  }
0x29: {  	[tilespmem:$0x51B0] =	vst v1  }
0x2a: {  	[tilespmem:$0x51C0] =	vst v1  }
0x2b: {  	[tilespmem:$0x51D0] =	vst v1  }
0x2c: {  	[tilespmem:$0x51E0] =	vst v1  }
0x2d: {  	[tilespmem:$0x51F0] =	vst v1  }
0x2e: {  	[tilespmem:$0x5200] =	vst v1  }
0x2f: {  	[tilespmem:$0x5210] =	vst v1  }
0x30: {  	[tilespmem:$0x5220] =	vst v1  }
0x31: {  	[tilespmem:$0x5230] =	vst v1  }
0x32: {  	[tilespmem:$0x5240] =	vst v1  }
0x33: {  	[tilespmem:$0x5250] =	vst v1  }
0x34: {  	[tilespmem:$0x5260] =	vst v1  }
0x35: {  	[tilespmem:$0x5270] =	vst v1  }
0x36: {  	[tilespmem:$0x5280] =	vst v1  }
0x37: {  	[tilespmem:$0x5290] =	vst v1  }
0x38: {  	[tilespmem:$0x52A0] =	vst v1  }
0x39: {  	[tilespmem:$0x52B0] =	vst v1  }
0x3a: {  	[tilespmem:$0x52C0] =	vst v1  }
0x3b: {  	[tilespmem:$0x52D0] =	vst v1  }
0x3c: {  	[tilespmem:$0x52E0] =	vst v1  }
0x3d: {  	[tilespmem:$0x52F0] =	vst v1  }
0x3e: {  	[spmem:s4] =	stream.linear.scatter [tilespmem:s9], [sflag:$0x1], $0x280, $0x38;
	[tilespmem:$0x5580] =	vst v63  }
0x3f: {  	_ =	swait.ge [sflag:s10], $0x280  }
0x40: {  	[sflag:s10] =	ssyncset.done $0x0  }
0x41: {  	[sflag:s10] =	ssyncadd.s32 $0xFFFFFD80  }
0x42: {  	[tilespmem:s3], [sflag:$0x1] =	stream.linear.gather [hbm4b:s7+s3], $0x2800, $0x38;
	[tilespmem:$0x5580] =	vst v63  }
0x43: {  	_ =	swait.ge [sflag:s10], $0x2800  }
0x44: {  	[sflag:s10] =	ssyncset.done $0x0  }
0x45: {  	[sflag:s10] =	ssyncadd.s32 $0xFFFFD800  }
0x46: {  	[tilespmem:s11], [sflag:$0x1] =	stream.linear.gather [hbm4b:s8+s3], $0x2800, $0x38;
	[tilespmem:$0x5580] =	vst v63  }
0x47: {  	_ =	swait.ge [sflag:s10], $0x2800  }
0x48: {  	[sflag:s10] =	ssyncset.done $0x0  }
0x49: {  	[sflag:s10] =	ssyncadd.s32 $0xFFFFD800  }
0x4a: {  	s15 =	simm.s32 $0x0;
	[bflag:$0x0] =	sbarrier.arrive $0xFFFF  }
0x4b: {  	[spmem:s2] =	stream.indirect.scatter.add.f32 [tilespmem:s13], [sflag:$0x1], $0x1, s15, s12, $0xb8;
	[tilespmem:$0x5580] =	vst v63  }
0x4c: {  	_ =	swait.ge [sflag:s10], $0x80  }
0x4d: {  	s15 =	simm.s32 $0x200;
	[sflag:s10] =	ssyncset.done $0x0  }
.LBB2_2:
0x4e: {  	s16 =	sshra.s32 s15, $0x2;
	[sflag:s10] =	ssyncadd.s32 $0xFFFFFF80;
	p0 =	sne.s32 s15, $0x13E00  }
0x4f: {  	[spmem:s2] =	stream.indirect.scatter.add.f32 [tilespmem:s13], [sflag:$0x1], $0x1, s16, s12, $0xb8;
	[tilespmem:$0x5580] =	vst v63  }
.Ltmp0:
0x50: {  	_ = 	snop;
	(pc) =	sbr.rel @p0 .LBB2_2-.Ltmp0, $4  }
0x51: {  	_ = 	snop  }
0x52: {  	s15 =	sadd.s32 $0x200, s15  }
0x53: {  	_ =	swait.ge [sflag:s10], $0x80  }
0x54: {  	[sflag:s10] =	ssyncset.done $0x0  }
0x55: {  	[sflag:s10] =	ssyncadd.s32 $0xFFFFFF80  }
0x56: {  	[bflag:$0x0] =	sbarrier.arrive $0xFFFF  }
0x57: {  	[tilespmem:s9], [sflag:$0x1] =	stream.linear.gather [spmem:s4], $0x280, $0x38;
	[tilespmem:$0x5580] =	vst v63  }
0x58: {  	s14 =	sadd.s32 $0x1, s14;
	_ =	swait.ge [sflag:s10], $0x280  }
0x59: {  	p0 =	sne.s32 s14, s6;
	[sflag:s10] =	ssyncset.done $0x0  }
.Ltmp1:
0x5a: {  	[sflag:s10] =	ssyncadd.s32 $0xFFFFFD80;
	(pc) =	sbr.rel @p0 .LBB2_1-.Ltmp1, $4  }
0x5b: {  	[hbm4b:s5+s3] =	stream.linear.scatter [tilespmem:s9], [sflag:$0x1], $0x280, $0x38;
	[tilespmem:$0x5580] =	vst v63  }
0x5c: {  	_ =	swait.ge [sflag:s10], $0x280  }
0x5d: {  	[sflag:s10] =	ssyncset.done $0x0  }
0x5e: {  	[sflag:s10] =	ssyncadd.s32 $0xFFFFFD80  }
0x5f: {  	_ =	sfence.sel $0x180000  }
0x60: {  	[bflag:$0x0] =	sbarrier.arrive $0xFFFF  }
0x61: {  	p0 =	sne.s32 s1, $0x0;
	_ =	strace $0x90000047  }
0x62: {  	s0 =	sadd.s32 @!p0 $0x100000, s0;
	[bflag:$0x2] =	sbarrier.arrive $0xFFFF  }
0x63: {  	[sflag:s0] =	ssyncadd.tile.s32 @!p0 $0x1;
	_ =	shalt  }
.Lfunc_end2:
_tile_overlayer_lowered:
.L_overlay_start_2:
0x64: {  	(tag) =	ssettag $0x2  }
0x65: {  	s0 =	rddreg [dreg:$0x0];
	s2 =	stileid.u32  }
0x66: {  	s1 =	rddreg [dreg:$0x1];
	p0 =	sne.s32 s2, $0x0  }
0x67: {  	s3 =	rddreg [dreg:$0x2];
	[bflag:$0x3] =	sbarrier.arrive $0xFFFF;
	s2 =	simm.s32 @!p0 $0x1C01  }
0x68: {  	[timem:s3], [sflag:s2] =	dma.local @!p0 [hbm:s0], s1  }
0x69: {  	s0 =	simm.s32 @!p0 $0x1  }
0x6a: {  	_ =	swait.ge @!p0 [sflag:s0], s1  }
0x6b: {  	s1 =	ssub.s32 @!p0 $0x0, s1;
	[sflag:s0] =	ssyncset.done @!p0 $0x0  }
0x6c: {  	[sflag:s0] =	ssyncadd.s32 @!p0 s1  }
0x6d: {  	[bflag:$0x3] =	sbarrier.arrive $0xFFFF  }
0x6e: {  	_ =	shalt  }

// kernel: kernel.14.cloned.1.call-start
scs
__scs_entry_jumppad:
0x0: {  	(pc) =	sbr.rel $0x88, $3  }
0x1: {  	(tag) =	ssettag $0x0;
	lr =	simm.s32 $0x1  }
0x2: {  	[smem:$0x3F9D] =	sst lr;
	_ =	strace $0xD0000000  }
0x3: {  	_ = 	snop  }
0x4: {  	_ = 	snop  }
0x5: {  	_ = 	snop  }
0x6: {  	_ = 	snop  }
0x7: {  	_ = 	snop  }
__scs_overlays_trampoline_lowered:
0x8: {  	[smem:$0x3FAC] =	sst s0  }
0x9: {  	[smem:$0x3FAD] =	sst s1  }
0xa: {  	[smem:$0x3FAE] =	sst s2  }
0xb: {  	[smem:$0x3FAF] =	sst s3  }
0xc: {  	[smem:$0x3FB0] =	sst s4  }
0xd: {  	[smem:$0x3FB1] =	sst s5  }
0xe: {  	[smem:$0x3FB2] =	sst s6  }
0xf: {  	[smem:$0x3FB3] =	sst s7  }
0x10: {  	[smem:$0x3FB4] =	sst s8  }
0x11: {  	[smem:$0x3FB5] =	sst s9;
	s0 =	simm.s32 @!p0 $0x0  }
0x12: {  	s1 =	sld [smem:$0x3F9B];
	s0 =	simm.s32 @p0 $0x1  }
0x13: {  	[smem:$0x3FB6] =	sst s0;
	s0 =	simm.s32 @!p1 $0x0  }
0x14: {  	s2 =	sld [smem:$0x3F9A];
	s0 =	simm.s32 @p1 $0x1  }
0x15: {  	[smem:$0x3FB7] =	sst s0;
	s0 =	simm.s32 @!p2 $0x0  }
0x16: {  	s3 =	sld [smem:$0x3FDB];
	s0 =	simm.s32 @p2 $0x1  }
0x17: {  	s4 =	simm.s32 $0x1BF5;
	[smem:$0x3FB9] =	sst s0  }
0x18: {  	s0 =	sld [smem:$0x3F9C];
	_ =	swait.ge [sflag:s4], $0x0  }
0x19: {  	s7 =	sld [smem:$0x3F9D]  }
0x1a: {  	s8 =	sadd.s32 $0xFFFFE003, lr  }
0x1b: {  	s9 =	sadd.s32 $0xFFFFFEF7, lr;
	s5 =	simm.s32 $0xFFFFFFFF;
	p2 =	slt.u32 s8, $0xFFFFF086  }
0x1c: {  	p1 =	slt.u32 s9, $0xF7A;
	s5 =	simm.s32 @!p2 $0x0  }
0x1d: {  	s5 =	simm.s32 @p1 $0x1;
	p0 =	seq.s32 s7, s2  }
0x1e: {  	s7 =	smul.u32 @!p0 $0xF7A, s2;
	p2 =	seq.s32 @!p0 s5, $0x0  }
0x1f: {  	s9 =	smul.u32 $0xF7A, s1;
	s8 =	simm.s32 @!p0 $0x1BF5;
	p2 =	por !p2, p0  }
0x20: {  	[sflag:s8] =	ssyncset.s32 @!p0 $0xFFFFF086;
	s6 =	sadd.s32 @!p0 s3, s7;
	s7 =	simm.s32 @!p0 $0x108  }
0x21: {  	s3 =	sadd.s32 s3, s9;
	s6 =	sadd.s32 @!p0 $0x88, s6;
	s7 =	simm.s32 @p2 $0x1082  }
0x22: {  	[simem:s7], [sflag:s8] =	dma.local @!p0 [hbm:s6], $0xF7A  }
0x23: {  	s9 =	sor.u32 $0xD0000000, s2;
	s6 =	simm.s32 $0x108;
	_ =	swait.ge @!p0 [sflag:s8], $0x0  }
0x24: {  	s3 =	sadd.s32 $0x88, s3;
	s6 =	simm.s32 @!p1 $0x1082;
	[sflag:s4] =	ssyncset.s32 $0xFFFFF086  }
0x25: {  	[simem:s6], [sflag:s4] =	dma.local [hbm:s3], $0xF7A  }
0x26: {  	[smem:$0x3F9D] =	sst s1;
	(tag) =	ssettag s2;
	_ =	strace s9  }
0x27: {  	s1 =	sld [smem:$0x3FAD]  }
0x28: {  	s2 =	sld [smem:$0x3FAE]  }
0x29: {  	s4 =	sld [smem:$0x3FB0]  }
0x2a: {  	p0 =	seq.s32 s5, $0x0;
	s5 =	sld [smem:$0x3FB1]  }
0x2b: {  	s6 =	sld [smem:$0x3FB2]  }
0x2c: {  	s7 =	sld [smem:$0x3FB3]  }
0x2d: {  	s3 =	simm.s32 $0x108;
	s8 =	sld [smem:$0x3FB4]  }
0x2e: {  	s3 =	simm.s32 @!p0 $0x1082;
	s9 =	sld [smem:$0x3FB5]  }
0x2f: {  	lr =	sadd.s32 s0, s3;
	s0 =	sld [smem:$0x3FAC]  }
0x30: {  	s3 =	sld [smem:$0x3FAF]  }
0x31: {  	[smem:$0x3FB8] =	sst s10  }
0x32: {  	s10 =	sld [smem:$0x3FB6];
	_ =	sdelay $0x3  }
0x33: {  	p0 =	seq.s32 s10, $0x1;
	s10 =	sld [smem:$0x3FB8];
	_ =	sdelay $0x3  }
0x34: {  	[smem:$0x3FB8] =	sst s10  }
0x35: {  	s10 =	sld [smem:$0x3FB7];
	_ =	sdelay $0x3  }
0x36: {  	p1 =	seq.s32 s10, $0x1;
	s10 =	sld [smem:$0x3FB8];
	_ =	sdelay $0x3  }
0x37: {  	[smem:$0x3FB8] =	sst s10  }
0x38: {  	s10 =	sld [smem:$0x3FB9]  }
0x39: {  	_ = 	snop;
	(pc) =	sbr.ind lr, $3  }
0x3a: {  	_ = 	snop  }
0x3b: {  	_ = 	snop  }
0x3c: {  	p2 =	seq.s32 s10, $0x1;
	s10 =	sld [smem:$0x3FB8]  }
0x3d: {  	_ =	shalt  }
0x3e: {  	_ =	shalt  }
0x3f: {  	_ =	shalt  }
0x40: {  	_ =	shalt  }
0x41: {  	_ =	shalt  }
0x42: {  	_ =	shalt  }
0x43: {  	_ =	shalt  }
0x44: {  	_ =	shalt  }
0x45: {  	_ =	shalt  }
0x46: {  	_ =	shalt  }
0x47: {  	_ =	shalt  }
0x48: {  	_ =	shalt  }
0x49: {  	_ =	shalt  }
0x4a: {  	_ =	shalt  }
0x4b: {  	_ =	shalt  }
0x4c: {  	_ =	shalt  }
0x4d: {  	_ =	shalt  }
0x4e: {  	_ =	shalt  }
0x4f: {  	_ =	shalt  }
0x50: {  	_ =	shalt  }
0x51: {  	_ =	shalt  }
0x52: {  	_ =	shalt  }
0x53: {  	_ =	shalt  }
0x54: {  	_ =	shalt  }
0x55: {  	_ =	shalt  }
0x56: {  	_ =	shalt  }
0x57: {  	_ =	shalt  }
0x58: {  	_ =	shalt  }
0x59: {  	_ =	shalt  }
0x5a: {  	_ =	shalt  }
0x5b: {  	_ =	shalt  }
0x5c: {  	_ =	shalt  }
0x5d: {  	_ =	shalt  }
0x5e: {  	_ =	shalt  }
0x5f: {  	_ =	shalt  }
0x60: {  	_ =	shalt  }
0x61: {  	_ =	shalt  }
0x62: {  	_ =	shalt  }
0x63: {  	_ =	shalt  }
0x64: {  	_ =	shalt  }
0x65: {  	_ =	shalt  }
0x66: {  	_ =	shalt  }
0x67: {  	_ =	shalt  }
0x68: {  	_ =	shalt  }
0x69: {  	_ =	shalt  }
0x6a: {  	_ =	shalt  }
0x6b: {  	_ =	shalt  }
0x6c: {  	_ =	shalt  }
0x6d: {  	_ =	shalt  }
0x6e: {  	_ =	shalt  }
0x6f: {  	_ =	shalt  }
0x70: {  	_ =	shalt  }
0x71: {  	_ =	shalt  }
0x72: {  	_ =	shalt  }
0x73: {  	_ =	shalt  }
0x74: {  	_ =	shalt  }
0x75: {  	_ =	shalt  }
0x76: {  	_ =	shalt  }
0x77: {  	_ =	shalt  }
0x78: {  	_ =	shalt  }
0x79: {  	_ =	shalt  }
0x7a: {  	_ =	shalt  }
0x7b: {  	_ =	shalt  }
0x7c: {  	_ =	shalt  }
0x7d: {  	_ =	shalt  }
0x7e: {  	_ =	shalt  }
0x7f: {  	_ =	shalt  }
0x80: {  	_ =	shalt  }
0x81: {  	_ =	shalt  }
0x82: {  	_ =	shalt  }
0x83: {  	_ =	shalt  }
0x84: {  	_ =	shalt  }
0x85: {  	_ =	shalt  }
0x86: {  	_ =	shalt  }
0x87: {  	_ =	shalt  }
.Lfunc_end0:
.L_simem_size_0:
called_computation.1_lowered:
.L_overlay_start_0:
0x88: {  	s2 =	sld [smem:$0x3FD9]  }
0x89: {  	s3 =	sld [smem:$0x3FFE];
	_ =	sdelay $0x1  }
0x8a: {  	s1 =	srdreg.scid  }
0x8b: {  	s0 =	sand.u32 $0x1, s1  }
0x8c: {  	s16 =	sshll.u32 s0, $0xA;
	s2 =	sadd.s32 s3, s2  }
0x8d: {  	s2 =	sadd.s32 s2, s16  }
0x8e: {  	[smem:$0x3FC4] =	sst s2  }
0x8f: {  	_ = 	snop  }
0x90: {  	(tm) =	ssettm $0x1  }
0x91: {  	s17 =	sld [smem:$0x3FFB];
	_ =	sdelay $0x3  }
0x92: {  	_ =	strace s17  }
0x93: {  	s2 =	sld [smem:$0x3FFC];
	_ =	sdelay $0x3  }
0x94: {  	_ =	strace s2  }
0x95: {  	s2 =	sld [smem:$0x3FFD];
	_ =	sdelay $0x3  }
0x96: {  	_ =	strace s2  }
0x97: {  	_ =	strace $0x8FFFFFFF  }
0x98: {  	s18 =	sld [smem:$0x3FDB];
	_ =	sdelay $0x1  }
0x99: {  	s19 =	simm.s32 $_scs_section_size  }
0x9a: {  	s4 =	simm.s32 $_size__tile_overlayer_lowered;
	s5 =	simm.s32 $_tile_overlayer_lowered  }
0x9b: {  	s22 =	simm.s32 $0x1BFF;
	s21 =	sshll.u32 s5, $0x1;
	s2 =	sadd.s32 s19, s18  }
0x9c: {  	s6 =	simm.s32 $0x0;
	s20 =	sshll.u32 s4, $0x1;
	s4 =	sadd.s32 s21, s2  }
0x9d: {  	[timem:s6], [sflag:s22] =	dma.local [hbm:s4], s20  }
0x9e: {  	_ =	swait.ge [sflag:s22], s20  }
0x9f: {  	s3 =	ssub.s32 $0x0, s20;
	[sflag:s22] =	ssyncset.done $0x0  }
0xa0: {  	[sflag:s22] =	ssyncadd.s32 s3;
	_ =	sdelay $0x1  }
0xa1: {  	s23 =	simm.s32 $0x1B8B  }
0xa2: {  	_ =	swait.ge [sflag:s23], $0x1  }
0xa3: {  	[sflag:s23] =	ssyncset.done $0x0  }
0xa4: {  	s25 =	simm.s32 $0x1B8E;
	s24 =	sld [smem:$0x3FFE];
	[sflag:s23] =	ssyncadd.s32 $0xFFFFFFFF  }
0xa5: {  	s26 =	simm.s32 $execute0_lowered;
	[smem:$0x3FD2] =	sst s25  }
0xa6: {  	s4 =	sshll.u32 s26, $0x1;
	_ =	strace $0x80000049;
	[dreg:$0x1] =	wrdreg $0xFFFFFFFF  }
0xa7: {  	s28 =	simm.s32 $_size_execute0_lowered;
	s2 =	sadd.s32 s2, s4;
	[dreg:$0x0] =	wrdreg $0x0  }
0xa8: {  	s4 =	sshll.u32 s28, $0x1;
	[dreg:$0x2] =	wrdreg s2  }
0xa9: {  	[dreg:$0x3] =	wrdreg s4  }
0xaa: {  	[dreg:$0x4] =	wrdreg $0xC0  }
0xab: {  	_ =	task [dreg:s6], $0x5FFFF  }
0xac: {  	[dreg:$0x1] =	wrdreg $0xFFFFFFFF  }
0xad: {  	[dreg:$0x0] =	wrdreg $0x60  }
0xae: {  	[dreg:$0x2] =	wrdreg s24  }
0xaf: {  	[dreg:$0x3] =	wrdreg $0x90000  }
0xb0: {  	[dreg:$0x4] =	wrdreg $0x9  }
0xb1: {  	_ =	task.clear_ibuf [dreg:s6], $0x5FFFF;
	_ =	strace $0x90000049  }
0xb2: {  	s29 =	simm.s32 $0x9;
	_ =	strace $0x8000004B  }
0xb3: {  	_ =	swait.ge [sflag:s29], $0x1  }
0xb4: {  	[sflag:s29] =	ssyncadd.s32 $0xFFFFFFFF  }
0xb5: {  	_ =	strace $0x9000004B  }
0xb6: {  	_ =	sfence  }
0xb7: {  	s30 =	sld [smem:$0x0];
	_ =	sdelay $0x2  }
0xb8: {  	s31 =	sshll.u32 s1, $0xD;
	s1 =	sshrl.u32 s1, $0x2  }
0xb9: {  	s3 =	sand.u32 $0x4000, s31;
	s1 =	sadd.s32 s1, s30  }
0xba: {  	s0 =	sor.u32 s3, s0;
	s1 =	sshll.u32 s1, $0x11  }
0xbb: {  	s0 =	sor.u32 s1, s0  }
0xbc: {  	s0 =	sadd.s32 $0x8F2B, s0  }
0xbd: {  	[sflag:s0] =	ssyncadd.remote.s32 $0x1  }
0xbe: {  	_ =	sfence.sel $0xFFFF  }
0xbf: {  	[dreg:$0x0] =	wrdreg $0xFFFFFFFF;
	(pc) =	sbr.abs _section_cstart, $3  }
0xc0: {  	[dreg:$0x1] =	wrdreg $0xFFFFFFFF  }
0xc1: {  	_ =	task.clear_ibuf [dreg:s6], $0x2FFFF;
	_ =	strace $0x9FFFFFFF  }
0xc2: {  	(tm) =	ssettm $0x7FFFFFFF  }
0xc3: {  	_ =	shalt  }
tec
execute0_lowered:
.L_overlay_start_1:
0x0: {  	(tag) =	ssettag $0x1  }
0x1: {  	s0 =	rddreg [dreg:$0x0]  }
0x2: {  	s2 =	rddreg [dreg:$0x1];
	s7 =	stileid.u32;
	s3 =	simm.s32 $0x0  }
0x3: {  	s1 =	srdreg.scid;
	s20 =	simm.s32 $0x1000;
	s21 =	simm.s32 $0x3  }
0x4: {  	s23 =	simm.s32 $0x80;
	s28 =	simm.s32 $0x0;
	s5 =	smul.u32 $0x500, s7  }
0x5: {  	[smem:$0x7FF] =	sst s3;
	s1 =	sand.u32 $0x1, s1;
	s24 =	smul.u32 $0x50000, s7  }
0x6: {  	s4 =	sadd.s32 $0x1FA00, s0;
	s10 =	smul.u32 $0x14000, s7;
	_ =	strace $0x8000004A  }
0x7: {  	p0 =	seq.s32 s1, $0x0;
	s25 =	ssub.s32 $0x2, s1;
	s1 =	smul.u32 $0x140000, s1  }
0x8: {  	s6 =	sadd.s32 $0x5000, s5;
	s26 =	sshrl.u32 s25, $0x1;
	s11 =	sadd.s32 $0x4000, s10  }
0x9: {  	s14 =	sadd.s32 $0x8000, s10;
	s15 =	sadd.s32 $0xC000, s10;
	s16 =	sadd.s32 $0x10000, s10  }
0xa: {  	s6 =	smov.u32 @p0 s5;
	s5 =	sshrl.u32 s24, $0x2;
	s17 =	ssub.s32 s25, s26  }
0xb: {  	s7 =	sadd.s32 s14, s2;
	s8 =	sadd.s32 s15, s2;
	s9 =	sadd.s32 s16, s2  }
0xc: {  	s12 =	sadd.s32 s10, s1;
	s13 =	sadd.s32 s1, s11;
	s14 =	sadd.s32 s1, s14  }
0xd: {  	s15 =	sadd.s32 s1, s15;
	s1 =	sadd.s32 s1, s16;
	s24 =	simm.s32 $0x5000  }
0xe: {  	s25 =	simm.s32 $0x1;
	s26 =	simm.s32 $0x2;
	s19 =	sadd.s32 s6, s0  }
0xf: {  	s0 =	sadd.s32 $0x47A00, s0;
	s5 =	sadd.s32 s5, s2;
	s6 =	sadd.s32 s11, s2  }
0x10: {  	s12 =	sshrl.u32 s12, $0x3;
	s13 =	sshrl.u32 s13, $0x3;
	s14 =	sshrl.u32 s14, $0x3  }
0x11: {  	s15 =	sshrl.u32 s15, $0x3;
	s1 =	sshrl.u32 s1, $0x3;
	s17 =	smax.u32 s17, $0x1  }
0x12: {  	s29 =	sadd.s32 $0xBA00, s19;
	s30 =	sadd.s32 $0x1A00, s19;
	s31 =	sadd.s32 s0, s12  }
0x13: {  	s13 =	sadd.s32 s0, s13;
	s14 =	sadd.s32 s0, s14;
	[dreg:$0x3] =	wrdreg s29  }
0x14: {  	s15 =	sadd.s32 s0, s15;
	s16 =	sadd.s32 s0, s1;
	[dreg:$0x4] =	wrdreg s30  }
0x15: {  	v0 =	vimm.f32 $0.0e+00;
	s18 =	sadd.s32 $0x1A80, s19;
	s19 =	sadd.s32 $0xBA80, s19;
	[dreg:$0x5] =	wrdreg s31  }
.LBB2_1:
0x16: {  	s0 =	simm.s32 $0x0;
	s1 =	simm.s32 $0x200  }
.LBB2_2:
0x17: {  	p0 =	sne.s32 s1, $0xFE00;
	[tilespmem:s0+$0x1070] =	vst v0  }
0x18: {  	[tilespmem:s0+$0x1000] =	vst v0  }
0x19: {  	[tilespmem:s0+$0x1010] =	vst v0  }
.Ltmp0:
0x1a: {  	[tilespmem:s0+$0x1020] =	vst v0;
	(pc) =	sbr.rel @p0 .LBB2_2-.Ltmp0, $4  }
0x1b: {  	[tilespmem:s0+$0x1030] =	vst v0  }
0x1c: {  	[tilespmem:s0+$0x1040] =	vst v0  }
0x1d: {  	[tilespmem:s0+$0x1050] =	vst v0  }
0x1e: {  	[tilespmem:s0+$0x1060] =	vst v0;
	s0 =	sshra.s32 s1, $0x2;
	s1 =	sadd.s32 $0x200, s1  }
0x1f: {  	[tilespmem:s0+$0x1070] =	vst v0  }
0x20: {  	[tilespmem:s0+$0x1000] =	vst v0  }
0x21: {  	[tilespmem:s0+$0x1010] =	vst v0  }
0x22: {  	[tilespmem:s0+$0x1020] =	vst v0  }
0x23: {  	[tilespmem:s0+$0x1030] =	vst v0  }
0x24: {  	[tilespmem:s0+$0x1040] =	vst v0  }
0x25: {  	[tilespmem:s0+$0x1050] =	vst v0  }
0x26: {  	[tilespmem:s0+$0x1060] =	vst v0  }
0x27: {  	[spmem:s5] =	stream.linear.scatter [tilespmem:s20], [sflag:$0x3], $0x4000, $0x38;
	[tilespmem:$0x1D000] =	vst v63  }
0x28: {  	_ =	swait.ge [sflag:s21], $0x4000  }
0x29: {  	[sflag:s21] =	ssyncset.done $0x0  }
0x2a: {  	[sflag:s21] =	ssyncadd.s32 $0xFFFFC000  }
0x2b: {  	[spmem:s6] =	stream.linear.scatter [tilespmem:s20], [sflag:$0x3], $0x4000, $0x38;
	[tilespmem:$0x1D000] =	vst v63  }
0x2c: {  	_ =	swait.ge [sflag:s21], $0x4000  }
0x2d: {  	[sflag:s21] =	ssyncset.done $0x0  }
0x2e: {  	[sflag:s21] =	ssyncadd.s32 $0xFFFFC000  }
0x2f: {  	[spmem:s7] =	stream.linear.scatter [tilespmem:s20], [sflag:$0x3], $0x4000, $0x38;
	[tilespmem:$0x1D000] =	vst v63  }
0x30: {  	_ =	swait.ge [sflag:s21], $0x4000  }
0x31: {  	[sflag:s21] =	ssyncset.done $0x0  }
0x32: {  	[sflag:s21] =	ssyncadd.s32 $0xFFFFC000  }
0x33: {  	[spmem:s8] =	stream.linear.scatter [tilespmem:s20], [sflag:$0x3], $0x4000, $0x38;
	[tilespmem:$0x1D000] =	vst v63  }
0x34: {  	_ =	swait.ge [sflag:s21], $0x4000  }
0x35: {  	[sflag:s21] =	ssyncset.done $0x0  }
0x36: {  	[sflag:s21] =	ssyncadd.s32 $0xFFFFC000  }
0x37: {  	[spmem:s9] =	stream.linear.scatter [tilespmem:s20], [sflag:$0x3], $0x4000, $0x38;
	[tilespmem:$0x1D000] =	vst v63  }
0x38: {  	_ =	swait.ge [sflag:s21], $0x4000  }
0x39: {  	[sflag:s21] =	ssyncset.done $0x0  }
0x3a: {  	s22 =	simm.s32 $0x0;
	s1 =	rddreg [dreg:$0x3];
	[sflag:s21] =	ssyncadd.s32 $0xFFFFC000  }
0x3b: {  	[tilespmem:s22], [sflag:$0x3] =	stream.linear.gather [hbm4b:s1+s22], $0x400, $0x38;
	[tilespmem:$0x1D000] =	vst v63  }
0x3c: {  	_ =	swait.ge [sflag:s21], $0x400  }
0x3d: {  	[sflag:s21] =	ssyncset.done $0x0  }
0x3e: {  	s10 =	simm.s32 $0x800;
	s11 =	rddreg [dreg:$0x4];
	[sflag:s21] =	ssyncadd.s32 $0xFFFFFC00  }
0x3f: {  	[tilespmem:s10], [sflag:$0x3] =	stream.linear.gather [hbm4b:s11+s22], $0x400, $0x38;
	[tilespmem:$0x1D000] =	vst v63  }
0x40: {  	_ =	swait.ge [sflag:s21], $0x400  }
0x41: {  	[sflag:s21] =	ssyncset.done $0x0  }
0x42: {  	s12 =	sand.u32 $0x1, s22;
	[sflag:s21] =	ssyncadd.s32 $0xFFFFFC00  }
0x43: {  	p0 =	por $0x0, $0x0;
	s0 =	sxor.u32 $0x1, s12;
	[bflag:$0x0] =	sbarrier.arrive $0xFFFF  }
0x44: {  	[tilespmem:s20], [sflag:$0x1] =	stream.indirect.gather [hbm4b:s4+s23], $0x80, s22, s23, $0xb8;
	[tilespmem:$0x1D000] =	vst v63  }
0x45: {  	s29 =	simm.s32 @!p0 $0x3;
	s0 =	sshll.u32 @!p0 s0, $0xA;
	s22 =	simm.s32 @!p0 $0x0  }
0x46: {  	[tilespmem:s0], [sflag:$0x3] =	stream.linear.gather @!p0 [hbm4b:s19+s22], $0x400, $0x38;
	[tilespmem:$0x1D000] =	vst v63  }
0x47: {  	_ =	swait.ge @!p0 [sflag:s29], $0x400  }
0x48: {  	[sflag:s29] =	ssyncset.done @!p0 $0x0  }
0x49: {  	s30 =	sor.u32 @!p0 $0x800, s0;
	[sflag:s29] =	ssyncadd.s32 @!p0 $0xFFFFFC00  }
0x4a: {  	[tilespmem:s30], [sflag:$0x3] =	stream.linear.gather @!p0 [hbm4b:s18+s22], $0x400, $0x38;
	[tilespmem:$0x1D000] =	vst v63  }
0x4b: {  	_ =	swait.ge @!p0 [sflag:s29], $0x400  }
0x4c: {  	s1 =	sshll.u32 s12, $0xA;
	[sflag:s29] =	ssyncset.done @!p0 $0x0  }
0x4d: {  	s10 =	sor.u32 $0x80, s1;
	[sflag:s29] =	ssyncadd.s32 @!p0 $0xFFFFFC00  }
0x4e: {  	[tilespmem:s24], [sflag:$0x2] =	stream.indirect.gather [hbm4b:s4+s23], $0x80, s10, s23, $0xb8;
	[tilespmem:$0x1D000] =	vst v63  }
0x4f: {  	_ =	swait.ge [sflag:s25], $0x4000  }
0x50: {  	[sflag:s25] =	ssyncset.done $0x0  }
0x51: {  	s11 =	sor.u32 $0x800, s1;
	[sflag:s25] =	ssyncadd.s32 $0xFFFFC000  }
0x52: {  	[spmem:s2] =	stream.indirect.scatter.add.f32 [tilespmem:s20], [sflag:$0x3], $0x80, s11, s23, $0xb8;
	[tilespmem:$0x1D000] =	vst v63  }
0x53: {  	_ =	swait.ge [sflag:s21], $0x4000  }
0x54: {  	[sflag:s21] =	ssyncset.done $0x0  }
0x55: {  	s12 =	sor.u32 $0x100, s1;
	[sflag:s21] =	ssyncadd.s32 $0xFFFFC000  }
0x56: {  	[tilespmem:s20], [sflag:$0x1] =	stream.indirect.gather [hbm4b:s4+s23], $0x80, s12, s23, $0xb8;
	[tilespmem:$0x1D000] =	vst v63  }
0x57: {  	_ =	swait.ge [sflag:s26], $0x4000  }
0x58: {  	[sflag:s26] =	ssyncset.done $0x0  }
0x59: {  	s10 =	sor.u32 $0x880, s1;
	[sflag:s26] =	ssyncadd.s32 $0xFFFFC000  }
0x5a: {  	[spmem:s2] =	stream.indirect.scatter.add.f32 [tilespmem:s24], [sflag:$0x3], $0x80, s10, s23, $0xb8;
	[tilespmem:$0x1D000] =	vst v63  }
0x5b: {  	_ =	swait.ge [sflag:s21], $0x4000  }
0x5c: {  	[sflag:s21] =	ssyncset.done $0x0  }
0x5d: {  	s11 =	sor.u32 $0x180, s1;
	[sflag:s21] =	ssyncadd.s32 $0xFFFFC000  }
0x5e: {  	[tilespmem:s24], [sflag:$0x2] =	stream.indirect.gather [hbm4b:s4+s23], $0x80, s11, s23, $0xb8;
	[tilespmem:$0x1D000] =	vst v63  }
0x5f: {  	_ =	swait.ge [sflag:s25], $0x4000  }
0x60: {  	[sflag:s25] =	ssyncset.done $0x0  }
0x61: {  	s12 =	sor.u32 $0x900, s1;
	[sflag:s25] =	ssyncadd.s32 $0xFFFFC000  }
0x62: {  	[spmem:s2] =	stream.indirect.scatter.add.f32 [tilespmem:s20], [sflag:$0x3], $0x80, s12, s23, $0xb8;
	[tilespmem:$0x1D000] =	vst v63  }
0x63: {  	_ =	swait.ge [sflag:s21], $0x4000  }
0x64: {  	[sflag:s21] =	ssyncset.done $0x0  }
0x65: {  	s10 =	sor.u32 $0x200, s1;
	[sflag:s21] =	ssyncadd.s32 $0xFFFFC000  }
0x66: {  	[tilespmem:s20], [sflag:$0x1] =	stream.indirect.gather [hbm4b:s4+s23], $0x80, s10, s23, $0xb8;
	[tilespmem:$0x1D000] =	vst v63  }
0x67: {  	_ =	swait.ge [sflag:s26], $0x4000  }
0x68: {  	[sflag:s26] =	ssyncset.done $0x0  }
0x69: {  	s11 =	sor.u32 $0x980, s1;
	[sflag:s26] =	ssyncadd.s32 $0xFFFFC000  }
0x6a: {  	[spmem:s2] =	stream.indirect.scatter.add.f32 [tilespmem:s24], [sflag:$0x3], $0x80, s11, s23, $0xb8;
	[tilespmem:$0x1D000] =	vst v63  }
0x6b: {  	_ =	swait.ge [sflag:s21], $0x4000  }
0x6c: {  	[sflag:s21] =	ssyncset.done $0x0  }
0x6d: {  	s12 =	sor.u32 $0x280, s1;
	[sflag:s21] =	ssyncadd.s32 $0xFFFFC000  }
0x6e: {  	[tilespmem:s24], [sflag:$0x2] =	stream.indirect.gather [hbm4b:s4+s23], $0x80, s12, s23, $0xb8;
	[tilespmem:$0x1D000] =	vst v63  }
0x6f: {  	_ =	swait.ge [sflag:s25], $0x4000  }
0x70: {  	[sflag:s25] =	ssyncset.done $0x0  }
0x71: {  	s10 =	sor.u32 $0xA00, s1;
	[sflag:s25] =	ssyncadd.s32 $0xFFFFC000  }
0x72: {  	[spmem:s2] =	stream.indirect.scatter.add.f32 [tilespmem:s20], [sflag:$0x3], $0x80, s10, s23, $0xb8;
	[tilespmem:$0x1D000] =	vst v63  }
0x73: {  	_ =	swait.ge [sflag:s21], $0x4000  }
0x74: {  	[sflag:s21] =	ssyncset.done $0x0  }
0x75: {  	s11 =	sor.u32 $0x300, s1;
	[sflag:s21] =	ssyncadd.s32 $0xFFFFC000  }
0x76: {  	[tilespmem:s20], [sflag:$0x1] =	stream.indirect.gather [hbm4b:s4+s23], $0x80, s11, s23, $0xb8;
	[tilespmem:$0x1D000] =	vst v63  }
0x77: {  	_ =	swait.ge [sflag:s26], $0x4000  }
0x78: {  	[sflag:s26] =	ssyncset.done $0x0  }
0x79: {  	s12 =	sor.u32 $0xA80, s1;
	[sflag:s26] =	ssyncadd.s32 $0xFFFFC000  }
0x7a: {  	[spmem:s2] =	stream.indirect.scatter.add.f32 [tilespmem:s24], [sflag:$0x3], $0x80, s12, s23, $0xb8;
	[tilespmem:$0x1D000] =	vst v63  }
0x7b: {  	_ =	swait.ge [sflag:s21], $0x4000  }
0x7c: {  	[sflag:s21] =	ssyncset.done $0x0  }
0x7d: {  	s10 =	sor.u32 $0x380, s1;
	[sflag:s21] =	ssyncadd.s32 $0xFFFFC000  }
0x7e: {  	[tilespmem:s24], [sflag:$0x2] =	stream.indirect.gather [hbm4b:s4+s23], $0x80, s10, s23, $0xb8;
	[tilespmem:$0x1D000] =	vst v63  }
0x7f: {  	_ =	swait.ge [sflag:s25], $0x4000  }
0x80: {  	[sflag:s25] =	ssyncset.done $0x0  }
0x81: {  	s1 =	sor.u32 $0xB00, s1;
	[sflag:s25] =	ssyncadd.s32 $0xFFFFC000  }
0x82: {  	[spmem:s2] =	stream.indirect.scatter.add.f32 [tilespmem:s20], [sflag:$0x3], $0x80, s1, s23, $0xb8;
	[tilespmem:$0x1D000] =	vst v63  }
0x83: {  	_ =	swait.ge [sflag:s21], $0x4000  }
0x84: {  	s31 =	sadd.s32 $0x80, s19;
	[sflag:s21] =	ssyncset.done $0x0  }
0x85: {  	s29 =	simm.s32 @!p0 $0x1000;
	s1 =	simm.s32 @!p0 $0x80;
	[sflag:s21] =	ssyncadd.s32 $0xFFFFC000  }
0x86: {  	[tilespmem:s29], [sflag:$0x1] =	stream.indirect.gather @!p0 [hbm4b:s4+s1], $0x80, s0, s1, $0xb8;
	[tilespmem:$0x1D000] =	vst v63  }
0x87: {  	s30 =	sadd.s32 $0x80, s18;
	s11 =	simm.s32 $0x1;
	_ =	swait.ge [sflag:s26], $0x4000  }
0x88: {  	s22 =	sor.u32 $0x800, s10;
	s12 =	sand.u32 $0x1, s11;
	[sflag:s26] =	ssyncset.done $0x0  }
0x89: {  	s0 =	simm.s32 $0x2;
	p0 =	por $0x0, $0x0;
	[sflag:s26] =	ssyncadd.s32 $0xFFFFC000  }
0x8a: {  	[spmem:s2] =	stream.indirect.scatter.add.f32 [tilespmem:s24], [sflag:$0x3], $0x80, s22, s23, $0xb8;
	[tilespmem:$0x1D000] =	vst v63  }
0x8b: {  	s1 =	sxor.u32 $0x1, s12;
	s29 =	sshll.u32 s12, $0xA;
	_ =	swait.ge [sflag:s21], $0x4000  }
.LBB2_4:
0x8c: {  	s22 =	sshll.u32 @!p0 s1, $0xA  }
0x8d: {  	s10 =	simm.s32 @!p0 $0x0;
	[sflag:s21] =	ssyncset.done $0x0;
	s1 =	smov.u32 s0  }
0x8e: {  	s0 =	sadd.s32 $0x1, s0;
	s11 =	simm.s32 @!p0 $0x3;
	[sflag:s21] =	ssyncadd.s32 $0xFFFFC000  }
0x8f: {  	[tilespmem:s22], [sflag:$0x3] =	stream.linear.gather @!p0 [hbm4b:s31+s10], $0x400, $0x38;
	[tilespmem:$0x1D000] =	vst v63  }
0x90: {  	p1 =	sne.s32 s0, $0xA;
	_ =	swait.ge @!p0 [sflag:s11], $0x400  }
0x91: {  	s12 =	sor.u32 @!p0 $0x800, s22;
	[sflag:s11] =	ssyncset.done @!p0 $0x0  }
0x92: {  	[sflag:s11] =	ssyncadd.s32 @!p0 $0xFFFFFC00  }
0x93: {  	[tilespmem:s12], [sflag:$0x3] =	stream.linear.gather @!p0 [hbm4b:s30+s10], $0x400, $0x38;
	[tilespmem:$0x1D000] =	vst v63  }
0x94: {  	_ =	swait.ge @!p0 [sflag:s11], $0x400  }
0x95: {  	s10 =	sor.u32 $0x80, s29;
	[sflag:s11] =	ssyncset.done @!p0 $0x0  }
0x96: {  	[sflag:s11] =	ssyncadd.s32 @!p0 $0xFFFFFC00  }
0x97: {  	[tilespmem:s24], [sflag:$0x2] =	stream.indirect.gather [hbm4b:s4+s23], $0x80, s10, s23, $0xb8;
	[tilespmem:$0x1D000] =	vst v63  }
0x98: {  	_ =	swait.ge [sflag:s25], $0x4000  }
0x99: {  	s10 =	sor.u32 $0x800, s29;
	[sflag:s25] =	ssyncset.done $0x0  }
0x9a: {  	[sflag:s25] =	ssyncadd.s32 $0xFFFFC000  }
0x9b: {  	[spmem:s2] =	stream.indirect.scatter.add.f32 [tilespmem:s20], [sflag:$0x3], $0x80, s10, s23, $0xb8;
	[tilespmem:$0x1D000] =	vst v63  }
0x9c: {  	_ =	swait.ge [sflag:s21], $0x4000  }
0x9d: {  	s10 =	sor.u32 $0x100, s29;
	[sflag:s21] =	ssyncset.done $0x0  }
0x9e: {  	[sflag:s21] =	ssyncadd.s32 $0xFFFFC000  }
0x9f: {  	[tilespmem:s20], [sflag:$0x1] =	stream.indirect.gather [hbm4b:s4+s23], $0x80, s10, s23, $0xb8;
	[tilespmem:$0x1D000] =	vst v63  }
0xa0: {  	_ =	swait.ge [sflag:s26], $0x4000  }
0xa1: {  	s10 =	sor.u32 $0x880, s29;
	[sflag:s26] =	ssyncset.done $0x0  }
0xa2: {  	[sflag:s26] =	ssyncadd.s32 $0xFFFFC000  }
0xa3: {  	[spmem:s2] =	stream.indirect.scatter.add.f32 [tilespmem:s24], [sflag:$0x3], $0x80, s10, s23, $0xb8;
	[tilespmem:$0x1D000] =	vst v63  }
0xa4: {  	_ =	swait.ge [sflag:s21], $0x4000  }
0xa5: {  	s10 =	sor.u32 $0x180, s29;
	[sflag:s21] =	ssyncset.done $0x0  }
0xa6: {  	[sflag:s21] =	ssyncadd.s32 $0xFFFFC000  }
0xa7: {  	[tilespmem:s24], [sflag:$0x2] =	stream.indirect.gather [hbm4b:s4+s23], $0x80, s10, s23, $0xb8;
	[tilespmem:$0x1D000] =	vst v63  }
0xa8: {  	_ =	swait.ge [sflag:s25], $0x4000  }
0xa9: {  	s10 =	sor.u32 $0x900, s29;
	[sflag:s25] =	ssyncset.done $0x0  }
0xaa: {  	[sflag:s25] =	ssyncadd.s32 $0xFFFFC000  }
0xab: {  	[spmem:s2] =	stream.indirect.scatter.add.f32 [tilespmem:s20], [sflag:$0x3], $0x80, s10, s23, $0xb8;
	[tilespmem:$0x1D000] =	vst v63  }
0xac: {  	_ =	swait.ge [sflag:s21], $0x4000  }
0xad: {  	s10 =	sor.u32 $0x200, s29;
	[sflag:s21] =	ssyncset.done $0x0  }
0xae: {  	[sflag:s21] =	ssyncadd.s32 $0xFFFFC000  }
0xaf: {  	[tilespmem:s20], [sflag:$0x1] =	stream.indirect.gather [hbm4b:s4+s23], $0x80, s10, s23, $0xb8;
	[tilespmem:$0x1D000] =	vst v63  }
0xb0: {  	_ =	swait.ge [sflag:s26], $0x4000  }
0xb1: {  	s10 =	sor.u32 $0x980, s29;
	[sflag:s26] =	ssyncset.done $0x0  }
0xb2: {  	[sflag:s26] =	ssyncadd.s32 $0xFFFFC000  }
0xb3: {  	[spmem:s2] =	stream.indirect.scatter.add.f32 [tilespmem:s24], [sflag:$0x3], $0x80, s10, s23, $0xb8;
	[tilespmem:$0x1D000] =	vst v63  }
0xb4: {  	_ =	swait.ge [sflag:s21], $0x4000  }
0xb5: {  	s10 =	sor.u32 $0x280, s29;
	[sflag:s21] =	ssyncset.done $0x0  }
0xb6: {  	[sflag:s21] =	ssyncadd.s32 $0xFFFFC000  }
0xb7: {  	[tilespmem:s24], [sflag:$0x2] =	stream.indirect.gather [hbm4b:s4+s23], $0x80, s10, s23, $0xb8;
	[tilespmem:$0x1D000] =	vst v63  }
0xb8: {  	_ =	swait.ge [sflag:s25], $0x4000  }
0xb9: {  	s10 =	sor.u32 $0xA00, s29;
	[sflag:s25] =	ssyncset.done $0x0  }
0xba: {  	[sflag:s25] =	ssyncadd.s32 $0xFFFFC000  }
0xbb: {  	[spmem:s2] =	stream.indirect.scatter.add.f32 [tilespmem:s20], [sflag:$0x3], $0x80, s10, s23, $0xb8;
	[tilespmem:$0x1D000] =	vst v63  }
0xbc: {  	_ =	swait.ge [sflag:s21], $0x4000  }
0xbd: {  	s10 =	sor.u32 $0x300, s29;
	[sflag:s21] =	ssyncset.done $0x0  }
0xbe: {  	[sflag:s21] =	ssyncadd.s32 $0xFFFFC000  }
0xbf: {  	[tilespmem:s20], [sflag:$0x1] =	stream.indirect.gather [hbm4b:s4+s23], $0x80, s10, s23, $0xb8;
	[tilespmem:$0x1D000] =	vst v63  }
0xc0: {  	_ =	swait.ge [sflag:s26], $0x4000  }
0xc1: {  	s10 =	sor.u32 $0xA80, s29;
	[sflag:s26] =	ssyncset.done $0x0  }
0xc2: {  	[sflag:s26] =	ssyncadd.s32 $0xFFFFC000  }
0xc3: {  	[spmem:s2] =	stream.indirect.scatter.add.f32 [tilespmem:s24], [sflag:$0x3], $0x80, s10, s23, $0xb8;
	[tilespmem:$0x1D000] =	vst v63  }
0xc4: {  	_ =	swait.ge [sflag:s21], $0x4000  }
0xc5: {  	s10 =	sor.u32 $0x380, s29;
	[sflag:s21] =	ssyncset.done $0x0  }
0xc6: {  	[sflag:s21] =	ssyncadd.s32 $0xFFFFC000  }
0xc7: {  	[tilespmem:s24], [sflag:$0x2] =	stream.indirect.gather [hbm4b:s4+s23], $0x80, s10, s23, $0xb8;
	[tilespmem:$0x1D000] =	vst v63  }
0xc8: {  	_ =	swait.ge [sflag:s25], $0x4000  }
0xc9: {  	s11 =	sor.u32 $0xB00, s29;
	[sflag:s25] =	ssyncset.done $0x0  }
0xca: {  	[sflag:s25] =	ssyncadd.s32 $0xFFFFC000  }
0xcb: {  	[spmem:s2] =	stream.indirect.scatter.add.f32 [tilespmem:s20], [sflag:$0x3], $0x80, s11, s23, $0xb8;
	[tilespmem:$0x1D000] =	vst v63  }
0xcc: {  	_ =	swait.ge [sflag:s21], $0x4000  }
0xcd: {  	s12 =	simm.s32 @!p0 $0x1000;
	s11 =	simm.s32 @!p0 $0x80;
	[sflag:s21] =	ssyncset.done $0x0  }
0xce: {  	[sflag:s21] =	ssyncadd.s32 $0xFFFFC000  }
0xcf: {  	[tilespmem:s12], [sflag:$0x1] =	stream.indirect.gather @!p0 [hbm4b:s4+s11], $0x80, s22, s11, $0xb8;
	[tilespmem:$0x1D000] =	vst v63  }
.Ltmp1:
0xd0: {  	s31 =	sadd.s32 $0x80, s31;
	_ =	swait.ge [sflag:s26], $0x4000;
	(pc) =	sbr.rel @p1 .LBB2_4-.Ltmp1, $4  }
0xd1: {  	s30 =	sadd.s32 $0x80, s30;
	s10 =	sor.u32 $0x800, s10;
	[sflag:s26] =	ssyncset.done $0x0  }
0xd2: {  	s11 =	sand.u32 $0x1, s1;
	p0 =	seq.s32 s1, $0x9;
	[sflag:s26] =	ssyncadd.s32 $0xFFFFC000  }
0xd3: {  	[spmem:s2] =	stream.indirect.scatter.add.f32 [tilespmem:s24], [sflag:$0x3], $0x80, s10, s23, $0xb8;
	[tilespmem:$0x1D000] =	vst v63  }
0xd4: {  	s1 =	sxor.u32 $0x1, s11;
	s29 =	sshll.u32 s11, $0xA;
	_ =	swait.ge [sflag:s21], $0x4000  }
0xd5: {  	s0 =	sshll.u32 @!p0 s1, $0xA;
	[sflag:s21] =	ssyncset.done $0x0  }
0xd6: {  	s1 =	simm.s32 @!p0 $0x0;
	s10 =	simm.s32 @!p0 $0x3;
	[sflag:s21] =	ssyncadd.s32 $0xFFFFC000  }
0xd7: {  	[tilespmem:s0], [sflag:$0x3] =	stream.linear.gather @!p0 [hbm4b:s31+s1], $0x400, $0x38;
	[tilespmem:$0x1D000] =	vst v63  }
0xd8: {  	_ =	swait.ge @!p0 [sflag:s10], $0x400  }
0xd9: {  	[sflag:s10] =	ssyncset.done @!p0 $0x0  }
0xda: {  	s11 =	sor.u32 @!p0 $0x800, s0;
	[sflag:s10] =	ssyncadd.s32 @!p0 $0xFFFFFC00  }
0xdb: {  	[tilespmem:s11], [sflag:$0x3] =	stream.linear.gather @!p0 [hbm4b:s30+s1], $0x400, $0x38;
	[tilespmem:$0x1D000] =	vst v63  }
0xdc: {  	_ =	swait.ge @!p0 [sflag:s10], $0x400  }
0xdd: {  	[sflag:s10] =	ssyncset.done @!p0 $0x0  }
0xde: {  	s22 =	sor.u32 $0x80, s29;
	[sflag:s10] =	ssyncadd.s32 @!p0 $0xFFFFFC00  }
0xdf: {  	[tilespmem:s24], [sflag:$0x2] =	stream.indirect.gather [hbm4b:s4+s23], $0x80, s22, s23, $0xb8;
	[tilespmem:$0x1D000] =	vst v63  }
0xe0: {  	_ =	swait.ge [sflag:s25], $0x4000  }
0xe1: {  	[sflag:s25] =	ssyncset.done $0x0  }
0xe2: {  	s30 =	sor.u32 $0x800, s29;
	[sflag:s25] =	ssyncadd.s32 $0xFFFFC000  }
0xe3: {  	[spmem:s2] =	stream.indirect.scatter.add.f32 [tilespmem:s20], [sflag:$0x3], $0x80, s30, s23, $0xb8;
	[tilespmem:$0x1D000] =	vst v63  }
0xe4: {  	_ =	swait.ge [sflag:s21], $0x4000  }
0xe5: {  	[sflag:s21] =	ssyncset.done $0x0  }
0xe6: {  	s31 =	sor.u32 $0x100, s29;
	[sflag:s21] =	ssyncadd.s32 $0xFFFFC000  }
0xe7: {  	[tilespmem:s20], [sflag:$0x1] =	stream.indirect.gather [hbm4b:s4+s23], $0x80, s31, s23, $0xb8;
	[tilespmem:$0x1D000] =	vst v63  }
0xe8: {  	_ =	swait.ge [sflag:s26], $0x4000  }
0xe9: {  	[sflag:s26] =	ssyncset.done $0x0  }
0xea: {  	s10 =	sor.u32 $0x880, s29;
	[sflag:s26] =	ssyncadd.s32 $0xFFFFC000  }
0xeb: {  	[spmem:s2] =	stream.indirect.scatter.add.f32 [tilespmem:s24], [sflag:$0x3], $0x80, s10, s23, $0xb8;
	[tilespmem:$0x1D000] =	vst v63  }
0xec: {  	_ =	swait.ge [sflag:s21], $0x4000  }
0xed: {  	[sflag:s21] =	ssyncset.done $0x0  }
0xee: {  	s11 =	sor.u32 $0x180, s29;
	[sflag:s21] =	ssyncadd.s32 $0xFFFFC000  }
0xef: {  	[tilespmem:s24], [sflag:$0x2] =	stream.indirect.gather [hbm4b:s4+s23], $0x80, s11, s23, $0xb8;
	[tilespmem:$0x1D000] =	vst v63  }
0xf0: {  	_ =	swait.ge [sflag:s25], $0x4000  }
0xf1: {  	[sflag:s25] =	ssyncset.done $0x0  }
0xf2: {  	s12 =	sor.u32 $0x900, s29;
	[sflag:s25] =	ssyncadd.s32 $0xFFFFC000  }
0xf3: {  	[spmem:s2] =	stream.indirect.scatter.add.f32 [tilespmem:s20], [sflag:$0x3], $0x80, s12, s23, $0xb8;
	[tilespmem:$0x1D000] =	vst v63  }
0xf4: {  	_ =	swait.ge [sflag:s21], $0x4000  }
0xf5: {  	[sflag:s21] =	ssyncset.done $0x0  }
0xf6: {  	s22 =	sor.u32 $0x200, s29;
	[sflag:s21] =	ssyncadd.s32 $0xFFFFC000  }
0xf7: {  	[tilespmem:s20], [sflag:$0x1] =	stream.indirect.gather [hbm4b:s4+s23], $0x80, s22, s23, $0xb8;
	[tilespmem:$0x1D000] =	vst v63  }
0xf8: {  	_ =	swait.ge [sflag:s26], $0x4000  }
0xf9: {  	[sflag:s26] =	ssyncset.done $0x0  }
0xfa: {  	s30 =	sor.u32 $0x980, s29;
	[sflag:s26] =	ssyncadd.s32 $0xFFFFC000  }
0xfb: {  	[spmem:s2] =	stream.indirect.scatter.add.f32 [tilespmem:s24], [sflag:$0x3], $0x80, s30, s23, $0xb8;
	[tilespmem:$0x1D000] =	vst v63  }
0xfc: {  	_ =	swait.ge [sflag:s21], $0x4000  }
0xfd: {  	[sflag:s21] =	ssyncset.done $0x0  }
0xfe: {  	s31 =	sor.u32 $0x280, s29;
	[sflag:s21] =	ssyncadd.s32 $0xFFFFC000  }
0xff: {  	[tilespmem:s24], [sflag:$0x2] =	stream.indirect.gather [hbm4b:s4+s23], $0x80, s31, s23, $0xb8;
	[tilespmem:$0x1D000] =	vst v63  }
0x100: {  	_ =	swait.ge [sflag:s25], $0x4000  }
0x101: {  	[sflag:s25] =	ssyncset.done $0x0  }
0x102: {  	s10 =	sor.u32 $0xA00, s29;
	[sflag:s25] =	ssyncadd.s32 $0xFFFFC000  }
0x103: {  	[spmem:s2] =	stream.indirect.scatter.add.f32 [tilespmem:s20], [sflag:$0x3], $0x80, s10, s23, $0xb8;
	[tilespmem:$0x1D000] =	vst v63  }
0x104: {  	_ =	swait.ge [sflag:s21], $0x4000  }
0x105: {  	[sflag:s21] =	ssyncset.done $0x0  }
0x106: {  	s11 =	sor.u32 $0x300, s29;
	[sflag:s21] =	ssyncadd.s32 $0xFFFFC000  }
0x107: {  	[tilespmem:s20], [sflag:$0x1] =	stream.indirect.gather [hbm4b:s4+s23], $0x80, s11, s23, $0xb8;
	[tilespmem:$0x1D000] =	vst v63  }
0x108: {  	_ =	swait.ge [sflag:s26], $0x4000  }
0x109: {  	[sflag:s26] =	ssyncset.done $0x0  }
0x10a: {  	s12 =	sor.u32 $0xA80, s29;
	[sflag:s26] =	ssyncadd.s32 $0xFFFFC000  }
0x10b: {  	[spmem:s2] =	stream.indirect.scatter.add.f32 [tilespmem:s24], [sflag:$0x3], $0x80, s12, s23, $0xb8;
	[tilespmem:$0x1D000] =	vst v63  }
0x10c: {  	_ =	swait.ge [sflag:s21], $0x4000  }
0x10d: {  	[sflag:s21] =	ssyncset.done $0x0  }
0x10e: {  	s22 =	sor.u32 $0x380, s29;
	[sflag:s21] =	ssyncadd.s32 $0xFFFFC000  }
0x10f: {  	[tilespmem:s24], [sflag:$0x2] =	stream.indirect.gather [hbm4b:s4+s23], $0x80, s22, s23, $0xb8;
	[tilespmem:$0x1D000] =	vst v63  }
0x110: {  	_ =	swait.ge [sflag:s25], $0x4000  }
0x111: {  	[sflag:s25] =	ssyncset.done $0x0  }
0x112: {  	s29 =	sor.u32 $0xB00, s29;
	[sflag:s25] =	ssyncadd.s32 $0xFFFFC000  }
0x113: {  	[spmem:s2] =	stream.indirect.scatter.add.f32 [tilespmem:s20], [sflag:$0x3], $0x80, s29, s23, $0xb8;
	[tilespmem:$0x1D000] =	vst v63  }
0x114: {  	_ =	swait.ge [sflag:s21], $0x4000  }
0x115: {  	[sflag:s21] =	ssyncset.done $0x0  }
0x116: {  	s10 =	simm.s32 @!p0 $0x80;
	s11 =	simm.s32 @!p0 $0x1000;
	[sflag:s21] =	ssyncadd.s32 $0xFFFFC000  }
0x117: {  	[tilespmem:s11], [sflag:$0x1] =	stream.indirect.gather @!p0 [hbm4b:s4+s10], $0x80, s0, s10, $0xb8;
	[tilespmem:$0x1D000] =	vst v63  }
0x118: {  	_ =	swait.ge [sflag:s26], $0x4000  }
0x119: {  	[sflag:s26] =	ssyncset.done $0x0  }
0x11a: {  	s30 =	sor.u32 $0x800, s22;
	[sflag:s26] =	ssyncadd.s32 $0xFFFFC000  }
0x11b: {  	[spmem:s2] =	stream.indirect.scatter.add.f32 [tilespmem:s24], [sflag:$0x3], $0x80, s30, s23, $0xb8;
	[tilespmem:$0x1D000] =	vst v63  }
0x11c: {  	_ =	swait.ge [sflag:s21], $0x4000  }
0x11d: {  	[sflag:s21] =	ssyncset.done $0x0  }
0x11e: {  	[sflag:s21] =	ssyncadd.s32 $0xFFFFC000  }
0x11f: {  	[bflag:$0x0] =	sbarrier.arrive $0xFFFF  }
0x120: {  	[tilespmem:s20], [sflag:$0x3] =	stream.linear.gather [spmem:s5], $0x4000, $0x38;
	[tilespmem:$0x1D000] =	vst v63  }
0x121: {  	_ =	swait.ge [sflag:s21], $0x4000  }
0x122: {  	[sflag:s21] =	ssyncset.done $0x0  }
0x123: {  	s31 =	rddreg [dreg:$0x5];
	[sflag:s21] =	ssyncadd.s32 $0xFFFFC000  }
0x124: {  	[hbm4b:s31+s3] =	stream.linear.scatter [tilespmem:s20], [sflag:$0x3], $0x4000, $0x38;
	[tilespmem:$0x1D000] =	vst v63  }
0x125: {  	_ =	swait.ge [sflag:s21], $0x4000  }
0x126: {  	[sflag:s21] =	ssyncset.done $0x0  }
0x127: {  	[sflag:s21] =	ssyncadd.s32 $0xFFFFC000  }
0x128: {  	[tilespmem:s20], [sflag:$0x3] =	stream.linear.gather [spmem:s6], $0x4000, $0x38;
	[tilespmem:$0x1D000] =	vst v63  }
0x129: {  	_ =	swait.ge [sflag:s21], $0x4000  }
0x12a: {  	[sflag:s21] =	ssyncset.done $0x0  }
0x12b: {  	[sflag:s21] =	ssyncadd.s32 $0xFFFFC000  }
0x12c: {  	[hbm4b:s13+s3] =	stream.linear.scatter [tilespmem:s20], [sflag:$0x3], $0x4000, $0x38;
	[tilespmem:$0x1D000] =	vst v63  }
0x12d: {  	_ =	swait.ge [sflag:s21], $0x4000  }
0x12e: {  	[sflag:s21] =	ssyncset.done $0x0  }
0x12f: {  	[sflag:s21] =	ssyncadd.s32 $0xFFFFC000  }
0x130: {  	[tilespmem:s20], [sflag:$0x3] =	stream.linear.gather [spmem:s7], $0x4000, $0x38;
	[tilespmem:$0x1D000] =	vst v63  }
0x131: {  	_ =	swait.ge [sflag:s21], $0x4000  }
0x132: {  	[sflag:s21] =	ssyncset.done $0x0  }
0x133: {  	[sflag:s21] =	ssyncadd.s32 $0xFFFFC000  }
0x134: {  	[hbm4b:s14+s3] =	stream.linear.scatter [tilespmem:s20], [sflag:$0x3], $0x4000, $0x38;
	[tilespmem:$0x1D000] =	vst v63  }
0x135: {  	_ =	swait.ge [sflag:s21], $0x4000  }
0x136: {  	[sflag:s21] =	ssyncset.done $0x0  }
0x137: {  	[sflag:s21] =	ssyncadd.s32 $0xFFFFC000  }
0x138: {  	[tilespmem:s20], [sflag:$0x3] =	stream.linear.gather [spmem:s8], $0x4000, $0x38;
	[tilespmem:$0x1D000] =	vst v63  }
0x139: {  	_ =	swait.ge [sflag:s21], $0x4000  }
0x13a: {  	[sflag:s21] =	ssyncset.done $0x0  }
0x13b: {  	[sflag:s21] =	ssyncadd.s32 $0xFFFFC000  }
0x13c: {  	[hbm4b:s15+s3] =	stream.linear.scatter [tilespmem:s20], [sflag:$0x3], $0x4000, $0x38;
	[tilespmem:$0x1D000] =	vst v63  }
0x13d: {  	_ =	swait.ge [sflag:s21], $0x4000  }
0x13e: {  	[sflag:s21] =	ssyncset.done $0x0  }
0x13f: {  	[sflag:s21] =	ssyncadd.s32 $0xFFFFC000  }
0x140: {  	[tilespmem:s20], [sflag:$0x3] =	stream.linear.gather [spmem:s9], $0x4000, $0x38;
	[tilespmem:$0x1D000] =	vst v63  }
0x141: {  	s28 =	sadd.s32 $0x1, s28;
	_ =	swait.ge [sflag:s21], $0x4000  }
0x142: {  	p0 =	sne.s32 s28, s17;
	[sflag:s21] =	ssyncset.done $0x0  }
.Ltmp2:
0x143: {  	[sflag:s21] =	ssyncadd.s32 $0xFFFFC000;
	(pc) =	sbr.rel @p0 .LBB2_1-.Ltmp2, $4  }
0x144: {  	[hbm4b:s16+s3] =	stream.linear.scatter [tilespmem:s20], [sflag:$0x3], $0x4000, $0x38;
	[tilespmem:$0x1D000] =	vst v63  }
0x145: {  	_ =	swait.ge [sflag:s21], $0x4000  }
0x146: {  	[sflag:s21] =	ssyncset.done $0x0  }
0x147: {  	[sflag:s21] =	ssyncadd.s32 $0xFFFFC000  }
0x148: {  	_ =	sfence.sel $0x180000  }
0x149: {  	[bflag:$0x0] =	sbarrier.arrive $0xFFFF  }
0x14a: {  	_ =	strace $0x9000004A  }
0x14b: {  	s0 =	stileid.u32;
	[bflag:$0x2] =	sbarrier.arrive $0xFFFF  }
0x14c: {  	p0 =	sne.s32 s0, $0x0;
	s0 =	rddreg [dreg:$0x2]  }
0x14d: {  	s0 =	sadd.s32 @!p0 $0x100000, s0  }
0x14e: {  	[sflag:s0] =	ssyncadd.tile.s32 @!p0 $0x1;
	_ =	shalt  }
.Lfunc_end2:
_tile_overlayer_lowered:
.L_overlay_start_2:
0x14f: {  	(tag) =	ssettag $0x2  }
0x150: {  	s0 =	rddreg [dreg:$0x0];
	s2 =	stileid.u32  }
0x151: {  	s1 =	rddreg [dreg:$0x1];
	p0 =	sne.s32 s2, $0x0  }
0x152: {  	s3 =	rddreg [dreg:$0x2];
	[bflag:$0x3] =	sbarrier.arrive $0xFFFF;
	s2 =	simm.s32 @!p0 $0x1C03  }
0x153: {  	[timem:s3], [sflag:s2] =	dma.local @!p0 [hbm:s0], s1  }
0x154: {  	s0 =	simm.s32 @!p0 $0x3  }
0x155: {  	_ =	swait.ge @!p0 [sflag:s0], s1  }
0x156: {  	s1 =	ssub.s32 @!p0 $0x0, s1;
	[sflag:s0] =	ssyncset.done @!p0 $0x0  }
0x157: {  	[sflag:s0] =	ssyncadd.s32 @!p0 s1  }
0x158: {  	[bflag:$0x3] =	sbarrier.arrive $0xFFFF  }
0x159: {  	_ =	shalt  }

// kernel: kernel.17.cloned.1.call-start
scs
__scs_entry_jumppad:
0x0: {  	(pc) =	sbr.rel $0x88, $3  }
0x1: {  	(tag) =	ssettag $0x0;
	lr =	simm.s32 $0x1  }
0x2: {  	[smem:$0x3F9D] =	sst lr;
	_ =	strace $0xD0000000  }
0x3: {  	_ = 	snop  }
0x4: {  	_ = 	snop  }
0x5: {  	_ = 	snop  }
0x6: {  	_ = 	snop  }
0x7: {  	_ = 	snop  }
__scs_overlays_trampoline_lowered:
0x8: {  	[smem:$0x3FAC] =	sst s0  }
0x9: {  	[smem:$0x3FAD] =	sst s1  }
0xa: {  	[smem:$0x3FAE] =	sst s2  }
0xb: {  	[smem:$0x3FAF] =	sst s3  }
0xc: {  	[smem:$0x3FB0] =	sst s4  }
0xd: {  	[smem:$0x3FB1] =	sst s5  }
0xe: {  	[smem:$0x3FB2] =	sst s6  }
0xf: {  	[smem:$0x3FB3] =	sst s7  }
0x10: {  	[smem:$0x3FB4] =	sst s8  }
0x11: {  	[smem:$0x3FB5] =	sst s9;
	s0 =	simm.s32 @!p0 $0x0  }
0x12: {  	s1 =	sld [smem:$0x3F9B];
	s0 =	simm.s32 @p0 $0x1  }
0x13: {  	[smem:$0x3FB6] =	sst s0;
	s0 =	simm.s32 @!p1 $0x0  }
0x14: {  	s2 =	sld [smem:$0x3F9A];
	s0 =	simm.s32 @p1 $0x1  }
0x15: {  	[smem:$0x3FB7] =	sst s0;
	s0 =	simm.s32 @!p2 $0x0  }
0x16: {  	s3 =	sld [smem:$0x3FDB];
	s0 =	simm.s32 @p2 $0x1  }
0x17: {  	s4 =	simm.s32 $0x1BF5;
	[smem:$0x3FB9] =	sst s0  }
0x18: {  	s0 =	sld [smem:$0x3F9C];
	_ =	swait.ge [sflag:s4], $0x0  }
0x19: {  	s7 =	sld [smem:$0x3F9D]  }
0x1a: {  	s8 =	sadd.s32 $0xFFFFE003, lr  }
0x1b: {  	s9 =	sadd.s32 $0xFFFFFEF7, lr;
	s5 =	simm.s32 $0xFFFFFFFF;
	p2 =	slt.u32 s8, $0xFFFFF086  }
0x1c: {  	p1 =	slt.u32 s9, $0xF7A;
	s5 =	simm.s32 @!p2 $0x0  }
0x1d: {  	s5 =	simm.s32 @p1 $0x1;
	p0 =	seq.s32 s7, s2  }
0x1e: {  	s7 =	smul.u32 @!p0 $0xF7A, s2;
	p2 =	seq.s32 @!p0 s5, $0x0  }
0x1f: {  	s9 =	smul.u32 $0xF7A, s1;
	s8 =	simm.s32 @!p0 $0x1BF5;
	p2 =	por !p2, p0  }
0x20: {  	[sflag:s8] =	ssyncset.s32 @!p0 $0xFFFFF086;
	s6 =	sadd.s32 @!p0 s3, s7;
	s7 =	simm.s32 @!p0 $0x108  }
0x21: {  	s3 =	sadd.s32 s3, s9;
	s6 =	sadd.s32 @!p0 $0x88, s6;
	s7 =	simm.s32 @p2 $0x1082  }
0x22: {  	[simem:s7], [sflag:s8] =	dma.local @!p0 [hbm:s6], $0xF7A  }
0x23: {  	s9 =	sor.u32 $0xD0000000, s2;
	s6 =	simm.s32 $0x108;
	_ =	swait.ge @!p0 [sflag:s8], $0x0  }
0x24: {  	s3 =	sadd.s32 $0x88, s3;
	s6 =	simm.s32 @!p1 $0x1082;
	[sflag:s4] =	ssyncset.s32 $0xFFFFF086  }
0x25: {  	[simem:s6], [sflag:s4] =	dma.local [hbm:s3], $0xF7A  }
0x26: {  	[smem:$0x3F9D] =	sst s1;
	(tag) =	ssettag s2;
	_ =	strace s9  }
0x27: {  	s1 =	sld [smem:$0x3FAD]  }
0x28: {  	s2 =	sld [smem:$0x3FAE]  }
0x29: {  	s4 =	sld [smem:$0x3FB0]  }
0x2a: {  	p0 =	seq.s32 s5, $0x0;
	s5 =	sld [smem:$0x3FB1]  }
0x2b: {  	s6 =	sld [smem:$0x3FB2]  }
0x2c: {  	s7 =	sld [smem:$0x3FB3]  }
0x2d: {  	s3 =	simm.s32 $0x108;
	s8 =	sld [smem:$0x3FB4]  }
0x2e: {  	s3 =	simm.s32 @!p0 $0x1082;
	s9 =	sld [smem:$0x3FB5]  }
0x2f: {  	lr =	sadd.s32 s0, s3;
	s0 =	sld [smem:$0x3FAC]  }
0x30: {  	s3 =	sld [smem:$0x3FAF]  }
0x31: {  	[smem:$0x3FB8] =	sst s10  }
0x32: {  	s10 =	sld [smem:$0x3FB6];
	_ =	sdelay $0x3  }
0x33: {  	p0 =	seq.s32 s10, $0x1;
	s10 =	sld [smem:$0x3FB8];
	_ =	sdelay $0x3  }
0x34: {  	[smem:$0x3FB8] =	sst s10  }
0x35: {  	s10 =	sld [smem:$0x3FB7];
	_ =	sdelay $0x3  }
0x36: {  	p1 =	seq.s32 s10, $0x1;
	s10 =	sld [smem:$0x3FB8];
	_ =	sdelay $0x3  }
0x37: {  	[smem:$0x3FB8] =	sst s10  }
0x38: {  	s10 =	sld [smem:$0x3FB9]  }
0x39: {  	_ = 	snop;
	(pc) =	sbr.ind lr, $3  }
0x3a: {  	_ = 	snop  }
0x3b: {  	_ = 	snop  }
0x3c: {  	p2 =	seq.s32 s10, $0x1;
	s10 =	sld [smem:$0x3FB8]  }
0x3d: {  	_ =	shalt  }
0x3e: {  	_ =	shalt  }
0x3f: {  	_ =	shalt  }
0x40: {  	_ =	shalt  }
0x41: {  	_ =	shalt  }
0x42: {  	_ =	shalt  }
0x43: {  	_ =	shalt  }
0x44: {  	_ =	shalt  }
0x45: {  	_ =	shalt  }
0x46: {  	_ =	shalt  }
0x47: {  	_ =	shalt  }
0x48: {  	_ =	shalt  }
0x49: {  	_ =	shalt  }
0x4a: {  	_ =	shalt  }
0x4b: {  	_ =	shalt  }
0x4c: {  	_ =	shalt  }
0x4d: {  	_ =	shalt  }
0x4e: {  	_ =	shalt  }
0x4f: {  	_ =	shalt  }
0x50: {  	_ =	shalt  }
0x51: {  	_ =	shalt  }
0x52: {  	_ =	shalt  }
0x53: {  	_ =	shalt  }
0x54: {  	_ =	shalt  }
0x55: {  	_ =	shalt  }
0x56: {  	_ =	shalt  }
0x57: {  	_ =	shalt  }
0x58: {  	_ =	shalt  }
0x59: {  	_ =	shalt  }
0x5a: {  	_ =	shalt  }
0x5b: {  	_ =	shalt  }
0x5c: {  	_ =	shalt  }
0x5d: {  	_ =	shalt  }
0x5e: {  	_ =	shalt  }
0x5f: {  	_ =	shalt  }
0x60: {  	_ =	shalt  }
0x61: {  	_ =	shalt  }
0x62: {  	_ =	shalt  }
0x63: {  	_ =	shalt  }
0x64: {  	_ =	shalt  }
0x65: {  	_ =	shalt  }
0x66: {  	_ =	shalt  }
0x67: {  	_ =	shalt  }
0x68: {  	_ =	shalt  }
0x69: {  	_ =	shalt  }
0x6a: {  	_ =	shalt  }
0x6b: {  	_ =	shalt  }
0x6c: {  	_ =	shalt  }
0x6d: {  	_ =	shalt  }
0x6e: {  	_ =	shalt  }
0x6f: {  	_ =	shalt  }
0x70: {  	_ =	shalt  }
0x71: {  	_ =	shalt  }
0x72: {  	_ =	shalt  }
0x73: {  	_ =	shalt  }
0x74: {  	_ =	shalt  }
0x75: {  	_ =	shalt  }
0x76: {  	_ =	shalt  }
0x77: {  	_ =	shalt  }
0x78: {  	_ =	shalt  }
0x79: {  	_ =	shalt  }
0x7a: {  	_ =	shalt  }
0x7b: {  	_ =	shalt  }
0x7c: {  	_ =	shalt  }
0x7d: {  	_ =	shalt  }
0x7e: {  	_ =	shalt  }
0x7f: {  	_ =	shalt  }
0x80: {  	_ =	shalt  }
0x81: {  	_ =	shalt  }
0x82: {  	_ =	shalt  }
0x83: {  	_ =	shalt  }
0x84: {  	_ =	shalt  }
0x85: {  	_ =	shalt  }
0x86: {  	_ =	shalt  }
0x87: {  	_ =	shalt  }
.Lfunc_end0:
.L_simem_size_0:
called_computation.2_lowered:
.L_overlay_start_0:
0x88: {  	s2 =	sld [smem:$0x3FD9]  }
0x89: {  	s3 =	sld [smem:$0x3FFE];
	_ =	sdelay $0x1  }
0x8a: {  	s1 =	srdreg.scid  }
0x8b: {  	s0 =	sand.u32 $0x1, s1  }
0x8c: {  	s17 =	sshll.u32 s0, $0xA;
	s2 =	sadd.s32 s3, s2  }
0x8d: {  	s2 =	sadd.s32 s2, s17  }
0x8e: {  	[smem:$0x3FC4] =	sst s2  }
0x8f: {  	_ = 	snop  }
0x90: {  	s2 =	sld [smem:$0x3FD0];
	(tm) =	ssettm $0x1  }
0x91: {  	s18 =	sld [smem:$0x3FFB];
	_ =	sdelay $0x3  }
0x92: {  	_ =	strace s18  }
0x93: {  	s3 =	sld [smem:$0x3FFC];
	_ =	sdelay $0x3  }
0x94: {  	_ =	strace s3  }
0x95: {  	s3 =	sld [smem:$0x3FFD];
	_ =	sdelay $0x3  }
0x96: {  	_ =	strace s3  }
0x97: {  	_ =	strace $0x8FFFFFFF  }
0x98: {  	s19 =	sld [smem:$0x3FDB];
	_ =	sdelay $0x1  }
0x99: {  	s4 =	simm.s32 $_scs_section_size  }
0x9a: {  	s5 =	simm.s32 $_size__tile_overlayer_lowered;
	s6 =	simm.s32 $_tile_overlayer_lowered  }
0x9b: {  	s22 =	simm.s32 $0x1BFF;
	s21 =	sshll.u32 s6, $0x1;
	s3 =	sadd.s32 s4, s19  }
0x9c: {  	s7 =	simm.s32 $0x0;
	s20 =	sshll.u32 s5, $0x1;
	s5 =	sadd.s32 s21, s3  }
0x9d: {  	[timem:s7], [sflag:s22] =	dma.local [hbm:s5], s20  }
0x9e: {  	_ =	swait.ge [sflag:s22], s20  }
0x9f: {  	s4 =	ssub.s32 $0x0, s20;
	[sflag:s22] =	ssyncset.done $0x0  }
0xa0: {  	[sflag:s22] =	ssyncadd.s32 s4;
	_ =	sdelay $0x1  }
0xa1: {  	s23 =	simm.s32 $0x1B8B  }
0xa2: {  	_ =	swait.ge [sflag:s23], $0x1  }
0xa3: {  	[sflag:s23] =	ssyncset.done $0x0  }
0xa4: {  	s25 =	simm.s32 $0x1B8E;
	s24 =	sld [smem:$0x3FFE];
	[sflag:s23] =	ssyncadd.s32 $0xFFFFFFFF  }
0xa5: {  	s26 =	simm.s32 $execute0_lowered;
	[smem:$0x3FD2] =	sst s25  }
0xa6: {  	s5 =	sshll.u32 s26, $0x1;
	_ =	strace $0x8000004C;
	[dreg:$0x1] =	wrdreg $0xFFFFFFFF  }
0xa7: {  	s28 =	simm.s32 $_size_execute0_lowered;
	s3 =	sadd.s32 s3, s5;
	[dreg:$0x0] =	wrdreg $0x0  }
0xa8: {  	s5 =	sshll.u32 s28, $0x1;
	[dreg:$0x2] =	wrdreg s3  }
0xa9: {  	[dreg:$0x3] =	wrdreg s5  }
0xaa: {  	[dreg:$0x4] =	wrdreg $0xC0  }
0xab: {  	_ =	task [dreg:s7], $0x5FFFF  }
0xac: {  	[dreg:$0x1] =	wrdreg $0xFFFFFFFF  }
0xad: {  	[dreg:$0x0] =	wrdreg $0x60  }
0xae: {  	[dreg:$0x2] =	wrdreg s24  }
0xaf: {  	[dreg:$0x3] =	wrdreg s2  }
0xb0: {  	[dreg:$0x4] =	wrdreg $0x50000  }
0xb1: {  	[dreg:$0x5] =	wrdreg $0x9  }
0xb2: {  	_ =	task.clear_ibuf [dreg:s7], $0x6FFFF;
	_ =	strace $0x9000004C  }
0xb3: {  	s29 =	simm.s32 $0x9;
	_ =	strace $0x8000004E  }
0xb4: {  	_ =	swait.ge [sflag:s29], $0x1  }
0xb5: {  	[sflag:s29] =	ssyncadd.s32 $0xFFFFFFFF  }
0xb6: {  	_ =	strace $0x9000004E  }
0xb7: {  	_ =	sfence  }
0xb8: {  	s30 =	sld [smem:$0x0];
	_ =	sdelay $0x2  }
0xb9: {  	s31 =	sshll.u32 s1, $0xD;
	s1 =	sshrl.u32 s1, $0x2  }
0xba: {  	s3 =	sand.u32 $0x4000, s31;
	s1 =	sadd.s32 s1, s30  }
0xbb: {  	s0 =	sor.u32 s3, s0;
	s1 =	sshll.u32 s1, $0x11  }
0xbc: {  	s0 =	sor.u32 s1, s0  }
0xbd: {  	s0 =	sadd.s32 $0x8F2B, s0  }
0xbe: {  	[sflag:s0] =	ssyncadd.remote.s32 $0x1  }
0xbf: {  	_ =	sfence.sel $0xFFFF  }
0xc0: {  	[dreg:$0x0] =	wrdreg $0xFFFFFFFF;
	(pc) =	sbr.abs _section_cstart, $3  }
0xc1: {  	[dreg:$0x1] =	wrdreg $0xFFFFFFFF  }
0xc2: {  	_ =	task.clear_ibuf [dreg:s7], $0x2FFFF;
	_ =	strace $0x9FFFFFFF  }
0xc3: {  	(tm) =	ssettm $0x7FFFFFFF  }
tec
execute0_lowered:
.L_overlay_start_1:
0x0: {  	(tag) =	ssettag $0x1  }
0x1: {  	s0 =	rddreg [dreg:$0x0]  }
0x2: {  	s1 =	rddreg [dreg:$0x1]  }
0x3: {  	s2 =	rddreg [dreg:$0x2]  }
0x4: {  	s3 =	simm.s32 $0x0;
	s6 =	stileid.u32;
	s4 =	srdreg.scid  }
0x5: {  	s21 =	simm.s32 $0x3;
	s28 =	simm.s32 $0x0;
	[smem:$0x7FF] =	sst s3  }
0x6: {  	s5 =	smul.u32 $0x500, s6;
	s7 =	sand.u32 $0x1, s4;
	s4 =	sadd.s32 $0x1A00, s0  }
0x7: {  	s10 =	smul.u32 $0xA000, s6;
	_ =	strace $0x8000004D;
	p0 =	seq.s32 s7, $0x0  }
0x8: {  	s22 =	ssub.s32 $0x2, s7;
	s15 =	smul.u32 $0xA0000, s7;
	s11 =	sadd.s32 $0x5000, s5  }
0x9: {  	s23 =	sshrl.u32 s22, $0x1;
	s12 =	sadd.s32 $0x2000, s10;
	s14 =	sadd.s32 $0x4000, s10  }
0xa: {  	s16 =	sadd.s32 $0x6000, s10;
	s18 =	sadd.s32 $0x8000, s10;
	s11 =	smov.u32 @p0 s5  }
0xb: {  	s17 =	ssub.s32 s22, s23;
	s5 =	sadd.s32 s10, s2;
	s6 =	sadd.s32 s12, s2  }
0xc: {  	s7 =	sadd.s32 s14, s2;
	s8 =	sadd.s32 s16, s2;
	s9 =	sadd.s32 s18, s2  }
0xd: {  	s13 =	sadd.s32 s10, s15;
	s20 =	sadd.s32 s15, s12;
	s29 =	sadd.s32 s15, s14  }
0xe: {  	s30 =	sadd.s32 s15, s16;
	s18 =	sadd.s32 s15, s18;
	s23 =	simm.s32 $0x80  }
0xf: {  	s19 =	sadd.s32 s11, s0;
	s0 =	sadd.s32 $0x1FA00, s0;
	s13 =	sshrl.u32 s13, $0x3  }
0x10: {  	s11 =	sadd.s32 s1, s11;
	s26 =	sshrl.u32 s20, $0x3;
	s16 =	sshrl.u32 s30, $0x3  }
0x11: {  	s31 =	sshrl.u32 s18, $0x3;
	s17 =	smax.u32 s17, $0x1;
	s20 =	simm.s32 $0x1000  }
0x12: {  	s24 =	sadd.s32 $0x15A00, s19;
	s25 =	sadd.s32 s0, s13;
	s1 =	sadd.s32 s0, s26  }
0x13: {  	s15 =	sadd.s32 s0, s16;
	s16 =	sadd.s32 s0, s31;
	[dreg:$0x4] =	wrdreg s24  }
0x14: {  	s18 =	sadd.s32 $0x80, s11;
	s19 =	sadd.s32 $0x15A80, s19;
	[dreg:$0x5] =	wrdreg s25  }
0x15: {  	s26 =	simm.s32 $0x2;
	[dreg:$0x6] =	wrdreg s1;
	s1 =	sshrl.u32 s29, $0x3  }
0x16: {  	v0 =	vimm.f32 $0.0e+00;
	s24 =	simm.s32 $0x3000;
	s25 =	simm.s32 $0x1;
	s14 =	sadd.s32 s0, s1  }
.LBB2_1:
0x17: {  	s1 =	simm.s32 $0x100;
	s0 =	simm.s32 $0x0  }
.LBB2_2:
0x18: {  	p0 =	sne.s32 s1, $0x7F00;
	[tilespmem:s0+$0x1030] =	vst v0;
	s22 =	smov.u32 s1;
	s1 =	sadd.s32 $0x100, s1  }
.Ltmp0:
0x19: {  	[tilespmem:s0+$0x1020] =	vst v0;
	(pc) =	sbr.rel @p0 .LBB2_2-.Ltmp0, $3  }
0x1a: {  	[tilespmem:s0+$0x1000] =	vst v0  }
0x1b: {  	[tilespmem:s0+$0x1010] =	vst v0;
	_ =	sdelay $0x1  }
0x1c: {  	s0 =	sshra.s32 s22, $0x2  }
0x1d: {  	[tilespmem:s0+$0x1030] =	vst v0  }
0x1e: {  	[tilespmem:s0+$0x1020] =	vst v0  }
0x1f: {  	[tilespmem:s0+$0x1000] =	vst v0  }
0x20: {  	[tilespmem:s0+$0x1010] =	vst v0  }
0x21: {  	[spmem:s5] =	stream.linear.scatter [tilespmem:s20], [sflag:$0x3], $0x2000, $0x38;
	[tilespmem:$0xF000] =	vst v63  }
0x22: {  	_ =	swait.ge [sflag:s21], $0x2000  }
0x23: {  	[sflag:s21] =	ssyncset.done $0x0  }
0x24: {  	[sflag:s21] =	ssyncadd.s32 $0xFFFFE000  }
0x25: {  	[spmem:s6] =	stream.linear.scatter [tilespmem:s20], [sflag:$0x3], $0x2000, $0x38;
	[tilespmem:$0xF000] =	vst v63  }
0x26: {  	_ =	swait.ge [sflag:s21], $0x2000  }
0x27: {  	[sflag:s21] =	ssyncset.done $0x0  }
0x28: {  	[sflag:s21] =	ssyncadd.s32 $0xFFFFE000  }
0x29: {  	[spmem:s7] =	stream.linear.scatter [tilespmem:s20], [sflag:$0x3], $0x2000, $0x38;
	[tilespmem:$0xF000] =	vst v63  }
0x2a: {  	_ =	swait.ge [sflag:s21], $0x2000  }
0x2b: {  	[sflag:s21] =	ssyncset.done $0x0  }
0x2c: {  	[sflag:s21] =	ssyncadd.s32 $0xFFFFE000  }
0x2d: {  	[spmem:s8] =	stream.linear.scatter [tilespmem:s20], [sflag:$0x3], $0x2000, $0x38;
	[tilespmem:$0xF000] =	vst v63  }
0x2e: {  	_ =	swait.ge [sflag:s21], $0x2000  }
0x2f: {  	[sflag:s21] =	ssyncset.done $0x0  }
0x30: {  	[sflag:s21] =	ssyncadd.s32 $0xFFFFE000  }
0x31: {  	[spmem:s9] =	stream.linear.scatter [tilespmem:s20], [sflag:$0x3], $0x2000, $0x38;
	[tilespmem:$0xF000] =	vst v63  }
0x32: {  	_ =	swait.ge [sflag:s21], $0x2000  }
0x33: {  	[sflag:s21] =	ssyncset.done $0x0  }
0x34: {  	s10 =	simm.s32 $0x0;
	s1 =	rddreg [dreg:$0x4];
	[sflag:s21] =	ssyncadd.s32 $0xFFFFE000  }
0x35: {  	[tilespmem:s10], [sflag:$0x3] =	stream.linear.gather [hbm4b:s1+s10], $0x400, $0x38;
	[tilespmem:$0xF000] =	vst v63  }
0x36: {  	_ =	swait.ge [sflag:s21], $0x400  }
0x37: {  	[sflag:s21] =	ssyncset.done $0x0  }
0x38: {  	s12 =	simm.s32 $0x800;
	[sflag:s21] =	ssyncadd.s32 $0xFFFFFC00  }
0x39: {  	[tilespmem:s12], [sflag:$0x3] =	stream.linear.gather [hbm4b:s11+s10], $0x400, $0x38;
	[tilespmem:$0xF000] =	vst v63  }
0x3a: {  	_ =	swait.ge [sflag:s21], $0x400  }
0x3b: {  	[sflag:s21] =	ssyncset.done $0x0  }
0x3c: {  	s13 =	sand.u32 $0x1, s10;
	[sflag:s21] =	ssyncadd.s32 $0xFFFFFC00  }
0x3d: {  	p0 =	por $0x0, $0x0;
	s0 =	sxor.u32 $0x1, s13;
	[bflag:$0x0] =	sbarrier.arrive $0xFFFF  }
0x3e: {  	[tilespmem:s20], [sflag:$0x1] =	stream.indirect.gather [hbm4b:s4+s23], $0x40, s10, s23, $0xb8;
	[tilespmem:$0xF000] =	vst v63  }
0x3f: {  	s22 =	simm.s32 @!p0 $0x0;
	s29 =	simm.s32 @!p0 $0x3;
	s0 =	sshll.u32 @!p0 s0, $0xA  }
0x40: {  	[tilespmem:s0], [sflag:$0x3] =	stream.linear.gather @!p0 [hbm4b:s19+s22], $0x400, $0x38;
	[tilespmem:$0xF000] =	vst v63  }
0x41: {  	_ =	swait.ge @!p0 [sflag:s29], $0x400  }
0x42: {  	[sflag:s29] =	ssyncset.done @!p0 $0x0  }
0x43: {  	s30 =	sor.u32 @!p0 $0x800, s0;
	[sflag:s29] =	ssyncadd.s32 @!p0 $0xFFFFFC00  }
0x44: {  	[tilespmem:s30], [sflag:$0x3] =	stream.linear.gather @!p0 [hbm4b:s18+s22], $0x400, $0x38;
	[tilespmem:$0xF000] =	vst v63  }
0x45: {  	_ =	swait.ge @!p0 [sflag:s29], $0x400  }
0x46: {  	s1 =	sshll.u32 s13, $0xA;
	[sflag:s29] =	ssyncset.done @!p0 $0x0  }
0x47: {  	s10 =	sor.u32 $0x80, s1;
	[sflag:s29] =	ssyncadd.s32 @!p0 $0xFFFFFC00  }
0x48: {  	[tilespmem:s24], [sflag:$0x2] =	stream.indirect.gather [hbm4b:s4+s23], $0x40, s10, s23, $0xb8;
	[tilespmem:$0xF000] =	vst v63  }
0x49: {  	_ =	swait.ge [sflag:s25], $0x2000  }
0x4a: {  	[sflag:s25] =	ssyncset.done $0x0  }
0x4b: {  	s12 =	sor.u32 $0x800, s1;
	[sflag:s25] =	ssyncadd.s32 $0xFFFFE000  }
0x4c: {  	[spmem:s2] =	stream.indirect.scatter.add.f32 [tilespmem:s20], [sflag:$0x3], $0x40, s12, s23, $0xb8;
	[tilespmem:$0xF000] =	vst v63  }
0x4d: {  	_ =	swait.ge [sflag:s21], $0x2000  }
0x4e: {  	[sflag:s21] =	ssyncset.done $0x0  }
0x4f: {  	s13 =	sor.u32 $0x100, s1;
	[sflag:s21] =	ssyncadd.s32 $0xFFFFE000  }
0x50: {  	[tilespmem:s20], [sflag:$0x1] =	stream.indirect.gather [hbm4b:s4+s23], $0x40, s13, s23, $0xb8;
	[tilespmem:$0xF000] =	vst v63  }
0x51: {  	_ =	swait.ge [sflag:s26], $0x2000  }
0x52: {  	[sflag:s26] =	ssyncset.done $0x0  }
0x53: {  	s10 =	sor.u32 $0x880, s1;
	[sflag:s26] =	ssyncadd.s32 $0xFFFFE000  }
0x54: {  	[spmem:s2] =	stream.indirect.scatter.add.f32 [tilespmem:s24], [sflag:$0x3], $0x40, s10, s23, $0xb8;
	[tilespmem:$0xF000] =	vst v63  }
0x55: {  	_ =	swait.ge [sflag:s21], $0x2000  }
0x56: {  	[sflag:s21] =	ssyncset.done $0x0  }
0x57: {  	s12 =	sor.u32 $0x180, s1;
	[sflag:s21] =	ssyncadd.s32 $0xFFFFE000  }
0x58: {  	[tilespmem:s24], [sflag:$0x2] =	stream.indirect.gather [hbm4b:s4+s23], $0x40, s12, s23, $0xb8;
	[tilespmem:$0xF000] =	vst v63  }
0x59: {  	_ =	swait.ge [sflag:s25], $0x2000  }
0x5a: {  	[sflag:s25] =	ssyncset.done $0x0  }
0x5b: {  	s13 =	sor.u32 $0x900, s1;
	[sflag:s25] =	ssyncadd.s32 $0xFFFFE000  }
0x5c: {  	[spmem:s2] =	stream.indirect.scatter.add.f32 [tilespmem:s20], [sflag:$0x3], $0x40, s13, s23, $0xb8;
	[tilespmem:$0xF000] =	vst v63  }
0x5d: {  	_ =	swait.ge [sflag:s21], $0x2000  }
0x5e: {  	[sflag:s21] =	ssyncset.done $0x0  }
0x5f: {  	s10 =	sor.u32 $0x200, s1;
	[sflag:s21] =	ssyncadd.s32 $0xFFFFE000  }
0x60: {  	[tilespmem:s20], [sflag:$0x1] =	stream.indirect.gather [hbm4b:s4+s23], $0x40, s10, s23, $0xb8;
	[tilespmem:$0xF000] =	vst v63  }
0x61: {  	_ =	swait.ge [sflag:s26], $0x2000  }
0x62: {  	[sflag:s26] =	ssyncset.done $0x0  }
0x63: {  	s12 =	sor.u32 $0x980, s1;
	[sflag:s26] =	ssyncadd.s32 $0xFFFFE000  }
0x64: {  	[spmem:s2] =	stream.indirect.scatter.add.f32 [tilespmem:s24], [sflag:$0x3], $0x40, s12, s23, $0xb8;
	[tilespmem:$0xF000] =	vst v63  }
0x65: {  	_ =	swait.ge [sflag:s21], $0x2000  }
0x66: {  	[sflag:s21] =	ssyncset.done $0x0  }
0x67: {  	s13 =	sor.u32 $0x280, s1;
	[sflag:s21] =	ssyncadd.s32 $0xFFFFE000  }
0x68: {  	[tilespmem:s24], [sflag:$0x2] =	stream.indirect.gather [hbm4b:s4+s23], $0x40, s13, s23, $0xb8;
	[tilespmem:$0xF000] =	vst v63  }
0x69: {  	_ =	swait.ge [sflag:s25], $0x2000  }
0x6a: {  	[sflag:s25] =	ssyncset.done $0x0  }
0x6b: {  	s10 =	sor.u32 $0xA00, s1;
	[sflag:s25] =	ssyncadd.s32 $0xFFFFE000  }
0x6c: {  	[spmem:s2] =	stream.indirect.scatter.add.f32 [tilespmem:s20], [sflag:$0x3], $0x40, s10, s23, $0xb8;
	[tilespmem:$0xF000] =	vst v63  }
0x6d: {  	_ =	swait.ge [sflag:s21], $0x2000  }
0x6e: {  	[sflag:s21] =	ssyncset.done $0x0  }
0x6f: {  	s12 =	sor.u32 $0x300, s1;
	[sflag:s21] =	ssyncadd.s32 $0xFFFFE000  }
0x70: {  	[tilespmem:s20], [sflag:$0x1] =	stream.indirect.gather [hbm4b:s4+s23], $0x40, s12, s23, $0xb8;
	[tilespmem:$0xF000] =	vst v63  }
0x71: {  	_ =	swait.ge [sflag:s26], $0x2000  }
0x72: {  	[sflag:s26] =	ssyncset.done $0x0  }
0x73: {  	s13 =	sor.u32 $0xA80, s1;
	[sflag:s26] =	ssyncadd.s32 $0xFFFFE000  }
0x74: {  	[spmem:s2] =	stream.indirect.scatter.add.f32 [tilespmem:s24], [sflag:$0x3], $0x40, s13, s23, $0xb8;
	[tilespmem:$0xF000] =	vst v63  }
0x75: {  	_ =	swait.ge [sflag:s21], $0x2000  }
0x76: {  	[sflag:s21] =	ssyncset.done $0x0  }
0x77: {  	s10 =	sor.u32 $0x380, s1;
	[sflag:s21] =	ssyncadd.s32 $0xFFFFE000  }
0x78: {  	[tilespmem:s24], [sflag:$0x2] =	stream.indirect.gather [hbm4b:s4+s23], $0x40, s10, s23, $0xb8;
	[tilespmem:$0xF000] =	vst v63  }
0x79: {  	_ =	swait.ge [sflag:s25], $0x2000  }
0x7a: {  	[sflag:s25] =	ssyncset.done $0x0  }
0x7b: {  	s1 =	sor.u32 $0xB00, s1;
	[sflag:s25] =	ssyncadd.s32 $0xFFFFE000  }
0x7c: {  	[spmem:s2] =	stream.indirect.scatter.add.f32 [tilespmem:s20], [sflag:$0x3], $0x40, s1, s23, $0xb8;
	[tilespmem:$0xF000] =	vst v63  }
0x7d: {  	_ =	swait.ge [sflag:s21], $0x2000  }
0x7e: {  	s31 =	sadd.s32 $0x80, s19;
	[sflag:s21] =	ssyncset.done $0x0  }
0x7f: {  	s29 =	simm.s32 @!p0 $0x1000;
	s1 =	simm.s32 @!p0 $0x80;
	[sflag:s21] =	ssyncadd.s32 $0xFFFFE000  }
0x80: {  	[tilespmem:s29], [sflag:$0x1] =	stream.indirect.gather @!p0 [hbm4b:s4+s1], $0x40, s0, s1, $0xb8;
	[tilespmem:$0xF000] =	vst v63  }
0x81: {  	s30 =	sadd.s32 $0x80, s18;
	s12 =	simm.s32 $0x1;
	_ =	swait.ge [sflag:s26], $0x2000  }
0x82: {  	s22 =	sor.u32 $0x800, s10;
	s13 =	sand.u32 $0x1, s12;
	[sflag:s26] =	ssyncset.done $0x0  }
0x83: {  	s0 =	simm.s32 $0x2;
	p0 =	por $0x0, $0x0;
	[sflag:s26] =	ssyncadd.s32 $0xFFFFE000  }
0x84: {  	[spmem:s2] =	stream.indirect.scatter.add.f32 [tilespmem:s24], [sflag:$0x3], $0x40, s22, s23, $0xb8;
	[tilespmem:$0xF000] =	vst v63  }
0x85: {  	s1 =	sxor.u32 $0x1, s13;
	s29 =	sshll.u32 s13, $0xA;
	_ =	swait.ge [sflag:s21], $0x2000  }
.LBB2_4:
0x86: {  	s22 =	sshll.u32 @!p0 s1, $0xA  }
0x87: {  	s10 =	simm.s32 @!p0 $0x0;
	[sflag:s21] =	ssyncset.done $0x0;
	s1 =	smov.u32 s0  }
0x88: {  	s0 =	sadd.s32 $0x1, s0;
	s12 =	simm.s32 @!p0 $0x3;
	[sflag:s21] =	ssyncadd.s32 $0xFFFFE000  }
0x89: {  	[tilespmem:s22], [sflag:$0x3] =	stream.linear.gather @!p0 [hbm4b:s31+s10], $0x400, $0x38;
	[tilespmem:$0xF000] =	vst v63  }
0x8a: {  	p1 =	sne.s32 s0, $0xA;
	_ =	swait.ge @!p0 [sflag:s12], $0x400  }
0x8b: {  	s13 =	sor.u32 @!p0 $0x800, s22;
	[sflag:s12] =	ssyncset.done @!p0 $0x0  }
0x8c: {  	[sflag:s12] =	ssyncadd.s32 @!p0 $0xFFFFFC00  }
0x8d: {  	[tilespmem:s13], [sflag:$0x3] =	stream.linear.gather @!p0 [hbm4b:s30+s10], $0x400, $0x38;
	[tilespmem:$0xF000] =	vst v63  }
0x8e: {  	_ =	swait.ge @!p0 [sflag:s12], $0x400  }
0x8f: {  	s10 =	sor.u32 $0x80, s29;
	[sflag:s12] =	ssyncset.done @!p0 $0x0  }
0x90: {  	[sflag:s12] =	ssyncadd.s32 @!p0 $0xFFFFFC00  }
0x91: {  	[tilespmem:s24], [sflag:$0x2] =	stream.indirect.gather [hbm4b:s4+s23], $0x40, s10, s23, $0xb8;
	[tilespmem:$0xF000] =	vst v63  }
0x92: {  	_ =	swait.ge [sflag:s25], $0x2000  }
0x93: {  	s10 =	sor.u32 $0x800, s29;
	[sflag:s25] =	ssyncset.done $0x0  }
0x94: {  	[sflag:s25] =	ssyncadd.s32 $0xFFFFE000  }
0x95: {  	[spmem:s2] =	stream.indirect.scatter.add.f32 [tilespmem:s20], [sflag:$0x3], $0x40, s10, s23, $0xb8;
	[tilespmem:$0xF000] =	vst v63  }
0x96: {  	_ =	swait.ge [sflag:s21], $0x2000  }
0x97: {  	s10 =	sor.u32 $0x100, s29;
	[sflag:s21] =	ssyncset.done $0x0  }
0x98: {  	[sflag:s21] =	ssyncadd.s32 $0xFFFFE000  }
0x99: {  	[tilespmem:s20], [sflag:$0x1] =	stream.indirect.gather [hbm4b:s4+s23], $0x40, s10, s23, $0xb8;
	[tilespmem:$0xF000] =	vst v63  }
0x9a: {  	_ =	swait.ge [sflag:s26], $0x2000  }
0x9b: {  	s10 =	sor.u32 $0x880, s29;
	[sflag:s26] =	ssyncset.done $0x0  }
0x9c: {  	[sflag:s26] =	ssyncadd.s32 $0xFFFFE000  }
0x9d: {  	[spmem:s2] =	stream.indirect.scatter.add.f32 [tilespmem:s24], [sflag:$0x3], $0x40, s10, s23, $0xb8;
	[tilespmem:$0xF000] =	vst v63  }
0x9e: {  	_ =	swait.ge [sflag:s21], $0x2000  }
0x9f: {  	s10 =	sor.u32 $0x180, s29;
	[sflag:s21] =	ssyncset.done $0x0  }
0xa0: {  	[sflag:s21] =	ssyncadd.s32 $0xFFFFE000  }
0xa1: {  	[tilespmem:s24], [sflag:$0x2] =	stream.indirect.gather [hbm4b:s4+s23], $0x40, s10, s23, $0xb8;
	[tilespmem:$0xF000] =	vst v63  }
0xa2: {  	_ =	swait.ge [sflag:s25], $0x2000  }
0xa3: {  	s10 =	sor.u32 $0x900, s29;
	[sflag:s25] =	ssyncset.done $0x0  }
0xa4: {  	[sflag:s25] =	ssyncadd.s32 $0xFFFFE000  }
0xa5: {  	[spmem:s2] =	stream.indirect.scatter.add.f32 [tilespmem:s20], [sflag:$0x3], $0x40, s10, s23, $0xb8;
	[tilespmem:$0xF000] =	vst v63  }
0xa6: {  	_ =	swait.ge [sflag:s21], $0x2000  }
0xa7: {  	s10 =	sor.u32 $0x200, s29;
	[sflag:s21] =	ssyncset.done $0x0  }
0xa8: {  	[sflag:s21] =	ssyncadd.s32 $0xFFFFE000  }
0xa9: {  	[tilespmem:s20], [sflag:$0x1] =	stream.indirect.gather [hbm4b:s4+s23], $0x40, s10, s23, $0xb8;
	[tilespmem:$0xF000] =	vst v63  }
0xaa: {  	_ =	swait.ge [sflag:s26], $0x2000  }
0xab: {  	s10 =	sor.u32 $0x980, s29;
	[sflag:s26] =	ssyncset.done $0x0  }
0xac: {  	[sflag:s26] =	ssyncadd.s32 $0xFFFFE000  }
0xad: {  	[spmem:s2] =	stream.indirect.scatter.add.f32 [tilespmem:s24], [sflag:$0x3], $0x40, s10, s23, $0xb8;
	[tilespmem:$0xF000] =	vst v63  }
0xae: {  	_ =	swait.ge [sflag:s21], $0x2000  }
0xaf: {  	s10 =	sor.u32 $0x280, s29;
	[sflag:s21] =	ssyncset.done $0x0  }
0xb0: {  	[sflag:s21] =	ssyncadd.s32 $0xFFFFE000  }
0xb1: {  	[tilespmem:s24], [sflag:$0x2] =	stream.indirect.gather [hbm4b:s4+s23], $0x40, s10, s23, $0xb8;
	[tilespmem:$0xF000] =	vst v63  }
0xb2: {  	_ =	swait.ge [sflag:s25], $0x2000  }
0xb3: {  	s10 =	sor.u32 $0xA00, s29;
	[sflag:s25] =	ssyncset.done $0x0  }
0xb4: {  	[sflag:s25] =	ssyncadd.s32 $0xFFFFE000  }
0xb5: {  	[spmem:s2] =	stream.indirect.scatter.add.f32 [tilespmem:s20], [sflag:$0x3], $0x40, s10, s23, $0xb8;
	[tilespmem:$0xF000] =	vst v63  }
0xb6: {  	_ =	swait.ge [sflag:s21], $0x2000  }
0xb7: {  	s10 =	sor.u32 $0x300, s29;
	[sflag:s21] =	ssyncset.done $0x0  }
0xb8: {  	[sflag:s21] =	ssyncadd.s32 $0xFFFFE000  }
0xb9: {  	[tilespmem:s20], [sflag:$0x1] =	stream.indirect.gather [hbm4b:s4+s23], $0x40, s10, s23, $0xb8;
	[tilespmem:$0xF000] =	vst v63  }
0xba: {  	_ =	swait.ge [sflag:s26], $0x2000  }
0xbb: {  	s10 =	sor.u32 $0xA80, s29;
	[sflag:s26] =	ssyncset.done $0x0  }
0xbc: {  	[sflag:s26] =	ssyncadd.s32 $0xFFFFE000  }
0xbd: {  	[spmem:s2] =	stream.indirect.scatter.add.f32 [tilespmem:s24], [sflag:$0x3], $0x40, s10, s23, $0xb8;
	[tilespmem:$0xF000] =	vst v63  }
0xbe: {  	_ =	swait.ge [sflag:s21], $0x2000  }
0xbf: {  	s10 =	sor.u32 $0x380, s29;
	[sflag:s21] =	ssyncset.done $0x0  }
0xc0: {  	[sflag:s21] =	ssyncadd.s32 $0xFFFFE000  }
0xc1: {  	[tilespmem:s24], [sflag:$0x2] =	stream.indirect.gather [hbm4b:s4+s23], $0x40, s10, s23, $0xb8;
	[tilespmem:$0xF000] =	vst v63  }
0xc2: {  	_ =	swait.ge [sflag:s25], $0x2000  }
0xc3: {  	s12 =	sor.u32 $0xB00, s29;
	[sflag:s25] =	ssyncset.done $0x0  }
0xc4: {  	[sflag:s25] =	ssyncadd.s32 $0xFFFFE000  }
0xc5: {  	[spmem:s2] =	stream.indirect.scatter.add.f32 [tilespmem:s20], [sflag:$0x3], $0x40, s12, s23, $0xb8;
	[tilespmem:$0xF000] =	vst v63  }
0xc6: {  	_ =	swait.ge [sflag:s21], $0x2000  }
0xc7: {  	s13 =	simm.s32 @!p0 $0x1000;
	s12 =	simm.s32 @!p0 $0x80;
	[sflag:s21] =	ssyncset.done $0x0  }
0xc8: {  	[sflag:s21] =	ssyncadd.s32 $0xFFFFE000  }
0xc9: {  	[tilespmem:s13], [sflag:$0x1] =	stream.indirect.gather @!p0 [hbm4b:s4+s12], $0x40, s22, s12, $0xb8;
	[tilespmem:$0xF000] =	vst v63  }
.Ltmp1:
0xca: {  	s31 =	sadd.s32 $0x80, s31;
	_ =	swait.ge [sflag:s26], $0x2000;
	(pc) =	sbr.rel @p1 .LBB2_4-.Ltmp1, $4  }
0xcb: {  	s30 =	sadd.s32 $0x80, s30;
	s10 =	sor.u32 $0x800, s10;
	[sflag:s26] =	ssyncset.done $0x0  }
0xcc: {  	s12 =	sand.u32 $0x1, s1;
	p0 =	seq.s32 s1, $0x9;
	[sflag:s26] =	ssyncadd.s32 $0xFFFFE000  }
0xcd: {  	[spmem:s2] =	stream.indirect.scatter.add.f32 [tilespmem:s24], [sflag:$0x3], $0x40, s10, s23, $0xb8;
	[tilespmem:$0xF000] =	vst v63  }
0xce: {  	s1 =	sxor.u32 $0x1, s12;
	s29 =	sshll.u32 s12, $0xA;
	_ =	swait.ge [sflag:s21], $0x2000  }
0xcf: {  	s0 =	sshll.u32 @!p0 s1, $0xA;
	[sflag:s21] =	ssyncset.done $0x0  }
0xd0: {  	s1 =	simm.s32 @!p0 $0x0;
	s10 =	simm.s32 @!p0 $0x3;
	[sflag:s21] =	ssyncadd.s32 $0xFFFFE000  }
0xd1: {  	[tilespmem:s0], [sflag:$0x3] =	stream.linear.gather @!p0 [hbm4b:s31+s1], $0x400, $0x38;
	[tilespmem:$0xF000] =	vst v63  }
0xd2: {  	_ =	swait.ge @!p0 [sflag:s10], $0x400  }
0xd3: {  	[sflag:s10] =	ssyncset.done @!p0 $0x0  }
0xd4: {  	s12 =	sor.u32 @!p0 $0x800, s0;
	[sflag:s10] =	ssyncadd.s32 @!p0 $0xFFFFFC00  }
0xd5: {  	[tilespmem:s12], [sflag:$0x3] =	stream.linear.gather @!p0 [hbm4b:s30+s1], $0x400, $0x38;
	[tilespmem:$0xF000] =	vst v63  }
0xd6: {  	_ =	swait.ge @!p0 [sflag:s10], $0x400  }
0xd7: {  	[sflag:s10] =	ssyncset.done @!p0 $0x0  }
0xd8: {  	s13 =	sor.u32 $0x80, s29;
	[sflag:s10] =	ssyncadd.s32 @!p0 $0xFFFFFC00  }
0xd9: {  	[tilespmem:s24], [sflag:$0x2] =	stream.indirect.gather [hbm4b:s4+s23], $0x40, s13, s23, $0xb8;
	[tilespmem:$0xF000] =	vst v63  }
0xda: {  	_ =	swait.ge [sflag:s25], $0x2000  }
0xdb: {  	[sflag:s25] =	ssyncset.done $0x0  }
0xdc: {  	s22 =	sor.u32 $0x800, s29;
	[sflag:s25] =	ssyncadd.s32 $0xFFFFE000  }
0xdd: {  	[spmem:s2] =	stream.indirect.scatter.add.f32 [tilespmem:s20], [sflag:$0x3], $0x40, s22, s23, $0xb8;
	[tilespmem:$0xF000] =	vst v63  }
0xde: {  	_ =	swait.ge [sflag:s21], $0x2000  }
0xdf: {  	[sflag:s21] =	ssyncset.done $0x0  }
0xe0: {  	s30 =	sor.u32 $0x100, s29;
	[sflag:s21] =	ssyncadd.s32 $0xFFFFE000  }
0xe1: {  	[tilespmem:s20], [sflag:$0x1] =	stream.indirect.gather [hbm4b:s4+s23], $0x40, s30, s23, $0xb8;
	[tilespmem:$0xF000] =	vst v63  }
0xe2: {  	_ =	swait.ge [sflag:s26], $0x2000  }
0xe3: {  	[sflag:s26] =	ssyncset.done $0x0  }
0xe4: {  	s31 =	sor.u32 $0x880, s29;
	[sflag:s26] =	ssyncadd.s32 $0xFFFFE000  }
0xe5: {  	[spmem:s2] =	stream.indirect.scatter.add.f32 [tilespmem:s24], [sflag:$0x3], $0x40, s31, s23, $0xb8;
	[tilespmem:$0xF000] =	vst v63  }
0xe6: {  	_ =	swait.ge [sflag:s21], $0x2000  }
0xe7: {  	[sflag:s21] =	ssyncset.done $0x0  }
0xe8: {  	s10 =	sor.u32 $0x180, s29;
	[sflag:s21] =	ssyncadd.s32 $0xFFFFE000  }
0xe9: {  	[tilespmem:s24], [sflag:$0x2] =	stream.indirect.gather [hbm4b:s4+s23], $0x40, s10, s23, $0xb8;
	[tilespmem:$0xF000] =	vst v63  }
0xea: {  	_ =	swait.ge [sflag:s25], $0x2000  }
0xeb: {  	[sflag:s25] =	ssyncset.done $0x0  }
0xec: {  	s12 =	sor.u32 $0x900, s29;
	[sflag:s25] =	ssyncadd.s32 $0xFFFFE000  }
0xed: {  	[spmem:s2] =	stream.indirect.scatter.add.f32 [tilespmem:s20], [sflag:$0x3], $0x40, s12, s23, $0xb8;
	[tilespmem:$0xF000] =	vst v63  }
0xee: {  	_ =	swait.ge [sflag:s21], $0x2000  }
0xef: {  	[sflag:s21] =	ssyncset.done $0x0  }
0xf0: {  	s13 =	sor.u32 $0x200, s29;
	[sflag:s21] =	ssyncadd.s32 $0xFFFFE000  }
0xf1: {  	[tilespmem:s20], [sflag:$0x1] =	stream.indirect.gather [hbm4b:s4+s23], $0x40, s13, s23, $0xb8;
	[tilespmem:$0xF000] =	vst v63  }
0xf2: {  	_ =	swait.ge [sflag:s26], $0x2000  }
0xf3: {  	[sflag:s26] =	ssyncset.done $0x0  }
0xf4: {  	s22 =	sor.u32 $0x980, s29;
	[sflag:s26] =	ssyncadd.s32 $0xFFFFE000  }
0xf5: {  	[spmem:s2] =	stream.indirect.scatter.add.f32 [tilespmem:s24], [sflag:$0x3], $0x40, s22, s23, $0xb8;
	[tilespmem:$0xF000] =	vst v63  }
0xf6: {  	_ =	swait.ge [sflag:s21], $0x2000  }
0xf7: {  	[sflag:s21] =	ssyncset.done $0x0  }
0xf8: {  	s30 =	sor.u32 $0x280, s29;
	[sflag:s21] =	ssyncadd.s32 $0xFFFFE000  }
0xf9: {  	[tilespmem:s24], [sflag:$0x2] =	stream.indirect.gather [hbm4b:s4+s23], $0x40, s30, s23, $0xb8;
	[tilespmem:$0xF000] =	vst v63  }
0xfa: {  	_ =	swait.ge [sflag:s25], $0x2000  }
0xfb: {  	[sflag:s25] =	ssyncset.done $0x0  }
0xfc: {  	s31 =	sor.u32 $0xA00, s29;
	[sflag:s25] =	ssyncadd.s32 $0xFFFFE000  }
0xfd: {  	[spmem:s2] =	stream.indirect.scatter.add.f32 [tilespmem:s20], [sflag:$0x3], $0x40, s31, s23, $0xb8;
	[tilespmem:$0xF000] =	vst v63  }
0xfe: {  	_ =	swait.ge [sflag:s21], $0x2000  }
0xff: {  	[sflag:s21] =	ssyncset.done $0x0  }
0x100: {  	s10 =	sor.u32 $0x300, s29;
	[sflag:s21] =	ssyncadd.s32 $0xFFFFE000  }
0x101: {  	[tilespmem:s20], [sflag:$0x1] =	stream.indirect.gather [hbm4b:s4+s23], $0x40, s10, s23, $0xb8;
	[tilespmem:$0xF000] =	vst v63  }
0x102: {  	_ =	swait.ge [sflag:s26], $0x2000  }
0x103: {  	[sflag:s26] =	ssyncset.done $0x0  }
0x104: {  	s12 =	sor.u32 $0xA80, s29;
	[sflag:s26] =	ssyncadd.s32 $0xFFFFE000  }
0x105: {  	[spmem:s2] =	stream.indirect.scatter.add.f32 [tilespmem:s24], [sflag:$0x3], $0x40, s12, s23, $0xb8;
	[tilespmem:$0xF000] =	vst v63  }
0x106: {  	_ =	swait.ge [sflag:s21], $0x2000  }
0x107: {  	[sflag:s21] =	ssyncset.done $0x0  }
0x108: {  	s13 =	sor.u32 $0x380, s29;
	[sflag:s21] =	ssyncadd.s32 $0xFFFFE000  }
0x109: {  	[tilespmem:s24], [sflag:$0x2] =	stream.indirect.gather [hbm4b:s4+s23], $0x40, s13, s23, $0xb8;
	[tilespmem:$0xF000] =	vst v63  }
0x10a: {  	_ =	swait.ge [sflag:s25], $0x2000  }
0x10b: {  	[sflag:s25] =	ssyncset.done $0x0  }
0x10c: {  	s22 =	sor.u32 $0xB00, s29;
	[sflag:s25] =	ssyncadd.s32 $0xFFFFE000  }
0x10d: {  	[spmem:s2] =	stream.indirect.scatter.add.f32 [tilespmem:s20], [sflag:$0x3], $0x40, s22, s23, $0xb8;
	[tilespmem:$0xF000] =	vst v63  }
0x10e: {  	_ =	swait.ge [sflag:s21], $0x2000  }
0x10f: {  	[sflag:s21] =	ssyncset.done $0x0  }
0x110: {  	s10 =	simm.s32 @!p0 $0x80;
	s12 =	simm.s32 @!p0 $0x1000;
	[sflag:s21] =	ssyncadd.s32 $0xFFFFE000  }
0x111: {  	[tilespmem:s12], [sflag:$0x1] =	stream.indirect.gather @!p0 [hbm4b:s4+s10], $0x40, s0, s10, $0xb8;
	[tilespmem:$0xF000] =	vst v63  }
0x112: {  	_ =	swait.ge [sflag:s26], $0x2000  }
0x113: {  	[sflag:s26] =	ssyncset.done $0x0  }
0x114: {  	s29 =	sor.u32 $0x800, s13;
	[sflag:s26] =	ssyncadd.s32 $0xFFFFE000  }
0x115: {  	[spmem:s2] =	stream.indirect.scatter.add.f32 [tilespmem:s24], [sflag:$0x3], $0x40, s29, s23, $0xb8;
	[tilespmem:$0xF000] =	vst v63  }
0x116: {  	_ =	swait.ge [sflag:s21], $0x2000  }
0x117: {  	[sflag:s21] =	ssyncset.done $0x0  }
0x118: {  	[sflag:s21] =	ssyncadd.s32 $0xFFFFE000  }
0x119: {  	[bflag:$0x0] =	sbarrier.arrive $0xFFFF  }
0x11a: {  	[tilespmem:s20], [sflag:$0x3] =	stream.linear.gather [spmem:s5], $0x2000, $0x38;
	[tilespmem:$0xF000] =	vst v63  }
0x11b: {  	_ =	swait.ge [sflag:s21], $0x2000  }
0x11c: {  	[sflag:s21] =	ssyncset.done $0x0  }
0x11d: {  	s30 =	rddreg [dreg:$0x5];
	[sflag:s21] =	ssyncadd.s32 $0xFFFFE000  }
0x11e: {  	[hbm4b:s30+s3] =	stream.linear.scatter [tilespmem:s20], [sflag:$0x3], $0x2000, $0x38;
	[tilespmem:$0xF000] =	vst v63  }
0x11f: {  	_ =	swait.ge [sflag:s21], $0x2000  }
0x120: {  	[sflag:s21] =	ssyncset.done $0x0  }
0x121: {  	[sflag:s21] =	ssyncadd.s32 $0xFFFFE000  }
0x122: {  	[tilespmem:s20], [sflag:$0x3] =	stream.linear.gather [spmem:s6], $0x2000, $0x38;
	[tilespmem:$0xF000] =	vst v63  }
0x123: {  	_ =	swait.ge [sflag:s21], $0x2000  }
0x124: {  	[sflag:s21] =	ssyncset.done $0x0  }
0x125: {  	s31 =	rddreg [dreg:$0x6];
	[sflag:s21] =	ssyncadd.s32 $0xFFFFE000  }
0x126: {  	[hbm4b:s31+s3] =	stream.linear.scatter [tilespmem:s20], [sflag:$0x3], $0x2000, $0x38;
	[tilespmem:$0xF000] =	vst v63  }
0x127: {  	_ =	swait.ge [sflag:s21], $0x2000  }
0x128: {  	[sflag:s21] =	ssyncset.done $0x0  }
0x129: {  	[sflag:s21] =	ssyncadd.s32 $0xFFFFE000  }
0x12a: {  	[tilespmem:s20], [sflag:$0x3] =	stream.linear.gather [spmem:s7], $0x2000, $0x38;
	[tilespmem:$0xF000] =	vst v63  }
0x12b: {  	_ =	swait.ge [sflag:s21], $0x2000  }
0x12c: {  	[sflag:s21] =	ssyncset.done $0x0  }
0x12d: {  	[sflag:s21] =	ssyncadd.s32 $0xFFFFE000  }
0x12e: {  	[hbm4b:s14+s3] =	stream.linear.scatter [tilespmem:s20], [sflag:$0x3], $0x2000, $0x38;
	[tilespmem:$0xF000] =	vst v63  }
0x12f: {  	_ =	swait.ge [sflag:s21], $0x2000  }
0x130: {  	[sflag:s21] =	ssyncset.done $0x0  }
0x131: {  	[sflag:s21] =	ssyncadd.s32 $0xFFFFE000  }
0x132: {  	[tilespmem:s20], [sflag:$0x3] =	stream.linear.gather [spmem:s8], $0x2000, $0x38;
	[tilespmem:$0xF000] =	vst v63  }
0x133: {  	_ =	swait.ge [sflag:s21], $0x2000  }
0x134: {  	[sflag:s21] =	ssyncset.done $0x0  }
0x135: {  	[sflag:s21] =	ssyncadd.s32 $0xFFFFE000  }
0x136: {  	[hbm4b:s15+s3] =	stream.linear.scatter [tilespmem:s20], [sflag:$0x3], $0x2000, $0x38;
	[tilespmem:$0xF000] =	vst v63  }
0x137: {  	_ =	swait.ge [sflag:s21], $0x2000  }
0x138: {  	[sflag:s21] =	ssyncset.done $0x0  }
0x139: {  	[sflag:s21] =	ssyncadd.s32 $0xFFFFE000  }
0x13a: {  	[tilespmem:s20], [sflag:$0x3] =	stream.linear.gather [spmem:s9], $0x2000, $0x38;
	[tilespmem:$0xF000] =	vst v63  }
0x13b: {  	s28 =	sadd.s32 $0x1, s28;
	_ =	swait.ge [sflag:s21], $0x2000  }
0x13c: {  	p0 =	sne.s32 s28, s17;
	[sflag:s21] =	ssyncset.done $0x0  }
.Ltmp2:
0x13d: {  	[sflag:s21] =	ssyncadd.s32 $0xFFFFE000;
	(pc) =	sbr.rel @p0 .LBB2_1-.Ltmp2, $4  }
0x13e: {  	[hbm4b:s16+s3] =	stream.linear.scatter [tilespmem:s20], [sflag:$0x3], $0x2000, $0x38;
	[tilespmem:$0xF000] =	vst v63  }
0x13f: {  	_ =	swait.ge [sflag:s21], $0x2000  }
0x140: {  	[sflag:s21] =	ssyncset.done $0x0  }
0x141: {  	[sflag:s21] =	ssyncadd.s32 $0xFFFFE000  }
0x142: {  	_ =	sfence.sel $0x180000  }
0x143: {  	[bflag:$0x0] =	sbarrier.arrive $0xFFFF  }
0x144: {  	_ =	strace $0x9000004D  }
0x145: {  	s0 =	stileid.u32;
	[bflag:$0x2] =	sbarrier.arrive $0xFFFF  }
0x146: {  	p0 =	sne.s32 s0, $0x0;
	s0 =	rddreg [dreg:$0x3]  }
0x147: {  	s0 =	sadd.s32 @!p0 $0x100000, s0  }
0x148: {  	[sflag:s0] =	ssyncadd.tile.s32 @!p0 $0x1;
	_ =	shalt  }
.Lfunc_end2:
_tile_overlayer_lowered:
.L_overlay_start_2:
0x149: {  	(tag) =	ssettag $0x2  }
0x14a: {  	s0 =	rddreg [dreg:$0x0];
	s2 =	stileid.u32  }
0x14b: {  	s1 =	rddreg [dreg:$0x1];
	p0 =	sne.s32 s2, $0x0  }
0x14c: {  	s3 =	rddreg [dreg:$0x2];
	[bflag:$0x3] =	sbarrier.arrive $0xFFFF;
	s2 =	simm.s32 @!p0 $0x1C03  }
0x14d: {  	[timem:s3], [sflag:s2] =	dma.local @!p0 [hbm:s0], s1  }
0x14e: {  	s0 =	simm.s32 @!p0 $0x3  }
0x14f: {  	_ =	swait.ge @!p0 [sflag:s0], s1  }
0x150: {  	s1 =	ssub.s32 @!p0 $0x0, s1;
	[sflag:s0] =	ssyncset.done @!p0 $0x0  }
0x151: {  	[sflag:s0] =	ssyncadd.s32 @!p0 s1  }
0x152: {  	[bflag:$0x3] =	sbarrier.arrive $0xFFFF  }
0x153: {  	_ =	shalt  }

</sc_bundles>
